<compile_context>
chip_gen: v7x
topology: tpu7x:2x2x1
jax: 0.10.2.dev20260603
libtpu: 0.0.44.dev20260713+nightly
codegen_flags: <defaults>
</compile_context>

<pallas_src>
import functools

import jax
import jax.numpy as jnp
from jax import lax
from jax.experimental import pallas as pl
from jax.experimental.pallas import tpu as pltpu
from jax.experimental.pallas import tpu_sc as plsc

E = 64
H = 329
S = 329
NW = 32
EPW = E // NW
NB = 41
RPW = EPW * NB * 8

_mesh = plsc.VectorSubcoreMesh(core_axis_name="c", subcore_axis_name="s")


@functools.partial(
    pl.kernel,
    mesh=_mesh,
    out_type=jax.ShapeDtypeStruct((NW, RPW * 16), jnp.float32),
    scratch_types=[
        pltpu.VMEM((2, 8, S), jnp.float32),
        pltpu.VMEM((336,), jnp.float32),
        pltpu.VMEM((RPW * 16,), jnp.float32),
        pltpu.SemaphoreType.DMA,
        pltpu.SemaphoreType.DMA,
    ],
)
def _sc_v(w_hbm, owp_hbm, out_hbm, wbuf, owb, acc, sem0, sem1):
    wid = lax.axis_index("s") * 2 + lax.axis_index("c")
    e0 = wid * EPW
    sems = [sem0, sem1]

    pltpu.sync_copy(owp_hbm, owb)

    def _copy(g, buf):
        e = e0 + g // NB
        r0 = pl.multiple_of(lax.rem(g, NB) * 8, 8)
        return pltpu.make_async_copy(
            w_hbm.at[e, pl.ds(r0, 8), :], wbuf.at[buf], sems[buf])

    _copy(0, 0).start()
    _copy(1, 1).start()

    def _pair(g2, carry):
        for half in (0, 1):
            g = g2 * 2 + half
            _copy(g, half).wait()
            for r in range(8):
                a = wbuf[half, r, pl.ds(0, 16)] * owb[pl.ds(0, 16)]
                for j in range(1, 20):
                    a = a + (wbuf[half, r, pl.ds(j * 16, 16)]
                             * owb[pl.ds(j * 16, 16)])
                a = a + wbuf[half, r, pl.ds(313, 16)] * owb[pl.ds(320, 16)]
                acc[pl.ds((g * 8 + r) * 16, 16)] = a

            @pl.when(g2 < NB - 1)
            def _next():
                _copy(g + 2, half).start()

        return carry

    lax.fori_loop(0, NB, _pair, 0)
    pltpu.sync_copy(acc, out_hbm.at[wid])


def _moe_tc_body(x_hbm, gw_ref, w_hbm, vsc_ref, em_ref, ow_ref, ob_ref,
                 gates_ref, y_ref, emo_ref, h_vmem, wl_vmem, sems):
    hcp = pltpu.make_async_copy(x_hbm.at[:, 0, :], h_vmem, sems.at[0])
    hcp.start()
    lcp = pltpu.make_async_copy(
        w_hbm.at[:, pl.ds(H - 1, 1), :], wl_vmem, sems.at[1])
    lcp.start()

    ow = ow_ref[...]
    b = ob_ref[0, 0]

    vmin = jax.lax.dot_general(
        em_ref[...], ow, (((1,), (1,)), ((), ())),
        preferred_element_type=jnp.float32)

    lcp.wait()
    vlast = jax.lax.dot_general(
        wl_vmem[:, 0, :], ow, (((1,), (1,)), ((), ())),
        preferred_element_type=jnp.float32)

    E_, HS = vsc_ref.shape
    vsc = jnp.sum(vsc_ref[...].reshape(E_, HS // 16, 16), axis=2)

    hcp.wait()
    h = h_vmem[...]

    gates_ref[...] = jax.lax.dot_general(
        h, gw_ref[...], (((1,), (1,)), ((), ())),
        preferred_element_type=jnp.float32)
    emo_ref[...] = jax.lax.dot_general(
        h, vmin, (((1,), (0,)), ((), ()))) + b

    y_ref[...] = (
        jax.lax.dot_general(
            h[:, :H - 1], vsc, (((1,), (1,)), ((), ())),
            preferred_element_type=jnp.float32)
        + jax.lax.dot_general(
            h[:, H - 1:], vlast, (((1,), (1,)), ((), ())),
            preferred_element_type=jnp.float32)
        + b)


def kernel(x, gate_weights, expert_weights, expert_min, out_w, out_b):
    B = x.shape[0]
    ob2 = out_b.reshape(1, 1)

    ow1 = out_w[0]
    owp = jnp.concatenate([ow1[:320], jnp.zeros((7,), jnp.float32),
                           ow1[320:]])

    vw = _sc_v(expert_weights, owp)
    vp = vw.reshape(E, (H - 1) * 16)

    gates, y2, emo = pl.pallas_call(
        _moe_tc_body,
        in_specs=[
            pl.BlockSpec(memory_space=pltpu.MemorySpace.HBM),
            pl.BlockSpec(memory_space=pltpu.VMEM),
            pl.BlockSpec(memory_space=pltpu.MemorySpace.HBM),
            pl.BlockSpec(memory_space=pltpu.VMEM),
            pl.BlockSpec(memory_space=pltpu.VMEM),
            pl.BlockSpec(memory_space=pltpu.VMEM),
            pl.BlockSpec(memory_space=pltpu.VMEM),
        ],
        out_shape=[
            jax.ShapeDtypeStruct((B, E), jnp.float32),
            jax.ShapeDtypeStruct((B, E), jnp.float32),
            jax.ShapeDtypeStruct((B, 1), jnp.float32),
        ],
        scratch_shapes=[
            pltpu.VMEM((B, H), jnp.float32),
            pltpu.VMEM((E, 1, S), jnp.float32),
            pltpu.SemaphoreType.DMA((2,)),
        ],
    )(x, gate_weights, expert_weights, vp, expert_min, out_w, ob2)

    return (gates, y2.reshape(B, E, 1), emo)

# --- scband reference (transcript-rebuilt; emitter-appended) ---
"""Pipeline reference for scband-mo-emodel-87557203297090 (READ-ONLY COPY).

The authoritative reference and input builder live on the scoring server;
editing this copy changes nothing except your own understanding.
"""

import jax, jax.numpy as jnp
import numpy as np

NUM_EXPERTS = 64
HIDDEN = 329  # emb_size*5 + emb_size//8 + 1 with emb_size=64
EXPERT_SIZE = 329  # expert_size is overwritten to hidden_dim in __init__
B = 2048


def setup_inputs(seed: int = 0) -> dict:
    key = jax.random.key(seed)
    ks = jax.random.split(key, 6)
    x = jax.random.normal(ks[0], (B, 1, HIDDEN), dtype=jnp.float32)
    # params per init_weights(): normal(0, 0.01)
    gate_weights = 0.01 * jax.random.normal(ks[1], (NUM_EXPERTS, HIDDEN), dtype=jnp.float32)
    expert_weights = 0.01 * jax.random.normal(ks[2], (NUM_EXPERTS, HIDDEN, EXPERT_SIZE), dtype=jnp.float32)
    expert_min = 0.01 * jax.random.normal(ks[3], (HIDDEN, EXPERT_SIZE), dtype=jnp.float32)
    # out_mlp: nn.Linear(expert_size, 1)
    bound = 1.0 / np.sqrt(EXPERT_SIZE)
    out_w = jax.random.uniform(ks[4], (1, EXPERT_SIZE), minval=-bound, maxval=bound, dtype=jnp.float32)
    out_b = jax.random.uniform(ks[5], (1,), minval=-bound, maxval=bound, dtype=jnp.float32)
    return {"x": x, "gate_weights": gate_weights, "expert_weights": expert_weights,
            "expert_min": expert_min, "out_w": out_w, "out_b": out_b}


def reference(x, gate_weights, expert_weights, expert_min, out_w, out_b):
    # emb_layer modeled as identity (QueryFormer external); take token 0 like x[:, 0, :]
    h = x[:, 0, :]  # [B, HIDDEN]; squeeze(dim=1) is a no-op since HIDDEN != 1
    expert_min_stdvec = h @ expert_min                    # [B, EXPERT_SIZE]
    expert_min_out = expert_min_stdvec @ out_w.T + out_b  # [B, 1]
    gates = h @ gate_weights.T                            # [B, E]
    # pre_train=True branch: dense per-expert projections
    experts_embedding = jnp.einsum('bh,ehs->bes', h, expert_weights)  # [B, E, EXPERT_SIZE]
    y_pred = experts_embedding @ out_w.T + out_b          # [B, E, 1]
    return (gates, y_pred, expert_min_out)

if __name__ == "__main__":
    import jax
    _d = setup_inputs()
    print(jax.jit(kernel)(*tuple(_d.values())))

</pallas_src>

<mosaic_0001>
#map = affine_map<(d0, d1) -> (0, 0, 0)>
#map1 = affine_map<(d0, d1) -> (0)>
#map2 = affine_map<(d0, d1) -> (0, 0)>
module attributes {stable_mosaic.version = 14 : i64} {
  func.func @_sc_v(%arg0: i32, %arg1: i32, %arg2: memref<64x329x329xf32, #tpu.memory_space<hbm>>, %arg3: memref<336xf32, #tpu.memory_space<hbm>>, %arg4: memref<32x10496xf32, #tpu.memory_space<hbm>>, %arg5: memref<2x8x329xf32, #tpu.memory_space<vmem>>, %arg6: memref<336xf32, #tpu.memory_space<vmem>>, %arg7: memref<10496xf32, #tpu.memory_space<vmem>>, %arg8: memref<!tpu.dma_semaphore, #tpu.memory_space<semaphore_mem>>, %arg9: memref<!tpu.dma_semaphore, #tpu.memory_space<semaphore_mem>>) attributes {dimension_semantics = [#tpu.dimension_semantics<core_parallel>, #tpu.dimension_semantics<subcore_parallel>], iteration_bounds = array<i64: 2, 16>, scalar_prefetch = 0 : i64, scratch_operands = 5 : i64, tpu.core_type = #tpu.core_type<sc_vector_subcore>, window_params = [{transform_indices = #map}, {transform_indices = #map1}, {transform_indices = #map2}]} {
    %mul3A = arith.constant 2 : i32
    %mul3A_0 = arith.muli %arg1, %mul3A : i32
    %add3A = arith.addi %mul3A_0, %arg0 : i32
    %mul3A_1 = arith.constant 2 : i32
    %mul3A_2 = arith.muli %add3A, %mul3A_1 : i32
    "tpu.region"() ({
      %run_scoped3A = tpu.sem_alloc : memref<!tpu.dma_semaphore, #tpu.memory_space<semaphore_mem>>
      tpu.enqueue_dma source(%arg3 : memref<336xf32, #tpu.memory_space<hbm>>) target(%arg6 : memref<336xf32, #tpu.memory_space<vmem>>) target_semaphore(%run_scoped3A : memref<!tpu.dma_semaphore, #tpu.memory_space<semaphore_mem>>)
      tpu.wait_dma2 semaphore(%run_scoped3A : memref<!tpu.dma_semaphore, #tpu.memory_space<semaphore_mem>>) src(%arg3 : memref<336xf32, #tpu.memory_space<hbm>>) dst(%arg6 : memref<336xf32, #tpu.memory_space<vmem>>)
      tpu.yield
    }) : () -> ()
    %add3A_3 = arith.constant 0 : i32
    %add3A_4 = arith.addi %mul3A_2, %add3A_3 : i32
    %rem3A = arith.constant 0 : i32
    %rem3A_5 = arith.constant 41 : i32
    %rem3A_6 = arith.remsi %rem3A, %rem3A_5 : i32
    %mul3A_7 = arith.constant 8 : i32
    %mul3A_8 = arith.muli %rem3A_6, %mul3A_7 : i32
    %multiple_of3A = tpu.assume_multiple %mul3A_8, 8 : i32
    %dma_start3A = arith.constant 0 : i32
    %dma_start3A_9 = arith.constant 0 : i32
    %dma_start3A_10 = arith.constant 0 : i32
    %dma_start3A_11 = tpu.memref_slice %arg5[%dma_start3A, %dma_start3A_9, %dma_start3A_10] : memref<2x8x329xf32, #tpu.memory_space<vmem>> -> memref<1x8x329xf32, #tpu.memory_space<vmem>>
    %dma_start3A_12 = tpu.memref_squeeze %dma_start3A_11 : memref<1x8x329xf32, #tpu.memory_space<vmem>> -> memref<8x329xf32, #tpu.memory_space<vmem>>
    %dma_start3A_13 = arith.constant 0 : i32
    %dma_start3A_14 = tpu.memref_slice %arg2[%add3A_4, %multiple_of3A, %dma_start3A_13] : memref<64x329x329xf32, #tpu.memory_space<hbm>> -> memref<1x8x329xf32, #tpu.memory_space<hbm>>
    %dma_start3A_15 = tpu.memref_squeeze %dma_start3A_14 : memref<1x8x329xf32, #tpu.memory_space<hbm>> -> memref<8x329xf32, #tpu.memory_space<hbm>>
    %dma_start3A_16 = arith.constant 0 : i32
    %dma_start3A_17 = arith.constant 0 : i32
    %dma_start3A_18 = tpu.memref_slice %arg5[%dma_start3A, %dma_start3A_16, %dma_start3A_17] : memref<2x8x329xf32, #tpu.memory_space<vmem>> -> memref<1x8x329xf32, #tpu.memory_space<vmem>>
    %dma_start3A_19 = tpu.memref_squeeze %dma_start3A_18 : memref<1x8x329xf32, #tpu.memory_space<vmem>> -> memref<8x329xf32, #tpu.memory_space<vmem>>
    %dma_start3A_20 = arith.constant 0 : i32
    %dma_start3A_21 = tpu.memref_slice %arg2[%add3A_4, %multiple_of3A, %dma_start3A_20] : memref<64x329x329xf32, #tpu.memory_space<hbm>> -> memref<1x8x329xf32, #tpu.memory_space<hbm>>
    %dma_start3A_22 = tpu.memref_squeeze %dma_start3A_21 : memref<1x8x329xf32, #tpu.memory_space<hbm>> -> memref<8x329xf32, #tpu.memory_space<hbm>>
    tpu.enqueue_dma source(%dma_start3A_22 : memref<8x329xf32, #tpu.memory_space<hbm>>) target(%dma_start3A_19 : memref<8x329xf32, #tpu.memory_space<vmem>>) target_semaphore(%arg8 : memref<!tpu.dma_semaphore, #tpu.memory_space<semaphore_mem>>)
    %add3A_23 = arith.constant 0 : i32
    %add3A_24 = arith.addi %mul3A_2, %add3A_23 : i32
    %rem3A_25 = arith.constant 1 : i32
    %rem3A_26 = arith.constant 41 : i32
    %rem3A_27 = arith.remsi %rem3A_25, %rem3A_26 : i32
    %mul3A_28 = arith.constant 8 : i32
    %mul3A_29 = arith.muli %rem3A_27, %mul3A_28 : i32
    %multiple_of3A_30 = tpu.assume_multiple %mul3A_29, 8 : i32
    %dma_start3A_31 = arith.constant 1 : i32
    %dma_start3A_32 = arith.constant 0 : i32
    %dma_start3A_33 = arith.constant 0 : i32
    %dma_start3A_34 = tpu.memref_slice %arg5[%dma_start3A_31, %dma_start3A_32, %dma_start3A_33] : memref<2x8x329xf32, #tpu.memory_space<vmem>> -> memref<1x8x329xf32, #tpu.memory_space<vmem>>
    %dma_start3A_35 = tpu.memref_squeeze %dma_start3A_34 : memref<1x8x329xf32, #tpu.memory_space<vmem>> -> memref<8x329xf32, #tpu.memory_space<vmem>>
    %dma_start3A_36 = arith.constant 0 : i32
    %dma_start3A_37 = tpu.memref_slice %arg2[%add3A_24, %multiple_of3A_30, %dma_start3A_36] : memref<64x329x329xf32, #tpu.memory_space<hbm>> -> memref<1x8x329xf32, #tpu.memory_space<hbm>>
    %dma_start3A_38 = tpu.memref_squeeze %dma_start3A_37 : memref<1x8x329xf32, #tpu.memory_space<hbm>> -> memref<8x329xf32, #tpu.memory_space<hbm>>
    %dma_start3A_39 = arith.constant 0 : i32
    %dma_start3A_40 = arith.constant 0 : i32
    %dma_start3A_41 = tpu.memref_slice %arg5[%dma_start3A_31, %dma_start3A_39, %dma_start3A_40] : memref<2x8x329xf32, #tpu.memory_space<vmem>> -> memref<1x8x329xf32, #tpu.memory_space<vmem>>
    %dma_start3A_42 = tpu.memref_squeeze %dma_start3A_41 : memref<1x8x329xf32, #tpu.memory_space<vmem>> -> memref<8x329xf32, #tpu.memory_space<vmem>>
    %dma_start3A_43 = arith.constant 0 : i32
    %dma_start3A_44 = tpu.memref_slice %arg2[%add3A_24, %multiple_of3A_30, %dma_start3A_43] : memref<64x329x329xf32, #tpu.memory_space<hbm>> -> memref<1x8x329xf32, #tpu.memory_space<hbm>>
    %dma_start3A_45 = tpu.memref_squeeze %dma_start3A_44 : memref<1x8x329xf32, #tpu.memory_space<hbm>> -> memref<8x329xf32, #tpu.memory_space<hbm>>
    tpu.enqueue_dma source(%dma_start3A_45 : memref<8x329xf32, #tpu.memory_space<hbm>>) target(%dma_start3A_42 : memref<8x329xf32, #tpu.memory_space<vmem>>) target_semaphore(%arg9 : memref<!tpu.dma_semaphore, #tpu.memory_space<semaphore_mem>>)
    %scan3A = arith.constant 0 : i32
    %scan3A_46 = arith.constant 0 : i32
    %scan3A_47 = arith.constant 41 : i32
    %scan3A_48 = arith.addi %scan3A_46, %scan3A_47 : i32
    %scan3A_49 = arith.constant 1 : i32
    scf.for %scan3A_51 = %scan3A_46 to %scan3A_48 step %scan3A_49  : i32 {
      %mul3A_52 = arith.constant 2 : i32
      %mul3A_53 = arith.muli %scan3A_51, %mul3A_52 : i32
      %add3A_54 = arith.constant 0 : i32
      %add3A_55 = arith.addi %mul3A_53, %add3A_54 : i32
      %jit3A = arith.constant 41 : i32
      %div3A = arith.divsi %add3A_55, %jit3A : i32
      %sign3A = arith.constant 0 : i32
      %sign3A_56 = arith.cmpi sgt, %add3A_55, %sign3A : i32
      %sign3A_57 = arith.extui %sign3A_56 : i1 to i32
      %sign3A_58 = arith.constant 0 : i32
      %sign3A_59 = arith.cmpi slt, %add3A_55, %sign3A_58 : i32
      %sign3A_60 = arith.extui %sign3A_59 : i1 to i32
      %sign3A_61 = arith.subi %sign3A_57, %sign3A_60 : i32
      %sign3A_62 = arith.constant 0 : i32
      %sign3A_63 = arith.cmpi sgt, %jit3A, %sign3A_62 : i32
      %sign3A_64 = arith.extui %sign3A_63 : i1 to i32
      %sign3A_65 = arith.constant 0 : i32
      %sign3A_66 = arith.cmpi slt, %jit3A, %sign3A_65 : i32
      %sign3A_67 = arith.extui %sign3A_66 : i1 to i32
      %sign3A_68 = arith.subi %sign3A_64, %sign3A_67 : i32
      %ne3A = arith.cmpi ne, %sign3A_61, %sign3A_68 : i32
      %rem3A_69 = arith.remsi %add3A_55, %jit3A : i32
      %ne3A_70 = arith.constant 0 : i32
      %ne3A_71 = arith.cmpi ne, %rem3A_69, %ne3A_70 : i32
      %and3A = arith.andi %ne3A, %ne3A_71 : i1
      %sub3A = arith.constant 1 : i32
      %sub3A_72 = arith.subi %div3A, %sub3A : i32
      %select_n3A = arith.select %and3A, %sub3A_72, %div3A : i32
      %add3A_73 = arith.addi %mul3A_2, %select_n3A : i32
      %rem3A_74 = arith.constant 41 : i32
      %rem3A_75 = arith.remsi %add3A_55, %rem3A_74 : i32
      %mul3A_76 = arith.constant 8 : i32
      %mul3A_77 = arith.muli %rem3A_75, %mul3A_76 : i32
      %multiple_of3A_78 = tpu.assume_multiple %mul3A_77, 8 : i32
      %dma_wait3A = arith.constant 0 : i32
      %dma_wait3A_79 = arith.constant 0 : i32
      %dma_wait3A_80 = arith.constant 0 : i32
      %dma_wait3A_81 = tpu.memref_slice %arg5[%dma_wait3A, %dma_wait3A_79, %dma_wait3A_80] : memref<2x8x329xf32, #tpu.memory_space<vmem>> -> memref<1x8x329xf32, #tpu.memory_space<vmem>>
      %dma_wait3A_82 = tpu.memref_squeeze %dma_wait3A_81 : memref<1x8x329xf32, #tpu.memory_space<vmem>> -> memref<8x329xf32, #tpu.memory_space<vmem>>
      %dma_wait3A_83 = arith.constant 0 : i32
      %dma_wait3A_84 = tpu.memref_slice %arg2[%add3A_73, %multiple_of3A_78, %dma_wait3A_83] : memref<64x329x329xf32, #tpu.memory_space<hbm>> -> memref<1x8x329xf32, #tpu.memory_space<hbm>>
      %dma_wait3A_85 = tpu.memref_squeeze %dma_wait3A_84 : memref<1x8x329xf32, #tpu.memory_space<hbm>> -> memref<8x329xf32, #tpu.memory_space<hbm>>
      %dma_wait3A_86 = arith.constant 0 : i32
      %dma_wait3A_87 = arith.constant 0 : i32
      %dma_wait3A_88 = tpu.memref_slice %arg5[%dma_wait3A, %dma_wait3A_86, %dma_wait3A_87] : memref<2x8x329xf32, #tpu.memory_space<vmem>> -> memref<1x8x329xf32, #tpu.memory_space<vmem>>
      %dma_wait3A_89 = tpu.memref_squeeze %dma_wait3A_88 : memref<1x8x329xf32, #tpu.memory_space<vmem>> -> memref<8x329xf32, #tpu.memory_space<vmem>>
      %dma_wait3A_90 = arith.constant 0 : i32
      %dma_wait3A_91 = tpu.memref_slice %arg2[%add3A_73, %multiple_of3A_78, %dma_wait3A_90] : memref<64x329x329xf32, #tpu.memory_space<hbm>> -> memref<1x8x329xf32, #tpu.memory_space<hbm>>
      %dma_wait3A_92 = tpu.memref_squeeze %dma_wait3A_91 : memref<1x8x329xf32, #tpu.memory_space<hbm>> -> memref<8x329xf32, #tpu.memory_space<hbm>>
      tpu.wait_dma2 semaphore(%arg8 : memref<!tpu.dma_semaphore, #tpu.memory_space<semaphore_mem>>) src(%dma_wait3A_92 : memref<8x329xf32, #tpu.memory_space<hbm>>) dst(%dma_wait3A_89 : memref<8x329xf32, #tpu.memory_space<vmem>>)
      %get3A = arith.constant 0 : i32
      %get3A_93 = arith.constant 0 : i32
      %get3A_94 = arith.index_cast %get3A : i32 to index
      %get3A_95 = arith.index_cast %get3A_93 : i32 to index
      %get3A_96 = arith.constant 0 : index
      %get3A_97 = tpu.vector_load %arg5[%get3A_94, %get3A_95, %get3A_96] {strides = array<i32>} : memref<2x8x329xf32, #tpu.memory_space<vmem>>, vector<1x1x16xf32>,
      %get3A_98 = vector.shape_cast %get3A_97 : vector<1x1x16xf32> to vector<16xf32>
      %get3A_99 = arith.constant 0 : index
      %get3A_100 = tpu.vector_load %arg6[%get3A_99] {strides = array<i32>} : memref<336xf32, #tpu.memory_space<vmem>>, vector<16xf32>,
      %get3A_101 = vector.shape_cast %get3A_100 : vector<16xf32> to vector<16xf32>
      %mul3A_102 = arith.mulf %get3A_98, %get3A_101 : vector<16xf32>
      %get3A_103 = arith.constant 0 : i32
      %get3A_104 = arith.constant 0 : i32
      %get3A_105 = arith.index_cast %get3A_103 : i32 to index
      %get3A_106 = arith.index_cast %get3A_104 : i32 to index
      %get3A_107 = arith.constant 16 : index
      %get3A_108 = tpu.vector_load %arg5[%get3A_105, %get3A_106, %get3A_107] {strides = array<i32>} : memref<2x8x329xf32, #tpu.memory_space<vmem>>, vector<1x1x16xf32>,
      %get3A_109 = vector.shape_cast %get3A_108 : vector<1x1x16xf32> to vector<16xf32>
      %get3A_110 = arith.constant 16 : index
      %get3A_111 = tpu.vector_load %arg6[%get3A_110] {strides = array<i32>} : memref<336xf32, #tpu.memory_space<vmem>>, vector<16xf32>,
      %get3A_112 = vector.shape_cast %get3A_111 : vector<16xf32> to vector<16xf32>
      %mul3A_113 = arith.mulf %get3A_109, %get3A_112 : vector<16xf32>
      %add3A_114 = arith.addf %mul3A_102, %mul3A_113 : vector<16xf32>
      %get3A_115 = arith.constant 0 : i32
      %get3A_116 = arith.constant 0 : i32
      %get3A_117 = arith.index_cast %get3A_115 : i32 to index
      %get3A_118 = arith.index_cast %get3A_116 : i32 to index
      %get3A_119 = arith.constant 32 : index
      %get3A_120 = tpu.vector_load %arg5[%get3A_117, %get3A_118, %get3A_119] {strides = array<i32>} : memref<2x8x329xf32, #tpu.memory_space<vmem>>, vector<1x1x16xf32>,
      %get3A_121 = vector.shape_cast %get3A_120 : vector<1x1x16xf32> to vector<16xf32>
      %get3A_122 = arith.constant 32 : index
      %get3A_123 = tpu.vector_load %arg6[%get3A_122] {strides = array<i32>} : memref<336xf32, #tpu.memory_space<vmem>>, vector<16xf32>,
      %get3A_124 = vector.shape_cast %get3A_123 : vector<16xf32> to vector<16xf32>
      %mul3A_125 = arith.mulf %get3A_121, %get3A_124 : vector<16xf32>
      %add3A_126 = arith.addf %add3A_114, %mul3A_125 : vector<16xf32>
      %get3A_127 = arith.constant 0 : i32
      %get3A_128 = arith.constant 0 : i32
      %get3A_129 = arith.index_cast %get3A_127 : i32 to index
      %get3A_130 = arith.index_cast %get3A_128 : i32 to index
      %get3A_131 = arith.constant 48 : index
      %get3A_132 = tpu.vector_load %arg5[%get3A_129, %get3A_130, %get3A_131] {strides = array<i32>} : memref<2x8x329xf32, #tpu.memory_space<vmem>>, vector<1x1x16xf32>,
      %get3A_133 = vector.shape_cast %get3A_132 : vector<1x1x16xf32> to vector<16xf32>
      %get3A_134 = arith.constant 48 : index
      %get3A_135 = tpu.vector_load %arg6[%get3A_134] {strides = array<i32>} : memref<336xf32, #tpu.memory_space<vmem>>, vector<16xf32>,
      %get3A_136 = vector.shape_cast %get3A_135 : vector<16xf32> to vector<16xf32>
      %mul3A_137 = arith.mulf %get3A_133, %get3A_136 : vector<16xf32>
      %add3A_138 = arith.addf %add3A_126, %mul3A_137 : vector<16xf32>
      %get3A_139 = arith.constant 0 : i32
      %get3A_140 = arith.constant 0 : i32
      %get3A_141 = arith.index_cast %get3A_139 : i32 to index
      %get3A_142 = arith.index_cast %get3A_140 : i32 to index
      %get3A_143 = arith.constant 64 : index
      %get3A_144 = tpu.vector_load %arg5[%get3A_141, %get3A_142, %get3A_143] {strides = array<i32>} : memref<2x8x329xf32, #tpu.memory_space<vmem>>, vector<1x1x16xf32>,
      %get3A_145 = vector.shape_cast %get3A_144 : vector<1x1x16xf32> to vector<16xf32>
      %get3A_146 = arith.constant 64 : index
      %get3A_147 = tpu.vector_load %arg6[%get3A_146] {strides = array<i32>} : memref<336xf32, #tpu.memory_space<vmem>>, vector<16xf32>,
      %get3A_148 = vector.shape_cast %get3A_147 : vector<16xf32> to vector<16xf32>
      %mul3A_149 = arith.mulf %get3A_145, %get3A_148 : vector<16xf32>
      %add3A_150 = arith.addf %add3A_138, %mul3A_149 : vector<16xf32>
      %get3A_151 = arith.constant 0 : i32
      %get3A_152 = arith.constant 0 : i32
      %get3A_153 = arith.index_cast %get3A_151 : i32 to index
      %get3A_154 = arith.index_cast %get3A_152 : i32 to index
      %get3A_155 = arith.constant 80 : index
      %get3A_156 = tpu.vector_load %arg5[%get3A_153, %get3A_154, %get3A_155] {strides = array<i32>} : memref<2x8x329xf32, #tpu.memory_space<vmem>>, vector<1x1x16xf32>,
      %get3A_157 = vector.shape_cast %get3A_156 : vector<1x1x16xf32> to vector<16xf32>
      %get3A_158 = arith.constant 80 : index
      %get3A_159 = tpu.vector_load %arg6[%get3A_158] {strides = array<i32>} : memref<336xf32, #tpu.memory_space<vmem>>, vector<16xf32>,
      %get3A_160 = vector.shape_cast %get3A_159 : vector<16xf32> to vector<16xf32>
      %mul3A_161 = arith.mulf %get3A_157, %get3A_160 : vector<16xf32>
      %add3A_162 = arith.addf %add3A_150, %mul3A_161 : vector<16xf32>
      %get3A_163 = arith.constant 0 : i32
      %get3A_164 = arith.constant 0 : i32
      %get3A_165 = arith.index_cast %get3A_163 : i32 to index
      %get3A_166 = arith.index_cast %get3A_164 : i32 to index
      %get3A_167 = arith.constant 96 : index
      %get3A_168 = tpu.vector_load %arg5[%get3A_165, %get3A_166, %get3A_167] {strides = array<i32>} : memref<2x8x329xf32, #tpu.memory_space<vmem>>, vector<1x1x16xf32>,
      %get3A_169 = vector.shape_cast %get3A_168 : vector<1x1x16xf32> to vector<16xf32>
      %get3A_170 = arith.constant 96 : index
      %get3A_171 = tpu.vector_load %arg6[%get3A_170] {strides = array<i32>} : memref<336xf32, #tpu.memory_space<vmem>>, vector<16xf32>,
      %get3A_172 = vector.shape_cast %get3A_171 : vector<16xf32> to vector<16xf32>
      %mul3A_173 = arith.mulf %get3A_169, %get3A_172 : vector<16xf32>
      %add3A_174 = arith.addf %add3A_162, %mul3A_173 : vector<16xf32>
      %get3A_175 = arith.constant 0 : i32
      %get3A_176 = arith.constant 0 : i32
      %get3A_177 = arith.index_cast %get3A_175 : i32 to index
      %get3A_178 = arith.index_cast %get3A_176 : i32 to index
      %get3A_179 = arith.constant 112 : index
      %get3A_180 = tpu.vector_load %arg5[%get3A_177, %get3A_178, %get3A_179] {strides = array<i32>} : memref<2x8x329xf32, #tpu.memory_space<vmem>>, vector<1x1x16xf32>,
      %get3A_181 = vector.shape_cast %get3A_180 : vector<1x1x16xf32> to vector<16xf32>
      %get3A_182 = arith.constant 112 : index
      %get3A_183 = tpu.vector_load %arg6[%get3A_182] {strides = array<i32>} : memref<336xf32, #tpu.memory_space<vmem>>, vector<16xf32>,
      %get3A_184 = vector.shape_cast %get3A_183 : vector<16xf32> to vector<16xf32>
      %mul3A_185 = arith.mulf %get3A_181, %get3A_184 : vector<16xf32>
      %add3A_186 = arith.addf %add3A_174, %mul3A_185 : vector<16xf32>
      %get3A_187 = arith.constant 0 : i32
      %get3A_188 = arith.constant 0 : i32
      %get3A_189 = arith.index_cast %get3A_187 : i32 to index
      %get3A_190 = arith.index_cast %get3A_188 : i32 to index
      %get3A_191 = arith.constant 128 : index
      %get3A_192 = tpu.vector_load %arg5[%get3A_189, %get3A_190, %get3A_191] {strides = array<i32>} : memref<2x8x329xf32, #tpu.memory_space<vmem>>, vector<1x1x16xf32>,
      %get3A_193 = vector.shape_cast %get3A_192 : vector<1x1x16xf32> to vector<16xf32>
      %get3A_194 = arith.constant 128 : index
      %get3A_195 = tpu.vector_load %arg6[%get3A_194] {strides = array<i32>} : memref<336xf32, #tpu.memory_space<vmem>>, vector<16xf32>,
      %get3A_196 = vector.shape_cast %get3A_195 : vector<16xf32> to vector<16xf32>
      %mul3A_197 = arith.mulf %get3A_193, %get3A_196 : vector<16xf32>
      %add3A_198 = arith.addf %add3A_186, %mul3A_197 : vector<16xf32>
      %get3A_199 = arith.constant 0 : i32
      %get3A_200 = arith.constant 0 : i32
      %get3A_201 = arith.index_cast %get3A_199 : i32 to index
      %get3A_202 = arith.index_cast %get3A_200 : i32 to index
      %get3A_203 = arith.constant 144 : index
      %get3A_204 = tpu.vector_load %arg5[%get3A_201, %get3A_202, %get3A_203] {strides = array<i32>} : memref<2x8x329xf32, #tpu.memory_space<vmem>>, vector<1x1x16xf32>,
      %get3A_205 = vector.shape_cast %get3A_204 : vector<1x1x16xf32> to vector<16xf32>
      %get3A_206 = arith.constant 144 : index
      %get3A_207 = tpu.vector_load %arg6[%get3A_206] {strides = array<i32>} : memref<336xf32, #tpu.memory_space<vmem>>, vector<16xf32>,
      %get3A_208 = vector.shape_cast %get3A_207 : vector<16xf32> to vector<16xf32>
      %mul3A_209 = arith.mulf %get3A_205, %get3A_208 : vector<16xf32>
      %add3A_210 = arith.addf %add3A_198, %mul3A_209 : vector<16xf32>
      %get3A_211 = arith.constant 0 : i32
      %get3A_212 = arith.constant 0 : i32
      %get3A_213 = arith.index_cast %get3A_211 : i32 to index
      %get3A_214 = arith.index_cast %get3A_212 : i32 to index
      %get3A_215 = arith.constant 160 : index
      %get3A_216 = tpu.vector_load %arg5[%get3A_213, %get3A_214, %get3A_215] {strides = array<i32>} : memref<2x8x329xf32, #tpu.memory_space<vmem>>, vector<1x1x16xf32>,
      %get3A_217 = vector.shape_cast %get3A_216 : vector<1x1x16xf32> to vector<16xf32>
      %get3A_218 = arith.constant 160 : index
      %get3A_219 = tpu.vector_load %arg6[%get3A_218] {strides = array<i32>} : memref<336xf32, #tpu.memory_space<vmem>>, vector<16xf32>,
      %get3A_220 = vector.shape_cast %get3A_219 : vector<16xf32> to vector<16xf32>
      %mul3A_221 = arith.mulf %get3A_217, %get3A_220 : vector<16xf32>
      %add3A_222 = arith.addf %add3A_210, %mul3A_221 : vector<16xf32>
      %get3A_223 = arith.constant 0 : i32
      %get3A_224 = arith.constant 0 : i32
      %get3A_225 = arith.index_cast %get3A_223 : i32 to index
      %get3A_226 = arith.index_cast %get3A_224 : i32 to index
      %get3A_227 = arith.constant 176 : index
      %get3A_228 = tpu.vector_load %arg5[%get3A_225, %get3A_226, %get3A_227] {strides = array<i32>} : memref<2x8x329xf32, #tpu.memory_space<vmem>>, vector<1x1x16xf32>,
      %get3A_229 = vector.shape_cast %get3A_228 : vector<1x1x16xf32> to vector<16xf32>
      %get3A_230 = arith.constant 176 : index
      %get3A_231 = tpu.vector_load %arg6[%get3A_230] {strides = array<i32>} : memref<336xf32, #tpu.memory_space<vmem>>, vector<16xf32>,
      %get3A_232 = vector.shape_cast %get3A_231 : vector<16xf32> to vector<16xf32>
      %mul3A_233 = arith.mulf %get3A_229, %get3A_232 : vector<16xf32>
      %add3A_234 = arith.addf %add3A_222, %mul3A_233 : vector<16xf32>
      %get3A_235 = arith.constant 0 : i32
      %get3A_236 = arith.constant 0 : i32
      %get3A_237 = arith.index_cast %get3A_235 : i32 to index
      %get3A_238 = arith.index_cast %get3A_236 : i32 to index
      %get3A_239 = arith.constant 192 : index
      %get3A_240 = tpu.vector_load %arg5[%get3A_237, %get3A_238, %get3A_239] {strides = array<i32>} : memref<2x8x329xf32, #tpu.memory_space<vmem>>, vector<1x1x16xf32>,
      %get3A_241 = vector.shape_cast %get3A_240 : vector<1x1x16xf32> to vector<16xf32>
      %get3A_242 = arith.constant 192 : index
      %get3A_243 = tpu.vector_load %arg6[%get3A_242] {strides = array<i32>} : memref<336xf32, #tpu.memory_space<vmem>>, vector<16xf32>,
      %get3A_244 = vector.shape_cast %get3A_243 : vector<16xf32> to vector<16xf32>
      %mul3A_245 = arith.mulf %get3A_241, %get3A_244 : vector<16xf32>
      %add3A_246 = arith.addf %add3A_234, %mul3A_245 : vector<16xf32>
      %get3A_247 = arith.constant 0 : i32
      %get3A_248 = arith.constant 0 : i32
      %get3A_249 = arith.index_cast %get3A_247 : i32 to index
      %get3A_250 = arith.index_cast %get3A_248 : i32 to index
      %get3A_251 = arith.constant 208 : index
      %get3A_252 = tpu.vector_load %arg5[%get3A_249, %get3A_250, %get3A_251] {strides = array<i32>} : memref<2x8x329xf32, #tpu.memory_space<vmem>>, vector<1x1x16xf32>,
      %get3A_253 = vector.shape_cast %get3A_252 : vector<1x1x16xf32> to vector<16xf32>
      %get3A_254 = arith.constant 208 : index
      %get3A_255 = tpu.vector_load %arg6[%get3A_254] {strides = array<i32>} : memref<336xf32, #tpu.memory_space<vmem>>, vector<16xf32>,
      %get3A_256 = vector.shape_cast %get3A_255 : vector<16xf32> to vector<16xf32>
      %mul3A_257 = arith.mulf %get3A_253, %get3A_256 : vector<16xf32>
      %add3A_258 = arith.addf %add3A_246, %mul3A_257 : vector<16xf32>
      %get3A_259 = arith.constant 0 : i32
      %get3A_260 = arith.constant 0 : i32
      %get3A_261 = arith.index_cast %get3A_259 : i32 to index
      %get3A_262 = arith.index_cast %get3A_260 : i32 to index
      %get3A_263 = arith.constant 224 : index
      %get3A_264 = tpu.vector_load %arg5[%get3A_261, %get3A_262, %get3A_263] {strides = array<i32>} : memref<2x8x329xf32, #tpu.memory_space<vmem>>, vector<1x1x16xf32>,
      %get3A_265 = vector.shape_cast %get3A_264 : vector<1x1x16xf32> to vector<16xf32>
      %get3A_266 = arith.constant 224 : index
      %get3A_267 = tpu.vector_load %arg6[%get3A_266] {strides = array<i32>} : memref<336xf32, #tpu.memory_space<vmem>>, vector<16xf32>,
      %get3A_268 = vector.shape_cast %get3A_267 : vector<16xf32> to vector<16xf32>
      %mul3A_269 = arith.mulf %get3A_265, %get3A_268 : vector<16xf32>
      %add3A_270 = arith.addf %add3A_258, %mul3A_269 : vector<16xf32>
      %get3A_271 = arith.constant 0 : i32
      %get3A_272 = arith.constant 0 : i32
      %get3A_273 = arith.index_cast %get3A_271 : i32 to index
      %get3A_274 = arith.index_cast %get3A_272 : i32 to index
      %get3A_275 = arith.constant 240 : index
      %get3A_276 = tpu.vector_load %arg5[%get3A_273, %get3A_274, %get3A_275] {strides = array<i32>} : memref<2x8x329xf32, #tpu.memory_space<vmem>>, vector<1x1x16xf32>,
      %get3A_277 = vector.shape_cast %get3A_276 : vector<1x1x16xf32> to vector<16xf32>
      %get3A_278 = arith.constant 240 : index
      %get3A_279 = tpu.vector_load %arg6[%get3A_278] {strides = array<i32>} : memref<336xf32, #tpu.memory_space<vmem>>, vector<16xf32>,
      %get3A_280 = vector.shape_cast %get3A_279 : vector<16xf32> to vector<16xf32>
      %mul3A_281 = arith.mulf %get3A_277, %get3A_280 : vector<16xf32>
      %add3A_282 = arith.addf %add3A_270, %mul3A_281 : vector<16xf32>
      %get3A_283 = arith.constant 0 : i32
      %get3A_284 = arith.constant 0 : i32
      %get3A_285 = arith.index_cast %get3A_283 : i32 to index
      %get3A_286 = arith.index_cast %get3A_284 : i32 to index
      %get3A_287 = arith.constant 256 : index
      %get3A_288 = tpu.vector_load %arg5[%get3A_285, %get3A_286, %get3A_287] {strides = array<i32>} : memref<2x8x329xf32, #tpu.memory_space<vmem>>, vector<1x1x16xf32>,
      %get3A_289 = vector.shape_cast %get3A_288 : vector<1x1x16xf32> to vector<16xf32>
      %get3A_290 = arith.constant 256 : index
      %get3A_291 = tpu.vector_load %arg6[%get3A_290] {strides = array<i32>} : memref<336xf32, #tpu.memory_space<vmem>>, vector<16xf32>,
      %get3A_292 = vector.shape_cast %get3A_291 : vector<16xf32> to vector<16xf32>
      %mul3A_293 = arith.mulf %get3A_289, %get3A_292 : vector<16xf32>
      %add3A_294 = arith.addf %add3A_282, %mul3A_293 : vector<16xf32>
      %get3A_295 = arith.constant 0 : i32
      %get3A_296 = arith.constant 0 : i32
      %get3A_297 = arith.index_cast %get3A_295 : i32 to index
      %get3A_298 = arith.index_cast %get3A_296 : i32 to index
      %get3A_299 = arith.constant 272 : index
      %get3A_300 = tpu.vector_load %arg5[%get3A_297, %get3A_298, %get3A_299] {strides = array<i32>} : memref<2x8x329xf32, #tpu.memory_space<vmem>>, vector<1x1x16xf32>,
      %get3A_301 = vector.shape_cast %get3A_300 : vector<1x1x16xf32> to vector<16xf32>
      %get3A_302 = arith.constant 272 : index
      %get3A_303 = tpu.vector_load %arg6[%get3A_302] {strides = array<i32>} : memref<336xf32, #tpu.memory_space<vmem>>, vector<16xf32>,
      %get3A_304 = vector.shape_cast %get3A_303 : vector<16xf32> to vector<16xf32>
      %mul3A_305 = arith.mulf %get3A_301, %get3A_304 : vector<16xf32>
      %add3A_306 = arith.addf %add3A_294, %mul3A_305 : vector<16xf32>
      %get3A_307 = arith.constant 0 : i32
      %get3A_308 = arith.constant 0 : i32
      %get3A_309 = arith.index_cast %get3A_307 : i32 to index
      %get3A_310 = arith.index_cast %get3A_308 : i32 to index
      %get3A_311 = arith.constant 288 : index
      %get3A_312 = tpu.vector_load %arg5[%get3A_309, %get3A_310, %get3A_311] {strides = array<i32>} : memref<2x8x329xf32, #tpu.memory_space<vmem>>, vector<1x1x16xf32>,
      %get3A_313 = vector.shape_cast %get3A_312 : vector<1x1x16xf32> to vector<16xf32>
      %get3A_314 = arith.constant 288 : index
      %get3A_315 = tpu.vector_load %arg6[%get3A_314] {strides = array<i32>} : memref<336xf32, #tpu.memory_space<vmem>>, vector<16xf32>,
      %get3A_316 = vector.shape_cast %get3A_315 : vector<16xf32> to vector<16xf32>
      %mul3A_317 = arith.mulf %get3A_313, %get3A_316 : vector<16xf32>
      %add3A_318 = arith.addf %add3A_306, %mul3A_317 : vector<16xf32>
      %get3A_319 = arith.constant 0 : i32
      %get3A_320 = arith.constant 0 : i32
      %get3A_321 = arith.index_cast %get3A_319 : i32 to index
      %get3A_322 = arith.index_cast %get3A_320 : i32 to index
      %get3A_323 = arith.constant 304 : index
      %get3A_324 = tpu.vector_load %arg5[%get3A_321, %get3A_322, %get3A_323] {strides = array<i32>} : memref<2x8x329xf32, #tpu.memory_space<vmem>>, vector<1x1x16xf32>,
      %get3A_325 = vector.shape_cast %get3A_324 : vector<1x1x16xf32> to vector<16xf32>
      %get3A_326 = arith.constant 304 : index
      %get3A_327 = tpu.vector_load %arg6[%get3A_326] {strides = array<i32>} : memref<336xf32, #tpu.memory_space<vmem>>, vector<16xf32>,
      %get3A_328 = vector.shape_cast %get3A_327 : vector<16xf32> to vector<16xf32>
      %mul3A_329 = arith.mulf %get3A_325, %get3A_328 : vector<16xf32>
      %add3A_330 = arith.addf %add3A_318, %mul3A_329 : vector<16xf32>
      %get3A_331 = arith.constant 0 : i32
      %get3A_332 = arith.constant 0 : i32
      %get3A_333 = arith.index_cast %get3A_331 : i32 to index
      %get3A_334 = arith.index_cast %get3A_332 : i32 to index
      %get3A_335 = arith.constant 313 : index
      %get3A_336 = tpu.vector_load %arg5[%get3A_333, %get3A_334, %get3A_335] {strides = array<i32>} : memref<2x8x329xf32, #tpu.memory_space<vmem>>, vector<1x1x16xf32>,
      %get3A_337 = vector.shape_cast %get3A_336 : vector<1x1x16xf32> to vector<16xf32>
      %get3A_338 = arith.constant 320 : index
      %get3A_339 = tpu.vector_load %arg6[%get3A_338] {strides = array<i32>} : memref<336xf32, #tpu.memory_space<vmem>>, vector<16xf32>,
      %get3A_340 = vector.shape_cast %get3A_339 : vector<16xf32> to vector<16xf32>
      %mul3A_341 = arith.mulf %get3A_337, %get3A_340 : vector<16xf32>
      %add3A_342 = arith.addf %add3A_330, %mul3A_341 : vector<16xf32>
      %mul3A_343 = arith.constant 8 : i32
      %mul3A_344 = arith.muli %add3A_55, %mul3A_343 : i32
      %add3A_345 = arith.constant 0 : i32
      %add3A_346 = arith.addi %mul3A_344, %add3A_345 : i32
      %mul3A_347 = arith.constant 16 : i32
      %mul3A_348 = arith.muli %add3A_346, %mul3A_347 : i32
      %swap3A = arith.index_cast %mul3A_348 : i32 to index
      %swap3A_349 = tpu.vector_load %arg7[%swap3A] {strides = array<i32>} : memref<10496xf32, #tpu.memory_space<vmem>>, vector<16xf32>,
      %swap3A_350 = vector.shape_cast %swap3A_349 : vector<16xf32> to vector<16xf32>
      %swap3A_351 = vector.shape_cast %add3A_342 : vector<16xf32> to vector<16xf32>
      tpu.vector_store %arg7[%swap3A], %swap3A_351 {strides = array<i32>} : memref<10496xf32, #tpu.memory_space<vmem>>, vector<16xf32>,
      %get3A_352 = arith.constant 0 : i32
      %get3A_353 = arith.constant 1 : i32
      %get3A_354 = arith.index_cast %get3A_352 : i32 to index
      %get3A_355 = arith.index_cast %get3A_353 : i32 to index
      %get3A_356 = arith.constant 0 : index
      %get3A_357 = tpu.vector_load %arg5[%get3A_354, %get3A_355, %get3A_356] {strides = array<i32>} : memref<2x8x329xf32, #tpu.memory_space<vmem>>, vector<1x1x16xf32>,
      %get3A_358 = vector.shape_cast %get3A_357 : vector<1x1x16xf32> to vector<16xf32>
      %get3A_359 = arith.constant 0 : index
      %get3A_360 = tpu.vector_load %arg6[%get3A_359] {strides = array<i32>} : memref<336xf32, #tpu.memory_space<vmem>>, vector<16xf32>,
      %get3A_361 = vector.shape_cast %get3A_360 : vector<16xf32> to vector<16xf32>
      %mul3A_362 = arith.mulf %get3A_358, %get3A_361 : vector<16xf32>
      %get3A_363 = arith.constant 0 : i32
      %get3A_364 = arith.constant 1 : i32
      %get3A_365 = arith.index_cast %get3A_363 : i32 to index
      %get3A_366 = arith.index_cast %get3A_364 : i32 to index
      %get3A_367 = arith.constant 16 : index
      %get3A_368 = tpu.vector_load %arg5[%get3A_365, %get3A_366, %get3A_367] {strides = array<i32>} : memref<2x8x329xf32, #tpu.memory_space<vmem>>, vector<1x1x16xf32>,
      %get3A_369 = vector.shape_cast %get3A_368 : vector<1x1x16xf32> to vector<16xf32>
      %get3A_370 = arith.constant 16 : index
      %get3A_371 = tpu.vector_load %arg6[%get3A_370] {strides = array<i32>} : memref<336xf32, #tpu.memory_space<vmem>>, vector<16xf32>,
      %get3A_372 = vector.shape_cast %get3A_371 : vector<16xf32> to vector<16xf32>
      %mul3A_373 = arith.mulf %get3A_369, %get3A_372 : vector<16xf32>
      %add3A_374 = arith.addf %mul3A_362, %mul3A_373 : vector<16xf32>
      %get3A_375 = arith.constant 0 : i32
      %get3A_376 = arith.constant 1 : i32
      %get3A_377 = arith.index_cast %get3A_375 : i32 to index
      %get3A_378 = arith.index_cast %get3A_376 : i32 to index
      %get3A_379 = arith.constant 32 : index
      %get3A_380 = tpu.vector_load %arg5[%get3A_377, %get3A_378, %get3A_379] {strides = array<i32>} : memref<2x8x329xf32, #tpu.memory_space<vmem>>, vector<1x1x16xf32>,
      %get3A_381 = vector.shape_cast %get3A_380 : vector<1x1x16xf32> to vector<16xf32>
      %get3A_382 = arith.constant 32 : index
      %get3A_383 = tpu.vector_load %arg6[%get3A_382] {strides = array<i32>} : memref<336xf32, #tpu.memory_space<vmem>>, vector<16xf32>,
      %get3A_384 = vector.shape_cast %get3A_383 : vector<16xf32> to vector<16xf32>
      %mul3A_385 = arith.mulf %get3A_381, %get3A_384 : vector<16xf32>
      %add3A_386 = arith.addf %add3A_374, %mul3A_385 : vector<16xf32>
      %get3A_387 = arith.constant 0 : i32
      %get3A_388 = arith.constant 1 : i32
      %get3A_389 = arith.index_cast %get3A_387 : i32 to index
      %get3A_390 = arith.index_cast %get3A_388 : i32 to index
      %get3A_391 = arith.constant 48 : index
      %get3A_392 = tpu.vector_load %arg5[%get3A_389, %get3A_390, %get3A_391] {strides = array<i32>} : memref<2x8x329xf32, #tpu.memory_space<vmem>>, vector<1x1x16xf32>,
      %get3A_393 = vector.shape_cast %get3A_392 : vector<1x1x16xf32> to vector<16xf32>
      %get3A_394 = arith.constant 48 : index
      %get3A_395 = tpu.vector_load %arg6[%get3A_394] {strides = array<i32>} : memref<336xf32, #tpu.memory_space<vmem>>, vector<16xf32>,
      %get3A_396 = vector.shape_cast %get3A_395 : vector<16xf32> to vector<16xf32>
      %mul3A_397 = arith.mulf %get3A_393, %get3A_396 : vector<16xf32>
      %add3A_398 = arith.addf %add3A_386, %mul3A_397 : vector<16xf32>
      %get3A_399 = arith.constant 0 : i32
      %get3A_400 = arith.constant 1 : i32
      %get3A_401 = arith.index_cast %get3A_399 : i32 to index
      %get3A_402 = arith.index_cast %get3A_400 : i32 to index
      %get3A_403 = arith.constant 64 : index
      %get3A_404 = tpu.vector_load %arg5[%get3A_401, %get3A_402, %get3A_403] {strides = array<i32>} : memref<2x8x329xf32, #tpu.memory_space<vmem>>, vector<1x1x16xf32>,
      %get3A_405 = vector.shape_cast %get3A_404 : vector<1x1x16xf32> to vector<16xf32>
      %get3A_406 = arith.constant 64 : index
      %get3A_407 = tpu.vector_load %arg6[%get3A_406] {strides = array<i32>} : memref<336xf32, #tpu.memory_space<vmem>>, vector<16xf32>,
      %get3A_408 = vector.shape_cast %get3A_407 : vector<16xf32> to vector<16xf32>
      %mul3A_409 = arith.mulf %get3A_405, %get3A_408 : vector<16xf32>
      %add3A_410 = arith.addf %add3A_398, %mul3A_409 : vector<16xf32>
      %get3A_411 = arith.constant 0 : i32
      %get3A_412 = arith.constant 1 : i32
      %get3A_413 = arith.index_cast %get3A_411 : i32 to index
      %get3A_414 = arith.index_cast %get3A_412 : i32 to index
      %get3A_415 = arith.constant 80 : index
      %get3A_416 = tpu.vector_load %arg5[%get3A_413, %get3A_414, %get3A_415] {strides = array<i32>} : memref<2x8x329xf32, #tpu.memory_space<vmem>>, vector<1x1x16xf32>,
      %get3A_417 = vector.shape_cast %get3A_416 : vector<1x1x16xf32> to vector<16xf32>
      %get3A_418 = arith.constant 80 : index
      %get3A_419 = tpu.vector_load %arg6[%get3A_418] {strides = array<i32>} : memref<336xf32, #tpu.memory_space<vmem>>, vector<16xf32>,
      %get3A_420 = vector.shape_cast %get3A_419 : vector<16xf32> to vector<16xf32>
      %mul3A_421 = arith.mulf %get3A_417, %get3A_420 : vector<16xf32>
      %add3A_422 = arith.addf %add3A_410, %mul3A_421 : vector<16xf32>
      %get3A_423 = arith.constant 0 : i32
      %get3A_424 = arith.constant 1 : i32
      %get3A_425 = arith.index_cast %get3A_423 : i32 to index
      %get3A_426 = arith.index_cast %get3A_424 : i32 to index
      %get3A_427 = arith.constant 96 : index
      %get3A_428 = tpu.vector_load %arg5[%get3A_425, %get3A_426, %get3A_427] {strides = array<i32>} : memref<2x8x329xf32, #tpu.memory_space<vmem>>, vector<1x1x16xf32>,
      %get3A_429 = vector.shape_cast %get3A_428 : vector<1x1x16xf32> to vector<16xf32>
      %get3A_430 = arith.constant 96 : index
      %get3A_431 = tpu.vector_load %arg6[%get3A_430] {strides = array<i32>} : memref<336xf32, #tpu.memory_space<vmem>>, vector<16xf32>,
      %get3A_432 = vector.shape_cast %get3A_431 : vector<16xf32> to vector<16xf32>
      %mul3A_433 = arith.mulf %get3A_429, %get3A_432 : vector<16xf32>
      %add3A_434 = arith.addf %add3A_422, %mul3A_433 : vector<16xf32>
      %get3A_435 = arith.constant 0 : i32
      %get3A_436 = arith.constant 1 : i32
      %get3A_437 = arith.index_cast %get3A_435 : i32 to index
      %get3A_438 = arith.index_cast %get3A_436 : i32 to index
      %get3A_439 = arith.constant 112 : index
      %get3A_440 = tpu.vector_load %arg5[%get3A_437, %get3A_438, %get3A_439] {strides = array<i32>} : memref<2x8x329xf32, #tpu.memory_space<vmem>>, vector<1x1x16xf32>,
      %get3A_441 = vector.shape_cast %get3A_440 : vector<1x1x16xf32> to vector<16xf32>
      %get3A_442 = arith.constant 112 : index
      %get3A_443 = tpu.vector_load %arg6[%get3A_442] {strides = array<i32>} : memref<336xf32, #tpu.memory_space<vmem>>, vector<16xf32>,
      %get3A_444 = vector.shape_cast %get3A_443 : vector<16xf32> to vector<16xf32>
      %mul3A_445 = arith.mulf %get3A_441, %get3A_444 : vector<16xf32>
      %add3A_446 = arith.addf %add3A_434, %mul3A_445 : vector<16xf32>
      %get3A_447 = arith.constant 0 : i32
      %get3A_448 = arith.constant 1 : i32
      %get3A_449 = arith.index_cast %get3A_447 : i32 to index
      %get3A_450 = arith.index_cast %get3A_448 : i32 to index
      %get3A_451 = arith.constant 128 : index
      %get3A_452 = tpu.vector_load %arg5[%get3A_449, %get3A_450, %get3A_451] {strides = array<i32>} : memref<2x8x329xf32, #tpu.memory_space<vmem>>, vector<1x1x16xf32>,
      %get3A_453 = vector.shape_cast %get3A_452 : vector<1x1x16xf32> to vector<16xf32>
      %get3A_454 = arith.constant 128 : index
      %get3A_455 = tpu.vector_load %arg6[%get3A_454] {strides = array<i32>} : memref<336xf32, #tpu.memory_space<vmem>>, vector<16xf32>,
      %get3A_456 = vector.shape_cast %get3A_455 : vector<16xf32> to vector<16xf32>
      %mul3A_457 = arith.mulf %get3A_453, %get3A_456 : vector<16xf32>
      %add3A_458 = arith.addf %add3A_446, %mul3A_457 : vector<16xf32>
      %get3A_459 = arith.constant 0 : i32
      %get3A_460 = arith.constant 1 : i32
      %get3A_461 = arith.index_cast %get3A_459 : i32 to index
      %get3A_462 = arith.index_cast %get3A_460 : i32 to index
      %get3A_463 = arith.constant 144 : index
      %get3A_464 = tpu.vector_load %arg5[%get3A_461, %get3A_462, %get3A_463] {strides = array<i32>} : memref<2x8x329xf32, #tpu.memory_space<vmem>>, vector<1x1x16xf32>,
      %get3A_465 = vector.shape_cast %get3A_464 : vector<1x1x16xf32> to vector<16xf32>
      %get3A_466 = arith.constant 144 : index
      %get3A_467 = tpu.vector_load %arg6[%get3A_466] {strides = array<i32>} : memref<336xf32, #tpu.memory_space<vmem>>, vector<16xf32>,
      %get3A_468 = vector.shape_cast %get3A_467 : vector<16xf32> to vector<16xf32>
      %mul3A_469 = arith.mulf %get3A_465, %get3A_468 : vector<16xf32>
      %add3A_470 = arith.addf %add3A_458, %mul3A_469 : vector<16xf32>
      %get3A_471 = arith.constant 0 : i32
      %get3A_472 = arith.constant 1 : i32
      %get3A_473 = arith.index_cast %get3A_471 : i32 to index
      %get3A_474 = arith.index_cast %get3A_472 : i32 to index
      %get3A_475 = arith.constant 160 : index
      %get3A_476 = tpu.vector_load %arg5[%get3A_473, %get3A_474, %get3A_475] {strides = array<i32>} : memref<2x8x329xf32, #tpu.memory_space<vmem>>, vector<1x1x16xf32>,
      %get3A_477 = vector.shape_cast %get3A_476 : vector<1x1x16xf32> to vector<16xf32>
      %get3A_478 = arith.constant 160 : index
      %get3A_479 = tpu.vector_load %arg6[%get3A_478] {strides = array<i32>} : memref<336xf32, #tpu.memory_space<vmem>>, vector<16xf32>,
      %get3A_480 = vector.shape_cast %get3A_479 : vector<16xf32> to vector<16xf32>
      %mul3A_481 = arith.mulf %get3A_477, %get3A_480 : vector<16xf32>
      %add3A_482 = arith.addf %add3A_470, %mul3A_481 : vector<16xf32>
      %get3A_483 = arith.constant 0 : i32
      %get3A_484 = arith.constant 1 : i32
      %get3A_485 = arith.index_cast %get3A_483 : i32 to index
      %get3A_486 = arith.index_cast %get3A_484 : i32 to index
      %get3A_487 = arith.constant 176 : index
      %get3A_488 = tpu.vector_load %arg5[%get3A_485, %get3A_486, %get3A_487] {strides = array<i32>} : memref<2x8x329xf32, #tpu.memory_space<vmem>>, vector<1x1x16xf32>,
      %get3A_489 = vector.shape_cast %get3A_488 : vector<1x1x16xf32> to vector<16xf32>
      %get3A_490 = arith.constant 176 : index
      %get3A_491 = tpu.vector_load %arg6[%get3A_490] {strides = array<i32>} : memref<336xf32, #tpu.memory_space<vmem>>, vector<16xf32>,
      %get3A_492 = vector.shape_cast %get3A_491 : vector<16xf32> to vector<16xf32>
      %mul3A_493 = arith.mulf %get3A_489, %get3A_492 : vector<16xf32>
      %add3A_494 = arith.addf %add3A_482, %mul3A_493 : vector<16xf32>
      %get3A_495 = arith.constant 0 : i32
      %get3A_496 = arith.constant 1 : i32
      %get3A_497 = arith.index_cast %get3A_495 : i32 to index
      %get3A_498 = arith.index_cast %get3A_496 : i32 to index
      %get3A_499 = arith.constant 192 : index
      %get3A_500 = tpu.vector_load %arg5[%get3A_497, %get3A_498, %get3A_499] {strides = array<i32>} : memref<2x8x329xf32, #tpu.memory_space<vmem>>, vector<1x1x16xf32>,
      %get3A_501 = vector.shape_cast %get3A_500 : vector<1x1x16xf32> to vector<16xf32>
      %get3A_502 = arith.constant 192 : index
      %get3A_503 = tpu.vector_load %arg6[%get3A_502] {strides = array<i32>} : memref<336xf32, #tpu.memory_space<vmem>>, vector<16xf32>,
      %get3A_504 = vector.shape_cast %get3A_503 : vector<16xf32> to vector<16xf32>
      %mul3A_505 = arith.mulf %get3A_501, %get3A_504 : vector<16xf32>
      %add3A_506 = arith.addf %add3A_494, %mul3A_505 : vector<16xf32>
      %get3A_507 = arith.constant 0 : i32
      %get3A_508 = arith.constant 1 : i32
      %get3A_509 = arith.index_cast %get3A_507 : i32 to index
      %get3A_510 = arith.index_cast %get3A_508 : i32 to index
      %get3A_511 = arith.constant 208 : index
      %get3A_512 = tpu.vector_load %arg5[%get3A_509, %get3A_510, %get3A_511] {strides = array<i32>} : memref<2x8x329xf32, #tpu.memory_space<vmem>>, vector<1x1x16xf32>,
      %get3A_513 = vector.shape_cast %get3A_512 : vector<1x1x16xf32> to vector<16xf32>
      %get3A_514 = arith.constant 208 : index
      %get3A_515 = tpu.vector_load %arg6[%get3A_514] {strides = array<i32>} : memref<336xf32, #tpu.memory_space<vmem>>, vector<16xf32>,
      %get3A_516 = vector.shape_cast %get3A_515 : vector<16xf32> to vector<16xf32>
      %mul3A_517 = arith.mulf %get3A_513, %get3A_516 : vector<16xf32>
      %add3A_518 = arith.addf %add3A_506, %mul3A_517 : vector<16xf32>
      %get3A_519 = arith.constant 0 : i32
      %get3A_520 = arith.constant 1 : i32
      %get3A_521 = arith.index_cast %get3A_519 : i32 to index
      %get3A_522 = arith.index_cast %get3A_520 : i32 to index
      %get3A_523 = arith.constant 224 : index
      %get3A_524 = tpu.vector_load %arg5[%get3A_521, %get3A_522, %get3A_523] {strides = array<i32>} : memref<2x8x329xf32, #tpu.memory_space<vmem>>, vector<1x1x16xf32>,
      %get3A_525 = vector.shape_cast %get3A_524 : vector<1x1x16xf32> to vector<16xf32>
      %get3A_526 = arith.constant 224 : index
      %get3A_527 = tpu.vector_load %arg6[%get3A_526] {strides = array<i32>} : memref<336xf32, #tpu.memory_space<vmem>>, vector<16xf32>,
      %get3A_528 = vector.shape_cast %get3A_527 : vector<16xf32> to vector<16xf32>
      %mul3A_529 = arith.mulf %get3A_525, %get3A_528 : vector<16xf32>
      %add3A_530 = arith.addf %add3A_518, %mul3A_529 : vector<16xf32>
      %get3A_531 = arith.constant 0 : i32
      %get3A_532 = arith.constant 1 : i32
      %get3A_533 = arith.index_cast %get3A_531 : i32 to index
      %get3A_534 = arith.index_cast %get3A_532 : i32 to index
      %get3A_535 = arith.constant 240 : index
      %get3A_536 = tpu.vector_load %arg5[%get3A_533, %get3A_534, %get3A_535] {strides = array<i32>} : memref<2x8x329xf32, #tpu.memory_space<vmem>>, vector<1x1x16xf32>,
      %get3A_537 = vector.shape_cast %get3A_536 : vector<1x1x16xf32> to vector<16xf32>
      %get3A_538 = arith.constant 240 : index
      %get3A_539 = tpu.vector_load %arg6[%get3A_538] {strides = array<i32>} : memref<336xf32, #tpu.memory_space<vmem>>, vector<16xf32>,
      %get3A_540 = vector.shape_cast %get3A_539 : vector<16xf32> to vector<16xf32>
      %mul3A_541 = arith.mulf %get3A_537, %get3A_540 : vector<16xf32>
      %add3A_542 = arith.addf %add3A_530, %mul3A_541 : vector<16xf32>
      %get3A_543 = arith.constant 0 : i32
      %get3A_544 = arith.constant 1 : i32
      %get3A_545 = arith.index_cast %get3A_543 : i32 to index
      %get3A_546 = arith.index_cast %get3A_544 : i32 to index
      %get3A_547 = arith.constant 256 : index
      %get3A_548 = tpu.vector_load %arg5[%get3A_545, %get3A_546, %get3A_547] {strides = array<i32>} : memref<2x8x329xf32, #tpu.memory_space<vmem>>, vector<1x1x16xf32>,
      %get3A_549 = vector.shape_cast %get3A_548 : vector<1x1x16xf32> to vector<16xf32>
      %get3A_550 = arith.constant 256 : index
      %get3A_551 = tpu.vector_load %arg6[%get3A_550] {strides = array<i32>} : memref<336xf32, #tpu.memory_space<vmem>>, vector<16xf32>,
      %get3A_552 = vector.shape_cast %get3A_551 : vector<16xf32> to vector<16xf32>
      %mul3A_553 = arith.mulf %get3A_549, %get3A_552 : vector<16xf32>
      %add3A_554 = arith.addf %add3A_542, %mul3A_553 : vector<16xf32>
      %get3A_555 = arith.constant 0 : i32
      %get3A_556 = arith.constant 1 : i32
      %get3A_557 = arith.index_cast %get3A_555 : i32 to index
      %get3A_558 = arith.index_cast %get3A_556 : i32 to index
      %get3A_559 = arith.constant 272 : index
      %get3A_560 = tpu.vector_load %arg5[%get3A_557, %get3A_558, %get3A_559] {strides = array<i32>} : memref<2x8x329xf32, #tpu.memory_space<vmem>>, vector<1x1x16xf32>,
      %get3A_561 = vector.shape_cast %get3A_560 : vector<1x1x16xf32> to vector<16xf32>
      %get3A_562 = arith.constant 272 : index
      %get3A_563 = tpu.vector_load %arg6[%get3A_562] {strides = array<i32>} : memref<336xf32, #tpu.memory_space<vmem>>, vector<16xf32>,
      %get3A_564 = vector.shape_cast %get3A_563 : vector<16xf32> to vector<16xf32>
      %mul3A_565 = arith.mulf %get3A_561, %get3A_564 : vector<16xf32>
      %add3A_566 = arith.addf %add3A_554, %mul3A_565 : vector<16xf32>
      %get3A_567 = arith.constant 0 : i32
      %get3A_568 = arith.constant 1 : i32
      %get3A_569 = arith.index_cast %get3A_567 : i32 to index
      %get3A_570 = arith.index_cast %get3A_568 : i32 to index
      %get3A_571 = arith.constant 288 : index
      %get3A_572 = tpu.vector_load %arg5[%get3A_569, %get3A_570, %get3A_571] {strides = array<i32>} : memref<2x8x329xf32, #tpu.memory_space<vmem>>, vector<1x1x16xf32>,
      %get3A_573 = vector.shape_cast %get3A_572 : vector<1x1x16xf32> to vector<16xf32>
      %get3A_574 = arith.constant 288 : index
      %get3A_575 = tpu.vector_load %arg6[%get3A_574] {strides = array<i32>} : memref<336xf32, #tpu.memory_space<vmem>>, vector<16xf32>,
      %get3A_576 = vector.shape_cast %get3A_575 : vector<16xf32> to vector<16xf32>
      %mul3A_577 = arith.mulf %get3A_573, %get3A_576 : vector<16xf32>
      %add3A_578 = arith.addf %add3A_566, %mul3A_577 : vector<16xf32>
      %get3A_579 = arith.constant 0 : i32
      %get3A_580 = arith.constant 1 : i32
      %get3A_581 = arith.index_cast %get3A_579 : i32 to index
      %get3A_582 = arith.index_cast %get3A_580 : i32 to index
      %get3A_583 = arith.constant 304 : index
      %get3A_584 = tpu.vector_load %arg5[%get3A_581, %get3A_582, %get3A_583] {strides = array<i32>} : memref<2x8x329xf32, #tpu.memory_space<vmem>>, vector<1x1x16xf32>,
      %get3A_585 = vector.shape_cast %get3A_584 : vector<1x1x16xf32> to vector<16xf32>
      %get3A_586 = arith.constant 304 : index
      %get3A_587 = tpu.vector_load %arg6[%get3A_586] {strides = array<i32>} : memref<336xf32, #tpu.memory_space<vmem>>, vector<16xf32>,
      %get3A_588 = vector.shape_cast %get3A_587 : vector<16xf32> to vector<16xf32>
      %mul3A_589 = arith.mulf %get3A_585, %get3A_588 : vector<16xf32>
      %add3A_590 = arith.addf %add3A_578, %mul3A_589 : vector<16xf32>
      %get3A_591 = arith.constant 0 : i32
      %get3A_592 = arith.constant 1 : i32
      %get3A_593 = arith.index_cast %get3A_591 : i32 to index
      %get3A_594 = arith.index_cast %get3A_592 : i32 to index
      %get3A_595 = arith.constant 313 : index
      %get3A_596 = tpu.vector_load %arg5[%get3A_593, %get3A_594, %get3A_595] {strides = array<i32>} : memref<2x8x329xf32, #tpu.memory_space<vmem>>, vector<1x1x16xf32>,
      %get3A_597 = vector.shape_cast %get3A_596 : vector<1x1x16xf32> to vector<16xf32>
      %get3A_598 = arith.constant 320 : index
      %get3A_599 = tpu.vector_load %arg6[%get3A_598] {strides = array<i32>} : memref<336xf32, #tpu.memory_space<vmem>>, vector<16xf32>,
      %get3A_600 = vector.shape_cast %get3A_599 : vector<16xf32> to vector<16xf32>
      %mul3A_601 = arith.mulf %get3A_597, %get3A_600 : vector<16xf32>
      %add3A_602 = arith.addf %add3A_590, %mul3A_601 : vector<16xf32>
      %mul3A_603 = arith.constant 8 : i32
      %mul3A_604 = arith.muli %add3A_55, %mul3A_603 : i32
      %add3A_605 = arith.constant 1 : i32
      %add3A_606 = arith.addi %mul3A_604, %add3A_605 : i32
      %mul3A_607 = arith.constant 16 : i32
      %mul3A_608 = arith.muli %add3A_606, %mul3A_607 : i32
      %swap3A_609 = arith.index_cast %mul3A_608 : i32 to index
      %swap3A_610 = tpu.vector_load %arg7[%swap3A_609] {strides = array<i32>} : memref<10496xf32, #tpu.memory_space<vmem>>, vector<16xf32>,
      %swap3A_611 = vector.shape_cast %swap3A_610 : vector<16xf32> to vector<16xf32>
      %swap3A_612 = vector.shape_cast %add3A_602 : vector<16xf32> to vector<16xf32>
      tpu.vector_store %arg7[%swap3A_609], %swap3A_612 {strides = array<i32>} : memref<10496xf32, #tpu.memory_space<vmem>>, vector<16xf32>,
      %get3A_613 = arith.constant 0 : i32
      %get3A_614 = arith.constant 2 : i32
      %get3A_615 = arith.index_cast %get3A_613 : i32 to index
      %get3A_616 = arith.index_cast %get3A_614 : i32 to index
      %get3A_617 = arith.constant 0 : index
      %get3A_618 = tpu.vector_load %arg5[%get3A_615, %get3A_616, %get3A_617] {strides = array<i32>} : memref<2x8x329xf32, #tpu.memory_space<vmem>>, vector<1x1x16xf32>,
      %get3A_619 = vector.shape_cast %get3A_618 : vector<1x1x16xf32> to vector<16xf32>
      %get3A_620 = arith.constant 0 : index
      %get3A_621 = tpu.vector_load %arg6[%get3A_620] {strides = array<i32>} : memref<336xf32, #tpu.memory_space<vmem>>, vector<16xf32>,
      %get3A_622 = vector.shape_cast %get3A_621 : vector<16xf32> to vector<16xf32>
      %mul3A_623 = arith.mulf %get3A_619, %get3A_622 : vector<16xf32>
      %get3A_624 = arith.constant 0 : i32
      %get3A_625 = arith.constant 2 : i32
      %get3A_626 = arith.index_cast %get3A_624 : i32 to index
      %get3A_627 = arith.index_cast %get3A_625 : i32 to index
      %get3A_628 = arith.constant 16 : index
      %get3A_629 = tpu.vector_load %arg5[%get3A_626, %get3A_627, %get3A_628] {strides = array<i32>} : memref<2x8x329xf32, #tpu.memory_space<vmem>>, vector<1x1x16xf32>,
      %get3A_630 = vector.shape_cast %get3A_629 : vector<1x1x16xf32> to vector<16xf32>
      %get3A_631 = arith.constant 16 : index
      %get3A_632 = tpu.vector_load %arg6[%get3A_631] {strides = array<i32>} : memref<336xf32, #tpu.memory_space<vmem>>, vector<16xf32>,
      %get3A_633 = vector.shape_cast %get3A_632 : vector<16xf32> to vector<16xf32>
      %mul3A_634 = arith.mulf %get3A_630, %get3A_633 : vector<16xf32>
      %add3A_635 = arith.addf %mul3A_623, %mul3A_634 : vector<16xf32>
      %get3A_636 = arith.constant 0 : i32
      %get3A_637 = arith.constant 2 : i32
      %get3A_638 = arith.index_cast %get3A_636 : i32 to index
      %get3A_639 = arith.index_cast %get3A_637 : i32 to index
      %get3A_640 = arith.constant 32 : index
      %get3A_641 = tpu.vector_load %arg5[%get3A_638, %get3A_639, %get3A_640] {strides = array<i32>} : memref<2x8x329xf32, #tpu.memory_space<vmem>>, vector<1x1x16xf32>,
      %get3A_642 = vector.shape_cast %get3A_641 : vector<1x1x16xf32> to vector<16xf32>
      %get3A_643 = arith.constant 32 : index
      %get3A_644 = tpu.vector_load %arg6[%get3A_643] {strides = array<i32>} : memref<336xf32, #tpu.memory_space<vmem>>, vector<16xf32>,
      %get3A_645 = vector.shape_cast %get3A_644 : vector<16xf32> to vector<16xf32>
      %mul3A_646 = arith.mulf %get3A_642, %get3A_645 : vector<16xf32>
      %add3A_647 = arith.addf %add3A_635, %mul3A_646 : vector<16xf32>
      %get3A_648 = arith.constant 0 : i32
      %get3A_649 = arith.constant 2 : i32
      %get3A_650 = arith.index_cast %get3A_648 : i32 to index
      %get3A_651 = arith.index_cast %get3A_649 : i32 to index
      %get3A_652 = arith.constant 48 : index
      %get3A_653 = tpu.vector_load %arg5[%get3A_650, %get3A_651, %get3A_652] {strides = array<i32>} : memref<2x8x329xf32, #tpu.memory_space<vmem>>, vector<1x1x16xf32>,
      %get3A_654 = vector.shape_cast %get3A_653 : vector<1x1x16xf32> to vector<16xf32>
      %get3A_655 = arith.constant 48 : index
      %get3A_656 = tpu.vector_load %arg6[%get3A_655] {strides = array<i32>} : memref<336xf32, #tpu.memory_space<vmem>>, vector<16xf32>,
      %get3A_657 = vector.shape_cast %get3A_656 : vector<16xf32> to vector<16xf32>
      %mul3A_658 = arith.mulf %get3A_654, %get3A_657 : vector<16xf32>
      %add3A_659 = arith.addf %add3A_647, %mul3A_658 : vector<16xf32>
      %get3A_660 = arith.constant 0 : i32
      %get3A_661 = arith.constant 2 : i32
      %get3A_662 = arith.index_cast %get3A_660 : i32 to index
      %get3A_663 = arith.index_cast %get3A_661 : i32 to index
      %get3A_664 = arith.constant 64 : index
      %get3A_665 = tpu.vector_load %arg5[%get3A_662, %get3A_663, %get3A_664] {strides = array<i32>} : memref<2x8x329xf32, #tpu.memory_space<vmem>>, vector<1x1x16xf32>,
      %get3A_666 = vector.shape_cast %get3A_665 : vector<1x1x16xf32> to vector<16xf32>
      %get3A_667 = arith.constant 64 : index
      %get3A_668 = tpu.vector_load %arg6[%get3A_667] {strides = array<i32>} : memref<336xf32, #tpu.memory_space<vmem>>, vector<16xf32>,
      %get3A_669 = vector.shape_cast %get3A_668 : vector<16xf32> to vector<16xf32>
      %mul3A_670 = arith.mulf %get3A_666, %get3A_669 : vector<16xf32>
      %add3A_671 = arith.addf %add3A_659, %mul3A_670 : vector<16xf32>
      %get3A_672 = arith.constant 0 : i32
      %get3A_673 = arith.constant 2 : i32
      %get3A_674 = arith.index_cast %get3A_672 : i32 to index
      %get3A_675 = arith.index_cast %get3A_673 : i32 to index
      %get3A_676 = arith.constant 80 : index
      %get3A_677 = tpu.vector_load %arg5[%get3A_674, %get3A_675, %get3A_676] {strides = array<i32>} : memref<2x8x329xf32, #tpu.memory_space<vmem>>, vector<1x1x16xf32>,
      %get3A_678 = vector.shape_cast %get3A_677 : vector<1x1x16xf32> to vector<16xf32>
      %get3A_679 = arith.constant 80 : index
      %get3A_680 = tpu.vector_load %arg6[%get3A_679] {strides = array<i32>} : memref<336xf32, #tpu.memory_space<vmem>>, vector<16xf32>,
      %get3A_681 = vector.shape_cast %get3A_680 : vector<16xf32> to vector<16xf32>
      %mul3A_682 = arith.mulf %get3A_678, %get3A_681 : vector<16xf32>
      %add3A_683 = arith.addf %add3A_671, %mul3A_682 : vector<16xf32>
      %get3A_684 = arith.constant 0 : i32
      %get3A_685 = arith.constant 2 : i32
      %get3A_686 = arith.index_cast %get3A_684 : i32 to index
      %get3A_687 = arith.index_cast %get3A_685 : i32 to index
      %get3A_688 = arith.constant 96 : index
      %get3A_689 = tpu.vector_load %arg5[%get3A_686, %get3A_687, %get3A_688] {strides = array<i32>} : memref<2x8x329xf32, #tpu.memory_space<vmem>>, vector<1x1x16xf32>,
      %get3A_690 = vector.shape_cast %get3A_689 : vector<1x1x16xf32> to vector<16xf32>
      %get3A_691 = arith.constant 96 : index
      %get3A_692 = tpu.vector_load %arg6[%get3A_691] {strides = array<i32>} : memref<336xf32, #tpu.memory_space<vmem>>, vector<16xf32>,
      %get3A_693 = vector.shape_cast %get3A_692 : vector<16xf32> to vector<16xf32>
      %mul3A_694 = arith.mulf %get3A_690, %get3A_693 : vector<16xf32>
      %add3A_695 = arith.addf %add3A_683, %mul3A_694 : vector<16xf32>
      %get3A_696 = arith.constant 0 : i32
      %get3A_697 = arith.constant 2 : i32
      %get3A_698 = arith.index_cast %get3A_696 : i32 to index
      %get3A_699 = arith.index_cast %get3A_697 : i32 to index
      %get3A_700 = arith.constant 112 : index
      %get3A_701 = tpu.vector_load %arg5[%get3A_698, %get3A_699, %get3A_700] {strides = array<i32>} : memref<2x8x329xf32, #tpu.memory_space<vmem>>, vector<1x1x16xf32>,
      %get3A_702 = vector.shape_cast %get3A_701 : vector<1x1x16xf32> to vector<16xf32>
      %get3A_703 = arith.constant 112 : index
      %get3A_704 = tpu.vector_load %arg6[%get3A_703] {strides = array<i32>} : memref<336xf32, #tpu.memory_space<vmem>>, vector<16xf32>,
      %get3A_705 = vector.shape_cast %get3A_704 : vector<16xf32> to vector<16xf32>
      %mul3A_706 = arith.mulf %get3A_702, %get3A_705 : vector<16xf32>
      %add3A_707 = arith.addf %add3A_695, %mul3A_706 : vector<16xf32>
      %get3A_708 = arith.constant 0 : i32
      %get3A_709 = arith.constant 2 : i32
      %get3A_710 = arith.index_cast %get3A_708 : i32 to index
      %get3A_711 = arith.index_cast %get3A_709 : i32 to index
      %get3A_712 = arith.constant 128 : index
      %get3A_713 = tpu.vector_load %arg5[%get3A_710, %get3A_711, %get3A_712] {strides = array<i32>} : memref<2x8x329xf32, #tpu.memory_space<vmem>>, vector<1x1x16xf32>,
      %get3A_714 = vector.shape_cast %get3A_713 : vector<1x1x16xf32> to vector<16xf32>
      %get3A_715 = arith.constant 128 : index
      %get3A_716 = tpu.vector_load %arg6[%get3A_715] {strides = array<i32>} : memref<336xf32, #tpu.memory_space<vmem>>, vector<16xf32>,
      %get3A_717 = vector.shape_cast %get3A_716 : vector<16xf32> to vector<16xf32>
      %mul3A_718 = arith.mulf %get3A_714, %get3A_717 : vector<16xf32>
      %add3A_719 = arith.addf %add3A_707, %mul3A_718 : vector<16xf32>
      %get3A_720 = arith.constant 0 : i32
      %get3A_721 = arith.constant 2 : i32
      %get3A_722 = arith.index_cast %get3A_720 : i32 to index
      %get3A_723 = arith.index_cast %get3A_721 : i32 to index
      %get3A_724 = arith.constant 144 : index
      %get3A_725 = tpu.vector_load %arg5[%get3A_722, %get3A_723, %get3A_724] {strides = array<i32>} : memref<2x8x329xf32, #tpu.memory_space<vmem>>, vector<1x1x16xf32>,
      %get3A_726 = vector.shape_cast %get3A_725 : vector<1x1x16xf32> to vector<16xf32>
      %get3A_727 = arith.constant 144 : index
      %get3A_728 = tpu.vector_load %arg6[%get3A_727] {strides = array<i32>} : memref<336xf32, #tpu.memory_space<vmem>>, vector<16xf32>,
      %get3A_729 = vector.shape_cast %get3A_728 : vector<16xf32> to vector<16xf32>
      %mul3A_730 = arith.mulf %get3A_726, %get3A_729 : vector<16xf32>
      %add3A_731 = arith.addf %add3A_719, %mul3A_730 : vector<16xf32>
      %get3A_732 = arith.constant 0 : i32
      %get3A_733 = arith.constant 2 : i32
      %get3A_734 = arith.index_cast %get3A_732 : i32 to index
      %get3A_735 = arith.index_cast %get3A_733 : i32 to index
      %get3A_736 = arith.constant 160 : index
      %get3A_737 = tpu.vector_load %arg5[%get3A_734, %get3A_735, %get3A_736] {strides = array<i32>} : memref<2x8x329xf32, #tpu.memory_space<vmem>>, vector<1x1x16xf32>,
      %get3A_738 = vector.shape_cast %get3A_737 : vector<1x1x16xf32> to vector<16xf32>
      %get3A_739 = arith.constant 160 : index
      %get3A_740 = tpu.vector_load %arg6[%get3A_739] {strides = array<i32>} : memref<336xf32, #tpu.memory_space<vmem>>, vector<16xf32>,
      %get3A_741 = vector.shape_cast %get3A_740 : vector<16xf32> to vector<16xf32>
      %mul3A_742 = arith.mulf %get3A_738, %get3A_741 : vector<16xf32>
      %add3A_743 = arith.addf %add3A_731, %mul3A_742 : vector<16xf32>
      %get3A_744 = arith.constant 0 : i32
      %get3A_745 = arith.constant 2 : i32
      %get3A_746 = arith.index_cast %get3A_744 : i32 to index
      %get3A_747 = arith.index_cast %get3A_745 : i32 to index
      %get3A_748 = arith.constant 176 : index
      %get3A_749 = tpu.vector_load %arg5[%get3A_746, %get3A_747, %get3A_748] {strides = array<i32>} : memref<2x8x329xf32, #tpu.memory_space<vmem>>, vector<1x1x16xf32>,
      %get3A_750 = vector.shape_cast %get3A_749 : vector<1x1x16xf32> to vector<16xf32>
      %get3A_751 = arith.constant 176 : index
      %get3A_752 = tpu.vector_load %arg6[%get3A_751] {strides = array<i32>} : memref<336xf32, #tpu.memory_space<vmem>>, vector<16xf32>,
      %get3A_753 = vector.shape_cast %get3A_752 : vector<16xf32> to vector<16xf32>
      %mul3A_754 = arith.mulf %get3A_750, %get3A_753 : vector<16xf32>
      %add3A_755 = arith.addf %add3A_743, %mul3A_754 : vector<16xf32>
      %get3A_756 = arith.constant 0 : i32
      %get3A_757 = arith.constant 2 : i32
      %get3A_758 = arith.index_cast %get3A_756 : i32 to index
      %get3A_759 = arith.index_cast %get3A_757 : i32 to index
      %get3A_760 = arith.constant 192 : index
      %get3A_761 = tpu.vector_load %arg5[%get3A_758, %get3A_759, %get3A_760] {strides = array<i32>} : memref<2x8x329xf32, #tpu.memory_space<vmem>>, vector<1x1x16xf32>,
      %get3A_762 = vector.shape_cast %get3A_761 : vector<1x1x16xf32> to vector<16xf32>
      %get3A_763 = arith.constant 192 : index
      %get3A_764 = tpu.vector_load %arg6[%get3A_763] {strides = array<i32>} : memref<336xf32, #tpu.memory_space<vmem>>, vector<16xf32>,
      %get3A_765 = vector.shape_cast %get3A_764 : vector<16xf32> to vector<16xf32>
      %mul3A_766 = arith.mulf %get3A_762, %get3A_765 : vector<16xf32>
      %add3A_767 = arith.addf %add3A_755, %mul3A_766 : vector<16xf32>
      %get3A_768 = arith.constant 0 : i32
      %get3A_769 = arith.constant 2 : i32
      %get3A_770 = arith.index_cast %get3A_768 : i32 to index
      %get3A_771 = arith.index_cast %get3A_769 : i32 to index
      %get3A_772 = arith.constant 208 : index
      %get3A_773 = tpu.vector_load %arg5[%get3A_770, %get3A_771, %get3A_772] {strides = array<i32>} : memref<2x8x329xf32, #tpu.memory_space<vmem>>, vector<1x1x16xf32>,
      %get3A_774 = vector.shape_cast %get3A_773 : vector<1x1x16xf32> to vector<16xf32>
      %get3A_775 = arith.constant 208 : index
      %get3A_776 = tpu.vector_load %arg6[%get3A_775] {strides = array<i32>} : memref<336xf32, #tpu.memory_space<vmem>>, vector<16xf32>,
      %get3A_777 = vector.shape_cast %get3A_776 : vector<16xf32> to vector<16xf32>
      %mul3A_778 = arith.mulf %get3A_774, %get3A_777 : vector<16xf32>
      %add3A_779 = arith.addf %add3A_767, %mul3A_778 : vector<16xf32>
      %get3A_780 = arith.constant 0 : i32
      %get3A_781 = arith.constant 2 : i32
      %get3A_782 = arith.index_cast %get3A_780 : i32 to index
      %get3A_783 = arith.index_cast %get3A_781 : i32 to index
      %get3A_784 = arith.constant 224 : index
      %get3A_785 = tpu.vector_load %arg5[%get3A_782, %get3A_783, %get3A_784] {strides = array<i32>} : memref<2x8x329xf32, #tpu.memory_space<vmem>>, vector<1x1x16xf32>,
      %get3A_786 = vector.shape_cast %get3A_785 : vector<1x1x16xf32> to vector<16xf32>
      %get3A_787 = arith.constant 224 : index
      %get3A_788 = tpu.vector_load %arg6[%get3A_787] {strides = array<i32>} : memref<336xf32, #tpu.memory_space<vmem>>, vector<16xf32>,
      %get3A_789 = vector.shape_cast %get3A_788 : vector<16xf32> to vector<16xf32>
      %mul3A_790 = arith.mulf %get3A_786, %get3A_789 : vector<16xf32>
      %add3A_791 = arith.addf %add3A_779, %mul3A_790 : vector<16xf32>
      %get3A_792 = arith.constant 0 : i32
      %get3A_793 = arith.constant 2 : i32
      %get3A_794 = arith.index_cast %get3A_792 : i32 to index
      %get3A_795 = arith.index_cast %get3A_793 : i32 to index
      %get3A_796 = arith.constant 240 : index
      %get3A_797 = tpu.vector_load %arg5[%get3A_794, %get3A_795, %get3A_796] {strides = array<i32>} : memref<2x8x329xf32, #tpu.memory_space<vmem>>, vector<1x1x16xf32>,
      %get3A_798 = vector.shape_cast %get3A_797 : vector<1x1x16xf32> to vector<16xf32>
      %get3A_799 = arith.constant 240 : index
      %get3A_800 = tpu.vector_load %arg6[%get3A_799] {strides = array<i32>} : memref<336xf32, #tpu.memory_space<vmem>>, vector<16xf32>,
      %get3A_801 = vector.shape_cast %get3A_800 : vector<16xf32> to vector<16xf32>
      %mul3A_802 = arith.mulf %get3A_798, %get3A_801 : vector<16xf32>
      %add3A_803 = arith.addf %add3A_791, %mul3A_802 : vector<16xf32>
      %get3A_804 = arith.constant 0 : i32
      %get3A_805 = arith.constant 2 : i32
      %get3A_806 = arith.index_cast %get3A_804 : i32 to index
      %get3A_807 = arith.index_cast %get3A_805 : i32 to index
      %get3A_808 = arith.constant 256 : index
      %get3A_809 = tpu.vector_load %arg5[%get3A_806, %get3A_807, %get3A_808] {strides = array<i32>} : memref<2x8x329xf32, #tpu.memory_space<vmem>>, vector<1x1x16xf32>,
      %get3A_810 = vector.shape_cast %get3A_809 : vector<1x1x16xf32> to vector<16xf32>
      %get3A_811 = arith.constant 256 : index
      %get3A_812 = tpu.vector_load %arg6[%get3A_811] {strides = array<i32>} : memref<336xf32, #tpu.memory_space<vmem>>, vector<16xf32>,
      %get3A_813 = vector.shape_cast %get3A_812 : vector<16xf32> to vector<16xf32>
      %mul3A_814 = arith.mulf %get3A_810, %get3A_813 : vector<16xf32>
      %add3A_815 = arith.addf %add3A_803, %mul3A_814 : vector<16xf32>
      %get3A_816 = arith.constant 0 : i32
      %get3A_817 = arith.constant 2 : i32
      %get3A_818 = arith.index_cast %get3A_816 : i32 to index
      %get3A_819 = arith.index_cast %get3A_817 : i32 to index
      %get3A_820 = arith.constant 272 : index
      %get3A_821 = tpu.vector_load %arg5[%get3A_818, %get3A_819, %get3A_820] {strides = array<i32>} : memref<2x8x329xf32, #tpu.memory_space<vmem>>, vector<1x1x16xf32>,
      %get3A_822 = vector.shape_cast %get3A_821 : vector<1x1x16xf32> to vector<16xf32>
      %get3A_823 = arith.constant 272 : index
      %get3A_824 = tpu.vector_load %arg6[%get3A_823] {strides = array<i32>} : memref<336xf32, #tpu.memory_space<vmem>>, vector<16xf32>,
      %get3A_825 = vector.shape_cast %get3A_824 : vector<16xf32> to vector<16xf32>
      %mul3A_826 = arith.mulf %get3A_822, %get3A_825 : vector<16xf32>
      %add3A_827 = arith.addf %add3A_815, %mul3A_826 : vector<16xf32>
      %get3A_828 = arith.constant 0 : i32
      %get3A_829 = arith.constant 2 : i32
      %get3A_830 = arith.index_cast %get3A_828 : i32 to index
      %get3A_831 = arith.index_cast %get3A_829 : i32 to index
      %get3A_832 = arith.constant 288 : index
      %get3A_833 = tpu.vector_load %arg5[%get3A_830, %get3A_831, %get3A_832] {strides = array<i32>} : memref<2x8x329xf32, #tpu.memory_space<vmem>>, vector<1x1x16xf32>,
      %get3A_834 = vector.shape_cast %get3A_833 : vector<1x1x16xf32> to vector<16xf32>
      %get3A_835 = arith.constant 288 : index
      %get3A_836 = tpu.vector_load %arg6[%get3A_835] {strides = array<i32>} : memref<336xf32, #tpu.memory_space<vmem>>, vector<16xf32>,
      %get3A_837 = vector.shape_cast %get3A_836 : vector<16xf32> to vector<16xf32>
      %mul3A_838 = arith.mulf %get3A_834, %get3A_837 : vector<16xf32>
      %add3A_839 = arith.addf %add3A_827, %mul3A_838 : vector<16xf32>
      %get3A_840 = arith.constant 0 : i32
      %get3A_841 = arith.constant 2 : i32
      %get3A_842 = arith.index_cast %get3A_840 : i32 to index
      %get3A_843 = arith.index_cast %get3A_841 : i32 to index
      %get3A_844 = arith.constant 304 : index
      %get3A_845 = tpu.vector_load %arg5[%get3A_842, %get3A_843, %get3A_844] {strides = array<i32>} : memref<2x8x329xf32, #tpu.memory_space<vmem>>, vector<1x1x16xf32>,
      %get3A_846 = vector.shape_cast %get3A_845 : vector<1x1x16xf32> to vector<16xf32>
      %get3A_847 = arith.constant 304 : index
      %get3A_848 = tpu.vector_load %arg6[%get3A_847] {strides = array<i32>} : memref<336xf32, #tpu.memory_space<vmem>>, vector<16xf32>,
      %get3A_849 = vector.shape_cast %get3A_848 : vector<16xf32> to vector<16xf32>
      %mul3A_850 = arith.mulf %get3A_846, %get3A_849 : vector<16xf32>
      %add3A_851 = arith.addf %add3A_839, %mul3A_850 : vector<16xf32>
      %get3A_852 = arith.constant 0 : i32
      %get3A_853 = arith.constant 2 : i32
      %get3A_854 = arith.index_cast %get3A_852 : i32 to index
      %get3A_855 = arith.index_cast %get3A_853 : i32 to index
      %get3A_856 = arith.constant 313 : index
      %get3A_857 = tpu.vector_load %arg5[%get3A_854, %get3A_855, %get3A_856] {strides = array<i32>} : memref<2x8x329xf32, #tpu.memory_space<vmem>>, vector<1x1x16xf32>,
      %get3A_858 = vector.shape_cast %get3A_857 : vector<1x1x16xf32> to vector<16xf32>
      %get3A_859 = arith.constant 320 : index
      %get3A_860 = tpu.vector_load %arg6[%get3A_859] {strides = array<i32>} : memref<336xf32, #tpu.memory_space<vmem>>, vector<16xf32>,
      %get3A_861 = vector.shape_cast %get3A_860 : vector<16xf32> to vector<16xf32>
      %mul3A_862 = arith.mulf %get3A_858, %get3A_861 : vector<16xf32>
      %add3A_863 = arith.addf %add3A_851, %mul3A_862 : vector<16xf32>
      %mul3A_864 = arith.constant 8 : i32
      %mul3A_865 = arith.muli %add3A_55, %mul3A_864 : i32
      %add3A_866 = arith.constant 2 : i32
      %add3A_867 = arith.addi %mul3A_865, %add3A_866 : i32
      %mul3A_868 = arith.constant 16 : i32
      %mul3A_869 = arith.muli %add3A_867, %mul3A_868 : i32
      %swap3A_870 = arith.index_cast %mul3A_869 : i32 to index
      %swap3A_871 = tpu.vector_load %arg7[%swap3A_870] {strides = array<i32>} : memref<10496xf32, #tpu.memory_space<vmem>>, vector<16xf32>,
      %swap3A_872 = vector.shape_cast %swap3A_871 : vector<16xf32> to vector<16xf32>
      %swap3A_873 = vector.shape_cast %add3A_863 : vector<16xf32> to vector<16xf32>
      tpu.vector_store %arg7[%swap3A_870], %swap3A_873 {strides = array<i32>} : memref<10496xf32, #tpu.memory_space<vmem>>, vector<16xf32>,
      %get3A_874 = arith.constant 0 : i32
      %get3A_875 = arith.constant 3 : i32
      %get3A_876 = arith.index_cast %get3A_874 : i32 to index
      %get3A_877 = arith.index_cast %get3A_875 : i32 to index
      %get3A_878 = arith.constant 0 : index
      %get3A_879 = tpu.vector_load %arg5[%get3A_876, %get3A_877, %get3A_878] {strides = array<i32>} : memref<2x8x329xf32, #tpu.memory_space<vmem>>, vector<1x1x16xf32>,
      %get3A_880 = vector.shape_cast %get3A_879 : vector<1x1x16xf32> to vector<16xf32>
      %get3A_881 = arith.constant 0 : index
      %get3A_882 = tpu.vector_load %arg6[%get3A_881] {strides = array<i32>} : memref<336xf32, #tpu.memory_space<vmem>>, vector<16xf32>,
      %get3A_883 = vector.shape_cast %get3A_882 : vector<16xf32> to vector<16xf32>
      %mul3A_884 = arith.mulf %get3A_880, %get3A_883 : vector<16xf32>
      %get3A_885 = arith.constant 0 : i32
      %get3A_886 = arith.constant 3 : i32
      %get3A_887 = arith.index_cast %get3A_885 : i32 to index
      %get3A_888 = arith.index_cast %get3A_886 : i32 to index
      %get3A_889 = arith.constant 16 : index
      %get3A_890 = tpu.vector_load %arg5[%get3A_887, %get3A_888, %get3A_889] {strides = array<i32>} : memref<2x8x329xf32, #tpu.memory_space<vmem>>, vector<1x1x16xf32>,
      %get3A_891 = vector.shape_cast %get3A_890 : vector<1x1x16xf32> to vector<16xf32>
      %get3A_892 = arith.constant 16 : index
      %get3A_893 = tpu.vector_load %arg6[%get3A_892] {strides = array<i32>} : memref<336xf32, #tpu.memory_space<vmem>>, vector<16xf32>,
      %get3A_894 = vector.shape_cast %get3A_893 : vector<16xf32> to vector<16xf32>
      %mul3A_895 = arith.mulf %get3A_891, %get3A_894 : vector<16xf32>
      %add3A_896 = arith.addf %mul3A_884, %mul3A_895 : vector<16xf32>
      %get3A_897 = arith.constant 0 : i32
      %get3A_898 = arith.constant 3 : i32
      %get3A_899 = arith.index_cast %get3A_897 : i32 to index
      %get3A_900 = arith.index_cast %get3A_898 : i32 to index
      %get3A_901 = arith.constant 32 : index
      %get3A_902 = tpu.vector_load %arg5[%get3A_899, %get3A_900, %get3A_901] {strides = array<i32>} : memref<2x8x329xf32, #tpu.memory_space<vmem>>, vector<1x1x16xf32>,
      %get3A_903 = vector.shape_cast %get3A_902 : vector<1x1x16xf32> to vector<16xf32>
      %get3A_904 = arith.constant 32 : index
      %get3A_905 = tpu.vector_load %arg6[%get3A_904] {strides = array<i32>} : memref<336xf32, #tpu.memory_space<vmem>>, vector<16xf32>,
      %get3A_906 = vector.shape_cast %get3A_905 : vector<16xf32> to vector<16xf32>
      %mul3A_907 = arith.mulf %get3A_903, %get3A_906 : vector<16xf32>
      %add3A_908 = arith.addf %add3A_896, %mul3A_907 : vector<16xf32>
      %get3A_909 = arith.constant 0 : i32
      %get3A_910 = arith.constant 3 : i32
      %get3A_911 = arith.index_cast %get3A_909 : i32 to index
      %get3A_912 = arith.index_cast %get3A_910 : i32 to index
      %get3A_913 = arith.constant 48 : index
      %get3A_914 = tpu.vector_load %arg5[%get3A_911, %get3A_912, %get3A_913] {strides = array<i32>} : memref<2x8x329xf32, #tpu.memory_space<vmem>>, vector<1x1x16xf32>,
      %get3A_915 = vector.shape_cast %get3A_914 : vector<1x1x16xf32> to vector<16xf32>
      %get3A_916 = arith.constant 48 : index
      %get3A_917 = tpu.vector_load %arg6[%get3A_916] {strides = array<i32>} : memref<336xf32, #tpu.memory_space<vmem>>, vector<16xf32>,
      %get3A_918 = vector.shape_cast %get3A_917 : vector<16xf32> to vector<16xf32>
      %mul3A_919 = arith.mulf %get3A_915, %get3A_918 : vector<16xf32>
      %add3A_920 = arith.addf %add3A_908, %mul3A_919 : vector<16xf32>
      %get3A_921 = arith.constant 0 : i32
      %get3A_922 = arith.constant 3 : i32
      %get3A_923 = arith.index_cast %get3A_921 : i32 to index
      %get3A_924 = arith.index_cast %get3A_922 : i32 to index
      %get3A_925 = arith.constant 64 : index
      %get3A_926 = tpu.vector_load %arg5[%get3A_923, %get3A_924, %get3A_925] {strides = array<i32>} : memref<2x8x329xf32, #tpu.memory_space<vmem>>, vector<1x1x16xf32>,
      %get3A_927 = vector.shape_cast %get3A_926 : vector<1x1x16xf32> to vector<16xf32>
      %get3A_928 = arith.constant 64 : index
      %get3A_929 = tpu.vector_load %arg6[%get3A_928] {strides = array<i32>} : memref<336xf32, #tpu.memory_space<vmem>>, vector<16xf32>,
      %get3A_930 = vector.shape_cast %get3A_929 : vector<16xf32> to vector<16xf32>
      %mul3A_931 = arith.mulf %get3A_927, %get3A_930 : vector<16xf32>
      %add3A_932 = arith.addf %add3A_920, %mul3A_931 : vector<16xf32>
      %get3A_933 = arith.constant 0 : i32
      %get3A_934 = arith.constant 3 : i32
      %get3A_935 = arith.index_cast %get3A_933 : i32 to index
      %get3A_936 = arith.index_cast %get3A_934 : i32 to index
      %get3A_937 = arith.constant 80 : index
      %get3A_938 = tpu.vector_load %arg5[%get3A_935, %get3A_936, %get3A_937] {strides = array<i32>} : memref<2x8x329xf32, #tpu.memory_space<vmem>>, vector<1x1x16xf32>,
      %get3A_939 = vector.shape_cast %get3A_938 : vector<1x1x16xf32> to vector<16xf32>
      %get3A_940 = arith.constant 80 : index
      %get3A_941 = tpu.vector_load %arg6[%get3A_940] {strides = array<i32>} : memref<336xf32, #tpu.memory_space<vmem>>, vector<16xf32>,
      %get3A_942 = vector.shape_cast %get3A_941 : vector<16xf32> to vector<16xf32>
      %mul3A_943 = arith.mulf %get3A_939, %get3A_942 : vector<16xf32>
      %add3A_944 = arith.addf %add3A_932, %mul3A_943 : vector<16xf32>
      %get3A_945 = arith.constant 0 : i32
      %get3A_946 = arith.constant 3 : i32
      %get3A_947 = arith.index_cast %get3A_945 : i32 to index
      %get3A_948 = arith.index_cast %get3A_946 : i32 to index
      %get3A_949 = arith.constant 96 : index
      %get3A_950 = tpu.vector_load %arg5[%get3A_947, %get3A_948, %get3A_949] {strides = array<i32>} : memref<2x8x329xf32, #tpu.memory_space<vmem>>, vector<1x1x16xf32>,
      %get3A_951 = vector.shape_cast %get3A_950 : vector<1x1x16xf32> to vector<16xf32>
      %get3A_952 = arith.constant 96 : index
      %get3A_953 = tpu.vector_load %arg6[%get3A_952] {strides = array<i32>} : memref<336xf32, #tpu.memory_space<vmem>>, vector<16xf32>,
      %get3A_954 = vector.shape_cast %get3A_953 : vector<16xf32> to vector<16xf32>
      %mul3A_955 = arith.mulf %get3A_951, %get3A_954 : vector<16xf32>
      %add3A_956 = arith.addf %add3A_944, %mul3A_955 : vector<16xf32>
      %get3A_957 = arith.constant 0 : i32
      %get3A_958 = arith.constant 3 : i32
      %get3A_959 = arith.index_cast %get3A_957 : i32 to index
      %get3A_960 = arith.index_cast %get3A_958 : i32 to index
      %get3A_961 = arith.constant 112 : index
      %get3A_962 = tpu.vector_load %arg5[%get3A_959, %get3A_960, %get3A_961] {strides = array<i32>} : memref<2x8x329xf32, #tpu.memory_space<vmem>>, vector<1x1x16xf32>,
      %get3A_963 = vector.shape_cast %get3A_962 : vector<1x1x16xf32> to vector<16xf32>
      %get3A_964 = arith.constant 112 : index
      %get3A_965 = tpu.vector_load %arg6[%get3A_964] {strides = array<i32>} : memref<336xf32, #tpu.memory_space<vmem>>, vector<16xf32>,
      %get3A_966 = vector.shape_cast %get3A_965 : vector<16xf32> to vector<16xf32>
      %mul3A_967 = arith.mulf %get3A_963, %get3A_966 : vector<16xf32>
      %add3A_968 = arith.addf %add3A_956, %mul3A_967 : vector<16xf32>
      %get3A_969 = arith.constant 0 : i32
      %get3A_970 = arith.constant 3 : i32
      %get3A_971 = arith.index_cast %get3A_969 : i32 to index
      %get3A_972 = arith.index_cast %get3A_970 : i32 to index
      %get3A_973 = arith.constant 128 : index
      %get3A_974 = tpu.vector_load %arg5[%get3A_971, %get3A_972, %get3A_973] {strides = array<i32>} : memref<2x8x329xf32, #tpu.memory_space<vmem>>, vector<1x1x16xf32>,
      %get3A_975 = vector.shape_cast %get3A_974 : vector<1x1x16xf32> to vector<16xf32>
      %get3A_976 = arith.constant 128 : index
      %get3A_977 = tpu.vector_load %arg6[%get3A_976] {strides = array<i32>} : memref<336xf32, #tpu.memory_space<vmem>>, vector<16xf32>,
      %get3A_978 = vector.shape_cast %get3A_977 : vector<16xf32> to vector<16xf32>
      %mul3A_979 = arith.mulf %get3A_975, %get3A_978 : vector<16xf32>
      %add3A_980 = arith.addf %add3A_968, %mul3A_979 : vector<16xf32>
      %get3A_981 = arith.constant 0 : i32
      %get3A_982 = arith.constant 3 : i32
      %get3A_983 = arith.index_cast %get3A_981 : i32 to index
      %get3A_984 = arith.index_cast %get3A_982 : i32 to index
      %get3A_985 = arith.constant 144 : index
      %get3A_986 = tpu.vector_load %arg5[%get3A_983, %get3A_984, %get3A_985] {strides = array<i32>} : memref<2x8x329xf32, #tpu.memory_space<vmem>>, vector<1x1x16xf32>,
      %get3A_987 = vector.shape_cast %get3A_986 : vector<1x1x16xf32> to vector<16xf32>
      %get3A_988 = arith.constant 144 : index
      %get3A_989 = tpu.vector_load %arg6[%get3A_988] {strides = array<i32>} : memref<336xf32, #tpu.memory_space<vmem>>, vector<16xf32>,
      %get3A_990 = vector.shape_cast %get3A_989 : vector<16xf32> to vector<16xf32>
      %mul3A_991 = arith.mulf %get3A_987, %get3A_990 : vector<16xf32>
      %add3A_992 = arith.addf %add3A_980, %mul3A_991 : vector<16xf32>
      %get3A_993 = arith.constant 0 : i32
      %get3A_994 = arith.constant 3 : i32
      %get3A_995 = arith.index_cast %get3A_993 : i32 to index
      %get3A_996 = arith.index_cast %get3A_994 : i32 to index
      %get3A_997 = arith.constant 160 : index
      %get3A_998 = tpu.vector_load %arg5[%get3A_995, %get3A_996, %get3A_997] {strides = array<i32>} : memref<2x8x329xf32, #tpu.memory_space<vmem>>, vector<1x1x16xf32>,
      %get3A_999 = vector.shape_cast %get3A_998 : vector<1x1x16xf32> to vector<16xf32>
      %get3A_1000 = arith.constant 160 : index
      %get3A_1001 = tpu.vector_load %arg6[%get3A_1000] {strides = array<i32>} : memref<336xf32, #tpu.memory_space<vmem>>, vector<16xf32>,
      %get3A_1002 = vector.shape_cast %get3A_1001 : vector<16xf32> to vector<16xf32>
      %mul3A_1003 = arith.mulf %get3A_999, %get3A_1002 : vector<16xf32>
      %add3A_1004 = arith.addf %add3A_992, %mul3A_1003 : vector<16xf32>
      %get3A_1005 = arith.constant 0 : i32
      %get3A_1006 = arith.constant 3 : i32
      %get3A_1007 = arith.index_cast %get3A_1005 : i32 to index
      %get3A_1008 = arith.index_cast %get3A_1006 : i32 to index
      %get3A_1009 = arith.constant 176 : index
      %get3A_1010 = tpu.vector_load %arg5[%get3A_1007, %get3A_1008, %get3A_1009] {strides = array<i32>} : memref<2x8x329xf32, #tpu.memory_space<vmem>>, vector<1x1x16xf32>,
      %get3A_1011 = vector.shape_cast %get3A_1010 : vector<1x1x16xf32> to vector<16xf32>
      %get3A_1012 = arith.constant 176 : index
      %get3A_1013 = tpu.vector_load %arg6[%get3A_1012] {strides = array<i32>} : memref<336xf32, #tpu.memory_space<vmem>>, vector<16xf32>,
      %get3A_1014 = vector.shape_cast %get3A_1013 : vector<16xf32> to vector<16xf32>
      %mul3A_1015 = arith.mulf %get3A_1011, %get3A_1014 : vector<16xf32>
      %add3A_1016 = arith.addf %add3A_1004, %mul3A_1015 : vector<16xf32>
      %get3A_1017 = arith.constant 0 : i32
      %get3A_1018 = arith.constant 3 : i32
      %get3A_1019 = arith.index_cast %get3A_1017 : i32 to index
      %get3A_1020 = arith.index_cast %get3A_1018 : i32 to index
      %get3A_1021 = arith.constant 192 : index
      %get3A_1022 = tpu.vector_load %arg5[%get3A_1019, %get3A_1020, %get3A_1021] {strides = array<i32>} : memref<2x8x329xf32, #tpu.memory_space<vmem>>, vector<1x1x16xf32>,
      %get3A_1023 = vector.shape_cast %get3A_1022 : vector<1x1x16xf32> to vector<16xf32>
      %get3A_1024 = arith.constant 192 : index
      %get3A_1025 = tpu.vector_load %arg6[%get3A_1024] {strides = array<i32>} : memref<336xf32, #tpu.memory_space<vmem>>, vector<16xf32>,
      %get3A_1026 = vector.shape_cast %get3A_1025 : vector<16xf32> to vector<16xf32>
      %mul3A_1027 = arith.mulf %get3A_1023, %get3A_1026 : vector<16xf32>
      %add3A_1028 = arith.addf %add3A_1016, %mul3A_1027 : vector<16xf32>
      %get3A_1029 = arith.constant 0 : i32
      %get3A_1030 = arith.constant 3 : i32
      %get3A_1031 = arith.index_cast %get3A_1029 : i32 to index
      %get3A_1032 = arith.index_cast %get3A_1030 : i32 to index
      %get3A_1033 = arith.constant 208 : index
      %get3A_1034 = tpu.vector_load %arg5[%get3A_1031, %get3A_1032, %get3A_1033] {strides = array<i32>} : memref<2x8x329xf32, #tpu.memory_space<vmem>>, vector<1x1x16xf32>,
      %get3A_1035 = vector.shape_cast %get3A_1034 : vector<1x1x16xf32> to vector<16xf32>
      %get3A_1036 = arith.constant 208 : index
      %get3A_1037 = tpu.vector_load %arg6[%get3A_1036] {strides = array<i32>} : memref<336xf32, #tpu.memory_space<vmem>>, vector<16xf32>,
      %get3A_1038 = vector.shape_cast %get3A_1037 : vector<16xf32> to vector<16xf32>
      %mul3A_1039 = arith.mulf %get3A_1035, %get3A_1038 : vector<16xf32>
      %add3A_1040 = arith.addf %add3A_1028, %mul3A_1039 : vector<16xf32>
      %get3A_1041 = arith.constant 0 : i32
      %get3A_1042 = arith.constant 3 : i32
      %get3A_1043 = arith.index_cast %get3A_1041 : i32 to index
      %get3A_1044 = arith.index_cast %get3A_1042 : i32 to index
      %get3A_1045 = arith.constant 224 : index
      %get3A_1046 = tpu.vector_load %arg5[%get3A_1043, %get3A_1044, %get3A_1045] {strides = array<i32>} : memref<2x8x329xf32, #tpu.memory_space<vmem>>, vector<1x1x16xf32>,
      %get3A_1047 = vector.shape_cast %get3A_1046 : vector<1x1x16xf32> to vector<16xf32>
      %get3A_1048 = arith.constant 224 : index
      %get3A_1049 = tpu.vector_load %arg6[%get3A_1048] {strides = array<i32>} : memref<336xf32, #tpu.memory_space<vmem>>, vector<16xf32>,
      %get3A_1050 = vector.shape_cast %get3A_1049 : vector<16xf32> to vector<16xf32>
      %mul3A_1051 = arith.mulf %get3A_1047, %get3A_1050 : vector<16xf32>
      %add3A_1052 = arith.addf %add3A_1040, %mul3A_1051 : vector<16xf32>
      %get3A_1053 = arith.constant 0 : i32
      %get3A_1054 = arith.constant 3 : i32
      %get3A_1055 = arith.index_cast %get3A_1053 : i32 to index
      %get3A_1056 = arith.index_cast %get3A_1054 : i32 to index
      %get3A_1057 = arith.constant 240 : index
      %get3A_1058 = tpu.vector_load %arg5[%get3A_1055, %get3A_1056, %get3A_1057] {strides = array<i32>} : memref<2x8x329xf32, #tpu.memory_space<vmem>>, vector<1x1x16xf32>,
      %get3A_1059 = vector.shape_cast %get3A_1058 : vector<1x1x16xf32> to vector<16xf32>
      %get3A_1060 = arith.constant 240 : index
      %get3A_1061 = tpu.vector_load %arg6[%get3A_1060] {strides = array<i32>} : memref<336xf32, #tpu.memory_space<vmem>>, vector<16xf32>,
      %get3A_1062 = vector.shape_cast %get3A_1061 : vector<16xf32> to vector<16xf32>
      %mul3A_1063 = arith.mulf %get3A_1059, %get3A_1062 : vector<16xf32>
      %add3A_1064 = arith.addf %add3A_1052, %mul3A_1063 : vector<16xf32>
      %get3A_1065 = arith.constant 0 : i32
      %get3A_1066 = arith.constant 3 : i32
      %get3A_1067 = arith.index_cast %get3A_1065 : i32 to index
      %get3A_1068 = arith.index_cast %get3A_1066 : i32 to index
      %get3A_1069 = arith.constant 256 : index
      %get3A_1070 = tpu.vector_load %arg5[%get3A_1067, %get3A_1068, %get3A_1069] {strides = array<i32>} : memref<2x8x329xf32, #tpu.memory_space<vmem>>, vector<1x1x16xf32>,
      %get3A_1071 = vector.shape_cast %get3A_1070 : vector<1x1x16xf32> to vector<16xf32>
      %get3A_1072 = arith.constant 256 : index
      %get3A_1073 = tpu.vector_load %arg6[%get3A_1072] {strides = array<i32>} : memref<336xf32, #tpu.memory_space<vmem>>, vector<16xf32>,
      %get3A_1074 = vector.shape_cast %get3A_1073 : vector<16xf32> to vector<16xf32>
      %mul3A_1075 = arith.mulf %get3A_1071, %get3A_1074 : vector<16xf32>
      %add3A_1076 = arith.addf %add3A_1064, %mul3A_1075 : vector<16xf32>
      %get3A_1077 = arith.constant 0 : i32
      %get3A_1078 = arith.constant 3 : i32
      %get3A_1079 = arith.index_cast %get3A_1077 : i32 to index
      %get3A_1080 = arith.index_cast %get3A_1078 : i32 to index
      %get3A_1081 = arith.constant 272 : index
      %get3A_1082 = tpu.vector_load %arg5[%get3A_1079, %get3A_1080, %get3A_1081] {strides = array<i32>} : memref<2x8x329xf32, #tpu.memory_space<vmem>>, vector<1x1x16xf32>,
      %get3A_1083 = vector.shape_cast %get3A_1082 : vector<1x1x16xf32> to vector<16xf32>
      %get3A_1084 = arith.constant 272 : index
      %get3A_1085 = tpu.vector_load %arg6[%get3A_1084] {strides = array<i32>} : memref<336xf32, #tpu.memory_space<vmem>>, vector<16xf32>,
      %get3A_1086 = vector.shape_cast %get3A_1085 : vector<16xf32> to vector<16xf32>
      %mul3A_1087 = arith.mulf %get3A_1083, %get3A_1086 : vector<16xf32>
      %add3A_1088 = arith.addf %add3A_1076, %mul3A_1087 : vector<16xf32>
      %get3A_1089 = arith.constant 0 : i32
      %get3A_1090 = arith.constant 3 : i32
      %get3A_1091 = arith.index_cast %get3A_1089 : i32 to index
      %get3A_1092 = arith.index_cast %get3A_1090 : i32 to index
      %get3A_1093 = arith.constant 288 : index
      %get3A_1094 = tpu.vector_load %arg5[%get3A_1091, %get3A_1092, %get3A_1093] {strides = array<i32>} : memref<2x8x329xf32, #tpu.memory_space<vmem>>, vector<1x1x16xf32>,
      %get3A_1095 = vector.shape_cast %get3A_1094 : vector<1x1x16xf32> to vector<16xf32>
      %get3A_1096 = arith.constant 288 : index
      %get3A_1097 = tpu.vector_load %arg6[%get3A_1096] {strides = array<i32>} : memref<336xf32, #tpu.memory_space<vmem>>, vector<16xf32>,
      %get3A_1098 = vector.shape_cast %get3A_1097 : vector<16xf32> to vector<16xf32>
      %mul3A_1099 = arith.mulf %get3A_1095, %get3A_1098 : vector<16xf32>
      %add3A_1100 = arith.addf %add3A_1088, %mul3A_1099 : vector<16xf32>
      %get3A_1101 = arith.constant 0 : i32
      %get3A_1102 = arith.constant 3 : i32
      %get3A_1103 = arith.index_cast %get3A_1101 : i32 to index
      %get3A_1104 = arith.index_cast %get3A_1102 : i32 to index
      %get3A_1105 = arith.constant 304 : index
      %get3A_1106 = tpu.vector_load %arg5[%get3A_1103, %get3A_1104, %get3A_1105] {strides = array<i32>} : memref<2x8x329xf32, #tpu.memory_space<vmem>>, vector<1x1x16xf32>,
      %get3A_1107 = vector.shape_cast %get3A_1106 : vector<1x1x16xf32> to vector<16xf32>
      %get3A_1108 = arith.constant 304 : index
      %get3A_1109 = tpu.vector_load %arg6[%get3A_1108] {strides = array<i32>} : memref<336xf32, #tpu.memory_space<vmem>>, vector<16xf32>,
      %get3A_1110 = vector.shape_cast %get3A_1109 : vector<16xf32> to vector<16xf32>
      %mul3A_1111 = arith.mulf %get3A_1107, %get3A_1110 : vector<16xf32>
      %add3A_1112 = arith.addf %add3A_1100, %mul3A_1111 : vector<16xf32>
      %get3A_1113 = arith.constant 0 : i32
      %get3A_1114 = arith.constant 3 : i32
      %get3A_1115 = arith.index_cast %get3A_1113 : i32 to index
      %get3A_1116 = arith.index_cast %get3A_1114 : i32 to index
      %get3A_1117 = arith.constant 313 : index
      %get3A_1118 = tpu.vector_load %arg5[%get3A_1115, %get3A_1116, %get3A_1117] {strides = array<i32>} : memref<2x8x329xf32, #tpu.memory_space<vmem>>, vector<1x1x16xf32>,
      %get3A_1119 = vector.shape_cast %get3A_1118 : vector<1x1x16xf32> to vector<16xf32>
      %get3A_1120 = arith.constant 320 : index
      %get3A_1121 = tpu.vector_load %arg6[%get3A_1120] {strides = array<i32>} : memref<336xf32, #tpu.memory_space<vmem>>, vector<16xf32>,
      %get3A_1122 = vector.shape_cast %get3A_1121 : vector<16xf32> to vector<16xf32>
      %mul3A_1123 = arith.mulf %get3A_1119, %get3A_1122 : vector<16xf32>
      %add3A_1124 = arith.addf %add3A_1112, %mul3A_1123 : vector<16xf32>
      %mul3A_1125 = arith.constant 8 : i32
      %mul3A_1126 = arith.muli %add3A_55, %mul3A_1125 : i32
      %add3A_1127 = arith.constant 3 : i32
      %add3A_1128 = arith.addi %mul3A_1126, %add3A_1127 : i32
      %mul3A_1129 = arith.constant 16 : i32
      %mul3A_1130 = arith.muli %add3A_1128, %mul3A_1129 : i32
      %swap3A_1131 = arith.index_cast %mul3A_1130 : i32 to index
      %swap3A_1132 = tpu.vector_load %arg7[%swap3A_1131] {strides = array<i32>} : memref<10496xf32, #tpu.memory_space<vmem>>, vector<16xf32>,
      %swap3A_1133 = vector.shape_cast %swap3A_1132 : vector<16xf32> to vector<16xf32>
      %swap3A_1134 = vector.shape_cast %add3A_1124 : vector<16xf32> to vector<16xf32>
      tpu.vector_store %arg7[%swap3A_1131], %swap3A_1134 {strides = array<i32>} : memref<10496xf32, #tpu.memory_space<vmem>>, vector<16xf32>,
      %get3A_1135 = arith.constant 0 : i32
      %get3A_1136 = arith.constant 4 : i32
      %get3A_1137 = arith.index_cast %get3A_1135 : i32 to index
      %get3A_1138 = arith.index_cast %get3A_1136 : i32 to index
      %get3A_1139 = arith.constant 0 : index
      %get3A_1140 = tpu.vector_load %arg5[%get3A_1137, %get3A_1138, %get3A_1139] {strides = array<i32>} : memref<2x8x329xf32, #tpu.memory_space<vmem>>, vector<1x1x16xf32>,
      %get3A_1141 = vector.shape_cast %get3A_1140 : vector<1x1x16xf32> to vector<16xf32>
      %get3A_1142 = arith.constant 0 : index
      %get3A_1143 = tpu.vector_load %arg6[%get3A_1142] {strides = array<i32>} : memref<336xf32, #tpu.memory_space<vmem>>, vector<16xf32>,
      %get3A_1144 = vector.shape_cast %get3A_1143 : vector<16xf32> to vector<16xf32>
      %mul3A_1145 = arith.mulf %get3A_1141, %get3A_1144 : vector<16xf32>
      %get3A_1146 = arith.constant 0 : i32
      %get3A_1147 = arith.constant 4 : i32
      %get3A_1148 = arith.index_cast %get3A_1146 : i32 to index
      %get3A_1149 = arith.index_cast %get3A_1147 : i32 to index
      %get3A_1150 = arith.constant 16 : index
      %get3A_1151 = tpu.vector_load %arg5[%get3A_1148, %get3A_1149, %get3A_1150] {strides = array<i32>} : memref<2x8x329xf32, #tpu.memory_space<vmem>>, vector<1x1x16xf32>,
      %get3A_1152 = vector.shape_cast %get3A_1151 : vector<1x1x16xf32> to vector<16xf32>
      %get3A_1153 = arith.constant 16 : index
      %get3A_1154 = tpu.vector_load %arg6[%get3A_1153] {strides = array<i32>} : memref<336xf32, #tpu.memory_space<vmem>>, vector<16xf32>,
      %get3A_1155 = vector.shape_cast %get3A_1154 : vector<16xf32> to vector<16xf32>
      %mul3A_1156 = arith.mulf %get3A_1152, %get3A_1155 : vector<16xf32>
      %add3A_1157 = arith.addf %mul3A_1145, %mul3A_1156 : vector<16xf32>
      %get3A_1158 = arith.constant 0 : i32
      %get3A_1159 = arith.constant 4 : i32
      %get3A_1160 = arith.index_cast %get3A_1158 : i32 to index
      %get3A_1161 = arith.index_cast %get3A_1159 : i32 to index
      %get3A_1162 = arith.constant 32 : index
      %get3A_1163 = tpu.vector_load %arg5[%get3A_1160, %get3A_1161, %get3A_1162] {strides = array<i32>} : memref<2x8x329xf32, #tpu.memory_space<vmem>>, vector<1x1x16xf32>,
      %get3A_1164 = vector.shape_cast %get3A_1163 : vector<1x1x16xf32> to vector<16xf32>
      %get3A_1165 = arith.constant 32 : index
      %get3A_1166 = tpu.vector_load %arg6[%get3A_1165] {strides = array<i32>} : memref<336xf32, #tpu.memory_space<vmem>>, vector<16xf32>,
      %get3A_1167 = vector.shape_cast %get3A_1166 : vector<16xf32> to vector<16xf32>
      %mul3A_1168 = arith.mulf %get3A_1164, %get3A_1167 : vector<16xf32>
      %add3A_1169 = arith.addf %add3A_1157, %mul3A_1168 : vector<16xf32>
      %get3A_1170 = arith.constant 0 : i32
      %get3A_1171 = arith.constant 4 : i32
      %get3A_1172 = arith.index_cast %get3A_1170 : i32 to index
      %get3A_1173 = arith.index_cast %get3A_1171 : i32 to index
      %get3A_1174 = arith.constant 48 : index
      %get3A_1175 = tpu.vector_load %arg5[%get3A_1172, %get3A_1173, %get3A_1174] {strides = array<i32>} : memref<2x8x329xf32, #tpu.memory_space<vmem>>, vector<1x1x16xf32>,
      %get3A_1176 = vector.shape_cast %get3A_1175 : vector<1x1x16xf32> to vector<16xf32>
      %get3A_1177 = arith.constant 48 : index
      %get3A_1178 = tpu.vector_load %arg6[%get3A_1177] {strides = array<i32>} : memref<336xf32, #tpu.memory_space<vmem>>, vector<16xf32>,
      %get3A_1179 = vector.shape_cast %get3A_1178 : vector<16xf32> to vector<16xf32>
      %mul3A_1180 = arith.mulf %get3A_1176, %get3A_1179 : vector<16xf32>
      %add3A_1181 = arith.addf %add3A_1169, %mul3A_1180 : vector<16xf32>
      %get3A_1182 = arith.constant 0 : i32
      %get3A_1183 = arith.constant 4 : i32
      %get3A_1184 = arith.index_cast %get3A_1182 : i32 to index
      %get3A_1185 = arith.index_cast %get3A_1183 : i32 to index
      %get3A_1186 = arith.constant 64 : index
      %get3A_1187 = tpu.vector_load %arg5[%get3A_1184, %get3A_1185, %get3A_1186] {strides = array<i32>} : memref<2x8x329xf32, #tpu.memory_space<vmem>>, vector<1x1x16xf32>,
      %get3A_1188 = vector.shape_cast %get3A_1187 : vector<1x1x16xf32> to vector<16xf32>
      %get3A_1189 = arith.constant 64 : index
      %get3A_1190 = tpu.vector_load %arg6[%get3A_1189] {strides = array<i32>} : memref<336xf32, #tpu.memory_space<vmem>>, vector<16xf32>,
      %get3A_1191 = vector.shape_cast %get3A_1190 : vector<16xf32> to vector<16xf32>
      %mul3A_1192 = arith.mulf %get3A_1188, %get3A_1191 : vector<16xf32>
      %add3A_1193 = arith.addf %add3A_1181, %mul3A_1192 : vector<16xf32>
      %get3A_1194 = arith.constant 0 : i32
      %get3A_1195 = arith.constant 4 : i32
      %get3A_1196 = arith.index_cast %get3A_1194 : i32 to index
      %get3A_1197 = arith.index_cast %get3A_1195 : i32 to index
      %get3A_1198 = arith.constant 80 : index
      %get3A_1199 = tpu.vector_load %arg5[%get3A_1196, %get3A_1197, %get3A_1198] {strides = array<i32>} : memref<2x8x329xf32, #tpu.memory_space<vmem>>, vector<1x1x16xf32>,
      %get3A_1200 = vector.shape_cast %get3A_1199 : vector<1x1x16xf32> to vector<16xf32>
      %get3A_1201 = arith.constant 80 : index
      %get3A_1202 = tpu.vector_load %arg6[%get3A_1201] {strides = array<i32>} : memref<336xf32, #tpu.memory_space<vmem>>, vector<16xf32>,
      %get3A_1203 = vector.shape_cast %get3A_1202 : vector<16xf32> to vector<16xf32>
      %mul3A_1204 = arith.mulf %get3A_1200, %get3A_1203 : vector<16xf32>
      %add3A_1205 = arith.addf %add3A_1193, %mul3A_1204 : vector<16xf32>
      %get3A_1206 = arith.constant 0 : i32
      %get3A_1207 = arith.constant 4 : i32
      %get3A_1208 = arith.index_cast %get3A_1206 : i32 to index
      %get3A_1209 = arith.index_cast %get3A_1207 : i32 to index
      %get3A_1210 = arith.constant 96 : index
      %get3A_1211 = tpu.vector_load %arg5[%get3A_1208, %get3A_1209, %get3A_1210] {strides = array<i32>} : memref<2x8x329xf32, #tpu.memory_space<vmem>>, vector<1x1x16xf32>,
      %get3A_1212 = vector.shape_cast %get3A_1211 : vector<1x1x16xf32> to vector<16xf32>
      %get3A_1213 = arith.constant 96 : index
      %get3A_1214 = tpu.vector_load %arg6[%get3A_1213] {strides = array<i32>} : memref<336xf32, #tpu.memory_space<vmem>>, vector<16xf32>,
      %get3A_1215 = vector.shape_cast %get3A_1214 : vector<16xf32> to vector<16xf32>
      %mul3A_1216 = arith.mulf %get3A_1212, %get3A_1215 : vector<16xf32>
      %add3A_1217 = arith.addf %add3A_1205, %mul3A_1216 : vector<16xf32>
      %get3A_1218 = arith.constant 0 : i32
      %get3A_1219 = arith.constant 4 : i32
      %get3A_1220 = arith.index_cast %get3A_1218 : i32 to index
      %get3A_1221 = arith.index_cast %get3A_1219 : i32 to index
      %get3A_1222 = arith.constant 112 : index
      %get3A_1223 = tpu.vector_load %arg5[%get3A_1220, %get3A_1221, %get3A_1222] {strides = array<i32>} : memref<2x8x329xf32, #tpu.memory_space<vmem>>, vector<1x1x16xf32>,
      %get3A_1224 = vector.shape_cast %get3A_1223 : vector<1x1x16xf32> to vector<16xf32>
      %get3A_1225 = arith.constant 112 : index
      %get3A_1226 = tpu.vector_load %arg6[%get3A_1225] {strides = array<i32>} : memref<336xf32, #tpu.memory_space<vmem>>, vector<16xf32>,
      %get3A_1227 = vector.shape_cast %get3A_1226 : vector<16xf32> to vector<16xf32>
      %mul3A_1228 = arith.mulf %get3A_1224, %get3A_1227 : vector<16xf32>
      %add3A_1229 = arith.addf %add3A_1217, %mul3A_1228 : vector<16xf32>
      %get3A_1230 = arith.constant 0 : i32
      %get3A_1231 = arith.constant 4 : i32
      %get3A_1232 = arith.index_cast %get3A_1230 : i32 to index
      %get3A_1233 = arith.index_cast %get3A_1231 : i32 to index
      %get3A_1234 = arith.constant 128 : index
      %get3A_1235 = tpu.vector_load %arg5[%get3A_1232, %get3A_1233, %get3A_1234] {strides = array<i32>} : memref<2x8x329xf32, #tpu.memory_space<vmem>>, vector<1x1x16xf32>,
      %get3A_1236 = vector.shape_cast %get3A_1235 : vector<1x1x16xf32> to vector<16xf32>
      %get3A_1237 = arith.constant 128 : index
      %get3A_1238 = tpu.vector_load %arg6[%get3A_1237] {strides = array<i32>} : memref<336xf32, #tpu.memory_space<vmem>>, vector<16xf32>,
      %get3A_1239 = vector.shape_cast %get3A_1238 : vector<16xf32> to vector<16xf32>
      %mul3A_1240 = arith.mulf %get3A_1236, %get3A_1239 : vector<16xf32>
      %add3A_1241 = arith.addf %add3A_1229, %mul3A_1240 : vector<16xf32>
      %get3A_1242 = arith.constant 0 : i32
      %get3A_1243 = arith.constant 4 : i32
      %get3A_1244 = arith.index_cast %get3A_1242 : i32 to index
      %get3A_1245 = arith.index_cast %get3A_1243 : i32 to index
      %get3A_1246 = arith.constant 144 : index
      %get3A_1247 = tpu.vector_load %arg5[%get3A_1244, %get3A_1245, %get3A_1246] {strides = array<i32>} : memref<2x8x329xf32, #tpu.memory_space<vmem>>, vector<1x1x16xf32>,
      %get3A_1248 = vector.shape_cast %get3A_1247 : vector<1x1x16xf32> to vector<16xf32>
      %get3A_1249 = arith.constant 144 : index
      %get3A_1250 = tpu.vector_load %arg6[%get3A_1249] {strides = array<i32>} : memref<336xf32, #tpu.memory_space<vmem>>, vector<16xf32>,
      %get3A_1251 = vector.shape_cast %get3A_1250 : vector<16xf32> to vector<16xf32>
      %mul3A_1252 = arith.mulf %get3A_1248, %get3A_1251 : vector<16xf32>
      %add3A_1253 = arith.addf %add3A_1241, %mul3A_1252 : vector<16xf32>
      %get3A_1254 = arith.constant 0 : i32
      %get3A_1255 = arith.constant 4 : i32
      %get3A_1256 = arith.index_cast %get3A_1254 : i32 to index
      %get3A_1257 = arith.index_cast %get3A_1255 : i32 to index
      %get3A_1258 = arith.constant 160 : index
      %get3A_1259 = tpu.vector_load %arg5[%get3A_1256, %get3A_1257, %get3A_1258] {strides = array<i32>} : memref<2x8x329xf32, #tpu.memory_space<vmem>>, vector<1x1x16xf32>,
      %get3A_1260 = vector.shape_cast %get3A_1259 : vector<1x1x16xf32> to vector<16xf32>
      %get3A_1261 = arith.constant 160 : index
      %get3A_1262 = tpu.vector_load %arg6[%get3A_1261] {strides = array<i32>} : memref<336xf32, #tpu.memory_space<vmem>>, vector<16xf32>,
      %get3A_1263 = vector.shape_cast %get3A_1262 : vector<16xf32> to vector<16xf32>
      %mul3A_1264 = arith.mulf %get3A_1260, %get3A_1263 : vector<16xf32>
      %add3A_1265 = arith.addf %add3A_1253, %mul3A_1264 : vector<16xf32>
      %get3A_1266 = arith.constant 0 : i32
      %get3A_1267 = arith.constant 4 : i32
      %get3A_1268 = arith.index_cast %get3A_1266 : i32 to index
      %get3A_1269 = arith.index_cast %get3A_1267 : i32 to index
      %get3A_1270 = arith.constant 176 : index
      %get3A_1271 = tpu.vector_load %arg5[%get3A_1268, %get3A_1269, %get3A_1270] {strides = array<i32>} : memref<2x8x329xf32, #tpu.memory_space<vmem>>, vector<1x1x16xf32>,
      %get3A_1272 = vector.shape_cast %get3A_1271 : vector<1x1x16xf32> to vector<16xf32>
      %get3A_1273 = arith.constant 176 : index
      %get3A_1274 = tpu.vector_load %arg6[%get3A_1273] {strides = array<i32>} : memref<336xf32, #tpu.memory_space<vmem>>, vector<16xf32>,
      %get3A_1275 = vector.shape_cast %get3A_1274 : vector<16xf32> to vector<16xf32>
      %mul3A_1276 = arith.mulf %get3A_1272, %get3A_1275 : vector<16xf32>
      %add3A_1277 = arith.addf %add3A_1265, %mul3A_1276 : vector<16xf32>
      %get3A_1278 = arith.constant 0 : i32
      %get3A_1279 = arith.constant 4 : i32
      %get3A_1280 = arith.index_cast %get3A_1278 : i32 to index
      %get3A_1281 = arith.index_cast %get3A_1279 : i32 to index
      %get3A_1282 = arith.constant 192 : index
      %get3A_1283 = tpu.vector_load %arg5[%get3A_1280, %get3A_1281, %get3A_1282] {strides = array<i32>} : memref<2x8x329xf32, #tpu.memory_space<vmem>>, vector<1x1x16xf32>,
      %get3A_1284 = vector.shape_cast %get3A_1283 : vector<1x1x16xf32> to vector<16xf32>
      %get3A_1285 = arith.constant 192 : index
      %get3A_1286 = tpu.vector_load %arg6[%get3A_1285] {strides = array<i32>} : memref<336xf32, #tpu.memory_space<vmem>>, vector<16xf32>,
      %get3A_1287 = vector.shape_cast %get3A_1286 : vector<16xf32> to vector<16xf32>
      %mul3A_1288 = arith.mulf %get3A_1284, %get3A_1287 : vector<16xf32>
      %add3A_1289 = arith.addf %add3A_1277, %mul3A_1288 : vector<16xf32>
      %get3A_1290 = arith.constant 0 : i32
      %get3A_1291 = arith.constant 4 : i32
      %get3A_1292 = arith.index_cast %get3A_1290 : i32 to index
      %get3A_1293 = arith.index_cast %get3A_1291 : i32 to index
      %get3A_1294 = arith.constant 208 : index
      %get3A_1295 = tpu.vector_load %arg5[%get3A_1292, %get3A_1293, %get3A_1294] {strides = array<i32>} : memref<2x8x329xf32, #tpu.memory_space<vmem>>, vector<1x1x16xf32>,
      %get3A_1296 = vector.shape_cast %get3A_1295 : vector<1x1x16xf32> to vector<16xf32>
      %get3A_1297 = arith.constant 208 : index
      %get3A_1298 = tpu.vector_load %arg6[%get3A_1297] {strides = array<i32>} : memref<336xf32, #tpu.memory_space<vmem>>, vector<16xf32>,
      %get3A_1299 = vector.shape_cast %get3A_1298 : vector<16xf32> to vector<16xf32>
      %mul3A_1300 = arith.mulf %get3A_1296, %get3A_1299 : vector<16xf32>
      %add3A_1301 = arith.addf %add3A_1289, %mul3A_1300 : vector<16xf32>
      %get3A_1302 = arith.constant 0 : i32
      %get3A_1303 = arith.constant 4 : i32
      %get3A_1304 = arith.index_cast %get3A_1302 : i32 to index
      %get3A_1305 = arith.index_cast %get3A_1303 : i32 to index
      %get3A_1306 = arith.constant 224 : index
      %get3A_1307 = tpu.vector_load %arg5[%get3A_1304, %get3A_1305, %get3A_1306] {strides = array<i32>} : memref<2x8x329xf32, #tpu.memory_space<vmem>>, vector<1x1x16xf32>,
      %get3A_1308 = vector.shape_cast %get3A_1307 : vector<1x1x16xf32> to vector<16xf32>
      %get3A_1309 = arith.constant 224 : index
      %get3A_1310 = tpu.vector_load %arg6[%get3A_1309] {strides = array<i32>} : memref<336xf32, #tpu.memory_space<vmem>>, vector<16xf32>,
      %get3A_1311 = vector.shape_cast %get3A_1310 : vector<16xf32> to vector<16xf32>
      %mul3A_1312 = arith.mulf %get3A_1308, %get3A_1311 : vector<16xf32>
      %add3A_1313 = arith.addf %add3A_1301, %mul3A_1312 : vector<16xf32>
      %get3A_1314 = arith.constant 0 : i32
      %get3A_1315 = arith.constant 4 : i32
      %get3A_1316 = arith.index_cast %get3A_1314 : i32 to index
      %get3A_1317 = arith.index_cast %get3A_1315 : i32 to index
      %get3A_1318 = arith.constant 240 : index
      %get3A_1319 = tpu.vector_load %arg5[%get3A_1316, %get3A_1317, %get3A_1318] {strides = array<i32>} : memref<2x8x329xf32, #tpu.memory_space<vmem>>, vector<1x1x16xf32>,
      %get3A_1320 = vector.shape_cast %get3A_1319 : vector<1x1x16xf32> to vector<16xf32>
      %get3A_1321 = arith.constant 240 : index
      %get3A_1322 = tpu.vector_load %arg6[%get3A_1321] {strides = array<i32>} : memref<336xf32, #tpu.memory_space<vmem>>, vector<16xf32>,
      %get3A_1323 = vector.shape_cast %get3A_1322 : vector<16xf32> to vector<16xf32>
      %mul3A_1324 = arith.mulf %get3A_1320, %get3A_1323 : vector<16xf32>
      %add3A_1325 = arith.addf %add3A_1313, %mul3A_1324 : vector<16xf32>
      %get3A_1326 = arith.constant 0 : i32
      %get3A_1327 = arith.constant 4 : i32
      %get3A_1328 = arith.index_cast %get3A_1326 : i32 to index
      %get3A_1329 = arith.index_cast %get3A_1327 : i32 to index
      %get3A_1330 = arith.constant 256 : index
      %get3A_1331 = tpu.vector_load %arg5[%get3A_1328, %get3A_1329, %get3A_1330] {strides = array<i32>} : memref<2x8x329xf32, #tpu.memory_space<vmem>>, vector<1x1x16xf32>,
      %get3A_1332 = vector.shape_cast %get3A_1331 : vector<1x1x16xf32> to vector<16xf32>
      %get3A_1333 = arith.constant 256 : index
      %get3A_1334 = tpu.vector_load %arg6[%get3A_1333] {strides = array<i32>} : memref<336xf32, #tpu.memory_space<vmem>>, vector<16xf32>,
      %get3A_1335 = vector.shape_cast %get3A_1334 : vector<16xf32> to vector<16xf32>
      %mul3A_1336 = arith.mulf %get3A_1332, %get3A_1335 : vector<16xf32>
      %add3A_1337 = arith.addf %add3A_1325, %mul3A_1336 : vector<16xf32>
      %get3A_1338 = arith.constant 0 : i32
      %get3A_1339 = arith.constant 4 : i32
      %get3A_1340 = arith.index_cast %get3A_1338 : i32 to index
      %get3A_1341 = arith.index_cast %get3A_1339 : i32 to index
      %get3A_1342 = arith.constant 272 : index
      %get3A_1343 = tpu.vector_load %arg5[%get3A_1340, %get3A_1341, %get3A_1342] {strides = array<i32>} : memref<2x8x329xf32, #tpu.memory_space<vmem>>, vector<1x1x16xf32>,
      %get3A_1344 = vector.shape_cast %get3A_1343 : vector<1x1x16xf32> to vector<16xf32>
      %get3A_1345 = arith.constant 272 : index
      %get3A_1346 = tpu.vector_load %arg6[%get3A_1345] {strides = array<i32>} : memref<336xf32, #tpu.memory_space<vmem>>, vector<16xf32>,
      %get3A_1347 = vector.shape_cast %get3A_1346 : vector<16xf32> to vector<16xf32>
      %mul3A_1348 = arith.mulf %get3A_1344, %get3A_1347 : vector<16xf32>
      %add3A_1349 = arith.addf %add3A_1337, %mul3A_1348 : vector<16xf32>
      %get3A_1350 = arith.constant 0 : i32
      %get3A_1351 = arith.constant 4 : i32
      %get3A_1352 = arith.index_cast %get3A_1350 : i32 to index
      %get3A_1353 = arith.index_cast %get3A_1351 : i32 to index
      %get3A_1354 = arith.constant 288 : index
      %get3A_1355 = tpu.vector_load %arg5[%get3A_1352, %get3A_1353, %get3A_1354] {strides = array<i32>} : memref<2x8x329xf32, #tpu.memory_space<vmem>>, vector<1x1x16xf32>,
      %get3A_1356 = vector.shape_cast %get3A_1355 : vector<1x1x16xf32> to vector<16xf32>
      %get3A_1357 = arith.constant 288 : index
      %get3A_1358 = tpu.vector_load %arg6[%get3A_1357] {strides = array<i32>} : memref<336xf32, #tpu.memory_space<vmem>>, vector<16xf32>,
      %get3A_1359 = vector.shape_cast %get3A_1358 : vector<16xf32> to vector<16xf32>
      %mul3A_1360 = arith.mulf %get3A_1356, %get3A_1359 : vector<16xf32>
      %add3A_1361 = arith.addf %add3A_1349, %mul3A_1360 : vector<16xf32>
      %get3A_1362 = arith.constant 0 : i32
      %get3A_1363 = arith.constant 4 : i32
      %get3A_1364 = arith.index_cast %get3A_1362 : i32 to index
      %get3A_1365 = arith.index_cast %get3A_1363 : i32 to index
      %get3A_1366 = arith.constant 304 : index
      %get3A_1367 = tpu.vector_load %arg5[%get3A_1364, %get3A_1365, %get3A_1366] {strides = array<i32>} : memref<2x8x329xf32, #tpu.memory_space<vmem>>, vector<1x1x16xf32>,
      %get3A_1368 = vector.shape_cast %get3A_1367 : vector<1x1x16xf32> to vector<16xf32>
      %get3A_1369 = arith.constant 304 : index
      %get3A_1370 = tpu.vector_load %arg6[%get3A_1369] {strides = array<i32>} : memref<336xf32, #tpu.memory_space<vmem>>, vector<16xf32>,
      %get3A_1371 = vector.shape_cast %get3A_1370 : vector<16xf32> to vector<16xf32>
      %mul3A_1372 = arith.mulf %get3A_1368, %get3A_1371 : vector<16xf32>
      %add3A_1373 = arith.addf %add3A_1361, %mul3A_1372 : vector<16xf32>
      %get3A_1374 = arith.constant 0 : i32
      %get3A_1375 = arith.constant 4 : i32
      %get3A_1376 = arith.index_cast %get3A_1374 : i32 to index
      %get3A_1377 = arith.index_cast %get3A_1375 : i32 to index
      %get3A_1378 = arith.constant 313 : index
      %get3A_1379 = tpu.vector_load %arg5[%get3A_1376, %get3A_1377, %get3A_1378] {strides = array<i32>} : memref<2x8x329xf32, #tpu.memory_space<vmem>>, vector<1x1x16xf32>,
      %get3A_1380 = vector.shape_cast %get3A_1379 : vector<1x1x16xf32> to vector<16xf32>
      %get3A_1381 = arith.constant 320 : index
      %get3A_1382 = tpu.vector_load %arg6[%get3A_1381] {strides = array<i32>} : memref<336xf32, #tpu.memory_space<vmem>>, vector<16xf32>,
      %get3A_1383 = vector.shape_cast %get3A_1382 : vector<16xf32> to vector<16xf32>
      %mul3A_1384 = arith.mulf %get3A_1380, %get3A_1383 : vector<16xf32>
      %add3A_1385 = arith.addf %add3A_1373, %mul3A_1384 : vector<16xf32>
      %mul3A_1386 = arith.constant 8 : i32
      %mul3A_1387 = arith.muli %add3A_55, %mul3A_1386 : i32
      %add3A_1388 = arith.constant 4 : i32
      %add3A_1389 = arith.addi %mul3A_1387, %add3A_1388 : i32
      %mul3A_1390 = arith.constant 16 : i32
      %mul3A_1391 = arith.muli %add3A_1389, %mul3A_1390 : i32
      %swap3A_1392 = arith.index_cast %mul3A_1391 : i32 to index
      %swap3A_1393 = tpu.vector_load %arg7[%swap3A_1392] {strides = array<i32>} : memref<10496xf32, #tpu.memory_space<vmem>>, vector<16xf32>,
      %swap3A_1394 = vector.shape_cast %swap3A_1393 : vector<16xf32> to vector<16xf32>
      %swap3A_1395 = vector.shape_cast %add3A_1385 : vector<16xf32> to vector<16xf32>
      tpu.vector_store %arg7[%swap3A_1392], %swap3A_1395 {strides = array<i32>} : memref<10496xf32, #tpu.memory_space<vmem>>, vector<16xf32>,
      %get3A_1396 = arith.constant 0 : i32
      %get3A_1397 = arith.constant 5 : i32
      %get3A_1398 = arith.index_cast %get3A_1396 : i32 to index
      %get3A_1399 = arith.index_cast %get3A_1397 : i32 to index
      %get3A_1400 = arith.constant 0 : index
      %get3A_1401 = tpu.vector_load %arg5[%get3A_1398, %get3A_1399, %get3A_1400] {strides = array<i32>} : memref<2x8x329xf32, #tpu.memory_space<vmem>>, vector<1x1x16xf32>,
      %get3A_1402 = vector.shape_cast %get3A_1401 : vector<1x1x16xf32> to vector<16xf32>
      %get3A_1403 = arith.constant 0 : index
      %get3A_1404 = tpu.vector_load %arg6[%get3A_1403] {strides = array<i32>} : memref<336xf32, #tpu.memory_space<vmem>>, vector<16xf32>,
      %get3A_1405 = vector.shape_cast %get3A_1404 : vector<16xf32> to vector<16xf32>
      %mul3A_1406 = arith.mulf %get3A_1402, %get3A_1405 : vector<16xf32>
      %get3A_1407 = arith.constant 0 : i32
      %get3A_1408 = arith.constant 5 : i32
      %get3A_1409 = arith.index_cast %get3A_1407 : i32 to index
      %get3A_1410 = arith.index_cast %get3A_1408 : i32 to index
      %get3A_1411 = arith.constant 16 : index
      %get3A_1412 = tpu.vector_load %arg5[%get3A_1409, %get3A_1410, %get3A_1411] {strides = array<i32>} : memref<2x8x329xf32, #tpu.memory_space<vmem>>, vector<1x1x16xf32>,
      %get3A_1413 = vector.shape_cast %get3A_1412 : vector<1x1x16xf32> to vector<16xf32>
      %get3A_1414 = arith.constant 16 : index
      %get3A_1415 = tpu.vector_load %arg6[%get3A_1414] {strides = array<i32>} : memref<336xf32, #tpu.memory_space<vmem>>, vector<16xf32>,
      %get3A_1416 = vector.shape_cast %get3A_1415 : vector<16xf32> to vector<16xf32>
      %mul3A_1417 = arith.mulf %get3A_1413, %get3A_1416 : vector<16xf32>
      %add3A_1418 = arith.addf %mul3A_1406, %mul3A_1417 : vector<16xf32>
      %get3A_1419 = arith.constant 0 : i32
      %get3A_1420 = arith.constant 5 : i32
      %get3A_1421 = arith.index_cast %get3A_1419 : i32 to index
      %get3A_1422 = arith.index_cast %get3A_1420 : i32 to index
      %get3A_1423 = arith.constant 32 : index
      %get3A_1424 = tpu.vector_load %arg5[%get3A_1421, %get3A_1422, %get3A_1423] {strides = array<i32>} : memref<2x8x329xf32, #tpu.memory_space<vmem>>, vector<1x1x16xf32>,
      %get3A_1425 = vector.shape_cast %get3A_1424 : vector<1x1x16xf32> to vector<16xf32>
      %get3A_1426 = arith.constant 32 : index
      %get3A_1427 = tpu.vector_load %arg6[%get3A_1426] {strides = array<i32>} : memref<336xf32, #tpu.memory_space<vmem>>, vector<16xf32>,
      %get3A_1428 = vector.shape_cast %get3A_1427 : vector<16xf32> to vector<16xf32>
      %mul3A_1429 = arith.mulf %get3A_1425, %get3A_1428 : vector<16xf32>
      %add3A_1430 = arith.addf %add3A_1418, %mul3A_1429 : vector<16xf32>
      %get3A_1431 = arith.constant 0 : i32
      %get3A_1432 = arith.constant 5 : i32
      %get3A_1433 = arith.index_cast %get3A_1431 : i32 to index
      %get3A_1434 = arith.index_cast %get3A_1432 : i32 to index
      %get3A_1435 = arith.constant 48 : index
      %get3A_1436 = tpu.vector_load %arg5[%get3A_1433, %get3A_1434, %get3A_1435] {strides = array<i32>} : memref<2x8x329xf32, #tpu.memory_space<vmem>>, vector<1x1x16xf32>,
      %get3A_1437 = vector.shape_cast %get3A_1436 : vector<1x1x16xf32> to vector<16xf32>
      %get3A_1438 = arith.constant 48 : index
      %get3A_1439 = tpu.vector_load %arg6[%get3A_1438] {strides = array<i32>} : memref<336xf32, #tpu.memory_space<vmem>>, vector<16xf32>,
      %get3A_1440 = vector.shape_cast %get3A_1439 : vector<16xf32> to vector<16xf32>
      %mul3A_1441 = arith.mulf %get3A_1437, %get3A_1440 : vector<16xf32>
      %add3A_1442 = arith.addf %add3A_1430, %mul3A_1441 : vector<16xf32>
      %get3A_1443 = arith.constant 0 : i32
      %get3A_1444 = arith.constant 5 : i32
      %get3A_1445 = arith.index_cast %get3A_1443 : i32 to index
      %get3A_1446 = arith.index_cast %get3A_1444 : i32 to index
      %get3A_1447 = arith.constant 64 : index
      %get3A_1448 = tpu.vector_load %arg5[%get3A_1445, %get3A_1446, %get3A_1447] {strides = array<i32>} : memref<2x8x329xf32, #tpu.memory_space<vmem>>, vector<1x1x16xf32>,
      %get3A_1449 = vector.shape_cast %get3A_1448 : vector<1x1x16xf32> to vector<16xf32>
      %get3A_1450 = arith.constant 64 : index
      %get3A_1451 = tpu.vector_load %arg6[%get3A_1450] {strides = array<i32>} : memref<336xf32, #tpu.memory_space<vmem>>, vector<16xf32>,
      %get3A_1452 = vector.shape_cast %get3A_1451 : vector<16xf32> to vector<16xf32>
      %mul3A_1453 = arith.mulf %get3A_1449, %get3A_1452 : vector<16xf32>
      %add3A_1454 = arith.addf %add3A_1442, %mul3A_1453 : vector<16xf32>
      %get3A_1455 = arith.constant 0 : i32
      %get3A_1456 = arith.constant 5 : i32
      %get3A_1457 = arith.index_cast %get3A_1455 : i32 to index
      %get3A_1458 = arith.index_cast %get3A_1456 : i32 to index
      %get3A_1459 = arith.constant 80 : index
      %get3A_1460 = tpu.vector_load %arg5[%get3A_1457, %get3A_1458, %get3A_1459] {strides = array<i32>} : memref<2x8x329xf32, #tpu.memory_space<vmem>>, vector<1x1x16xf32>,
      %get3A_1461 = vector.shape_cast %get3A_1460 : vector<1x1x16xf32> to vector<16xf32>
      %get3A_1462 = arith.constant 80 : index
      %get3A_1463 = tpu.vector_load %arg6[%get3A_1462] {strides = array<i32>} : memref<336xf32, #tpu.memory_space<vmem>>, vector<16xf32>,
      %get3A_1464 = vector.shape_cast %get3A_1463 : vector<16xf32> to vector<16xf32>
      %mul3A_1465 = arith.mulf %get3A_1461, %get3A_1464 : vector<16xf32>
      %add3A_1466 = arith.addf %add3A_1454, %mul3A_1465 : vector<16xf32>
      %get3A_1467 = arith.constant 0 : i32
      %get3A_1468 = arith.constant 5 : i32
      %get3A_1469 = arith.index_cast %get3A_1467 : i32 to index
      %get3A_1470 = arith.index_cast %get3A_1468 : i32 to index
      %get3A_1471 = arith.constant 96 : index
      %get3A_1472 = tpu.vector_load %arg5[%get3A_1469, %get3A_1470, %get3A_1471] {strides = array<i32>} : memref<2x8x329xf32, #tpu.memory_space<vmem>>, vector<1x1x16xf32>,
      %get3A_1473 = vector.shape_cast %get3A_1472 : vector<1x1x16xf32> to vector<16xf32>
      %get3A_1474 = arith.constant 96 : index
      %get3A_1475 = tpu.vector_load %arg6[%get3A_1474] {strides = array<i32>} : memref<336xf32, #tpu.memory_space<vmem>>, vector<16xf32>,
      %get3A_1476 = vector.shape_cast %get3A_1475 : vector<16xf32> to vector<16xf32>
      %mul3A_1477 = arith.mulf %get3A_1473, %get3A_1476 : vector<16xf32>
      %add3A_1478 = arith.addf %add3A_1466, %mul3A_1477 : vector<16xf32>
      %get3A_1479 = arith.constant 0 : i32
      %get3A_1480 = arith.constant 5 : i32
      %get3A_1481 = arith.index_cast %get3A_1479 : i32 to index
      %get3A_1482 = arith.index_cast %get3A_1480 : i32 to index
      %get3A_1483 = arith.constant 112 : index
      %get3A_1484 = tpu.vector_load %arg5[%get3A_1481, %get3A_1482, %get3A_1483] {strides = array<i32>} : memref<2x8x329xf32, #tpu.memory_space<vmem>>, vector<1x1x16xf32>,
      %get3A_1485 = vector.shape_cast %get3A_1484 : vector<1x1x16xf32> to vector<16xf32>
      %get3A_1486 = arith.constant 112 : index
      %get3A_1487 = tpu.vector_load %arg6[%get3A_1486] {strides = array<i32>} : memref<336xf32, #tpu.memory_space<vmem>>, vector<16xf32>,
      %get3A_1488 = vector.shape_cast %get3A_1487 : vector<16xf32> to vector<16xf32>
      %mul3A_1489 = arith.mulf %get3A_1485, %get3A_1488 : vector<16xf32>
      %add3A_1490 = arith.addf %add3A_1478, %mul3A_1489 : vector<16xf32>
      %get3A_1491 = arith.constant 0 : i32
      %get3A_1492 = arith.constant 5 : i32
      %get3A_1493 = arith.index_cast %get3A_1491 : i32 to index
      %get3A_1494 = arith.index_cast %get3A_1492 : i32 to index
      %get3A_1495 = arith.constant 128 : index
      %get3A_1496 = tpu.vector_load %arg5[%get3A_1493, %get3A_1494, %get3A_1495] {strides = array<i32>} : memref<2x8x329xf32, #tpu.memory_space<vmem>>, vector<1x1x16xf32>,
      %get3A_1497 = vector.shape_cast %get3A_1496 : vector<1x1x16xf32> to vector<16xf32>
      %get3A_1498 = arith.constant 128 : index
      %get3A_1499 = tpu.vector_load %arg6[%get3A_1498] {strides = array<i32>} : memref<336xf32, #tpu.memory_space<vmem>>, vector<16xf32>,
      %get3A_1500 = vector.shape_cast %get3A_1499 : vector<16xf32> to vector<16xf32>
      %mul3A_1501 = arith.mulf %get3A_1497, %get3A_1500 : vector<16xf32>
      %add3A_1502 = arith.addf %add3A_1490, %mul3A_1501 : vector<16xf32>
      %get3A_1503 = arith.constant 0 : i32
      %get3A_1504 = arith.constant 5 : i32
      %get3A_1505 = arith.index_cast %get3A_1503 : i32 to index
      %get3A_1506 = arith.index_cast %get3A_1504 : i32 to index
      %get3A_1507 = arith.constant 144 : index
      %get3A_1508 = tpu.vector_load %arg5[%get3A_1505, %get3A_1506, %get3A_1507] {strides = array<i32>} : memref<2x8x329xf32, #tpu.memory_space<vmem>>, vector<1x1x16xf32>,
      %get3A_1509 = vector.shape_cast %get3A_1508 : vector<1x1x16xf32> to vector<16xf32>
      %get3A_1510 = arith.constant 144 : index
      %get3A_1511 = tpu.vector_load %arg6[%get3A_1510] {strides = array<i32>} : memref<336xf32, #tpu.memory_space<vmem>>, vector<16xf32>,
      %get3A_1512 = vector.shape_cast %get3A_1511 : vector<16xf32> to vector<16xf32>
      %mul3A_1513 = arith.mulf %get3A_1509, %get3A_1512 : vector<16xf32>
      %add3A_1514 = arith.addf %add3A_1502, %mul3A_1513 : vector<16xf32>
      %get3A_1515 = arith.constant 0 : i32
      %get3A_1516 = arith.constant 5 : i32
      %get3A_1517 = arith.index_cast %get3A_1515 : i32 to index
      %get3A_1518 = arith.index_cast %get3A_1516 : i32 to index
      %get3A_1519 = arith.constant 160 : index
      %get3A_1520 = tpu.vector_load %arg5[%get3A_1517, %get3A_1518, %get3A_1519] {strides = array<i32>} : memref<2x8x329xf32, #tpu.memory_space<vmem>>, vector<1x1x16xf32>,
      %get3A_1521 = vector.shape_cast %get3A_1520 : vector<1x1x16xf32> to vector<16xf32>
      %get3A_1522 = arith.constant 160 : index
      %get3A_1523 = tpu.vector_load %arg6[%get3A_1522] {strides = array<i32>} : memref<336xf32, #tpu.memory_space<vmem>>, vector<16xf32>,
      %get3A_1524 = vector.shape_cast %get3A_1523 : vector<16xf32> to vector<16xf32>
      %mul3A_1525 = arith.mulf %get3A_1521, %get3A_1524 : vector<16xf32>
      %add3A_1526 = arith.addf %add3A_1514, %mul3A_1525 : vector<16xf32>
      %get3A_1527 = arith.constant 0 : i32
      %get3A_1528 = arith.constant 5 : i32
      %get3A_1529 = arith.index_cast %get3A_1527 : i32 to index
      %get3A_1530 = arith.index_cast %get3A_1528 : i32 to index
      %get3A_1531 = arith.constant 176 : index
      %get3A_1532 = tpu.vector_load %arg5[%get3A_1529, %get3A_1530, %get3A_1531] {strides = array<i32>} : memref<2x8x329xf32, #tpu.memory_space<vmem>>, vector<1x1x16xf32>,
      %get3A_1533 = vector.shape_cast %get3A_1532 : vector<1x1x16xf32> to vector<16xf32>
      %get3A_1534 = arith.constant 176 : index
      %get3A_1535 = tpu.vector_load %arg6[%get3A_1534] {strides = array<i32>} : memref<336xf32, #tpu.memory_space<vmem>>, vector<16xf32>,
      %get3A_1536 = vector.shape_cast %get3A_1535 : vector<16xf32> to vector<16xf32>
      %mul3A_1537 = arith.mulf %get3A_1533, %get3A_1536 : vector<16xf32>
      %add3A_1538 = arith.addf %add3A_1526, %mul3A_1537 : vector<16xf32>
      %get3A_1539 = arith.constant 0 : i32
      %get3A_1540 = arith.constant 5 : i32
      %get3A_1541 = arith.index_cast %get3A_1539 : i32 to index
      %get3A_1542 = arith.index_cast %get3A_1540 : i32 to index
      %get3A_1543 = arith.constant 192 : index
      %get3A_1544 = tpu.vector_load %arg5[%get3A_1541, %get3A_1542, %get3A_1543] {strides = array<i32>} : memref<2x8x329xf32, #tpu.memory_space<vmem>>, vector<1x1x16xf32>,
      %get3A_1545 = vector.shape_cast %get3A_1544 : vector<1x1x16xf32> to vector<16xf32>
      %get3A_1546 = arith.constant 192 : index
      %get3A_1547 = tpu.vector_load %arg6[%get3A_1546] {strides = array<i32>} : memref<336xf32, #tpu.memory_space<vmem>>, vector<16xf32>,
      %get3A_1548 = vector.shape_cast %get3A_1547 : vector<16xf32> to vector<16xf32>
      %mul3A_1549 = arith.mulf %get3A_1545, %get3A_1548 : vector<16xf32>
      %add3A_1550 = arith.addf %add3A_1538, %mul3A_1549 : vector<16xf32>
      %get3A_1551 = arith.constant 0 : i32
      %get3A_1552 = arith.constant 5 : i32
      %get3A_1553 = arith.index_cast %get3A_1551 : i32 to index
      %get3A_1554 = arith.index_cast %get3A_1552 : i32 to index
      %get3A_1555 = arith.constant 208 : index
      %get3A_1556 = tpu.vector_load %arg5[%get3A_1553, %get3A_1554, %get3A_1555] {strides = array<i32>} : memref<2x8x329xf32, #tpu.memory_space<vmem>>, vector<1x1x16xf32>,
      %get3A_1557 = vector.shape_cast %get3A_1556 : vector<1x1x16xf32> to vector<16xf32>
      %get3A_1558 = arith.constant 208 : index
      %get3A_1559 = tpu.vector_load %arg6[%get3A_1558] {strides = array<i32>} : memref<336xf32, #tpu.memory_space<vmem>>, vector<16xf32>,
      %get3A_1560 = vector.shape_cast %get3A_1559 : vector<16xf32> to vector<16xf32>
      %mul3A_1561 = arith.mulf %get3A_1557, %get3A_1560 : vector<16xf32>
      %add3A_1562 = arith.addf %add3A_1550, %mul3A_1561 : vector<16xf32>
      %get3A_1563 = arith.constant 0 : i32
      %get3A_1564 = arith.constant 5 : i32
      %get3A_1565 = arith.index_cast %get3A_1563 : i32 to index
      %get3A_1566 = arith.index_cast %get3A_1564 : i32 to index
      %get3A_1567 = arith.constant 224 : index
      %get3A_1568 = tpu.vector_load %arg5[%get3A_1565, %get3A_1566, %get3A_1567] {strides = array<i32>} : memref<2x8x329xf32, #tpu.memory_space<vmem>>, vector<1x1x16xf32>,
      %get3A_1569 = vector.shape_cast %get3A_1568 : vector<1x1x16xf32> to vector<16xf32>
      %get3A_1570 = arith.constant 224 : index
      %get3A_1571 = tpu.vector_load %arg6[%get3A_1570] {strides = array<i32>} : memref<336xf32, #tpu.memory_space<vmem>>, vector<16xf32>,
      %get3A_1572 = vector.shape_cast %get3A_1571 : vector<16xf32> to vector<16xf32>
      %mul3A_1573 = arith.mulf %get3A_1569, %get3A_1572 : vector<16xf32>
      %add3A_1574 = arith.addf %add3A_1562, %mul3A_1573 : vector<16xf32>
      %get3A_1575 = arith.constant 0 : i32
      %get3A_1576 = arith.constant 5 : i32
      %get3A_1577 = arith.index_cast %get3A_1575 : i32 to index
      %get3A_1578 = arith.index_cast %get3A_1576 : i32 to index
      %get3A_1579 = arith.constant 240 : index
      %get3A_1580 = tpu.vector_load %arg5[%get3A_1577, %get3A_1578, %get3A_1579] {strides = array<i32>} : memref<2x8x329xf32, #tpu.memory_space<vmem>>, vector<1x1x16xf32>,
      %get3A_1581 = vector.shape_cast %get3A_1580 : vector<1x1x16xf32> to vector<16xf32>
      %get3A_1582 = arith.constant 240 : index
      %get3A_1583 = tpu.vector_load %arg6[%get3A_1582] {strides = array<i32>} : memref<336xf32, #tpu.memory_space<vmem>>, vector<16xf32>,
      %get3A_1584 = vector.shape_cast %get3A_1583 : vector<16xf32> to vector<16xf32>
      %mul3A_1585 = arith.mulf %get3A_1581, %get3A_1584 : vector<16xf32>
      %add3A_1586 = arith.addf %add3A_1574, %mul3A_1585 : vector<16xf32>
      %get3A_1587 = arith.constant 0 : i32
      %get3A_1588 = arith.constant 5 : i32
      %get3A_1589 = arith.index_cast %get3A_1587 : i32 to index
      %get3A_1590 = arith.index_cast %get3A_1588 : i32 to index
      %get3A_1591 = arith.constant 256 : index
      %get3A_1592 = tpu.vector_load %arg5[%get3A_1589, %get3A_1590, %get3A_1591] {strides = array<i32>} : memref<2x8x329xf32, #tpu.memory_space<vmem>>, vector<1x1x16xf32>,
      %get3A_1593 = vector.shape_cast %get3A_1592 : vector<1x1x16xf32> to vector<16xf32>
      %get3A_1594 = arith.constant 256 : index
      %get3A_1595 = tpu.vector_load %arg6[%get3A_1594] {strides = array<i32>} : memref<336xf32, #tpu.memory_space<vmem>>, vector<16xf32>,
      %get3A_1596 = vector.shape_cast %get3A_1595 : vector<16xf32> to vector<16xf32>
      %mul3A_1597 = arith.mulf %get3A_1593, %get3A_1596 : vector<16xf32>
      %add3A_1598 = arith.addf %add3A_1586, %mul3A_1597 : vector<16xf32>
      %get3A_1599 = arith.constant 0 : i32
      %get3A_1600 = arith.constant 5 : i32
      %get3A_1601 = arith.index_cast %get3A_1599 : i32 to index
      %get3A_1602 = arith.index_cast %get3A_1600 : i32 to index
      %get3A_1603 = arith.constant 272 : index
      %get3A_1604 = tpu.vector_load %arg5[%get3A_1601, %get3A_1602, %get3A_1603] {strides = array<i32>} : memref<2x8x329xf32, #tpu.memory_space<vmem>>, vector<1x1x16xf32>,
      %get3A_1605 = vector.shape_cast %get3A_1604 : vector<1x1x16xf32> to vector<16xf32>
      %get3A_1606 = arith.constant 272 : index
      %get3A_1607 = tpu.vector_load %arg6[%get3A_1606] {strides = array<i32>} : memref<336xf32, #tpu.memory_space<vmem>>, vector<16xf32>,
      %get3A_1608 = vector.shape_cast %get3A_1607 : vector<16xf32> to vector<16xf32>
      %mul3A_1609 = arith.mulf %get3A_1605, %get3A_1608 : vector<16xf32>
      %add3A_1610 = arith.addf %add3A_1598, %mul3A_1609 : vector<16xf32>
      %get3A_1611 = arith.constant 0 : i32
      %get3A_1612 = arith.constant 5 : i32
      %get3A_1613 = arith.index_cast %get3A_1611 : i32 to index
      %get3A_1614 = arith.index_cast %get3A_1612 : i32 to index
      %get3A_1615 = arith.constant 288 : index
      %get3A_1616 = tpu.vector_load %arg5[%get3A_1613, %get3A_1614, %get3A_1615] {strides = array<i32>} : memref<2x8x329xf32, #tpu.memory_space<vmem>>, vector<1x1x16xf32>,
      %get3A_1617 = vector.shape_cast %get3A_1616 : vector<1x1x16xf32> to vector<16xf32>
      %get3A_1618 = arith.constant 288 : index
      %get3A_1619 = tpu.vector_load %arg6[%get3A_1618] {strides = array<i32>} : memref<336xf32, #tpu.memory_space<vmem>>, vector<16xf32>,
      %get3A_1620 = vector.shape_cast %get3A_1619 : vector<16xf32> to vector<16xf32>
      %mul3A_1621 = arith.mulf %get3A_1617, %get3A_1620 : vector<16xf32>
      %add3A_1622 = arith.addf %add3A_1610, %mul3A_1621 : vector<16xf32>
      %get3A_1623 = arith.constant 0 : i32
      %get3A_1624 = arith.constant 5 : i32
      %get3A_1625 = arith.index_cast %get3A_1623 : i32 to index
      %get3A_1626 = arith.index_cast %get3A_1624 : i32 to index
      %get3A_1627 = arith.constant 304 : index
      %get3A_1628 = tpu.vector_load %arg5[%get3A_1625, %get3A_1626, %get3A_1627] {strides = array<i32>} : memref<2x8x329xf32, #tpu.memory_space<vmem>>, vector<1x1x16xf32>,
      %get3A_1629 = vector.shape_cast %get3A_1628 : vector<1x1x16xf32> to vector<16xf32>
      %get3A_1630 = arith.constant 304 : index
      %get3A_1631 = tpu.vector_load %arg6[%get3A_1630] {strides = array<i32>} : memref<336xf32, #tpu.memory_space<vmem>>, vector<16xf32>,
      %get3A_1632 = vector.shape_cast %get3A_1631 : vector<16xf32> to vector<16xf32>
      %mul3A_1633 = arith.mulf %get3A_1629, %get3A_1632 : vector<16xf32>
      %add3A_1634 = arith.addf %add3A_1622, %mul3A_1633 : vector<16xf32>
      %get3A_1635 = arith.constant 0 : i32
      %get3A_1636 = arith.constant 5 : i32
      %get3A_1637 = arith.index_cast %get3A_1635 : i32 to index
      %get3A_1638 = arith.index_cast %get3A_1636 : i32 to index
      %get3A_1639 = arith.constant 313 : index
      %get3A_1640 = tpu.vector_load %arg5[%get3A_1637, %get3A_1638, %get3A_1639] {strides = array<i32>} : memref<2x8x329xf32, #tpu.memory_space<vmem>>, vector<1x1x16xf32>,
      %get3A_1641 = vector.shape_cast %get3A_1640 : vector<1x1x16xf32> to vector<16xf32>
      %get3A_1642 = arith.constant 320 : index
      %get3A_1643 = tpu.vector_load %arg6[%get3A_1642] {strides = array<i32>} : memref<336xf32, #tpu.memory_space<vmem>>, vector<16xf32>,
      %get3A_1644 = vector.shape_cast %get3A_1643 : vector<16xf32> to vector<16xf32>
      %mul3A_1645 = arith.mulf %get3A_1641, %get3A_1644 : vector<16xf32>
      %add3A_1646 = arith.addf %add3A_1634, %mul3A_1645 : vector<16xf32>
      %mul3A_1647 = arith.constant 8 : i32
      %mul3A_1648 = arith.muli %add3A_55, %mul3A_1647 : i32
      %add3A_1649 = arith.constant 5 : i32
      %add3A_1650 = arith.addi %mul3A_1648, %add3A_1649 : i32
      %mul3A_1651 = arith.constant 16 : i32
      %mul3A_1652 = arith.muli %add3A_1650, %mul3A_1651 : i32
      %swap3A_1653 = arith.index_cast %mul3A_1652 : i32 to index
      %swap3A_1654 = tpu.vector_load %arg7[%swap3A_1653] {strides = array<i32>} : memref<10496xf32, #tpu.memory_space<vmem>>, vector<16xf32>,
      %swap3A_1655 = vector.shape_cast %swap3A_1654 : vector<16xf32> to vector<16xf32>
      %swap3A_1656 = vector.shape_cast %add3A_1646 : vector<16xf32> to vector<16xf32>
      tpu.vector_store %arg7[%swap3A_1653], %swap3A_1656 {strides = array<i32>} : memref<10496xf32, #tpu.memory_space<vmem>>, vector<16xf32>,
      %get3A_1657 = arith.constant 0 : i32
      %get3A_1658 = arith.constant 6 : i32
      %get3A_1659 = arith.index_cast %get3A_1657 : i32 to index
      %get3A_1660 = arith.index_cast %get3A_1658 : i32 to index
      %get3A_1661 = arith.constant 0 : index
      %get3A_1662 = tpu.vector_load %arg5[%get3A_1659, %get3A_1660, %get3A_1661] {strides = array<i32>} : memref<2x8x329xf32, #tpu.memory_space<vmem>>, vector<1x1x16xf32>,
      %get3A_1663 = vector.shape_cast %get3A_1662 : vector<1x1x16xf32> to vector<16xf32>
      %get3A_1664 = arith.constant 0 : index
      %get3A_1665 = tpu.vector_load %arg6[%get3A_1664] {strides = array<i32>} : memref<336xf32, #tpu.memory_space<vmem>>, vector<16xf32>,
      %get3A_1666 = vector.shape_cast %get3A_1665 : vector<16xf32> to vector<16xf32>
      %mul3A_1667 = arith.mulf %get3A_1663, %get3A_1666 : vector<16xf32>
      %get3A_1668 = arith.constant 0 : i32
      %get3A_1669 = arith.constant 6 : i32
      %get3A_1670 = arith.index_cast %get3A_1668 : i32 to index
      %get3A_1671 = arith.index_cast %get3A_1669 : i32 to index
      %get3A_1672 = arith.constant 16 : index
      %get3A_1673 = tpu.vector_load %arg5[%get3A_1670, %get3A_1671, %get3A_1672] {strides = array<i32>} : memref<2x8x329xf32, #tpu.memory_space<vmem>>, vector<1x1x16xf32>,
      %get3A_1674 = vector.shape_cast %get3A_1673 : vector<1x1x16xf32> to vector<16xf32>
      %get3A_1675 = arith.constant 16 : index
      %get3A_1676 = tpu.vector_load %arg6[%get3A_1675] {strides = array<i32>} : memref<336xf32, #tpu.memory_space<vmem>>, vector<16xf32>,
      %get3A_1677 = vector.shape_cast %get3A_1676 : vector<16xf32> to vector<16xf32>
      %mul3A_1678 = arith.mulf %get3A_1674, %get3A_1677 : vector<16xf32>
      %add3A_1679 = arith.addf %mul3A_1667, %mul3A_1678 : vector<16xf32>
      %get3A_1680 = arith.constant 0 : i32
      %get3A_1681 = arith.constant 6 : i32
      %get3A_1682 = arith.index_cast %get3A_1680 : i32 to index
      %get3A_1683 = arith.index_cast %get3A_1681 : i32 to index
      %get3A_1684 = arith.constant 32 : index
      %get3A_1685 = tpu.vector_load %arg5[%get3A_1682, %get3A_1683, %get3A_1684] {strides = array<i32>} : memref<2x8x329xf32, #tpu.memory_space<vmem>>, vector<1x1x16xf32>,
      %get3A_1686 = vector.shape_cast %get3A_1685 : vector<1x1x16xf32> to vector<16xf32>
      %get3A_1687 = arith.constant 32 : index
      %get3A_1688 = tpu.vector_load %arg6[%get3A_1687] {strides = array<i32>} : memref<336xf32, #tpu.memory_space<vmem>>, vector<16xf32>,
      %get3A_1689 = vector.shape_cast %get3A_1688 : vector<16xf32> to vector<16xf32>
      %mul3A_1690 = arith.mulf %get3A_1686, %get3A_1689 : vector<16xf32>
      %add3A_1691 = arith.addf %add3A_1679, %mul3A_1690 : vector<16xf32>
      %get3A_1692 = arith.constant 0 : i32
      %get3A_1693 = arith.constant 6 : i32
      %get3A_1694 = arith.index_cast %get3A_1692 : i32 to index
      %get3A_1695 = arith.index_cast %get3A_1693 : i32 to index
      %get3A_1696 = arith.constant 48 : index
      %get3A_1697 = tpu.vector_load %arg5[%get3A_1694, %get3A_1695, %get3A_1696] {strides = array<i32>} : memref<2x8x329xf32, #tpu.memory_space<vmem>>, vector<1x1x16xf32>,
      %get3A_1698 = vector.shape_cast %get3A_1697 : vector<1x1x16xf32> to vector<16xf32>
      %get3A_1699 = arith.constant 48 : index
      %get3A_1700 = tpu.vector_load %arg6[%get3A_1699] {strides = array<i32>} : memref<336xf32, #tpu.memory_space<vmem>>, vector<16xf32>,
      %get3A_1701 = vector.shape_cast %get3A_1700 : vector<16xf32> to vector<16xf32>
      %mul3A_1702 = arith.mulf %get3A_1698, %get3A_1701 : vector<16xf32>
      %add3A_1703 = arith.addf %add3A_1691, %mul3A_1702 : vector<16xf32>
      %get3A_1704 = arith.constant 0 : i32
      %get3A_1705 = arith.constant 6 : i32
      %get3A_1706 = arith.index_cast %get3A_1704 : i32 to index
      %get3A_1707 = arith.index_cast %get3A_1705 : i32 to index
      %get3A_1708 = arith.constant 64 : index
      %get3A_1709 = tpu.vector_load %arg5[%get3A_1706, %get3A_1707, %get3A_1708] {strides = array<i32>} : memref<2x8x329xf32, #tpu.memory_space<vmem>>, vector<1x1x16xf32>,
      %get3A_1710 = vector.shape_cast %get3A_1709 : vector<1x1x16xf32> to vector<16xf32>
      %get3A_1711 = arith.constant 64 : index
      %get3A_1712 = tpu.vector_load %arg6[%get3A_1711] {strides = array<i32>} : memref<336xf32, #tpu.memory_space<vmem>>, vector<16xf32>,
      %get3A_1713 = vector.shape_cast %get3A_1712 : vector<16xf32> to vector<16xf32>
      %mul3A_1714 = arith.mulf %get3A_1710, %get3A_1713 : vector<16xf32>
      %add3A_1715 = arith.addf %add3A_1703, %mul3A_1714 : vector<16xf32>
      %get3A_1716 = arith.constant 0 : i32
      %get3A_1717 = arith.constant 6 : i32
      %get3A_1718 = arith.index_cast %get3A_1716 : i32 to index
      %get3A_1719 = arith.index_cast %get3A_1717 : i32 to index
      %get3A_1720 = arith.constant 80 : index
      %get3A_1721 = tpu.vector_load %arg5[%get3A_1718, %get3A_1719, %get3A_1720] {strides = array<i32>} : memref<2x8x329xf32, #tpu.memory_space<vmem>>, vector<1x1x16xf32>,
      %get3A_1722 = vector.shape_cast %get3A_1721 : vector<1x1x16xf32> to vector<16xf32>
      %get3A_1723 = arith.constant 80 : index
      %get3A_1724 = tpu.vector_load %arg6[%get3A_1723] {strides = array<i32>} : memref<336xf32, #tpu.memory_space<vmem>>, vector<16xf32>,
      %get3A_1725 = vector.shape_cast %get3A_1724 : vector<16xf32> to vector<16xf32>
      %mul3A_1726 = arith.mulf %get3A_1722, %get3A_1725 : vector<16xf32>
      %add3A_1727 = arith.addf %add3A_1715, %mul3A_1726 : vector<16xf32>
      %get3A_1728 = arith.constant 0 : i32
      %get3A_1729 = arith.constant 6 : i32
      %get3A_1730 = arith.index_cast %get3A_1728 : i32 to index
      %get3A_1731 = arith.index_cast %get3A_1729 : i32 to index
      %get3A_1732 = arith.constant 96 : index
      %get3A_1733 = tpu.vector_load %arg5[%get3A_1730, %get3A_1731, %get3A_1732] {strides = array<i32>} : memref<2x8x329xf32, #tpu.memory_space<vmem>>, vector<1x1x16xf32>,
      %get3A_1734 = vector.shape_cast %get3A_1733 : vector<1x1x16xf32> to vector<16xf32>
      %get3A_1735 = arith.constant 96 : index
      %get3A_1736 = tpu.vector_load %arg6[%get3A_1735] {strides = array<i32>} : memref<336xf32, #tpu.memory_space<vmem>>, vector<16xf32>,
      %get3A_1737 = vector.shape_cast %get3A_1736 : vector<16xf32> to vector<16xf32>
      %mul3A_1738 = arith.mulf %get3A_1734, %get3A_1737 : vector<16xf32>
      %add3A_1739 = arith.addf %add3A_1727, %mul3A_1738 : vector<16xf32>
      %get3A_1740 = arith.constant 0 : i32
      %get3A_1741 = arith.constant 6 : i32
      %get3A_1742 = arith.index_cast %get3A_1740 : i32 to index
      %get3A_1743 = arith.index_cast %get3A_1741 : i32 to index
      %get3A_1744 = arith.constant 112 : index
      %get3A_1745 = tpu.vector_load %arg5[%get3A_1742, %get3A_1743, %get3A_1744] {strides = array<i32>} : memref<2x8x329xf32, #tpu.memory_space<vmem>>, vector<1x1x16xf32>,
      %get3A_1746 = vector.shape_cast %get3A_1745 : vector<1x1x16xf32> to vector<16xf32>
      %get3A_1747 = arith.constant 112 : index
      %get3A_1748 = tpu.vector_load %arg6[%get3A_1747] {strides = array<i32>} : memref<336xf32, #tpu.memory_space<vmem>>, vector<16xf32>,
      %get3A_1749 = vector.shape_cast %get3A_1748 : vector<16xf32> to vector<16xf32>
      %mul3A_1750 = arith.mulf %get3A_1746, %get3A_1749 : vector<16xf32>
      %add3A_1751 = arith.addf %add3A_1739, %mul3A_1750 : vector<16xf32>
      %get3A_1752 = arith.constant 0 : i32
      %get3A_1753 = arith.constant 6 : i32
      %get3A_1754 = arith.index_cast %get3A_1752 : i32 to index
      %get3A_1755 = arith.index_cast %get3A_1753 : i32 to index
      %get3A_1756 = arith.constant 128 : index
      %get3A_1757 = tpu.vector_load %arg5[%get3A_1754, %get3A_1755, %get3A_1756] {strides = array<i32>} : memref<2x8x329xf32, #tpu.memory_space<vmem>>, vector<1x1x16xf32>,
      %get3A_1758 = vector.shape_cast %get3A_1757 : vector<1x1x16xf32> to vector<16xf32>
      %get3A_1759 = arith.constant 128 : index
      %get3A_1760 = tpu.vector_load %arg6[%get3A_1759] {strides = array<i32>} : memref<336xf32, #tpu.memory_space<vmem>>, vector<16xf32>,
      %get3A_1761 = vector.shape_cast %get3A_1760 : vector<16xf32> to vector<16xf32>
      %mul3A_1762 = arith.mulf %get3A_1758, %get3A_1761 : vector<16xf32>
      %add3A_1763 = arith.addf %add3A_1751, %mul3A_1762 : vector<16xf32>
      %get3A_1764 = arith.constant 0 : i32
      %get3A_1765 = arith.constant 6 : i32
      %get3A_1766 = arith.index_cast %get3A_1764 : i32 to index
      %get3A_1767 = arith.index_cast %get3A_1765 : i32 to index
      %get3A_1768 = arith.constant 144 : index
      %get3A_1769 = tpu.vector_load %arg5[%get3A_1766, %get3A_1767, %get3A_1768] {strides = array<i32>} : memref<2x8x329xf32, #tpu.memory_space<vmem>>, vector<1x1x16xf32>,
      %get3A_1770 = vector.shape_cast %get3A_1769 : vector<1x1x16xf32> to vector<16xf32>
      %get3A_1771 = arith.constant 144 : index
      %get3A_1772 = tpu.vector_load %arg6[%get3A_1771] {strides = array<i32>} : memref<336xf32, #tpu.memory_space<vmem>>, vector<16xf32>,
      %get3A_1773 = vector.shape_cast %get3A_1772 : vector<16xf32> to vector<16xf32>
      %mul3A_1774 = arith.mulf %get3A_1770, %get3A_1773 : vector<16xf32>
      %add3A_1775 = arith.addf %add3A_1763, %mul3A_1774 : vector<16xf32>
      %get3A_1776 = arith.constant 0 : i32
      %get3A_1777 = arith.constant 6 : i32
      %get3A_1778 = arith.index_cast %get3A_1776 : i32 to index
      %get3A_1779 = arith.index_cast %get3A_1777 : i32 to index
      %get3A_1780 = arith.constant 160 : index
      %get3A_1781 = tpu.vector_load %arg5[%get3A_1778, %get3A_1779, %get3A_1780] {strides = array<i32>} : memref<2x8x329xf32, #tpu.memory_space<vmem>>, vector<1x1x16xf32>,
      %get3A_1782 = vector.shape_cast %get3A_1781 : vector<1x1x16xf32> to vector<16xf32>
      %get3A_1783 = arith.constant 160 : index
      %get3A_1784 = tpu.vector_load %arg6[%get3A_1783] {strides = array<i32>} : memref<336xf32, #tpu.memory_space<vmem>>, vector<16xf32>,
      %get3A_1785 = vector.shape_cast %get3A_1784 : vector<16xf32> to vector<16xf32>
      %mul3A_1786 = arith.mulf %get3A_1782, %get3A_1785 : vector<16xf32>
      %add3A_1787 = arith.addf %add3A_1775, %mul3A_1786 : vector<16xf32>
      %get3A_1788 = arith.constant 0 : i32
      %get3A_1789 = arith.constant 6 : i32
      %get3A_1790 = arith.index_cast %get3A_1788 : i32 to index
      %get3A_1791 = arith.index_cast %get3A_1789 : i32 to index
      %get3A_1792 = arith.constant 176 : index
      %get3A_1793 = tpu.vector_load %arg5[%get3A_1790, %get3A_1791, %get3A_1792] {strides = array<i32>} : memref<2x8x329xf32, #tpu.memory_space<vmem>>, vector<1x1x16xf32>,
      %get3A_1794 = vector.shape_cast %get3A_1793 : vector<1x1x16xf32> to vector<16xf32>
      %get3A_1795 = arith.constant 176 : index
      %get3A_1796 = tpu.vector_load %arg6[%get3A_1795] {strides = array<i32>} : memref<336xf32, #tpu.memory_space<vmem>>, vector<16xf32>,
      %get3A_1797 = vector.shape_cast %get3A_1796 : vector<16xf32> to vector<16xf32>
      %mul3A_1798 = arith.mulf %get3A_1794, %get3A_1797 : vector<16xf32>
      %add3A_1799 = arith.addf %add3A_1787, %mul3A_1798 : vector<16xf32>
      %get3A_1800 = arith.constant 0 : i32
      %get3A_1801 = arith.constant 6 : i32
      %get3A_1802 = arith.index_cast %get3A_1800 : i32 to index
      %get3A_1803 = arith.index_cast %get3A_1801 : i32 to index
      %get3A_1804 = arith.constant 192 : index
      %get3A_1805 = tpu.vector_load %arg5[%get3A_1802, %get3A_1803, %get3A_1804] {strides = array<i32>} : memref<2x8x329xf32, #tpu.memory_space<vmem>>, vector<1x1x16xf32>,
      %get3A_1806 = vector.shape_cast %get3A_1805 : vector<1x1x16xf32> to vector<16xf32>
      %get3A_1807 = arith.constant 192 : index
      %get3A_1808 = tpu.vector_load %arg6[%get3A_1807] {strides = array<i32>} : memref<336xf32, #tpu.memory_space<vmem>>, vector<16xf32>,
      %get3A_1809 = vector.shape_cast %get3A_1808 : vector<16xf32> to vector<16xf32>
      %mul3A_1810 = arith.mulf %get3A_1806, %get3A_1809 : vector<16xf32>
      %add3A_1811 = arith.addf %add3A_1799, %mul3A_1810 : vector<16xf32>
      %get3A_1812 = arith.constant 0 : i32
      %get3A_1813 = arith.constant 6 : i32
      %get3A_1814 = arith.index_cast %get3A_1812 : i32 to index
      %get3A_1815 = arith.index_cast %get3A_1813 : i32 to index
      %get3A_1816 = arith.constant 208 : index
      %get3A_1817 = tpu.vector_load %arg5[%get3A_1814, %get3A_1815, %get3A_1816] {strides = array<i32>} : memref<2x8x329xf32, #tpu.memory_space<vmem>>, vector<1x1x16xf32>,
      %get3A_1818 = vector.shape_cast %get3A_1817 : vector<1x1x16xf32> to vector<16xf32>
      %get3A_1819 = arith.constant 208 : index
      %get3A_1820 = tpu.vector_load %arg6[%get3A_1819] {strides = array<i32>} : memref<336xf32, #tpu.memory_space<vmem>>, vector<16xf32>,
      %get3A_1821 = vector.shape_cast %get3A_1820 : vector<16xf32> to vector<16xf32>
      %mul3A_1822 = arith.mulf %get3A_1818, %get3A_1821 : vector<16xf32>
      %add3A_1823 = arith.addf %add3A_1811, %mul3A_1822 : vector<16xf32>
      %get3A_1824 = arith.constant 0 : i32
      %get3A_1825 = arith.constant 6 : i32
      %get3A_1826 = arith.index_cast %get3A_1824 : i32 to index
      %get3A_1827 = arith.index_cast %get3A_1825 : i32 to index
      %get3A_1828 = arith.constant 224 : index
      %get3A_1829 = tpu.vector_load %arg5[%get3A_1826, %get3A_1827, %get3A_1828] {strides = array<i32>} : memref<2x8x329xf32, #tpu.memory_space<vmem>>, vector<1x1x16xf32>,
      %get3A_1830 = vector.shape_cast %get3A_1829 : vector<1x1x16xf32> to vector<16xf32>
      %get3A_1831 = arith.constant 224 : index
      %get3A_1832 = tpu.vector_load %arg6[%get3A_1831] {strides = array<i32>} : memref<336xf32, #tpu.memory_space<vmem>>, vector<16xf32>,
      %get3A_1833 = vector.shape_cast %get3A_1832 : vector<16xf32> to vector<16xf32>
      %mul3A_1834 = arith.mulf %get3A_1830, %get3A_1833 : vector<16xf32>
      %add3A_1835 = arith.addf %add3A_1823, %mul3A_1834 : vector<16xf32>
      %get3A_1836 = arith.constant 0 : i32
      %get3A_1837 = arith.constant 6 : i32
      %get3A_1838 = arith.index_cast %get3A_1836 : i32 to index
      %get3A_1839 = arith.index_cast %get3A_1837 : i32 to index
      %get3A_1840 = arith.constant 240 : index
      %get3A_1841 = tpu.vector_load %arg5[%get3A_1838, %get3A_1839, %get3A_1840] {strides = array<i32>} : memref<2x8x329xf32, #tpu.memory_space<vmem>>, vector<1x1x16xf32>,
      %get3A_1842 = vector.shape_cast %get3A_1841 : vector<1x1x16xf32> to vector<16xf32>
      %get3A_1843 = arith.constant 240 : index
      %get3A_1844 = tpu.vector_load %arg6[%get3A_1843] {strides = array<i32>} : memref<336xf32, #tpu.memory_space<vmem>>, vector<16xf32>,
      %get3A_1845 = vector.shape_cast %get3A_1844 : vector<16xf32> to vector<16xf32>
      %mul3A_1846 = arith.mulf %get3A_1842, %get3A_1845 : vector<16xf32>
      %add3A_1847 = arith.addf %add3A_1835, %mul3A_1846 : vector<16xf32>
      %get3A_1848 = arith.constant 0 : i32
      %get3A_1849 = arith.constant 6 : i32
      %get3A_1850 = arith.index_cast %get3A_1848 : i32 to index
      %get3A_1851 = arith.index_cast %get3A_1849 : i32 to index
      %get3A_1852 = arith.constant 256 : index
      %get3A_1853 = tpu.vector_load %arg5[%get3A_1850, %get3A_1851, %get3A_1852] {strides = array<i32>} : memref<2x8x329xf32, #tpu.memory_space<vmem>>, vector<1x1x16xf32>,
      %get3A_1854 = vector.shape_cast %get3A_1853 : vector<1x1x16xf32> to vector<16xf32>
      %get3A_1855 = arith.constant 256 : index
      %get3A_1856 = tpu.vector_load %arg6[%get3A_1855] {strides = array<i32>} : memref<336xf32, #tpu.memory_space<vmem>>, vector<16xf32>,
      %get3A_1857 = vector.shape_cast %get3A_1856 : vector<16xf32> to vector<16xf32>
      %mul3A_1858 = arith.mulf %get3A_1854, %get3A_1857 : vector<16xf32>
      %add3A_1859 = arith.addf %add3A_1847, %mul3A_1858 : vector<16xf32>
      %get3A_1860 = arith.constant 0 : i32
      %get3A_1861 = arith.constant 6 : i32
      %get3A_1862 = arith.index_cast %get3A_1860 : i32 to index
      %get3A_1863 = arith.index_cast %get3A_1861 : i32 to index
      %get3A_1864 = arith.constant 272 : index
      %get3A_1865 = tpu.vector_load %arg5[%get3A_1862, %get3A_1863, %get3A_1864] {strides = array<i32>} : memref<2x8x329xf32, #tpu.memory_space<vmem>>, vector<1x1x16xf32>,
      %get3A_1866 = vector.shape_cast %get3A_1865 : vector<1x1x16xf32> to vector<16xf32>
      %get3A_1867 = arith.constant 272 : index
      %get3A_1868 = tpu.vector_load %arg6[%get3A_1867] {strides = array<i32>} : memref<336xf32, #tpu.memory_space<vmem>>, vector<16xf32>,
      %get3A_1869 = vector.shape_cast %get3A_1868 : vector<16xf32> to vector<16xf32>
      %mul3A_1870 = arith.mulf %get3A_1866, %get3A_1869 : vector<16xf32>
      %add3A_1871 = arith.addf %add3A_1859, %mul3A_1870 : vector<16xf32>
      %get3A_1872 = arith.constant 0 : i32
      %get3A_1873 = arith.constant 6 : i32
      %get3A_1874 = arith.index_cast %get3A_1872 : i32 to index
      %get3A_1875 = arith.index_cast %get3A_1873 : i32 to index
      %get3A_1876 = arith.constant 288 : index
      %get3A_1877 = tpu.vector_load %arg5[%get3A_1874, %get3A_1875, %get3A_1876] {strides = array<i32>} : memref<2x8x329xf32, #tpu.memory_space<vmem>>, vector<1x1x16xf32>,
      %get3A_1878 = vector.shape_cast %get3A_1877 : vector<1x1x16xf32> to vector<16xf32>
      %get3A_1879 = arith.constant 288 : index
      %get3A_1880 = tpu.vector_load %arg6[%get3A_1879] {strides = array<i32>} : memref<336xf32, #tpu.memory_space<vmem>>, vector<16xf32>,
      %get3A_1881 = vector.shape_cast %get3A_1880 : vector<16xf32> to vector<16xf32>
      %mul3A_1882 = arith.mulf %get3A_1878, %get3A_1881 : vector<16xf32>
      %add3A_1883 = arith.addf %add3A_1871, %mul3A_1882 : vector<16xf32>
      %get3A_1884 = arith.constant 0 : i32
      %get3A_1885 = arith.constant 6 : i32
      %get3A_1886 = arith.index_cast %get3A_1884 : i32 to index
      %get3A_1887 = arith.index_cast %get3A_1885 : i32 to index
      %get3A_1888 = arith.constant 304 : index
      %get3A_1889 = tpu.vector_load %arg5[%get3A_1886, %get3A_1887, %get3A_1888] {strides = array<i32>} : memref<2x8x329xf32, #tpu.memory_space<vmem>>, vector<1x1x16xf32>,
      %get3A_1890 = vector.shape_cast %get3A_1889 : vector<1x1x16xf32> to vector<16xf32>
      %get3A_1891 = arith.constant 304 : index
      %get3A_1892 = tpu.vector_load %arg6[%get3A_1891] {strides = array<i32>} : memref<336xf32, #tpu.memory_space<vmem>>, vector<16xf32>,
      %get3A_1893 = vector.shape_cast %get3A_1892 : vector<16xf32> to vector<16xf32>
      %mul3A_1894 = arith.mulf %get3A_1890, %get3A_1893 : vector<16xf32>
      %add3A_1895 = arith.addf %add3A_1883, %mul3A_1894 : vector<16xf32>
      %get3A_1896 = arith.constant 0 : i32
      %get3A_1897 = arith.constant 6 : i32
      %get3A_1898 = arith.index_cast %get3A_1896 : i32 to index
      %get3A_1899 = arith.index_cast %get3A_1897 : i32 to index
      %get3A_1900 = arith.constant 313 : index
      %get3A_1901 = tpu.vector_load %arg5[%get3A_1898, %get3A_1899, %get3A_1900] {strides = array<i32>} : memref<2x8x329xf32, #tpu.memory_space<vmem>>, vector<1x1x16xf32>,
      %get3A_1902 = vector.shape_cast %get3A_1901 : vector<1x1x16xf32> to vector<16xf32>
      %get3A_1903 = arith.constant 320 : index
      %get3A_1904 = tpu.vector_load %arg6[%get3A_1903] {strides = array<i32>} : memref<336xf32, #tpu.memory_space<vmem>>, vector<16xf32>,
      %get3A_1905 = vector.shape_cast %get3A_1904 : vector<16xf32> to vector<16xf32>
      %mul3A_1906 = arith.mulf %get3A_1902, %get3A_1905 : vector<16xf32>
      %add3A_1907 = arith.addf %add3A_1895, %mul3A_1906 : vector<16xf32>
      %mul3A_1908 = arith.constant 8 : i32
      %mul3A_1909 = arith.muli %add3A_55, %mul3A_1908 : i32
      %add3A_1910 = arith.constant 6 : i32
      %add3A_1911 = arith.addi %mul3A_1909, %add3A_1910 : i32
      %mul3A_1912 = arith.constant 16 : i32
      %mul3A_1913 = arith.muli %add3A_1911, %mul3A_1912 : i32
      %swap3A_1914 = arith.index_cast %mul3A_1913 : i32 to index
      %swap3A_1915 = tpu.vector_load %arg7[%swap3A_1914] {strides = array<i32>} : memref<10496xf32, #tpu.memory_space<vmem>>, vector<16xf32>,
      %swap3A_1916 = vector.shape_cast %swap3A_1915 : vector<16xf32> to vector<16xf32>
      %swap3A_1917 = vector.shape_cast %add3A_1907 : vector<16xf32> to vector<16xf32>
      tpu.vector_store %arg7[%swap3A_1914], %swap3A_1917 {strides = array<i32>} : memref<10496xf32, #tpu.memory_space<vmem>>, vector<16xf32>,
      %get3A_1918 = arith.constant 0 : i32
      %get3A_1919 = arith.constant 7 : i32
      %get3A_1920 = arith.index_cast %get3A_1918 : i32 to index
      %get3A_1921 = arith.index_cast %get3A_1919 : i32 to index
      %get3A_1922 = arith.constant 0 : index
      %get3A_1923 = tpu.vector_load %arg5[%get3A_1920, %get3A_1921, %get3A_1922] {strides = array<i32>} : memref<2x8x329xf32, #tpu.memory_space<vmem>>, vector<1x1x16xf32>,
      %get3A_1924 = vector.shape_cast %get3A_1923 : vector<1x1x16xf32> to vector<16xf32>
      %get3A_1925 = arith.constant 0 : index
      %get3A_1926 = tpu.vector_load %arg6[%get3A_1925] {strides = array<i32>} : memref<336xf32, #tpu.memory_space<vmem>>, vector<16xf32>,
      %get3A_1927 = vector.shape_cast %get3A_1926 : vector<16xf32> to vector<16xf32>
      %mul3A_1928 = arith.mulf %get3A_1924, %get3A_1927 : vector<16xf32>
      %get3A_1929 = arith.constant 0 : i32
      %get3A_1930 = arith.constant 7 : i32
      %get3A_1931 = arith.index_cast %get3A_1929 : i32 to index
      %get3A_1932 = arith.index_cast %get3A_1930 : i32 to index
      %get3A_1933 = arith.constant 16 : index
      %get3A_1934 = tpu.vector_load %arg5[%get3A_1931, %get3A_1932, %get3A_1933] {strides = array<i32>} : memref<2x8x329xf32, #tpu.memory_space<vmem>>, vector<1x1x16xf32>,
      %get3A_1935 = vector.shape_cast %get3A_1934 : vector<1x1x16xf32> to vector<16xf32>
      %get3A_1936 = arith.constant 16 : index
      %get3A_1937 = tpu.vector_load %arg6[%get3A_1936] {strides = array<i32>} : memref<336xf32, #tpu.memory_space<vmem>>, vector<16xf32>,
      %get3A_1938 = vector.shape_cast %get3A_1937 : vector<16xf32> to vector<16xf32>
      %mul3A_1939 = arith.mulf %get3A_1935, %get3A_1938 : vector<16xf32>
      %add3A_1940 = arith.addf %mul3A_1928, %mul3A_1939 : vector<16xf32>
      %get3A_1941 = arith.constant 0 : i32
      %get3A_1942 = arith.constant 7 : i32
      %get3A_1943 = arith.index_cast %get3A_1941 : i32 to index
      %get3A_1944 = arith.index_cast %get3A_1942 : i32 to index
      %get3A_1945 = arith.constant 32 : index
      %get3A_1946 = tpu.vector_load %arg5[%get3A_1943, %get3A_1944, %get3A_1945] {strides = array<i32>} : memref<2x8x329xf32, #tpu.memory_space<vmem>>, vector<1x1x16xf32>,
      %get3A_1947 = vector.shape_cast %get3A_1946 : vector<1x1x16xf32> to vector<16xf32>
      %get3A_1948 = arith.constant 32 : index
      %get3A_1949 = tpu.vector_load %arg6[%get3A_1948] {strides = array<i32>} : memref<336xf32, #tpu.memory_space<vmem>>, vector<16xf32>,
      %get3A_1950 = vector.shape_cast %get3A_1949 : vector<16xf32> to vector<16xf32>
      %mul3A_1951 = arith.mulf %get3A_1947, %get3A_1950 : vector<16xf32>
      %add3A_1952 = arith.addf %add3A_1940, %mul3A_1951 : vector<16xf32>
      %get3A_1953 = arith.constant 0 : i32
      %get3A_1954 = arith.constant 7 : i32
      %get3A_1955 = arith.index_cast %get3A_1953 : i32 to index
      %get3A_1956 = arith.index_cast %get3A_1954 : i32 to index
      %get3A_1957 = arith.constant 48 : index
      %get3A_1958 = tpu.vector_load %arg5[%get3A_1955, %get3A_1956, %get3A_1957] {strides = array<i32>} : memref<2x8x329xf32, #tpu.memory_space<vmem>>, vector<1x1x16xf32>,
      %get3A_1959 = vector.shape_cast %get3A_1958 : vector<1x1x16xf32> to vector<16xf32>
      %get3A_1960 = arith.constant 48 : index
      %get3A_1961 = tpu.vector_load %arg6[%get3A_1960] {strides = array<i32>} : memref<336xf32, #tpu.memory_space<vmem>>, vector<16xf32>,
      %get3A_1962 = vector.shape_cast %get3A_1961 : vector<16xf32> to vector<16xf32>
      %mul3A_1963 = arith.mulf %get3A_1959, %get3A_1962 : vector<16xf32>
      %add3A_1964 = arith.addf %add3A_1952, %mul3A_1963 : vector<16xf32>
      %get3A_1965 = arith.constant 0 : i32
      %get3A_1966 = arith.constant 7 : i32
      %get3A_1967 = arith.index_cast %get3A_1965 : i32 to index
      %get3A_1968 = arith.index_cast %get3A_1966 : i32 to index
      %get3A_1969 = arith.constant 64 : index
      %get3A_1970 = tpu.vector_load %arg5[%get3A_1967, %get3A_1968, %get3A_1969] {strides = array<i32>} : memref<2x8x329xf32, #tpu.memory_space<vmem>>, vector<1x1x16xf32>,
      %get3A_1971 = vector.shape_cast %get3A_1970 : vector<1x1x16xf32> to vector<16xf32>
      %get3A_1972 = arith.constant 64 : index
      %get3A_1973 = tpu.vector_load %arg6[%get3A_1972] {strides = array<i32>} : memref<336xf32, #tpu.memory_space<vmem>>, vector<16xf32>,
      %get3A_1974 = vector.shape_cast %get3A_1973 : vector<16xf32> to vector<16xf32>
      %mul3A_1975 = arith.mulf %get3A_1971, %get3A_1974 : vector<16xf32>
      %add3A_1976 = arith.addf %add3A_1964, %mul3A_1975 : vector<16xf32>
      %get3A_1977 = arith.constant 0 : i32
      %get3A_1978 = arith.constant 7 : i32
      %get3A_1979 = arith.index_cast %get3A_1977 : i32 to index
      %get3A_1980 = arith.index_cast %get3A_1978 : i32 to index
      %get3A_1981 = arith.constant 80 : index
      %get3A_1982 = tpu.vector_load %arg5[%get3A_1979, %get3A_1980, %get3A_1981] {strides = array<i32>} : memref<2x8x329xf32, #tpu.memory_space<vmem>>, vector<1x1x16xf32>,
      %get3A_1983 = vector.shape_cast %get3A_1982 : vector<1x1x16xf32> to vector<16xf32>
      %get3A_1984 = arith.constant 80 : index
      %get3A_1985 = tpu.vector_load %arg6[%get3A_1984] {strides = array<i32>} : memref<336xf32, #tpu.memory_space<vmem>>, vector<16xf32>,
      %get3A_1986 = vector.shape_cast %get3A_1985 : vector<16xf32> to vector<16xf32>
      %mul3A_1987 = arith.mulf %get3A_1983, %get3A_1986 : vector<16xf32>
      %add3A_1988 = arith.addf %add3A_1976, %mul3A_1987 : vector<16xf32>
      %get3A_1989 = arith.constant 0 : i32
      %get3A_1990 = arith.constant 7 : i32
      %get3A_1991 = arith.index_cast %get3A_1989 : i32 to index
      %get3A_1992 = arith.index_cast %get3A_1990 : i32 to index
      %get3A_1993 = arith.constant 96 : index
      %get3A_1994 = tpu.vector_load %arg5[%get3A_1991, %get3A_1992, %get3A_1993] {strides = array<i32>} : memref<2x8x329xf32, #tpu.memory_space<vmem>>, vector<1x1x16xf32>,
      %get3A_1995 = vector.shape_cast %get3A_1994 : vector<1x1x16xf32> to vector<16xf32>
      %get3A_1996 = arith.constant 96 : index
      %get3A_1997 = tpu.vector_load %arg6[%get3A_1996] {strides = array<i32>} : memref<336xf32, #tpu.memory_space<vmem>>, vector<16xf32>,
      %get3A_1998 = vector.shape_cast %get3A_1997 : vector<16xf32> to vector<16xf32>
      %mul3A_1999 = arith.mulf %get3A_1995, %get3A_1998 : vector<16xf32>
      %add3A_2000 = arith.addf %add3A_1988, %mul3A_1999 : vector<16xf32>
      %get3A_2001 = arith.constant 0 : i32
      %get3A_2002 = arith.constant 7 : i32
      %get3A_2003 = arith.index_cast %get3A_2001 : i32 to index
      %get3A_2004 = arith.index_cast %get3A_2002 : i32 to index
      %get3A_2005 = arith.constant 112 : index
      %get3A_2006 = tpu.vector_load %arg5[%get3A_2003, %get3A_2004, %get3A_2005] {strides = array<i32>} : memref<2x8x329xf32, #tpu.memory_space<vmem>>, vector<1x1x16xf32>,
      %get3A_2007 = vector.shape_cast %get3A_2006 : vector<1x1x16xf32> to vector<16xf32>
      %get3A_2008 = arith.constant 112 : index
      %get3A_2009 = tpu.vector_load %arg6[%get3A_2008] {strides = array<i32>} : memref<336xf32, #tpu.memory_space<vmem>>, vector<16xf32>,
      %get3A_2010 = vector.shape_cast %get3A_2009 : vector<16xf32> to vector<16xf32>
      %mul3A_2011 = arith.mulf %get3A_2007, %get3A_2010 : vector<16xf32>
      %add3A_2012 = arith.addf %add3A_2000, %mul3A_2011 : vector<16xf32>
      %get3A_2013 = arith.constant 0 : i32
      %get3A_2014 = arith.constant 7 : i32
      %get3A_2015 = arith.index_cast %get3A_2013 : i32 to index
      %get3A_2016 = arith.index_cast %get3A_2014 : i32 to index
      %get3A_2017 = arith.constant 128 : index
      %get3A_2018 = tpu.vector_load %arg5[%get3A_2015, %get3A_2016, %get3A_2017] {strides = array<i32>} : memref<2x8x329xf32, #tpu.memory_space<vmem>>, vector<1x1x16xf32>,
      %get3A_2019 = vector.shape_cast %get3A_2018 : vector<1x1x16xf32> to vector<16xf32>
      %get3A_2020 = arith.constant 128 : index
      %get3A_2021 = tpu.vector_load %arg6[%get3A_2020] {strides = array<i32>} : memref<336xf32, #tpu.memory_space<vmem>>, vector<16xf32>,
      %get3A_2022 = vector.shape_cast %get3A_2021 : vector<16xf32> to vector<16xf32>
      %mul3A_2023 = arith.mulf %get3A_2019, %get3A_2022 : vector<16xf32>
      %add3A_2024 = arith.addf %add3A_2012, %mul3A_2023 : vector<16xf32>
      %get3A_2025 = arith.constant 0 : i32
      %get3A_2026 = arith.constant 7 : i32
      %get3A_2027 = arith.index_cast %get3A_2025 : i32 to index
      %get3A_2028 = arith.index_cast %get3A_2026 : i32 to index
      %get3A_2029 = arith.constant 144 : index
      %get3A_2030 = tpu.vector_load %arg5[%get3A_2027, %get3A_2028, %get3A_2029] {strides = array<i32>} : memref<2x8x329xf32, #tpu.memory_space<vmem>>, vector<1x1x16xf32>,
      %get3A_2031 = vector.shape_cast %get3A_2030 : vector<1x1x16xf32> to vector<16xf32>
      %get3A_2032 = arith.constant 144 : index
      %get3A_2033 = tpu.vector_load %arg6[%get3A_2032] {strides = array<i32>} : memref<336xf32, #tpu.memory_space<vmem>>, vector<16xf32>,
      %get3A_2034 = vector.shape_cast %get3A_2033 : vector<16xf32> to vector<16xf32>
      %mul3A_2035 = arith.mulf %get3A_2031, %get3A_2034 : vector<16xf32>
      %add3A_2036 = arith.addf %add3A_2024, %mul3A_2035 : vector<16xf32>
      %get3A_2037 = arith.constant 0 : i32
      %get3A_2038 = arith.constant 7 : i32
      %get3A_2039 = arith.index_cast %get3A_2037 : i32 to index
      %get3A_2040 = arith.index_cast %get3A_2038 : i32 to index
      %get3A_2041 = arith.constant 160 : index
      %get3A_2042 = tpu.vector_load %arg5[%get3A_2039, %get3A_2040, %get3A_2041] {strides = array<i32>} : memref<2x8x329xf32, #tpu.memory_space<vmem>>, vector<1x1x16xf32>,
      %get3A_2043 = vector.shape_cast %get3A_2042 : vector<1x1x16xf32> to vector<16xf32>
      %get3A_2044 = arith.constant 160 : index
      %get3A_2045 = tpu.vector_load %arg6[%get3A_2044] {strides = array<i32>} : memref<336xf32, #tpu.memory_space<vmem>>, vector<16xf32>,
      %get3A_2046 = vector.shape_cast %get3A_2045 : vector<16xf32> to vector<16xf32>
      %mul3A_2047 = arith.mulf %get3A_2043, %get3A_2046 : vector<16xf32>
      %add3A_2048 = arith.addf %add3A_2036, %mul3A_2047 : vector<16xf32>
      %get3A_2049 = arith.constant 0 : i32
      %get3A_2050 = arith.constant 7 : i32
      %get3A_2051 = arith.index_cast %get3A_2049 : i32 to index
      %get3A_2052 = arith.index_cast %get3A_2050 : i32 to index
      %get3A_2053 = arith.constant 176 : index
      %get3A_2054 = tpu.vector_load %arg5[%get3A_2051, %get3A_2052, %get3A_2053] {strides = array<i32>} : memref<2x8x329xf32, #tpu.memory_space<vmem>>, vector<1x1x16xf32>,
      %get3A_2055 = vector.shape_cast %get3A_2054 : vector<1x1x16xf32> to vector<16xf32>
      %get3A_2056 = arith.constant 176 : index
      %get3A_2057 = tpu.vector_load %arg6[%get3A_2056] {strides = array<i32>} : memref<336xf32, #tpu.memory_space<vmem>>, vector<16xf32>,
      %get3A_2058 = vector.shape_cast %get3A_2057 : vector<16xf32> to vector<16xf32>
      %mul3A_2059 = arith.mulf %get3A_2055, %get3A_2058 : vector<16xf32>
      %add3A_2060 = arith.addf %add3A_2048, %mul3A_2059 : vector<16xf32>
      %get3A_2061 = arith.constant 0 : i32
      %get3A_2062 = arith.constant 7 : i32
      %get3A_2063 = arith.index_cast %get3A_2061 : i32 to index
      %get3A_2064 = arith.index_cast %get3A_2062 : i32 to index
      %get3A_2065 = arith.constant 192 : index
      %get3A_2066 = tpu.vector_load %arg5[%get3A_2063, %get3A_2064, %get3A_2065] {strides = array<i32>} : memref<2x8x329xf32, #tpu.memory_space<vmem>>, vector<1x1x16xf32>,
      %get3A_2067 = vector.shape_cast %get3A_2066 : vector<1x1x16xf32> to vector<16xf32>
      %get3A_2068 = arith.constant 192 : index
      %get3A_2069 = tpu.vector_load %arg6[%get3A_2068] {strides = array<i32>} : memref<336xf32, #tpu.memory_space<vmem>>, vector<16xf32>,
      %get3A_2070 = vector.shape_cast %get3A_2069 : vector<16xf32> to vector<16xf32>
      %mul3A_2071 = arith.mulf %get3A_2067, %get3A_2070 : vector<16xf32>
      %add3A_2072 = arith.addf %add3A_2060, %mul3A_2071 : vector<16xf32>
      %get3A_2073 = arith.constant 0 : i32
      %get3A_2074 = arith.constant 7 : i32
      %get3A_2075 = arith.index_cast %get3A_2073 : i32 to index
      %get3A_2076 = arith.index_cast %get3A_2074 : i32 to index
      %get3A_2077 = arith.constant 208 : index
      %get3A_2078 = tpu.vector_load %arg5[%get3A_2075, %get3A_2076, %get3A_2077] {strides = array<i32>} : memref<2x8x329xf32, #tpu.memory_space<vmem>>, vector<1x1x16xf32>,
      %get3A_2079 = vector.shape_cast %get3A_2078 : vector<1x1x16xf32> to vector<16xf32>
      %get3A_2080 = arith.constant 208 : index
      %get3A_2081 = tpu.vector_load %arg6[%get3A_2080] {strides = array<i32>} : memref<336xf32, #tpu.memory_space<vmem>>, vector<16xf32>,
      %get3A_2082 = vector.shape_cast %get3A_2081 : vector<16xf32> to vector<16xf32>
      %mul3A_2083 = arith.mulf %get3A_2079, %get3A_2082 : vector<16xf32>
      %add3A_2084 = arith.addf %add3A_2072, %mul3A_2083 : vector<16xf32>
      %get3A_2085 = arith.constant 0 : i32
      %get3A_2086 = arith.constant 7 : i32
      %get3A_2087 = arith.index_cast %get3A_2085 : i32 to index
      %get3A_2088 = arith.index_cast %get3A_2086 : i32 to index
      %get3A_2089 = arith.constant 224 : index
      %get3A_2090 = tpu.vector_load %arg5[%get3A_2087, %get3A_2088, %get3A_2089] {strides = array<i32>} : memref<2x8x329xf32, #tpu.memory_space<vmem>>, vector<1x1x16xf32>,
      %get3A_2091 = vector.shape_cast %get3A_2090 : vector<1x1x16xf32> to vector<16xf32>
      %get3A_2092 = arith.constant 224 : index
      %get3A_2093 = tpu.vector_load %arg6[%get3A_2092] {strides = array<i32>} : memref<336xf32, #tpu.memory_space<vmem>>, vector<16xf32>,
      %get3A_2094 = vector.shape_cast %get3A_2093 : vector<16xf32> to vector<16xf32>
      %mul3A_2095 = arith.mulf %get3A_2091, %get3A_2094 : vector<16xf32>
      %add3A_2096 = arith.addf %add3A_2084, %mul3A_2095 : vector<16xf32>
      %get3A_2097 = arith.constant 0 : i32
      %get3A_2098 = arith.constant 7 : i32
      %get3A_2099 = arith.index_cast %get3A_2097 : i32 to index
      %get3A_2100 = arith.index_cast %get3A_2098 : i32 to index
      %get3A_2101 = arith.constant 240 : index
      %get3A_2102 = tpu.vector_load %arg5[%get3A_2099, %get3A_2100, %get3A_2101] {strides = array<i32>} : memref<2x8x329xf32, #tpu.memory_space<vmem>>, vector<1x1x16xf32>,
      %get3A_2103 = vector.shape_cast %get3A_2102 : vector<1x1x16xf32> to vector<16xf32>
      %get3A_2104 = arith.constant 240 : index
      %get3A_2105 = tpu.vector_load %arg6[%get3A_2104] {strides = array<i32>} : memref<336xf32, #tpu.memory_space<vmem>>, vector<16xf32>,
      %get3A_2106 = vector.shape_cast %get3A_2105 : vector<16xf32> to vector<16xf32>
      %mul3A_2107 = arith.mulf %get3A_2103, %get3A_2106 : vector<16xf32>
      %add3A_2108 = arith.addf %add3A_2096, %mul3A_2107 : vector<16xf32>
      %get3A_2109 = arith.constant 0 : i32
      %get3A_2110 = arith.constant 7 : i32
      %get3A_2111 = arith.index_cast %get3A_2109 : i32 to index
      %get3A_2112 = arith.index_cast %get3A_2110 : i32 to index
      %get3A_2113 = arith.constant 256 : index
      %get3A_2114 = tpu.vector_load %arg5[%get3A_2111, %get3A_2112, %get3A_2113] {strides = array<i32>} : memref<2x8x329xf32, #tpu.memory_space<vmem>>, vector<1x1x16xf32>,
      %get3A_2115 = vector.shape_cast %get3A_2114 : vector<1x1x16xf32> to vector<16xf32>
      %get3A_2116 = arith.constant 256 : index
      %get3A_2117 = tpu.vector_load %arg6[%get3A_2116] {strides = array<i32>} : memref<336xf32, #tpu.memory_space<vmem>>, vector<16xf32>,
      %get3A_2118 = vector.shape_cast %get3A_2117 : vector<16xf32> to vector<16xf32>
      %mul3A_2119 = arith.mulf %get3A_2115, %get3A_2118 : vector<16xf32>
      %add3A_2120 = arith.addf %add3A_2108, %mul3A_2119 : vector<16xf32>
      %get3A_2121 = arith.constant 0 : i32
      %get3A_2122 = arith.constant 7 : i32
      %get3A_2123 = arith.index_cast %get3A_2121 : i32 to index
      %get3A_2124 = arith.index_cast %get3A_2122 : i32 to index
      %get3A_2125 = arith.constant 272 : index
      %get3A_2126 = tpu.vector_load %arg5[%get3A_2123, %get3A_2124, %get3A_2125] {strides = array<i32>} : memref<2x8x329xf32, #tpu.memory_space<vmem>>, vector<1x1x16xf32>,
      %get3A_2127 = vector.shape_cast %get3A_2126 : vector<1x1x16xf32> to vector<16xf32>
      %get3A_2128 = arith.constant 272 : index
      %get3A_2129 = tpu.vector_load %arg6[%get3A_2128] {strides = array<i32>} : memref<336xf32, #tpu.memory_space<vmem>>, vector<16xf32>,
      %get3A_2130 = vector.shape_cast %get3A_2129 : vector<16xf32> to vector<16xf32>
      %mul3A_2131 = arith.mulf %get3A_2127, %get3A_2130 : vector<16xf32>
      %add3A_2132 = arith.addf %add3A_2120, %mul3A_2131 : vector<16xf32>
      %get3A_2133 = arith.constant 0 : i32
      %get3A_2134 = arith.constant 7 : i32
      %get3A_2135 = arith.index_cast %get3A_2133 : i32 to index
      %get3A_2136 = arith.index_cast %get3A_2134 : i32 to index
      %get3A_2137 = arith.constant 288 : index
      %get3A_2138 = tpu.vector_load %arg5[%get3A_2135, %get3A_2136, %get3A_2137] {strides = array<i32>} : memref<2x8x329xf32, #tpu.memory_space<vmem>>, vector<1x1x16xf32>,
      %get3A_2139 = vector.shape_cast %get3A_2138 : vector<1x1x16xf32> to vector<16xf32>
      %get3A_2140 = arith.constant 288 : index
      %get3A_2141 = tpu.vector_load %arg6[%get3A_2140] {strides = array<i32>} : memref<336xf32, #tpu.memory_space<vmem>>, vector<16xf32>,
      %get3A_2142 = vector.shape_cast %get3A_2141 : vector<16xf32> to vector<16xf32>
      %mul3A_2143 = arith.mulf %get3A_2139, %get3A_2142 : vector<16xf32>
      %add3A_2144 = arith.addf %add3A_2132, %mul3A_2143 : vector<16xf32>
      %get3A_2145 = arith.constant 0 : i32
      %get3A_2146 = arith.constant 7 : i32
      %get3A_2147 = arith.index_cast %get3A_2145 : i32 to index
      %get3A_2148 = arith.index_cast %get3A_2146 : i32 to index
      %get3A_2149 = arith.constant 304 : index
      %get3A_2150 = tpu.vector_load %arg5[%get3A_2147, %get3A_2148, %get3A_2149] {strides = array<i32>} : memref<2x8x329xf32, #tpu.memory_space<vmem>>, vector<1x1x16xf32>,
      %get3A_2151 = vector.shape_cast %get3A_2150 : vector<1x1x16xf32> to vector<16xf32>
      %get3A_2152 = arith.constant 304 : index
      %get3A_2153 = tpu.vector_load %arg6[%get3A_2152] {strides = array<i32>} : memref<336xf32, #tpu.memory_space<vmem>>, vector<16xf32>,
      %get3A_2154 = vector.shape_cast %get3A_2153 : vector<16xf32> to vector<16xf32>
      %mul3A_2155 = arith.mulf %get3A_2151, %get3A_2154 : vector<16xf32>
      %add3A_2156 = arith.addf %add3A_2144, %mul3A_2155 : vector<16xf32>
      %get3A_2157 = arith.constant 0 : i32
      %get3A_2158 = arith.constant 7 : i32
      %get3A_2159 = arith.index_cast %get3A_2157 : i32 to index
      %get3A_2160 = arith.index_cast %get3A_2158 : i32 to index
      %get3A_2161 = arith.constant 313 : index
      %get3A_2162 = tpu.vector_load %arg5[%get3A_2159, %get3A_2160, %get3A_2161] {strides = array<i32>} : memref<2x8x329xf32, #tpu.memory_space<vmem>>, vector<1x1x16xf32>,
      %get3A_2163 = vector.shape_cast %get3A_2162 : vector<1x1x16xf32> to vector<16xf32>
      %get3A_2164 = arith.constant 320 : index
      %get3A_2165 = tpu.vector_load %arg6[%get3A_2164] {strides = array<i32>} : memref<336xf32, #tpu.memory_space<vmem>>, vector<16xf32>,
      %get3A_2166 = vector.shape_cast %get3A_2165 : vector<16xf32> to vector<16xf32>
      %mul3A_2167 = arith.mulf %get3A_2163, %get3A_2166 : vector<16xf32>
      %add3A_2168 = arith.addf %add3A_2156, %mul3A_2167 : vector<16xf32>
      %mul3A_2169 = arith.constant 8 : i32
      %mul3A_2170 = arith.muli %add3A_55, %mul3A_2169 : i32
      %add3A_2171 = arith.constant 7 : i32
      %add3A_2172 = arith.addi %mul3A_2170, %add3A_2171 : i32
      %mul3A_2173 = arith.constant 16 : i32
      %mul3A_2174 = arith.muli %add3A_2172, %mul3A_2173 : i32
      %swap3A_2175 = arith.index_cast %mul3A_2174 : i32 to index
      %swap3A_2176 = tpu.vector_load %arg7[%swap3A_2175] {strides = array<i32>} : memref<10496xf32, #tpu.memory_space<vmem>>, vector<16xf32>,
      %swap3A_2177 = vector.shape_cast %swap3A_2176 : vector<16xf32> to vector<16xf32>
      %swap3A_2178 = vector.shape_cast %add3A_2168 : vector<16xf32> to vector<16xf32>
      tpu.vector_store %arg7[%swap3A_2175], %swap3A_2178 {strides = array<i32>} : memref<10496xf32, #tpu.memory_space<vmem>>, vector<16xf32>,
      %lt3A = arith.constant 40 : i32
      %lt3A_2179 = arith.cmpi slt, %scan3A_51, %lt3A : i32
      %convert_element_type3A = arith.extui %lt3A_2179 : i1 to i32
      %cond3A = arith.constant 0 : i32
      %cond3A_2180 = arith.cmpi ne, %convert_element_type3A, %cond3A : i32
      scf.if %cond3A_2180 {
        %add3A_4323 = arith.constant 2 : i32
        %add3A_4324 = arith.addi %add3A_55, %add3A_4323 : i32
        %jit3A_4325 = arith.constant 41 : i32
        %div3A_4326 = arith.divsi %add3A_4324, %jit3A_4325 : i32
        %sign3A_4327 = arith.constant 0 : i32
        %sign3A_4328 = arith.cmpi sgt, %add3A_4324, %sign3A_4327 : i32
        %sign3A_4329 = arith.extui %sign3A_4328 : i1 to i32
        %sign3A_4330 = arith.constant 0 : i32
        %sign3A_4331 = arith.cmpi slt, %add3A_4324, %sign3A_4330 : i32
        %sign3A_4332 = arith.extui %sign3A_4331 : i1 to i32
        %sign3A_4333 = arith.subi %sign3A_4329, %sign3A_4332 : i32
        %sign3A_4334 = arith.constant 0 : i32
        %sign3A_4335 = arith.cmpi sgt, %jit3A_4325, %sign3A_4334 : i32
        %sign3A_4336 = arith.extui %sign3A_4335 : i1 to i32
        %sign3A_4337 = arith.constant 0 : i32
        %sign3A_4338 = arith.cmpi slt, %jit3A_4325, %sign3A_4337 : i32
        %sign3A_4339 = arith.extui %sign3A_4338 : i1 to i32
        %sign3A_4340 = arith.subi %sign3A_4336, %sign3A_4339 : i32
        %ne3A_4341 = arith.cmpi ne, %sign3A_4333, %sign3A_4340 : i32
        %rem3A_4342 = arith.remsi %add3A_4324, %jit3A_4325 : i32
        %ne3A_4343 = arith.constant 0 : i32
        %ne3A_4344 = arith.cmpi ne, %rem3A_4342, %ne3A_4343 : i32
        %and3A_4345 = arith.andi %ne3A_4341, %ne3A_4344 : i1
        %sub3A_4346 = arith.constant 1 : i32
        %sub3A_4347 = arith.subi %div3A_4326, %sub3A_4346 : i32
        %select_n3A_4348 = arith.select %and3A_4345, %sub3A_4347, %div3A_4326 : i32
        %add3A_4349 = arith.addi %mul3A_2, %select_n3A_4348 : i32
        %rem3A_4350 = arith.constant 41 : i32
        %rem3A_4351 = arith.remsi %add3A_4324, %rem3A_4350 : i32
        %mul3A_4352 = arith.constant 8 : i32
        %mul3A_4353 = arith.muli %rem3A_4351, %mul3A_4352 : i32
        %multiple_of3A_4354 = tpu.assume_multiple %mul3A_4353, 8 : i32
        %dma_start3A_4355 = arith.constant 0 : i32
        %dma_start3A_4356 = arith.constant 0 : i32
        %dma_start3A_4357 = arith.constant 0 : i32
        %dma_start3A_4358 = tpu.memref_slice %arg5[%dma_start3A_4355, %dma_start3A_4356, %dma_start3A_4357] : memref<2x8x329xf32, #tpu.memory_space<vmem>> -> memref<1x8x329xf32, #tpu.memory_space<vmem>>
        %dma_start3A_4359 = tpu.memref_squeeze %dma_start3A_4358 : memref<1x8x329xf32, #tpu.memory_space<vmem>> -> memref<8x329xf32, #tpu.memory_space<vmem>>
        %dma_start3A_4360 = arith.constant 0 : i32
        %dma_start3A_4361 = tpu.memref_slice %arg2[%add3A_4349, %multiple_of3A_4354, %dma_start3A_4360] : memref<64x329x329xf32, #tpu.memory_space<hbm>> -> memref<1x8x329xf32, #tpu.memory_space<hbm>>
        %dma_start3A_4362 = tpu.memref_squeeze %dma_start3A_4361 : memref<1x8x329xf32, #tpu.memory_space<hbm>> -> memref<8x329xf32, #tpu.memory_space<hbm>>
        %dma_start3A_4363 = arith.constant 0 : i32
        %dma_start3A_4364 = arith.constant 0 : i32
        %dma_start3A_4365 = tpu.memref_slice %arg5[%dma_start3A_4355, %dma_start3A_4363, %dma_start3A_4364] : memref<2x8x329xf32, #tpu.memory_space<vmem>> -> memref<1x8x329xf32, #tpu.memory_space<vmem>>
        %dma_start3A_4366 = tpu.memref_squeeze %dma_start3A_4365 : memref<1x8x329xf32, #tpu.memory_space<vmem>> -> memref<8x329xf32, #tpu.memory_space<vmem>>
        %dma_start3A_4367 = arith.constant 0 : i32
        %dma_start3A_4368 = tpu.memref_slice %arg2[%add3A_4349, %multiple_of3A_4354, %dma_start3A_4367] : memref<64x329x329xf32, #tpu.memory_space<hbm>> -> memref<1x8x329xf32, #tpu.memory_space<hbm>>
        %dma_start3A_4369 = tpu.memref_squeeze %dma_start3A_4368 : memref<1x8x329xf32, #tpu.memory_space<hbm>> -> memref<8x329xf32, #tpu.memory_space<hbm>>
        tpu.enqueue_dma source(%dma_start3A_4369 : memref<8x329xf32, #tpu.memory_space<hbm>>) target(%dma_start3A_4366 : memref<8x329xf32, #tpu.memory_space<vmem>>) target_semaphore(%arg8 : memref<!tpu.dma_semaphore, #tpu.memory_space<semaphore_mem>>)
      } else {
      }
      %mul3A_2181 = arith.constant 2 : i32
      %mul3A_2182 = arith.muli %scan3A_51, %mul3A_2181 : i32
      %add3A_2183 = arith.constant 1 : i32
      %add3A_2184 = arith.addi %mul3A_2182, %add3A_2183 : i32
      %jit3A_2185 = arith.constant 41 : i32
      %div3A_2186 = arith.divsi %add3A_2184, %jit3A_2185 : i32
      %sign3A_2187 = arith.constant 0 : i32
      %sign3A_2188 = arith.cmpi sgt, %add3A_2184, %sign3A_2187 : i32
      %sign3A_2189 = arith.extui %sign3A_2188 : i1 to i32
      %sign3A_2190 = arith.constant 0 : i32
      %sign3A_2191 = arith.cmpi slt, %add3A_2184, %sign3A_2190 : i32
      %sign3A_2192 = arith.extui %sign3A_2191 : i1 to i32
      %sign3A_2193 = arith.subi %sign3A_2189, %sign3A_2192 : i32
      %sign3A_2194 = arith.constant 0 : i32
      %sign3A_2195 = arith.cmpi sgt, %jit3A_2185, %sign3A_2194 : i32
      %sign3A_2196 = arith.extui %sign3A_2195 : i1 to i32
      %sign3A_2197 = arith.constant 0 : i32
      %sign3A_2198 = arith.cmpi slt, %jit3A_2185, %sign3A_2197 : i32
      %sign3A_2199 = arith.extui %sign3A_2198 : i1 to i32
      %sign3A_2200 = arith.subi %sign3A_2196, %sign3A_2199 : i32
      %ne3A_2201 = arith.cmpi ne, %sign3A_2193, %sign3A_2200 : i32
      %rem3A_2202 = arith.remsi %add3A_2184, %jit3A_2185 : i32
      %ne3A_2203 = arith.constant 0 : i32
      %ne3A_2204 = arith.cmpi ne, %rem3A_2202, %ne3A_2203 : i32
      %and3A_2205 = arith.andi %ne3A_2201, %ne3A_2204 : i1
      %sub3A_2206 = arith.constant 1 : i32
      %sub3A_2207 = arith.subi %div3A_2186, %sub3A_2206 : i32
      %select_n3A_2208 = arith.select %and3A_2205, %sub3A_2207, %div3A_2186 : i32
      %add3A_2209 = arith.addi %mul3A_2, %select_n3A_2208 : i32
      %rem3A_2210 = arith.constant 41 : i32
      %rem3A_2211 = arith.remsi %add3A_2184, %rem3A_2210 : i32
      %mul3A_2212 = arith.constant 8 : i32
      %mul3A_2213 = arith.muli %rem3A_2211, %mul3A_2212 : i32
      %multiple_of3A_2214 = tpu.assume_multiple %mul3A_2213, 8 : i32
      %dma_wait3A_2215 = arith.constant 1 : i32
      %dma_wait3A_2216 = arith.constant 0 : i32
      %dma_wait3A_2217 = arith.constant 0 : i32
      %dma_wait3A_2218 = tpu.memref_slice %arg5[%dma_wait3A_2215, %dma_wait3A_2216, %dma_wait3A_2217] : memref<2x8x329xf32, #tpu.memory_space<vmem>> -> memref<1x8x329xf32, #tpu.memory_space<vmem>>
      %dma_wait3A_2219 = tpu.memref_squeeze %dma_wait3A_2218 : memref<1x8x329xf32, #tpu.memory_space<vmem>> -> memref<8x329xf32, #tpu.memory_space<vmem>>
      %dma_wait3A_2220 = arith.constant 0 : i32
      %dma_wait3A_2221 = tpu.memref_slice %arg2[%add3A_2209, %multiple_of3A_2214, %dma_wait3A_2220] : memref<64x329x329xf32, #tpu.memory_space<hbm>> -> memref<1x8x329xf32, #tpu.memory_space<hbm>>
      %dma_wait3A_2222 = tpu.memref_squeeze %dma_wait3A_2221 : memref<1x8x329xf32, #tpu.memory_space<hbm>> -> memref<8x329xf32, #tpu.memory_space<hbm>>
      %dma_wait3A_2223 = arith.constant 0 : i32
      %dma_wait3A_2224 = arith.constant 0 : i32
      %dma_wait3A_2225 = tpu.memref_slice %arg5[%dma_wait3A_2215, %dma_wait3A_2223, %dma_wait3A_2224] : memref<2x8x329xf32, #tpu.memory_space<vmem>> -> memref<1x8x329xf32, #tpu.memory_space<vmem>>
      %dma_wait3A_2226 = tpu.memref_squeeze %dma_wait3A_2225 : memref<1x8x329xf32, #tpu.memory_space<vmem>> -> memref<8x329xf32, #tpu.memory_space<vmem>>
      %dma_wait3A_2227 = arith.constant 0 : i32
      %dma_wait3A_2228 = tpu.memref_slice %arg2[%add3A_2209, %multiple_of3A_2214, %dma_wait3A_2227] : memref<64x329x329xf32, #tpu.memory_space<hbm>> -> memref<1x8x329xf32, #tpu.memory_space<hbm>>
      %dma_wait3A_2229 = tpu.memref_squeeze %dma_wait3A_2228 : memref<1x8x329xf32, #tpu.memory_space<hbm>> -> memref<8x329xf32, #tpu.memory_space<hbm>>
      tpu.wait_dma2 semaphore(%arg9 : memref<!tpu.dma_semaphore, #tpu.memory_space<semaphore_mem>>) src(%dma_wait3A_2229 : memref<8x329xf32, #tpu.memory_space<hbm>>) dst(%dma_wait3A_2226 : memref<8x329xf32, #tpu.memory_space<vmem>>)
      %get3A_2230 = arith.constant 1 : i32
      %get3A_2231 = arith.constant 0 : i32
      %get3A_2232 = arith.index_cast %get3A_2230 : i32 to index
      %get3A_2233 = arith.index_cast %get3A_2231 : i32 to index
      %get3A_2234 = arith.constant 0 : index
      %get3A_2235 = tpu.vector_load %arg5[%get3A_2232, %get3A_2233, %get3A_2234] {strides = array<i32>} : memref<2x8x329xf32, #tpu.memory_space<vmem>>, vector<1x1x16xf32>,
      %get3A_2236 = vector.shape_cast %get3A_2235 : vector<1x1x16xf32> to vector<16xf32>
      %get3A_2237 = arith.constant 0 : index
      %get3A_2238 = tpu.vector_load %arg6[%get3A_2237] {strides = array<i32>} : memref<336xf32, #tpu.memory_space<vmem>>, vector<16xf32>,
      %get3A_2239 = vector.shape_cast %get3A_2238 : vector<16xf32> to vector<16xf32>
      %mul3A_2240 = arith.mulf %get3A_2236, %get3A_2239 : vector<16xf32>
      %get3A_2241 = arith.constant 1 : i32
      %get3A_2242 = arith.constant 0 : i32
      %get3A_2243 = arith.index_cast %get3A_2241 : i32 to index
      %get3A_2244 = arith.index_cast %get3A_2242 : i32 to index
      %get3A_2245 = arith.constant 16 : index
      %get3A_2246 = tpu.vector_load %arg5[%get3A_2243, %get3A_2244, %get3A_2245] {strides = array<i32>} : memref<2x8x329xf32, #tpu.memory_space<vmem>>, vector<1x1x16xf32>,
      %get3A_2247 = vector.shape_cast %get3A_2246 : vector<1x1x16xf32> to vector<16xf32>
      %get3A_2248 = arith.constant 16 : index
      %get3A_2249 = tpu.vector_load %arg6[%get3A_2248] {strides = array<i32>} : memref<336xf32, #tpu.memory_space<vmem>>, vector<16xf32>,
      %get3A_2250 = vector.shape_cast %get3A_2249 : vector<16xf32> to vector<16xf32>
      %mul3A_2251 = arith.mulf %get3A_2247, %get3A_2250 : vector<16xf32>
      %add3A_2252 = arith.addf %mul3A_2240, %mul3A_2251 : vector<16xf32>
      %get3A_2253 = arith.constant 1 : i32
      %get3A_2254 = arith.constant 0 : i32
      %get3A_2255 = arith.index_cast %get3A_2253 : i32 to index
      %get3A_2256 = arith.index_cast %get3A_2254 : i32 to index
      %get3A_2257 = arith.constant 32 : index
      %get3A_2258 = tpu.vector_load %arg5[%get3A_2255, %get3A_2256, %get3A_2257] {strides = array<i32>} : memref<2x8x329xf32, #tpu.memory_space<vmem>>, vector<1x1x16xf32>,
      %get3A_2259 = vector.shape_cast %get3A_2258 : vector<1x1x16xf32> to vector<16xf32>
      %get3A_2260 = arith.constant 32 : index
      %get3A_2261 = tpu.vector_load %arg6[%get3A_2260] {strides = array<i32>} : memref<336xf32, #tpu.memory_space<vmem>>, vector<16xf32>,
      %get3A_2262 = vector.shape_cast %get3A_2261 : vector<16xf32> to vector<16xf32>
      %mul3A_2263 = arith.mulf %get3A_2259, %get3A_2262 : vector<16xf32>
      %add3A_2264 = arith.addf %add3A_2252, %mul3A_2263 : vector<16xf32>
      %get3A_2265 = arith.constant 1 : i32
      %get3A_2266 = arith.constant 0 : i32
      %get3A_2267 = arith.index_cast %get3A_2265 : i32 to index
      %get3A_2268 = arith.index_cast %get3A_2266 : i32 to index
      %get3A_2269 = arith.constant 48 : index
      %get3A_2270 = tpu.vector_load %arg5[%get3A_2267, %get3A_2268, %get3A_2269] {strides = array<i32>} : memref<2x8x329xf32, #tpu.memory_space<vmem>>, vector<1x1x16xf32>,
      %get3A_2271 = vector.shape_cast %get3A_2270 : vector<1x1x16xf32> to vector<16xf32>
      %get3A_2272 = arith.constant 48 : index
      %get3A_2273 = tpu.vector_load %arg6[%get3A_2272] {strides = array<i32>} : memref<336xf32, #tpu.memory_space<vmem>>, vector<16xf32>,
      %get3A_2274 = vector.shape_cast %get3A_2273 : vector<16xf32> to vector<16xf32>
      %mul3A_2275 = arith.mulf %get3A_2271, %get3A_2274 : vector<16xf32>
      %add3A_2276 = arith.addf %add3A_2264, %mul3A_2275 : vector<16xf32>
      %get3A_2277 = arith.constant 1 : i32
      %get3A_2278 = arith.constant 0 : i32
      %get3A_2279 = arith.index_cast %get3A_2277 : i32 to index
      %get3A_2280 = arith.index_cast %get3A_2278 : i32 to index
      %get3A_2281 = arith.constant 64 : index
      %get3A_2282 = tpu.vector_load %arg5[%get3A_2279, %get3A_2280, %get3A_2281] {strides = array<i32>} : memref<2x8x329xf32, #tpu.memory_space<vmem>>, vector<1x1x16xf32>,
      %get3A_2283 = vector.shape_cast %get3A_2282 : vector<1x1x16xf32> to vector<16xf32>
      %get3A_2284 = arith.constant 64 : index
      %get3A_2285 = tpu.vector_load %arg6[%get3A_2284] {strides = array<i32>} : memref<336xf32, #tpu.memory_space<vmem>>, vector<16xf32>,
      %get3A_2286 = vector.shape_cast %get3A_2285 : vector<16xf32> to vector<16xf32>
      %mul3A_2287 = arith.mulf %get3A_2283, %get3A_2286 : vector<16xf32>
      %add3A_2288 = arith.addf %add3A_2276, %mul3A_2287 : vector<16xf32>
      %get3A_2289 = arith.constant 1 : i32
      %get3A_2290 = arith.constant 0 : i32
      %get3A_2291 = arith.index_cast %get3A_2289 : i32 to index
      %get3A_2292 = arith.index_cast %get3A_2290 : i32 to index
      %get3A_2293 = arith.constant 80 : index
      %get3A_2294 = tpu.vector_load %arg5[%get3A_2291, %get3A_2292, %get3A_2293] {strides = array<i32>} : memref<2x8x329xf32, #tpu.memory_space<vmem>>, vector<1x1x16xf32>,
      %get3A_2295 = vector.shape_cast %get3A_2294 : vector<1x1x16xf32> to vector<16xf32>
      %get3A_2296 = arith.constant 80 : index
      %get3A_2297 = tpu.vector_load %arg6[%get3A_2296] {strides = array<i32>} : memref<336xf32, #tpu.memory_space<vmem>>, vector<16xf32>,
      %get3A_2298 = vector.shape_cast %get3A_2297 : vector<16xf32> to vector<16xf32>
      %mul3A_2299 = arith.mulf %get3A_2295, %get3A_2298 : vector<16xf32>
      %add3A_2300 = arith.addf %add3A_2288, %mul3A_2299 : vector<16xf32>
      %get3A_2301 = arith.constant 1 : i32
      %get3A_2302 = arith.constant 0 : i32
      %get3A_2303 = arith.index_cast %get3A_2301 : i32 to index
      %get3A_2304 = arith.index_cast %get3A_2302 : i32 to index
      %get3A_2305 = arith.constant 96 : index
      %get3A_2306 = tpu.vector_load %arg5[%get3A_2303, %get3A_2304, %get3A_2305] {strides = array<i32>} : memref<2x8x329xf32, #tpu.memory_space<vmem>>, vector<1x1x16xf32>,
      %get3A_2307 = vector.shape_cast %get3A_2306 : vector<1x1x16xf32> to vector<16xf32>
      %get3A_2308 = arith.constant 96 : index
      %get3A_2309 = tpu.vector_load %arg6[%get3A_2308] {strides = array<i32>} : memref<336xf32, #tpu.memory_space<vmem>>, vector<16xf32>,
      %get3A_2310 = vector.shape_cast %get3A_2309 : vector<16xf32> to vector<16xf32>
      %mul3A_2311 = arith.mulf %get3A_2307, %get3A_2310 : vector<16xf32>
      %add3A_2312 = arith.addf %add3A_2300, %mul3A_2311 : vector<16xf32>
      %get3A_2313 = arith.constant 1 : i32
      %get3A_2314 = arith.constant 0 : i32
      %get3A_2315 = arith.index_cast %get3A_2313 : i32 to index
      %get3A_2316 = arith.index_cast %get3A_2314 : i32 to index
      %get3A_2317 = arith.constant 112 : index
      %get3A_2318 = tpu.vector_load %arg5[%get3A_2315, %get3A_2316, %get3A_2317] {strides = array<i32>} : memref<2x8x329xf32, #tpu.memory_space<vmem>>, vector<1x1x16xf32>,
      %get3A_2319 = vector.shape_cast %get3A_2318 : vector<1x1x16xf32> to vector<16xf32>
      %get3A_2320 = arith.constant 112 : index
      %get3A_2321 = tpu.vector_load %arg6[%get3A_2320] {strides = array<i32>} : memref<336xf32, #tpu.memory_space<vmem>>, vector<16xf32>,
      %get3A_2322 = vector.shape_cast %get3A_2321 : vector<16xf32> to vector<16xf32>
      %mul3A_2323 = arith.mulf %get3A_2319, %get3A_2322 : vector<16xf32>
      %add3A_2324 = arith.addf %add3A_2312, %mul3A_2323 : vector<16xf32>
      %get3A_2325 = arith.constant 1 : i32
      %get3A_2326 = arith.constant 0 : i32
      %get3A_2327 = arith.index_cast %get3A_2325 : i32 to index
      %get3A_2328 = arith.index_cast %get3A_2326 : i32 to index
      %get3A_2329 = arith.constant 128 : index
      %get3A_2330 = tpu.vector_load %arg5[%get3A_2327, %get3A_2328, %get3A_2329] {strides = array<i32>} : memref<2x8x329xf32, #tpu.memory_space<vmem>>, vector<1x1x16xf32>,
      %get3A_2331 = vector.shape_cast %get3A_2330 : vector<1x1x16xf32> to vector<16xf32>
      %get3A_2332 = arith.constant 128 : index
      %get3A_2333 = tpu.vector_load %arg6[%get3A_2332] {strides = array<i32>} : memref<336xf32, #tpu.memory_space<vmem>>, vector<16xf32>,
      %get3A_2334 = vector.shape_cast %get3A_2333 : vector<16xf32> to vector<16xf32>
      %mul3A_2335 = arith.mulf %get3A_2331, %get3A_2334 : vector<16xf32>
      %add3A_2336 = arith.addf %add3A_2324, %mul3A_2335 : vector<16xf32>
      %get3A_2337 = arith.constant 1 : i32
      %get3A_2338 = arith.constant 0 : i32
      %get3A_2339 = arith.index_cast %get3A_2337 : i32 to index
      %get3A_2340 = arith.index_cast %get3A_2338 : i32 to index
      %get3A_2341 = arith.constant 144 : index
      %get3A_2342 = tpu.vector_load %arg5[%get3A_2339, %get3A_2340, %get3A_2341] {strides = array<i32>} : memref<2x8x329xf32, #tpu.memory_space<vmem>>, vector<1x1x16xf32>,
      %get3A_2343 = vector.shape_cast %get3A_2342 : vector<1x1x16xf32> to vector<16xf32>
      %get3A_2344 = arith.constant 144 : index
      %get3A_2345 = tpu.vector_load %arg6[%get3A_2344] {strides = array<i32>} : memref<336xf32, #tpu.memory_space<vmem>>, vector<16xf32>,
      %get3A_2346 = vector.shape_cast %get3A_2345 : vector<16xf32> to vector<16xf32>
      %mul3A_2347 = arith.mulf %get3A_2343, %get3A_2346 : vector<16xf32>
      %add3A_2348 = arith.addf %add3A_2336, %mul3A_2347 : vector<16xf32>
      %get3A_2349 = arith.constant 1 : i32
      %get3A_2350 = arith.constant 0 : i32
      %get3A_2351 = arith.index_cast %get3A_2349 : i32 to index
      %get3A_2352 = arith.index_cast %get3A_2350 : i32 to index
      %get3A_2353 = arith.constant 160 : index
      %get3A_2354 = tpu.vector_load %arg5[%get3A_2351, %get3A_2352, %get3A_2353] {strides = array<i32>} : memref<2x8x329xf32, #tpu.memory_space<vmem>>, vector<1x1x16xf32>,
      %get3A_2355 = vector.shape_cast %get3A_2354 : vector<1x1x16xf32> to vector<16xf32>
      %get3A_2356 = arith.constant 160 : index
      %get3A_2357 = tpu.vector_load %arg6[%get3A_2356] {strides = array<i32>} : memref<336xf32, #tpu.memory_space<vmem>>, vector<16xf32>,
      %get3A_2358 = vector.shape_cast %get3A_2357 : vector<16xf32> to vector<16xf32>
      %mul3A_2359 = arith.mulf %get3A_2355, %get3A_2358 : vector<16xf32>
      %add3A_2360 = arith.addf %add3A_2348, %mul3A_2359 : vector<16xf32>
      %get3A_2361 = arith.constant 1 : i32
      %get3A_2362 = arith.constant 0 : i32
      %get3A_2363 = arith.index_cast %get3A_2361 : i32 to index
      %get3A_2364 = arith.index_cast %get3A_2362 : i32 to index
      %get3A_2365 = arith.constant 176 : index
      %get3A_2366 = tpu.vector_load %arg5[%get3A_2363, %get3A_2364, %get3A_2365] {strides = array<i32>} : memref<2x8x329xf32, #tpu.memory_space<vmem>>, vector<1x1x16xf32>,
      %get3A_2367 = vector.shape_cast %get3A_2366 : vector<1x1x16xf32> to vector<16xf32>
      %get3A_2368 = arith.constant 176 : index
      %get3A_2369 = tpu.vector_load %arg6[%get3A_2368] {strides = array<i32>} : memref<336xf32, #tpu.memory_space<vmem>>, vector<16xf32>,
      %get3A_2370 = vector.shape_cast %get3A_2369 : vector<16xf32> to vector<16xf32>
      %mul3A_2371 = arith.mulf %get3A_2367, %get3A_2370 : vector<16xf32>
      %add3A_2372 = arith.addf %add3A_2360, %mul3A_2371 : vector<16xf32>
      %get3A_2373 = arith.constant 1 : i32
      %get3A_2374 = arith.constant 0 : i32
      %get3A_2375 = arith.index_cast %get3A_2373 : i32 to index
      %get3A_2376 = arith.index_cast %get3A_2374 : i32 to index
      %get3A_2377 = arith.constant 192 : index
      %get3A_2378 = tpu.vector_load %arg5[%get3A_2375, %get3A_2376, %get3A_2377] {strides = array<i32>} : memref<2x8x329xf32, #tpu.memory_space<vmem>>, vector<1x1x16xf32>,
      %get3A_2379 = vector.shape_cast %get3A_2378 : vector<1x1x16xf32> to vector<16xf32>
      %get3A_2380 = arith.constant 192 : index
      %get3A_2381 = tpu.vector_load %arg6[%get3A_2380] {strides = array<i32>} : memref<336xf32, #tpu.memory_space<vmem>>, vector<16xf32>,
      %get3A_2382 = vector.shape_cast %get3A_2381 : vector<16xf32> to vector<16xf32>
      %mul3A_2383 = arith.mulf %get3A_2379, %get3A_2382 : vector<16xf32>
      %add3A_2384 = arith.addf %add3A_2372, %mul3A_2383 : vector<16xf32>
      %get3A_2385 = arith.constant 1 : i32
      %get3A_2386 = arith.constant 0 : i32
      %get3A_2387 = arith.index_cast %get3A_2385 : i32 to index
      %get3A_2388 = arith.index_cast %get3A_2386 : i32 to index
      %get3A_2389 = arith.constant 208 : index
      %get3A_2390 = tpu.vector_load %arg5[%get3A_2387, %get3A_2388, %get3A_2389] {strides = array<i32>} : memref<2x8x329xf32, #tpu.memory_space<vmem>>, vector<1x1x16xf32>,
      %get3A_2391 = vector.shape_cast %get3A_2390 : vector<1x1x16xf32> to vector<16xf32>
      %get3A_2392 = arith.constant 208 : index
      %get3A_2393 = tpu.vector_load %arg6[%get3A_2392] {strides = array<i32>} : memref<336xf32, #tpu.memory_space<vmem>>, vector<16xf32>,
      %get3A_2394 = vector.shape_cast %get3A_2393 : vector<16xf32> to vector<16xf32>
      %mul3A_2395 = arith.mulf %get3A_2391, %get3A_2394 : vector<16xf32>
      %add3A_2396 = arith.addf %add3A_2384, %mul3A_2395 : vector<16xf32>
      %get3A_2397 = arith.constant 1 : i32
      %get3A_2398 = arith.constant 0 : i32
      %get3A_2399 = arith.index_cast %get3A_2397 : i32 to index
      %get3A_2400 = arith.index_cast %get3A_2398 : i32 to index
      %get3A_2401 = arith.constant 224 : index
      %get3A_2402 = tpu.vector_load %arg5[%get3A_2399, %get3A_2400, %get3A_2401] {strides = array<i32>} : memref<2x8x329xf32, #tpu.memory_space<vmem>>, vector<1x1x16xf32>,
      %get3A_2403 = vector.shape_cast %get3A_2402 : vector<1x1x16xf32> to vector<16xf32>
      %get3A_2404 = arith.constant 224 : index
      %get3A_2405 = tpu.vector_load %arg6[%get3A_2404] {strides = array<i32>} : memref<336xf32, #tpu.memory_space<vmem>>, vector<16xf32>,
      %get3A_2406 = vector.shape_cast %get3A_2405 : vector<16xf32> to vector<16xf32>
      %mul3A_2407 = arith.mulf %get3A_2403, %get3A_2406 : vector<16xf32>
      %add3A_2408 = arith.addf %add3A_2396, %mul3A_2407 : vector<16xf32>
      %get3A_2409 = arith.constant 1 : i32
      %get3A_2410 = arith.constant 0 : i32
      %get3A_2411 = arith.index_cast %get3A_2409 : i32 to index
      %get3A_2412 = arith.index_cast %get3A_2410 : i32 to index
      %get3A_2413 = arith.constant 240 : index
      %get3A_2414 = tpu.vector_load %arg5[%get3A_2411, %get3A_2412, %get3A_2413] {strides = array<i32>} : memref<2x8x329xf32, #tpu.memory_space<vmem>>, vector<1x1x16xf32>,
      %get3A_2415 = vector.shape_cast %get3A_2414 : vector<1x1x16xf32> to vector<16xf32>
      %get3A_2416 = arith.constant 240 : index
      %get3A_2417 = tpu.vector_load %arg6[%get3A_2416] {strides = array<i32>} : memref<336xf32, #tpu.memory_space<vmem>>, vector<16xf32>,
      %get3A_2418 = vector.shape_cast %get3A_2417 : vector<16xf32> to vector<16xf32>
      %mul3A_2419 = arith.mulf %get3A_2415, %get3A_2418 : vector<16xf32>
      %add3A_2420 = arith.addf %add3A_2408, %mul3A_2419 : vector<16xf32>
      %get3A_2421 = arith.constant 1 : i32
      %get3A_2422 = arith.constant 0 : i32
      %get3A_2423 = arith.index_cast %get3A_2421 : i32 to index
      %get3A_2424 = arith.index_cast %get3A_2422 : i32 to index
      %get3A_2425 = arith.constant 256 : index
      %get3A_2426 = tpu.vector_load %arg5[%get3A_2423, %get3A_2424, %get3A_2425] {strides = array<i32>} : memref<2x8x329xf32, #tpu.memory_space<vmem>>, vector<1x1x16xf32>,
      %get3A_2427 = vector.shape_cast %get3A_2426 : vector<1x1x16xf32> to vector<16xf32>
      %get3A_2428 = arith.constant 256 : index
      %get3A_2429 = tpu.vector_load %arg6[%get3A_2428] {strides = array<i32>} : memref<336xf32, #tpu.memory_space<vmem>>, vector<16xf32>,
      %get3A_2430 = vector.shape_cast %get3A_2429 : vector<16xf32> to vector<16xf32>
      %mul3A_2431 = arith.mulf %get3A_2427, %get3A_2430 : vector<16xf32>
      %add3A_2432 = arith.addf %add3A_2420, %mul3A_2431 : vector<16xf32>
      %get3A_2433 = arith.constant 1 : i32
      %get3A_2434 = arith.constant 0 : i32
      %get3A_2435 = arith.index_cast %get3A_2433 : i32 to index
      %get3A_2436 = arith.index_cast %get3A_2434 : i32 to index
      %get3A_2437 = arith.constant 272 : index
      %get3A_2438 = tpu.vector_load %arg5[%get3A_2435, %get3A_2436, %get3A_2437] {strides = array<i32>} : memref<2x8x329xf32, #tpu.memory_space<vmem>>, vector<1x1x16xf32>,
      %get3A_2439 = vector.shape_cast %get3A_2438 : vector<1x1x16xf32> to vector<16xf32>
      %get3A_2440 = arith.constant 272 : index
      %get3A_2441 = tpu.vector_load %arg6[%get3A_2440] {strides = array<i32>} : memref<336xf32, #tpu.memory_space<vmem>>, vector<16xf32>,
      %get3A_2442 = vector.shape_cast %get3A_2441 : vector<16xf32> to vector<16xf32>
      %mul3A_2443 = arith.mulf %get3A_2439, %get3A_2442 : vector<16xf32>
      %add3A_2444 = arith.addf %add3A_2432, %mul3A_2443 : vector<16xf32>
      %get3A_2445 = arith.constant 1 : i32
      %get3A_2446 = arith.constant 0 : i32
      %get3A_2447 = arith.index_cast %get3A_2445 : i32 to index
      %get3A_2448 = arith.index_cast %get3A_2446 : i32 to index
      %get3A_2449 = arith.constant 288 : index
      %get3A_2450 = tpu.vector_load %arg5[%get3A_2447, %get3A_2448, %get3A_2449] {strides = array<i32>} : memref<2x8x329xf32, #tpu.memory_space<vmem>>, vector<1x1x16xf32>,
      %get3A_2451 = vector.shape_cast %get3A_2450 : vector<1x1x16xf32> to vector<16xf32>
      %get3A_2452 = arith.constant 288 : index
      %get3A_2453 = tpu.vector_load %arg6[%get3A_2452] {strides = array<i32>} : memref<336xf32, #tpu.memory_space<vmem>>, vector<16xf32>,
      %get3A_2454 = vector.shape_cast %get3A_2453 : vector<16xf32> to vector<16xf32>
      %mul3A_2455 = arith.mulf %get3A_2451, %get3A_2454 : vector<16xf32>
      %add3A_2456 = arith.addf %add3A_2444, %mul3A_2455 : vector<16xf32>
      %get3A_2457 = arith.constant 1 : i32
      %get3A_2458 = arith.constant 0 : i32
      %get3A_2459 = arith.index_cast %get3A_2457 : i32 to index
      %get3A_2460 = arith.index_cast %get3A_2458 : i32 to index
      %get3A_2461 = arith.constant 304 : index
      %get3A_2462 = tpu.vector_load %arg5[%get3A_2459, %get3A_2460, %get3A_2461] {strides = array<i32>} : memref<2x8x329xf32, #tpu.memory_space<vmem>>, vector<1x1x16xf32>,
      %get3A_2463 = vector.shape_cast %get3A_2462 : vector<1x1x16xf32> to vector<16xf32>
      %get3A_2464 = arith.constant 304 : index
      %get3A_2465 = tpu.vector_load %arg6[%get3A_2464] {strides = array<i32>} : memref<336xf32, #tpu.memory_space<vmem>>, vector<16xf32>,
      %get3A_2466 = vector.shape_cast %get3A_2465 : vector<16xf32> to vector<16xf32>
      %mul3A_2467 = arith.mulf %get3A_2463, %get3A_2466 : vector<16xf32>
      %add3A_2468 = arith.addf %add3A_2456, %mul3A_2467 : vector<16xf32>
      %get3A_2469 = arith.constant 1 : i32
      %get3A_2470 = arith.constant 0 : i32
      %get3A_2471 = arith.index_cast %get3A_2469 : i32 to index
      %get3A_2472 = arith.index_cast %get3A_2470 : i32 to index
      %get3A_2473 = arith.constant 313 : index
      %get3A_2474 = tpu.vector_load %arg5[%get3A_2471, %get3A_2472, %get3A_2473] {strides = array<i32>} : memref<2x8x329xf32, #tpu.memory_space<vmem>>, vector<1x1x16xf32>,
      %get3A_2475 = vector.shape_cast %get3A_2474 : vector<1x1x16xf32> to vector<16xf32>
      %get3A_2476 = arith.constant 320 : index
      %get3A_2477 = tpu.vector_load %arg6[%get3A_2476] {strides = array<i32>} : memref<336xf32, #tpu.memory_space<vmem>>, vector<16xf32>,
      %get3A_2478 = vector.shape_cast %get3A_2477 : vector<16xf32> to vector<16xf32>
      %mul3A_2479 = arith.mulf %get3A_2475, %get3A_2478 : vector<16xf32>
      %add3A_2480 = arith.addf %add3A_2468, %mul3A_2479 : vector<16xf32>
      %mul3A_2481 = arith.constant 8 : i32
      %mul3A_2482 = arith.muli %add3A_2184, %mul3A_2481 : i32
      %add3A_2483 = arith.constant 0 : i32
      %add3A_2484 = arith.addi %mul3A_2482, %add3A_2483 : i32
      %mul3A_2485 = arith.constant 16 : i32
      %mul3A_2486 = arith.muli %add3A_2484, %mul3A_2485 : i32
      %swap3A_2487 = arith.index_cast %mul3A_2486 : i32 to index
      %swap3A_2488 = tpu.vector_load %arg7[%swap3A_2487] {strides = array<i32>} : memref<10496xf32, #tpu.memory_space<vmem>>, vector<16xf32>,
      %swap3A_2489 = vector.shape_cast %swap3A_2488 : vector<16xf32> to vector<16xf32>
      %swap3A_2490 = vector.shape_cast %add3A_2480 : vector<16xf32> to vector<16xf32>
      tpu.vector_store %arg7[%swap3A_2487], %swap3A_2490 {strides = array<i32>} : memref<10496xf32, #tpu.memory_space<vmem>>, vector<16xf32>,
      %get3A_2491 = arith.constant 1 : i32
      %get3A_2492 = arith.constant 1 : i32
      %get3A_2493 = arith.index_cast %get3A_2491 : i32 to index
      %get3A_2494 = arith.index_cast %get3A_2492 : i32 to index
      %get3A_2495 = arith.constant 0 : index
      %get3A_2496 = tpu.vector_load %arg5[%get3A_2493, %get3A_2494, %get3A_2495] {strides = array<i32>} : memref<2x8x329xf32, #tpu.memory_space<vmem>>, vector<1x1x16xf32>,
      %get3A_2497 = vector.shape_cast %get3A_2496 : vector<1x1x16xf32> to vector<16xf32>
      %get3A_2498 = arith.constant 0 : index
      %get3A_2499 = tpu.vector_load %arg6[%get3A_2498] {strides = array<i32>} : memref<336xf32, #tpu.memory_space<vmem>>, vector<16xf32>,
      %get3A_2500 = vector.shape_cast %get3A_2499 : vector<16xf32> to vector<16xf32>
      %mul3A_2501 = arith.mulf %get3A_2497, %get3A_2500 : vector<16xf32>
      %get3A_2502 = arith.constant 1 : i32
      %get3A_2503 = arith.constant 1 : i32
      %get3A_2504 = arith.index_cast %get3A_2502 : i32 to index
      %get3A_2505 = arith.index_cast %get3A_2503 : i32 to index
      %get3A_2506 = arith.constant 16 : index
      %get3A_2507 = tpu.vector_load %arg5[%get3A_2504, %get3A_2505, %get3A_2506] {strides = array<i32>} : memref<2x8x329xf32, #tpu.memory_space<vmem>>, vector<1x1x16xf32>,
      %get3A_2508 = vector.shape_cast %get3A_2507 : vector<1x1x16xf32> to vector<16xf32>
      %get3A_2509 = arith.constant 16 : index
      %get3A_2510 = tpu.vector_load %arg6[%get3A_2509] {strides = array<i32>} : memref<336xf32, #tpu.memory_space<vmem>>, vector<16xf32>,
      %get3A_2511 = vector.shape_cast %get3A_2510 : vector<16xf32> to vector<16xf32>
      %mul3A_2512 = arith.mulf %get3A_2508, %get3A_2511 : vector<16xf32>
      %add3A_2513 = arith.addf %mul3A_2501, %mul3A_2512 : vector<16xf32>
      %get3A_2514 = arith.constant 1 : i32
      %get3A_2515 = arith.constant 1 : i32
      %get3A_2516 = arith.index_cast %get3A_2514 : i32 to index
      %get3A_2517 = arith.index_cast %get3A_2515 : i32 to index
      %get3A_2518 = arith.constant 32 : index
      %get3A_2519 = tpu.vector_load %arg5[%get3A_2516, %get3A_2517, %get3A_2518] {strides = array<i32>} : memref<2x8x329xf32, #tpu.memory_space<vmem>>, vector<1x1x16xf32>,
      %get3A_2520 = vector.shape_cast %get3A_2519 : vector<1x1x16xf32> to vector<16xf32>
      %get3A_2521 = arith.constant 32 : index
      %get3A_2522 = tpu.vector_load %arg6[%get3A_2521] {strides = array<i32>} : memref<336xf32, #tpu.memory_space<vmem>>, vector<16xf32>,
      %get3A_2523 = vector.shape_cast %get3A_2522 : vector<16xf32> to vector<16xf32>
      %mul3A_2524 = arith.mulf %get3A_2520, %get3A_2523 : vector<16xf32>
      %add3A_2525 = arith.addf %add3A_2513, %mul3A_2524 : vector<16xf32>
      %get3A_2526 = arith.constant 1 : i32
      %get3A_2527 = arith.constant 1 : i32
      %get3A_2528 = arith.index_cast %get3A_2526 : i32 to index
      %get3A_2529 = arith.index_cast %get3A_2527 : i32 to index
      %get3A_2530 = arith.constant 48 : index
      %get3A_2531 = tpu.vector_load %arg5[%get3A_2528, %get3A_2529, %get3A_2530] {strides = array<i32>} : memref<2x8x329xf32, #tpu.memory_space<vmem>>, vector<1x1x16xf32>,
      %get3A_2532 = vector.shape_cast %get3A_2531 : vector<1x1x16xf32> to vector<16xf32>
      %get3A_2533 = arith.constant 48 : index
      %get3A_2534 = tpu.vector_load %arg6[%get3A_2533] {strides = array<i32>} : memref<336xf32, #tpu.memory_space<vmem>>, vector<16xf32>,
      %get3A_2535 = vector.shape_cast %get3A_2534 : vector<16xf32> to vector<16xf32>
      %mul3A_2536 = arith.mulf %get3A_2532, %get3A_2535 : vector<16xf32>
      %add3A_2537 = arith.addf %add3A_2525, %mul3A_2536 : vector<16xf32>
      %get3A_2538 = arith.constant 1 : i32
      %get3A_2539 = arith.constant 1 : i32
      %get3A_2540 = arith.index_cast %get3A_2538 : i32 to index
      %get3A_2541 = arith.index_cast %get3A_2539 : i32 to index
      %get3A_2542 = arith.constant 64 : index
      %get3A_2543 = tpu.vector_load %arg5[%get3A_2540, %get3A_2541, %get3A_2542] {strides = array<i32>} : memref<2x8x329xf32, #tpu.memory_space<vmem>>, vector<1x1x16xf32>,
      %get3A_2544 = vector.shape_cast %get3A_2543 : vector<1x1x16xf32> to vector<16xf32>
      %get3A_2545 = arith.constant 64 : index
      %get3A_2546 = tpu.vector_load %arg6[%get3A_2545] {strides = array<i32>} : memref<336xf32, #tpu.memory_space<vmem>>, vector<16xf32>,
      %get3A_2547 = vector.shape_cast %get3A_2546 : vector<16xf32> to vector<16xf32>
      %mul3A_2548 = arith.mulf %get3A_2544, %get3A_2547 : vector<16xf32>
      %add3A_2549 = arith.addf %add3A_2537, %mul3A_2548 : vector<16xf32>
      %get3A_2550 = arith.constant 1 : i32
      %get3A_2551 = arith.constant 1 : i32
      %get3A_2552 = arith.index_cast %get3A_2550 : i32 to index
      %get3A_2553 = arith.index_cast %get3A_2551 : i32 to index
      %get3A_2554 = arith.constant 80 : index
      %get3A_2555 = tpu.vector_load %arg5[%get3A_2552, %get3A_2553, %get3A_2554] {strides = array<i32>} : memref<2x8x329xf32, #tpu.memory_space<vmem>>, vector<1x1x16xf32>,
      %get3A_2556 = vector.shape_cast %get3A_2555 : vector<1x1x16xf32> to vector<16xf32>
      %get3A_2557 = arith.constant 80 : index
      %get3A_2558 = tpu.vector_load %arg6[%get3A_2557] {strides = array<i32>} : memref<336xf32, #tpu.memory_space<vmem>>, vector<16xf32>,
      %get3A_2559 = vector.shape_cast %get3A_2558 : vector<16xf32> to vector<16xf32>
      %mul3A_2560 = arith.mulf %get3A_2556, %get3A_2559 : vector<16xf32>
      %add3A_2561 = arith.addf %add3A_2549, %mul3A_2560 : vector<16xf32>
      %get3A_2562 = arith.constant 1 : i32
      %get3A_2563 = arith.constant 1 : i32
      %get3A_2564 = arith.index_cast %get3A_2562 : i32 to index
      %get3A_2565 = arith.index_cast %get3A_2563 : i32 to index
      %get3A_2566 = arith.constant 96 : index
      %get3A_2567 = tpu.vector_load %arg5[%get3A_2564, %get3A_2565, %get3A_2566] {strides = array<i32>} : memref<2x8x329xf32, #tpu.memory_space<vmem>>, vector<1x1x16xf32>,
      %get3A_2568 = vector.shape_cast %get3A_2567 : vector<1x1x16xf32> to vector<16xf32>
      %get3A_2569 = arith.constant 96 : index
      %get3A_2570 = tpu.vector_load %arg6[%get3A_2569] {strides = array<i32>} : memref<336xf32, #tpu.memory_space<vmem>>, vector<16xf32>,
      %get3A_2571 = vector.shape_cast %get3A_2570 : vector<16xf32> to vector<16xf32>
      %mul3A_2572 = arith.mulf %get3A_2568, %get3A_2571 : vector<16xf32>
      %add3A_2573 = arith.addf %add3A_2561, %mul3A_2572 : vector<16xf32>
      %get3A_2574 = arith.constant 1 : i32
      %get3A_2575 = arith.constant 1 : i32
      %get3A_2576 = arith.index_cast %get3A_2574 : i32 to index
      %get3A_2577 = arith.index_cast %get3A_2575 : i32 to index
      %get3A_2578 = arith.constant 112 : index
      %get3A_2579 = tpu.vector_load %arg5[%get3A_2576, %get3A_2577, %get3A_2578] {strides = array<i32>} : memref<2x8x329xf32, #tpu.memory_space<vmem>>, vector<1x1x16xf32>,
      %get3A_2580 = vector.shape_cast %get3A_2579 : vector<1x1x16xf32> to vector<16xf32>
      %get3A_2581 = arith.constant 112 : index
      %get3A_2582 = tpu.vector_load %arg6[%get3A_2581] {strides = array<i32>} : memref<336xf32, #tpu.memory_space<vmem>>, vector<16xf32>,
      %get3A_2583 = vector.shape_cast %get3A_2582 : vector<16xf32> to vector<16xf32>
      %mul3A_2584 = arith.mulf %get3A_2580, %get3A_2583 : vector<16xf32>
      %add3A_2585 = arith.addf %add3A_2573, %mul3A_2584 : vector<16xf32>
      %get3A_2586 = arith.constant 1 : i32
      %get3A_2587 = arith.constant 1 : i32
      %get3A_2588 = arith.index_cast %get3A_2586 : i32 to index
      %get3A_2589 = arith.index_cast %get3A_2587 : i32 to index
      %get3A_2590 = arith.constant 128 : index
      %get3A_2591 = tpu.vector_load %arg5[%get3A_2588, %get3A_2589, %get3A_2590] {strides = array<i32>} : memref<2x8x329xf32, #tpu.memory_space<vmem>>, vector<1x1x16xf32>,
      %get3A_2592 = vector.shape_cast %get3A_2591 : vector<1x1x16xf32> to vector<16xf32>
      %get3A_2593 = arith.constant 128 : index
      %get3A_2594 = tpu.vector_load %arg6[%get3A_2593] {strides = array<i32>} : memref<336xf32, #tpu.memory_space<vmem>>, vector<16xf32>,
      %get3A_2595 = vector.shape_cast %get3A_2594 : vector<16xf32> to vector<16xf32>
      %mul3A_2596 = arith.mulf %get3A_2592, %get3A_2595 : vector<16xf32>
      %add3A_2597 = arith.addf %add3A_2585, %mul3A_2596 : vector<16xf32>
      %get3A_2598 = arith.constant 1 : i32
      %get3A_2599 = arith.constant 1 : i32
      %get3A_2600 = arith.index_cast %get3A_2598 : i32 to index
      %get3A_2601 = arith.index_cast %get3A_2599 : i32 to index
      %get3A_2602 = arith.constant 144 : index
      %get3A_2603 = tpu.vector_load %arg5[%get3A_2600, %get3A_2601, %get3A_2602] {strides = array<i32>} : memref<2x8x329xf32, #tpu.memory_space<vmem>>, vector<1x1x16xf32>,
      %get3A_2604 = vector.shape_cast %get3A_2603 : vector<1x1x16xf32> to vector<16xf32>
      %get3A_2605 = arith.constant 144 : index
      %get3A_2606 = tpu.vector_load %arg6[%get3A_2605] {strides = array<i32>} : memref<336xf32, #tpu.memory_space<vmem>>, vector<16xf32>,
      %get3A_2607 = vector.shape_cast %get3A_2606 : vector<16xf32> to vector<16xf32>
      %mul3A_2608 = arith.mulf %get3A_2604, %get3A_2607 : vector<16xf32>
      %add3A_2609 = arith.addf %add3A_2597, %mul3A_2608 : vector<16xf32>
      %get3A_2610 = arith.constant 1 : i32
      %get3A_2611 = arith.constant 1 : i32
      %get3A_2612 = arith.index_cast %get3A_2610 : i32 to index
      %get3A_2613 = arith.index_cast %get3A_2611 : i32 to index
      %get3A_2614 = arith.constant 160 : index
      %get3A_2615 = tpu.vector_load %arg5[%get3A_2612, %get3A_2613, %get3A_2614] {strides = array<i32>} : memref<2x8x329xf32, #tpu.memory_space<vmem>>, vector<1x1x16xf32>,
      %get3A_2616 = vector.shape_cast %get3A_2615 : vector<1x1x16xf32> to vector<16xf32>
      %get3A_2617 = arith.constant 160 : index
      %get3A_2618 = tpu.vector_load %arg6[%get3A_2617] {strides = array<i32>} : memref<336xf32, #tpu.memory_space<vmem>>, vector<16xf32>,
      %get3A_2619 = vector.shape_cast %get3A_2618 : vector<16xf32> to vector<16xf32>
      %mul3A_2620 = arith.mulf %get3A_2616, %get3A_2619 : vector<16xf32>
      %add3A_2621 = arith.addf %add3A_2609, %mul3A_2620 : vector<16xf32>
      %get3A_2622 = arith.constant 1 : i32
      %get3A_2623 = arith.constant 1 : i32
      %get3A_2624 = arith.index_cast %get3A_2622 : i32 to index
      %get3A_2625 = arith.index_cast %get3A_2623 : i32 to index
      %get3A_2626 = arith.constant 176 : index
      %get3A_2627 = tpu.vector_load %arg5[%get3A_2624, %get3A_2625, %get3A_2626] {strides = array<i32>} : memref<2x8x329xf32, #tpu.memory_space<vmem>>, vector<1x1x16xf32>,
      %get3A_2628 = vector.shape_cast %get3A_2627 : vector<1x1x16xf32> to vector<16xf32>
      %get3A_2629 = arith.constant 176 : index
      %get3A_2630 = tpu.vector_load %arg6[%get3A_2629] {strides = array<i32>} : memref<336xf32, #tpu.memory_space<vmem>>, vector<16xf32>,
      %get3A_2631 = vector.shape_cast %get3A_2630 : vector<16xf32> to vector<16xf32>
      %mul3A_2632 = arith.mulf %get3A_2628, %get3A_2631 : vector<16xf32>
      %add3A_2633 = arith.addf %add3A_2621, %mul3A_2632 : vector<16xf32>
      %get3A_2634 = arith.constant 1 : i32
      %get3A_2635 = arith.constant 1 : i32
      %get3A_2636 = arith.index_cast %get3A_2634 : i32 to index
      %get3A_2637 = arith.index_cast %get3A_2635 : i32 to index
      %get3A_2638 = arith.constant 192 : index
      %get3A_2639 = tpu.vector_load %arg5[%get3A_2636, %get3A_2637, %get3A_2638] {strides = array<i32>} : memref<2x8x329xf32, #tpu.memory_space<vmem>>, vector<1x1x16xf32>,
      %get3A_2640 = vector.shape_cast %get3A_2639 : vector<1x1x16xf32> to vector<16xf32>
      %get3A_2641 = arith.constant 192 : index
      %get3A_2642 = tpu.vector_load %arg6[%get3A_2641] {strides = array<i32>} : memref<336xf32, #tpu.memory_space<vmem>>, vector<16xf32>,
      %get3A_2643 = vector.shape_cast %get3A_2642 : vector<16xf32> to vector<16xf32>
      %mul3A_2644 = arith.mulf %get3A_2640, %get3A_2643 : vector<16xf32>
      %add3A_2645 = arith.addf %add3A_2633, %mul3A_2644 : vector<16xf32>
      %get3A_2646 = arith.constant 1 : i32
      %get3A_2647 = arith.constant 1 : i32
      %get3A_2648 = arith.index_cast %get3A_2646 : i32 to index
      %get3A_2649 = arith.index_cast %get3A_2647 : i32 to index
      %get3A_2650 = arith.constant 208 : index
      %get3A_2651 = tpu.vector_load %arg5[%get3A_2648, %get3A_2649, %get3A_2650] {strides = array<i32>} : memref<2x8x329xf32, #tpu.memory_space<vmem>>, vector<1x1x16xf32>,
      %get3A_2652 = vector.shape_cast %get3A_2651 : vector<1x1x16xf32> to vector<16xf32>
      %get3A_2653 = arith.constant 208 : index
      %get3A_2654 = tpu.vector_load %arg6[%get3A_2653] {strides = array<i32>} : memref<336xf32, #tpu.memory_space<vmem>>, vector<16xf32>,
      %get3A_2655 = vector.shape_cast %get3A_2654 : vector<16xf32> to vector<16xf32>
      %mul3A_2656 = arith.mulf %get3A_2652, %get3A_2655 : vector<16xf32>
      %add3A_2657 = arith.addf %add3A_2645, %mul3A_2656 : vector<16xf32>
      %get3A_2658 = arith.constant 1 : i32
      %get3A_2659 = arith.constant 1 : i32
      %get3A_2660 = arith.index_cast %get3A_2658 : i32 to index
      %get3A_2661 = arith.index_cast %get3A_2659 : i32 to index
      %get3A_2662 = arith.constant 224 : index
      %get3A_2663 = tpu.vector_load %arg5[%get3A_2660, %get3A_2661, %get3A_2662] {strides = array<i32>} : memref<2x8x329xf32, #tpu.memory_space<vmem>>, vector<1x1x16xf32>,
      %get3A_2664 = vector.shape_cast %get3A_2663 : vector<1x1x16xf32> to vector<16xf32>
      %get3A_2665 = arith.constant 224 : index
      %get3A_2666 = tpu.vector_load %arg6[%get3A_2665] {strides = array<i32>} : memref<336xf32, #tpu.memory_space<vmem>>, vector<16xf32>,
      %get3A_2667 = vector.shape_cast %get3A_2666 : vector<16xf32> to vector<16xf32>
      %mul3A_2668 = arith.mulf %get3A_2664, %get3A_2667 : vector<16xf32>
      %add3A_2669 = arith.addf %add3A_2657, %mul3A_2668 : vector<16xf32>
      %get3A_2670 = arith.constant 1 : i32
      %get3A_2671 = arith.constant 1 : i32
      %get3A_2672 = arith.index_cast %get3A_2670 : i32 to index
      %get3A_2673 = arith.index_cast %get3A_2671 : i32 to index
      %get3A_2674 = arith.constant 240 : index
      %get3A_2675 = tpu.vector_load %arg5[%get3A_2672, %get3A_2673, %get3A_2674] {strides = array<i32>} : memref<2x8x329xf32, #tpu.memory_space<vmem>>, vector<1x1x16xf32>,
      %get3A_2676 = vector.shape_cast %get3A_2675 : vector<1x1x16xf32> to vector<16xf32>
      %get3A_2677 = arith.constant 240 : index
      %get3A_2678 = tpu.vector_load %arg6[%get3A_2677] {strides = array<i32>} : memref<336xf32, #tpu.memory_space<vmem>>, vector<16xf32>,
      %get3A_2679 = vector.shape_cast %get3A_2678 : vector<16xf32> to vector<16xf32>
      %mul3A_2680 = arith.mulf %get3A_2676, %get3A_2679 : vector<16xf32>
      %add3A_2681 = arith.addf %add3A_2669, %mul3A_2680 : vector<16xf32>
      %get3A_2682 = arith.constant 1 : i32
      %get3A_2683 = arith.constant 1 : i32
      %get3A_2684 = arith.index_cast %get3A_2682 : i32 to index
      %get3A_2685 = arith.index_cast %get3A_2683 : i32 to index
      %get3A_2686 = arith.constant 256 : index
      %get3A_2687 = tpu.vector_load %arg5[%get3A_2684, %get3A_2685, %get3A_2686] {strides = array<i32>} : memref<2x8x329xf32, #tpu.memory_space<vmem>>, vector<1x1x16xf32>,
      %get3A_2688 = vector.shape_cast %get3A_2687 : vector<1x1x16xf32> to vector<16xf32>
      %get3A_2689 = arith.constant 256 : index
      %get3A_2690 = tpu.vector_load %arg6[%get3A_2689] {strides = array<i32>} : memref<336xf32, #tpu.memory_space<vmem>>, vector<16xf32>,
      %get3A_2691 = vector.shape_cast %get3A_2690 : vector<16xf32> to vector<16xf32>
      %mul3A_2692 = arith.mulf %get3A_2688, %get3A_2691 : vector<16xf32>
      %add3A_2693 = arith.addf %add3A_2681, %mul3A_2692 : vector<16xf32>
      %get3A_2694 = arith.constant 1 : i32
      %get3A_2695 = arith.constant 1 : i32
      %get3A_2696 = arith.index_cast %get3A_2694 : i32 to index
      %get3A_2697 = arith.index_cast %get3A_2695 : i32 to index
      %get3A_2698 = arith.constant 272 : index
      %get3A_2699 = tpu.vector_load %arg5[%get3A_2696, %get3A_2697, %get3A_2698] {strides = array<i32>} : memref<2x8x329xf32, #tpu.memory_space<vmem>>, vector<1x1x16xf32>,
      %get3A_2700 = vector.shape_cast %get3A_2699 : vector<1x1x16xf32> to vector<16xf32>
      %get3A_2701 = arith.constant 272 : index
      %get3A_2702 = tpu.vector_load %arg6[%get3A_2701] {strides = array<i32>} : memref<336xf32, #tpu.memory_space<vmem>>, vector<16xf32>,
      %get3A_2703 = vector.shape_cast %get3A_2702 : vector<16xf32> to vector<16xf32>
      %mul3A_2704 = arith.mulf %get3A_2700, %get3A_2703 : vector<16xf32>
      %add3A_2705 = arith.addf %add3A_2693, %mul3A_2704 : vector<16xf32>
      %get3A_2706 = arith.constant 1 : i32
      %get3A_2707 = arith.constant 1 : i32
      %get3A_2708 = arith.index_cast %get3A_2706 : i32 to index
      %get3A_2709 = arith.index_cast %get3A_2707 : i32 to index
      %get3A_2710 = arith.constant 288 : index
      %get3A_2711 = tpu.vector_load %arg5[%get3A_2708, %get3A_2709, %get3A_2710] {strides = array<i32>} : memref<2x8x329xf32, #tpu.memory_space<vmem>>, vector<1x1x16xf32>,
      %get3A_2712 = vector.shape_cast %get3A_2711 : vector<1x1x16xf32> to vector<16xf32>
      %get3A_2713 = arith.constant 288 : index
      %get3A_2714 = tpu.vector_load %arg6[%get3A_2713] {strides = array<i32>} : memref<336xf32, #tpu.memory_space<vmem>>, vector<16xf32>,
      %get3A_2715 = vector.shape_cast %get3A_2714 : vector<16xf32> to vector<16xf32>
      %mul3A_2716 = arith.mulf %get3A_2712, %get3A_2715 : vector<16xf32>
      %add3A_2717 = arith.addf %add3A_2705, %mul3A_2716 : vector<16xf32>
      %get3A_2718 = arith.constant 1 : i32
      %get3A_2719 = arith.constant 1 : i32
      %get3A_2720 = arith.index_cast %get3A_2718 : i32 to index
      %get3A_2721 = arith.index_cast %get3A_2719 : i32 to index
      %get3A_2722 = arith.constant 304 : index
      %get3A_2723 = tpu.vector_load %arg5[%get3A_2720, %get3A_2721, %get3A_2722] {strides = array<i32>} : memref<2x8x329xf32, #tpu.memory_space<vmem>>, vector<1x1x16xf32>,
      %get3A_2724 = vector.shape_cast %get3A_2723 : vector<1x1x16xf32> to vector<16xf32>
      %get3A_2725 = arith.constant 304 : index
      %get3A_2726 = tpu.vector_load %arg6[%get3A_2725] {strides = array<i32>} : memref<336xf32, #tpu.memory_space<vmem>>, vector<16xf32>,
      %get3A_2727 = vector.shape_cast %get3A_2726 : vector<16xf32> to vector<16xf32>
      %mul3A_2728 = arith.mulf %get3A_2724, %get3A_2727 : vector<16xf32>
      %add3A_2729 = arith.addf %add3A_2717, %mul3A_2728 : vector<16xf32>
      %get3A_2730 = arith.constant 1 : i32
      %get3A_2731 = arith.constant 1 : i32
      %get3A_2732 = arith.index_cast %get3A_2730 : i32 to index
      %get3A_2733 = arith.index_cast %get3A_2731 : i32 to index
      %get3A_2734 = arith.constant 313 : index
      %get3A_2735 = tpu.vector_load %arg5[%get3A_2732, %get3A_2733, %get3A_2734] {strides = array<i32>} : memref<2x8x329xf32, #tpu.memory_space<vmem>>, vector<1x1x16xf32>,
      %get3A_2736 = vector.shape_cast %get3A_2735 : vector<1x1x16xf32> to vector<16xf32>
      %get3A_2737 = arith.constant 320 : index
      %get3A_2738 = tpu.vector_load %arg6[%get3A_2737] {strides = array<i32>} : memref<336xf32, #tpu.memory_space<vmem>>, vector<16xf32>,
      %get3A_2739 = vector.shape_cast %get3A_2738 : vector<16xf32> to vector<16xf32>
      %mul3A_2740 = arith.mulf %get3A_2736, %get3A_2739 : vector<16xf32>
      %add3A_2741 = arith.addf %add3A_2729, %mul3A_2740 : vector<16xf32>
      %mul3A_2742 = arith.constant 8 : i32
      %mul3A_2743 = arith.muli %add3A_2184, %mul3A_2742 : i32
      %add3A_2744 = arith.constant 1 : i32
      %add3A_2745 = arith.addi %mul3A_2743, %add3A_2744 : i32
      %mul3A_2746 = arith.constant 16 : i32
      %mul3A_2747 = arith.muli %add3A_2745, %mul3A_2746 : i32
      %swap3A_2748 = arith.index_cast %mul3A_2747 : i32 to index
      %swap3A_2749 = tpu.vector_load %arg7[%swap3A_2748] {strides = array<i32>} : memref<10496xf32, #tpu.memory_space<vmem>>, vector<16xf32>,
      %swap3A_2750 = vector.shape_cast %swap3A_2749 : vector<16xf32> to vector<16xf32>
      %swap3A_2751 = vector.shape_cast %add3A_2741 : vector<16xf32> to vector<16xf32>
      tpu.vector_store %arg7[%swap3A_2748], %swap3A_2751 {strides = array<i32>} : memref<10496xf32, #tpu.memory_space<vmem>>, vector<16xf32>,
      %get3A_2752 = arith.constant 1 : i32
      %get3A_2753 = arith.constant 2 : i32
      %get3A_2754 = arith.index_cast %get3A_2752 : i32 to index
      %get3A_2755 = arith.index_cast %get3A_2753 : i32 to index
      %get3A_2756 = arith.constant 0 : index
      %get3A_2757 = tpu.vector_load %arg5[%get3A_2754, %get3A_2755, %get3A_2756] {strides = array<i32>} : memref<2x8x329xf32, #tpu.memory_space<vmem>>, vector<1x1x16xf32>,
      %get3A_2758 = vector.shape_cast %get3A_2757 : vector<1x1x16xf32> to vector<16xf32>
      %get3A_2759 = arith.constant 0 : index
      %get3A_2760 = tpu.vector_load %arg6[%get3A_2759] {strides = array<i32>} : memref<336xf32, #tpu.memory_space<vmem>>, vector<16xf32>,
      %get3A_2761 = vector.shape_cast %get3A_2760 : vector<16xf32> to vector<16xf32>
      %mul3A_2762 = arith.mulf %get3A_2758, %get3A_2761 : vector<16xf32>
      %get3A_2763 = arith.constant 1 : i32
      %get3A_2764 = arith.constant 2 : i32
      %get3A_2765 = arith.index_cast %get3A_2763 : i32 to index
      %get3A_2766 = arith.index_cast %get3A_2764 : i32 to index
      %get3A_2767 = arith.constant 16 : index
      %get3A_2768 = tpu.vector_load %arg5[%get3A_2765, %get3A_2766, %get3A_2767] {strides = array<i32>} : memref<2x8x329xf32, #tpu.memory_space<vmem>>, vector<1x1x16xf32>,
      %get3A_2769 = vector.shape_cast %get3A_2768 : vector<1x1x16xf32> to vector<16xf32>
      %get3A_2770 = arith.constant 16 : index
      %get3A_2771 = tpu.vector_load %arg6[%get3A_2770] {strides = array<i32>} : memref<336xf32, #tpu.memory_space<vmem>>, vector<16xf32>,
      %get3A_2772 = vector.shape_cast %get3A_2771 : vector<16xf32> to vector<16xf32>
      %mul3A_2773 = arith.mulf %get3A_2769, %get3A_2772 : vector<16xf32>
      %add3A_2774 = arith.addf %mul3A_2762, %mul3A_2773 : vector<16xf32>
      %get3A_2775 = arith.constant 1 : i32
      %get3A_2776 = arith.constant 2 : i32
      %get3A_2777 = arith.index_cast %get3A_2775 : i32 to index
      %get3A_2778 = arith.index_cast %get3A_2776 : i32 to index
      %get3A_2779 = arith.constant 32 : index
      %get3A_2780 = tpu.vector_load %arg5[%get3A_2777, %get3A_2778, %get3A_2779] {strides = array<i32>} : memref<2x8x329xf32, #tpu.memory_space<vmem>>, vector<1x1x16xf32>,
      %get3A_2781 = vector.shape_cast %get3A_2780 : vector<1x1x16xf32> to vector<16xf32>
      %get3A_2782 = arith.constant 32 : index
      %get3A_2783 = tpu.vector_load %arg6[%get3A_2782] {strides = array<i32>} : memref<336xf32, #tpu.memory_space<vmem>>, vector<16xf32>,
      %get3A_2784 = vector.shape_cast %get3A_2783 : vector<16xf32> to vector<16xf32>
      %mul3A_2785 = arith.mulf %get3A_2781, %get3A_2784 : vector<16xf32>
      %add3A_2786 = arith.addf %add3A_2774, %mul3A_2785 : vector<16xf32>
      %get3A_2787 = arith.constant 1 : i32
      %get3A_2788 = arith.constant 2 : i32
      %get3A_2789 = arith.index_cast %get3A_2787 : i32 to index
      %get3A_2790 = arith.index_cast %get3A_2788 : i32 to index
      %get3A_2791 = arith.constant 48 : index
      %get3A_2792 = tpu.vector_load %arg5[%get3A_2789, %get3A_2790, %get3A_2791] {strides = array<i32>} : memref<2x8x329xf32, #tpu.memory_space<vmem>>, vector<1x1x16xf32>,
      %get3A_2793 = vector.shape_cast %get3A_2792 : vector<1x1x16xf32> to vector<16xf32>
      %get3A_2794 = arith.constant 48 : index
      %get3A_2795 = tpu.vector_load %arg6[%get3A_2794] {strides = array<i32>} : memref<336xf32, #tpu.memory_space<vmem>>, vector<16xf32>,
      %get3A_2796 = vector.shape_cast %get3A_2795 : vector<16xf32> to vector<16xf32>
      %mul3A_2797 = arith.mulf %get3A_2793, %get3A_2796 : vector<16xf32>
      %add3A_2798 = arith.addf %add3A_2786, %mul3A_2797 : vector<16xf32>
      %get3A_2799 = arith.constant 1 : i32
      %get3A_2800 = arith.constant 2 : i32
      %get3A_2801 = arith.index_cast %get3A_2799 : i32 to index
      %get3A_2802 = arith.index_cast %get3A_2800 : i32 to index
      %get3A_2803 = arith.constant 64 : index
      %get3A_2804 = tpu.vector_load %arg5[%get3A_2801, %get3A_2802, %get3A_2803] {strides = array<i32>} : memref<2x8x329xf32, #tpu.memory_space<vmem>>, vector<1x1x16xf32>,
      %get3A_2805 = vector.shape_cast %get3A_2804 : vector<1x1x16xf32> to vector<16xf32>
      %get3A_2806 = arith.constant 64 : index
      %get3A_2807 = tpu.vector_load %arg6[%get3A_2806] {strides = array<i32>} : memref<336xf32, #tpu.memory_space<vmem>>, vector<16xf32>,
      %get3A_2808 = vector.shape_cast %get3A_2807 : vector<16xf32> to vector<16xf32>
      %mul3A_2809 = arith.mulf %get3A_2805, %get3A_2808 : vector<16xf32>
      %add3A_2810 = arith.addf %add3A_2798, %mul3A_2809 : vector<16xf32>
      %get3A_2811 = arith.constant 1 : i32
      %get3A_2812 = arith.constant 2 : i32
      %get3A_2813 = arith.index_cast %get3A_2811 : i32 to index
      %get3A_2814 = arith.index_cast %get3A_2812 : i32 to index
      %get3A_2815 = arith.constant 80 : index
      %get3A_2816 = tpu.vector_load %arg5[%get3A_2813, %get3A_2814, %get3A_2815] {strides = array<i32>} : memref<2x8x329xf32, #tpu.memory_space<vmem>>, vector<1x1x16xf32>,
      %get3A_2817 = vector.shape_cast %get3A_2816 : vector<1x1x16xf32> to vector<16xf32>
      %get3A_2818 = arith.constant 80 : index
      %get3A_2819 = tpu.vector_load %arg6[%get3A_2818] {strides = array<i32>} : memref<336xf32, #tpu.memory_space<vmem>>, vector<16xf32>,
      %get3A_2820 = vector.shape_cast %get3A_2819 : vector<16xf32> to vector<16xf32>
      %mul3A_2821 = arith.mulf %get3A_2817, %get3A_2820 : vector<16xf32>
      %add3A_2822 = arith.addf %add3A_2810, %mul3A_2821 : vector<16xf32>
      %get3A_2823 = arith.constant 1 : i32
      %get3A_2824 = arith.constant 2 : i32
      %get3A_2825 = arith.index_cast %get3A_2823 : i32 to index
      %get3A_2826 = arith.index_cast %get3A_2824 : i32 to index
      %get3A_2827 = arith.constant 96 : index
      %get3A_2828 = tpu.vector_load %arg5[%get3A_2825, %get3A_2826, %get3A_2827] {strides = array<i32>} : memref<2x8x329xf32, #tpu.memory_space<vmem>>, vector<1x1x16xf32>,
      %get3A_2829 = vector.shape_cast %get3A_2828 : vector<1x1x16xf32> to vector<16xf32>
      %get3A_2830 = arith.constant 96 : index
      %get3A_2831 = tpu.vector_load %arg6[%get3A_2830] {strides = array<i32>} : memref<336xf32, #tpu.memory_space<vmem>>, vector<16xf32>,
      %get3A_2832 = vector.shape_cast %get3A_2831 : vector<16xf32> to vector<16xf32>
      %mul3A_2833 = arith.mulf %get3A_2829, %get3A_2832 : vector<16xf32>
      %add3A_2834 = arith.addf %add3A_2822, %mul3A_2833 : vector<16xf32>
      %get3A_2835 = arith.constant 1 : i32
      %get3A_2836 = arith.constant 2 : i32
      %get3A_2837 = arith.index_cast %get3A_2835 : i32 to index
      %get3A_2838 = arith.index_cast %get3A_2836 : i32 to index
      %get3A_2839 = arith.constant 112 : index
      %get3A_2840 = tpu.vector_load %arg5[%get3A_2837, %get3A_2838, %get3A_2839] {strides = array<i32>} : memref<2x8x329xf32, #tpu.memory_space<vmem>>, vector<1x1x16xf32>,
      %get3A_2841 = vector.shape_cast %get3A_2840 : vector<1x1x16xf32> to vector<16xf32>
      %get3A_2842 = arith.constant 112 : index
      %get3A_2843 = tpu.vector_load %arg6[%get3A_2842] {strides = array<i32>} : memref<336xf32, #tpu.memory_space<vmem>>, vector<16xf32>,
      %get3A_2844 = vector.shape_cast %get3A_2843 : vector<16xf32> to vector<16xf32>
      %mul3A_2845 = arith.mulf %get3A_2841, %get3A_2844 : vector<16xf32>
      %add3A_2846 = arith.addf %add3A_2834, %mul3A_2845 : vector<16xf32>
      %get3A_2847 = arith.constant 1 : i32
      %get3A_2848 = arith.constant 2 : i32
      %get3A_2849 = arith.index_cast %get3A_2847 : i32 to index
      %get3A_2850 = arith.index_cast %get3A_2848 : i32 to index
      %get3A_2851 = arith.constant 128 : index
      %get3A_2852 = tpu.vector_load %arg5[%get3A_2849, %get3A_2850, %get3A_2851] {strides = array<i32>} : memref<2x8x329xf32, #tpu.memory_space<vmem>>, vector<1x1x16xf32>,
      %get3A_2853 = vector.shape_cast %get3A_2852 : vector<1x1x16xf32> to vector<16xf32>
      %get3A_2854 = arith.constant 128 : index
      %get3A_2855 = tpu.vector_load %arg6[%get3A_2854] {strides = array<i32>} : memref<336xf32, #tpu.memory_space<vmem>>, vector<16xf32>,
      %get3A_2856 = vector.shape_cast %get3A_2855 : vector<16xf32> to vector<16xf32>
      %mul3A_2857 = arith.mulf %get3A_2853, %get3A_2856 : vector<16xf32>
      %add3A_2858 = arith.addf %add3A_2846, %mul3A_2857 : vector<16xf32>
      %get3A_2859 = arith.constant 1 : i32
      %get3A_2860 = arith.constant 2 : i32
      %get3A_2861 = arith.index_cast %get3A_2859 : i32 to index
      %get3A_2862 = arith.index_cast %get3A_2860 : i32 to index
      %get3A_2863 = arith.constant 144 : index
      %get3A_2864 = tpu.vector_load %arg5[%get3A_2861, %get3A_2862, %get3A_2863] {strides = array<i32>} : memref<2x8x329xf32, #tpu.memory_space<vmem>>, vector<1x1x16xf32>,
      %get3A_2865 = vector.shape_cast %get3A_2864 : vector<1x1x16xf32> to vector<16xf32>
      %get3A_2866 = arith.constant 144 : index
      %get3A_2867 = tpu.vector_load %arg6[%get3A_2866] {strides = array<i32>} : memref<336xf32, #tpu.memory_space<vmem>>, vector<16xf32>,
      %get3A_2868 = vector.shape_cast %get3A_2867 : vector<16xf32> to vector<16xf32>
      %mul3A_2869 = arith.mulf %get3A_2865, %get3A_2868 : vector<16xf32>
      %add3A_2870 = arith.addf %add3A_2858, %mul3A_2869 : vector<16xf32>
      %get3A_2871 = arith.constant 1 : i32
      %get3A_2872 = arith.constant 2 : i32
      %get3A_2873 = arith.index_cast %get3A_2871 : i32 to index
      %get3A_2874 = arith.index_cast %get3A_2872 : i32 to index
      %get3A_2875 = arith.constant 160 : index
      %get3A_2876 = tpu.vector_load %arg5[%get3A_2873, %get3A_2874, %get3A_2875] {strides = array<i32>} : memref<2x8x329xf32, #tpu.memory_space<vmem>>, vector<1x1x16xf32>,
      %get3A_2877 = vector.shape_cast %get3A_2876 : vector<1x1x16xf32> to vector<16xf32>
      %get3A_2878 = arith.constant 160 : index
      %get3A_2879 = tpu.vector_load %arg6[%get3A_2878] {strides = array<i32>} : memref<336xf32, #tpu.memory_space<vmem>>, vector<16xf32>,
      %get3A_2880 = vector.shape_cast %get3A_2879 : vector<16xf32> to vector<16xf32>
      %mul3A_2881 = arith.mulf %get3A_2877, %get3A_2880 : vector<16xf32>
      %add3A_2882 = arith.addf %add3A_2870, %mul3A_2881 : vector<16xf32>
      %get3A_2883 = arith.constant 1 : i32
      %get3A_2884 = arith.constant 2 : i32
      %get3A_2885 = arith.index_cast %get3A_2883 : i32 to index
      %get3A_2886 = arith.index_cast %get3A_2884 : i32 to index
      %get3A_2887 = arith.constant 176 : index
      %get3A_2888 = tpu.vector_load %arg5[%get3A_2885, %get3A_2886, %get3A_2887] {strides = array<i32>} : memref<2x8x329xf32, #tpu.memory_space<vmem>>, vector<1x1x16xf32>,
      %get3A_2889 = vector.shape_cast %get3A_2888 : vector<1x1x16xf32> to vector<16xf32>
      %get3A_2890 = arith.constant 176 : index
      %get3A_2891 = tpu.vector_load %arg6[%get3A_2890] {strides = array<i32>} : memref<336xf32, #tpu.memory_space<vmem>>, vector<16xf32>,
      %get3A_2892 = vector.shape_cast %get3A_2891 : vector<16xf32> to vector<16xf32>
      %mul3A_2893 = arith.mulf %get3A_2889, %get3A_2892 : vector<16xf32>
      %add3A_2894 = arith.addf %add3A_2882, %mul3A_2893 : vector<16xf32>
      %get3A_2895 = arith.constant 1 : i32
      %get3A_2896 = arith.constant 2 : i32
      %get3A_2897 = arith.index_cast %get3A_2895 : i32 to index
      %get3A_2898 = arith.index_cast %get3A_2896 : i32 to index
      %get3A_2899 = arith.constant 192 : index
      %get3A_2900 = tpu.vector_load %arg5[%get3A_2897, %get3A_2898, %get3A_2899] {strides = array<i32>} : memref<2x8x329xf32, #tpu.memory_space<vmem>>, vector<1x1x16xf32>,
      %get3A_2901 = vector.shape_cast %get3A_2900 : vector<1x1x16xf32> to vector<16xf32>
      %get3A_2902 = arith.constant 192 : index
      %get3A_2903 = tpu.vector_load %arg6[%get3A_2902] {strides = array<i32>} : memref<336xf32, #tpu.memory_space<vmem>>, vector<16xf32>,
      %get3A_2904 = vector.shape_cast %get3A_2903 : vector<16xf32> to vector<16xf32>
      %mul3A_2905 = arith.mulf %get3A_2901, %get3A_2904 : vector<16xf32>
      %add3A_2906 = arith.addf %add3A_2894, %mul3A_2905 : vector<16xf32>
      %get3A_2907 = arith.constant 1 : i32
      %get3A_2908 = arith.constant 2 : i32
      %get3A_2909 = arith.index_cast %get3A_2907 : i32 to index
      %get3A_2910 = arith.index_cast %get3A_2908 : i32 to index
      %get3A_2911 = arith.constant 208 : index
      %get3A_2912 = tpu.vector_load %arg5[%get3A_2909, %get3A_2910, %get3A_2911] {strides = array<i32>} : memref<2x8x329xf32, #tpu.memory_space<vmem>>, vector<1x1x16xf32>,
      %get3A_2913 = vector.shape_cast %get3A_2912 : vector<1x1x16xf32> to vector<16xf32>
      %get3A_2914 = arith.constant 208 : index
      %get3A_2915 = tpu.vector_load %arg6[%get3A_2914] {strides = array<i32>} : memref<336xf32, #tpu.memory_space<vmem>>, vector<16xf32>,
      %get3A_2916 = vector.shape_cast %get3A_2915 : vector<16xf32> to vector<16xf32>
      %mul3A_2917 = arith.mulf %get3A_2913, %get3A_2916 : vector<16xf32>
      %add3A_2918 = arith.addf %add3A_2906, %mul3A_2917 : vector<16xf32>
      %get3A_2919 = arith.constant 1 : i32
      %get3A_2920 = arith.constant 2 : i32
      %get3A_2921 = arith.index_cast %get3A_2919 : i32 to index
      %get3A_2922 = arith.index_cast %get3A_2920 : i32 to index
      %get3A_2923 = arith.constant 224 : index
      %get3A_2924 = tpu.vector_load %arg5[%get3A_2921, %get3A_2922, %get3A_2923] {strides = array<i32>} : memref<2x8x329xf32, #tpu.memory_space<vmem>>, vector<1x1x16xf32>,
      %get3A_2925 = vector.shape_cast %get3A_2924 : vector<1x1x16xf32> to vector<16xf32>
      %get3A_2926 = arith.constant 224 : index
      %get3A_2927 = tpu.vector_load %arg6[%get3A_2926] {strides = array<i32>} : memref<336xf32, #tpu.memory_space<vmem>>, vector<16xf32>,
      %get3A_2928 = vector.shape_cast %get3A_2927 : vector<16xf32> to vector<16xf32>
      %mul3A_2929 = arith.mulf %get3A_2925, %get3A_2928 : vector<16xf32>
      %add3A_2930 = arith.addf %add3A_2918, %mul3A_2929 : vector<16xf32>
      %get3A_2931 = arith.constant 1 : i32
      %get3A_2932 = arith.constant 2 : i32
      %get3A_2933 = arith.index_cast %get3A_2931 : i32 to index
      %get3A_2934 = arith.index_cast %get3A_2932 : i32 to index
      %get3A_2935 = arith.constant 240 : index
      %get3A_2936 = tpu.vector_load %arg5[%get3A_2933, %get3A_2934, %get3A_2935] {strides = array<i32>} : memref<2x8x329xf32, #tpu.memory_space<vmem>>, vector<1x1x16xf32>,
      %get3A_2937 = vector.shape_cast %get3A_2936 : vector<1x1x16xf32> to vector<16xf32>
      %get3A_2938 = arith.constant 240 : index
      %get3A_2939 = tpu.vector_load %arg6[%get3A_2938] {strides = array<i32>} : memref<336xf32, #tpu.memory_space<vmem>>, vector<16xf32>,
      %get3A_2940 = vector.shape_cast %get3A_2939 : vector<16xf32> to vector<16xf32>
      %mul3A_2941 = arith.mulf %get3A_2937, %get3A_2940 : vector<16xf32>
      %add3A_2942 = arith.addf %add3A_2930, %mul3A_2941 : vector<16xf32>
      %get3A_2943 = arith.constant 1 : i32
      %get3A_2944 = arith.constant 2 : i32
      %get3A_2945 = arith.index_cast %get3A_2943 : i32 to index
      %get3A_2946 = arith.index_cast %get3A_2944 : i32 to index
      %get3A_2947 = arith.constant 256 : index
      %get3A_2948 = tpu.vector_load %arg5[%get3A_2945, %get3A_2946, %get3A_2947] {strides = array<i32>} : memref<2x8x329xf32, #tpu.memory_space<vmem>>, vector<1x1x16xf32>,
      %get3A_2949 = vector.shape_cast %get3A_2948 : vector<1x1x16xf32> to vector<16xf32>
      %get3A_2950 = arith.constant 256 : index
      %get3A_2951 = tpu.vector_load %arg6[%get3A_2950] {strides = array<i32>} : memref<336xf32, #tpu.memory_space<vmem>>, vector<16xf32>,
      %get3A_2952 = vector.shape_cast %get3A_2951 : vector<16xf32> to vector<16xf32>
      %mul3A_2953 = arith.mulf %get3A_2949, %get3A_2952 : vector<16xf32>
      %add3A_2954 = arith.addf %add3A_2942, %mul3A_2953 : vector<16xf32>
      %get3A_2955 = arith.constant 1 : i32
      %get3A_2956 = arith.constant 2 : i32
      %get3A_2957 = arith.index_cast %get3A_2955 : i32 to index
      %get3A_2958 = arith.index_cast %get3A_2956 : i32 to index
      %get3A_2959 = arith.constant 272 : index
      %get3A_2960 = tpu.vector_load %arg5[%get3A_2957, %get3A_2958, %get3A_2959] {strides = array<i32>} : memref<2x8x329xf32, #tpu.memory_space<vmem>>, vector<1x1x16xf32>,
      %get3A_2961 = vector.shape_cast %get3A_2960 : vector<1x1x16xf32> to vector<16xf32>
      %get3A_2962 = arith.constant 272 : index
      %get3A_2963 = tpu.vector_load %arg6[%get3A_2962] {strides = array<i32>} : memref<336xf32, #tpu.memory_space<vmem>>, vector<16xf32>,
      %get3A_2964 = vector.shape_cast %get3A_2963 : vector<16xf32> to vector<16xf32>
      %mul3A_2965 = arith.mulf %get3A_2961, %get3A_2964 : vector<16xf32>
      %add3A_2966 = arith.addf %add3A_2954, %mul3A_2965 : vector<16xf32>
      %get3A_2967 = arith.constant 1 : i32
      %get3A_2968 = arith.constant 2 : i32
      %get3A_2969 = arith.index_cast %get3A_2967 : i32 to index
      %get3A_2970 = arith.index_cast %get3A_2968 : i32 to index
      %get3A_2971 = arith.constant 288 : index
      %get3A_2972 = tpu.vector_load %arg5[%get3A_2969, %get3A_2970, %get3A_2971] {strides = array<i32>} : memref<2x8x329xf32, #tpu.memory_space<vmem>>, vector<1x1x16xf32>,
      %get3A_2973 = vector.shape_cast %get3A_2972 : vector<1x1x16xf32> to vector<16xf32>
      %get3A_2974 = arith.constant 288 : index
      %get3A_2975 = tpu.vector_load %arg6[%get3A_2974] {strides = array<i32>} : memref<336xf32, #tpu.memory_space<vmem>>, vector<16xf32>,
      %get3A_2976 = vector.shape_cast %get3A_2975 : vector<16xf32> to vector<16xf32>
      %mul3A_2977 = arith.mulf %get3A_2973, %get3A_2976 : vector<16xf32>
      %add3A_2978 = arith.addf %add3A_2966, %mul3A_2977 : vector<16xf32>
      %get3A_2979 = arith.constant 1 : i32
      %get3A_2980 = arith.constant 2 : i32
      %get3A_2981 = arith.index_cast %get3A_2979 : i32 to index
      %get3A_2982 = arith.index_cast %get3A_2980 : i32 to index
      %get3A_2983 = arith.constant 304 : index
      %get3A_2984 = tpu.vector_load %arg5[%get3A_2981, %get3A_2982, %get3A_2983] {strides = array<i32>} : memref<2x8x329xf32, #tpu.memory_space<vmem>>, vector<1x1x16xf32>,
      %get3A_2985 = vector.shape_cast %get3A_2984 : vector<1x1x16xf32> to vector<16xf32>
      %get3A_2986 = arith.constant 304 : index
      %get3A_2987 = tpu.vector_load %arg6[%get3A_2986] {strides = array<i32>} : memref<336xf32, #tpu.memory_space<vmem>>, vector<16xf32>,
      %get3A_2988 = vector.shape_cast %get3A_2987 : vector<16xf32> to vector<16xf32>
      %mul3A_2989 = arith.mulf %get3A_2985, %get3A_2988 : vector<16xf32>
      %add3A_2990 = arith.addf %add3A_2978, %mul3A_2989 : vector<16xf32>
      %get3A_2991 = arith.constant 1 : i32
      %get3A_2992 = arith.constant 2 : i32
      %get3A_2993 = arith.index_cast %get3A_2991 : i32 to index
      %get3A_2994 = arith.index_cast %get3A_2992 : i32 to index
      %get3A_2995 = arith.constant 313 : index
      %get3A_2996 = tpu.vector_load %arg5[%get3A_2993, %get3A_2994, %get3A_2995] {strides = array<i32>} : memref<2x8x329xf32, #tpu.memory_space<vmem>>, vector<1x1x16xf32>,
      %get3A_2997 = vector.shape_cast %get3A_2996 : vector<1x1x16xf32> to vector<16xf32>
      %get3A_2998 = arith.constant 320 : index
      %get3A_2999 = tpu.vector_load %arg6[%get3A_2998] {strides = array<i32>} : memref<336xf32, #tpu.memory_space<vmem>>, vector<16xf32>,
      %get3A_3000 = vector.shape_cast %get3A_2999 : vector<16xf32> to vector<16xf32>
      %mul3A_3001 = arith.mulf %get3A_2997, %get3A_3000 : vector<16xf32>
      %add3A_3002 = arith.addf %add3A_2990, %mul3A_3001 : vector<16xf32>
      %mul3A_3003 = arith.constant 8 : i32
      %mul3A_3004 = arith.muli %add3A_2184, %mul3A_3003 : i32
      %add3A_3005 = arith.constant 2 : i32
      %add3A_3006 = arith.addi %mul3A_3004, %add3A_3005 : i32
      %mul3A_3007 = arith.constant 16 : i32
      %mul3A_3008 = arith.muli %add3A_3006, %mul3A_3007 : i32
      %swap3A_3009 = arith.index_cast %mul3A_3008 : i32 to index
      %swap3A_3010 = tpu.vector_load %arg7[%swap3A_3009] {strides = array<i32>} : memref<10496xf32, #tpu.memory_space<vmem>>, vector<16xf32>,
      %swap3A_3011 = vector.shape_cast %swap3A_3010 : vector<16xf32> to vector<16xf32>
      %swap3A_3012 = vector.shape_cast %add3A_3002 : vector<16xf32> to vector<16xf32>
      tpu.vector_store %arg7[%swap3A_3009], %swap3A_3012 {strides = array<i32>} : memref<10496xf32, #tpu.memory_space<vmem>>, vector<16xf32>,
      %get3A_3013 = arith.constant 1 : i32
      %get3A_3014 = arith.constant 3 : i32
      %get3A_3015 = arith.index_cast %get3A_3013 : i32 to index
      %get3A_3016 = arith.index_cast %get3A_3014 : i32 to index
      %get3A_3017 = arith.constant 0 : index
      %get3A_3018 = tpu.vector_load %arg5[%get3A_3015, %get3A_3016, %get3A_3017] {strides = array<i32>} : memref<2x8x329xf32, #tpu.memory_space<vmem>>, vector<1x1x16xf32>,
      %get3A_3019 = vector.shape_cast %get3A_3018 : vector<1x1x16xf32> to vector<16xf32>
      %get3A_3020 = arith.constant 0 : index
      %get3A_3021 = tpu.vector_load %arg6[%get3A_3020] {strides = array<i32>} : memref<336xf32, #tpu.memory_space<vmem>>, vector<16xf32>,
      %get3A_3022 = vector.shape_cast %get3A_3021 : vector<16xf32> to vector<16xf32>
      %mul3A_3023 = arith.mulf %get3A_3019, %get3A_3022 : vector<16xf32>
      %get3A_3024 = arith.constant 1 : i32
      %get3A_3025 = arith.constant 3 : i32
      %get3A_3026 = arith.index_cast %get3A_3024 : i32 to index
      %get3A_3027 = arith.index_cast %get3A_3025 : i32 to index
      %get3A_3028 = arith.constant 16 : index
      %get3A_3029 = tpu.vector_load %arg5[%get3A_3026, %get3A_3027, %get3A_3028] {strides = array<i32>} : memref<2x8x329xf32, #tpu.memory_space<vmem>>, vector<1x1x16xf32>,
      %get3A_3030 = vector.shape_cast %get3A_3029 : vector<1x1x16xf32> to vector<16xf32>
      %get3A_3031 = arith.constant 16 : index
      %get3A_3032 = tpu.vector_load %arg6[%get3A_3031] {strides = array<i32>} : memref<336xf32, #tpu.memory_space<vmem>>, vector<16xf32>,
      %get3A_3033 = vector.shape_cast %get3A_3032 : vector<16xf32> to vector<16xf32>
      %mul3A_3034 = arith.mulf %get3A_3030, %get3A_3033 : vector<16xf32>
      %add3A_3035 = arith.addf %mul3A_3023, %mul3A_3034 : vector<16xf32>
      %get3A_3036 = arith.constant 1 : i32
      %get3A_3037 = arith.constant 3 : i32
      %get3A_3038 = arith.index_cast %get3A_3036 : i32 to index
      %get3A_3039 = arith.index_cast %get3A_3037 : i32 to index
      %get3A_3040 = arith.constant 32 : index
      %get3A_3041 = tpu.vector_load %arg5[%get3A_3038, %get3A_3039, %get3A_3040] {strides = array<i32>} : memref<2x8x329xf32, #tpu.memory_space<vmem>>, vector<1x1x16xf32>,
      %get3A_3042 = vector.shape_cast %get3A_3041 : vector<1x1x16xf32> to vector<16xf32>
      %get3A_3043 = arith.constant 32 : index
      %get3A_3044 = tpu.vector_load %arg6[%get3A_3043] {strides = array<i32>} : memref<336xf32, #tpu.memory_space<vmem>>, vector<16xf32>,
      %get3A_3045 = vector.shape_cast %get3A_3044 : vector<16xf32> to vector<16xf32>
      %mul3A_3046 = arith.mulf %get3A_3042, %get3A_3045 : vector<16xf32>
      %add3A_3047 = arith.addf %add3A_3035, %mul3A_3046 : vector<16xf32>
      %get3A_3048 = arith.constant 1 : i32
      %get3A_3049 = arith.constant 3 : i32
      %get3A_3050 = arith.index_cast %get3A_3048 : i32 to index
      %get3A_3051 = arith.index_cast %get3A_3049 : i32 to index
      %get3A_3052 = arith.constant 48 : index
      %get3A_3053 = tpu.vector_load %arg5[%get3A_3050, %get3A_3051, %get3A_3052] {strides = array<i32>} : memref<2x8x329xf32, #tpu.memory_space<vmem>>, vector<1x1x16xf32>,
      %get3A_3054 = vector.shape_cast %get3A_3053 : vector<1x1x16xf32> to vector<16xf32>
      %get3A_3055 = arith.constant 48 : index
      %get3A_3056 = tpu.vector_load %arg6[%get3A_3055] {strides = array<i32>} : memref<336xf32, #tpu.memory_space<vmem>>, vector<16xf32>,
      %get3A_3057 = vector.shape_cast %get3A_3056 : vector<16xf32> to vector<16xf32>
      %mul3A_3058 = arith.mulf %get3A_3054, %get3A_3057 : vector<16xf32>
      %add3A_3059 = arith.addf %add3A_3047, %mul3A_3058 : vector<16xf32>
      %get3A_3060 = arith.constant 1 : i32
      %get3A_3061 = arith.constant 3 : i32
      %get3A_3062 = arith.index_cast %get3A_3060 : i32 to index
      %get3A_3063 = arith.index_cast %get3A_3061 : i32 to index
      %get3A_3064 = arith.constant 64 : index
      %get3A_3065 = tpu.vector_load %arg5[%get3A_3062, %get3A_3063, %get3A_3064] {strides = array<i32>} : memref<2x8x329xf32, #tpu.memory_space<vmem>>, vector<1x1x16xf32>,
      %get3A_3066 = vector.shape_cast %get3A_3065 : vector<1x1x16xf32> to vector<16xf32>
      %get3A_3067 = arith.constant 64 : index
      %get3A_3068 = tpu.vector_load %arg6[%get3A_3067] {strides = array<i32>} : memref<336xf32, #tpu.memory_space<vmem>>, vector<16xf32>,
      %get3A_3069 = vector.shape_cast %get3A_3068 : vector<16xf32> to vector<16xf32>
      %mul3A_3070 = arith.mulf %get3A_3066, %get3A_3069 : vector<16xf32>
      %add3A_3071 = arith.addf %add3A_3059, %mul3A_3070 : vector<16xf32>
      %get3A_3072 = arith.constant 1 : i32
      %get3A_3073 = arith.constant 3 : i32
      %get3A_3074 = arith.index_cast %get3A_3072 : i32 to index
      %get3A_3075 = arith.index_cast %get3A_3073 : i32 to index
      %get3A_3076 = arith.constant 80 : index
      %get3A_3077 = tpu.vector_load %arg5[%get3A_3074, %get3A_3075, %get3A_3076] {strides = array<i32>} : memref<2x8x329xf32, #tpu.memory_space<vmem>>, vector<1x1x16xf32>,
      %get3A_3078 = vector.shape_cast %get3A_3077 : vector<1x1x16xf32> to vector<16xf32>
      %get3A_3079 = arith.constant 80 : index
      %get3A_3080 = tpu.vector_load %arg6[%get3A_3079] {strides = array<i32>} : memref<336xf32, #tpu.memory_space<vmem>>, vector<16xf32>,
      %get3A_3081 = vector.shape_cast %get3A_3080 : vector<16xf32> to vector<16xf32>
      %mul3A_3082 = arith.mulf %get3A_3078, %get3A_3081 : vector<16xf32>
      %add3A_3083 = arith.addf %add3A_3071, %mul3A_3082 : vector<16xf32>
      %get3A_3084 = arith.constant 1 : i32
      %get3A_3085 = arith.constant 3 : i32
      %get3A_3086 = arith.index_cast %get3A_3084 : i32 to index
      %get3A_3087 = arith.index_cast %get3A_3085 : i32 to index
      %get3A_3088 = arith.constant 96 : index
      %get3A_3089 = tpu.vector_load %arg5[%get3A_3086, %get3A_3087, %get3A_3088] {strides = array<i32>} : memref<2x8x329xf32, #tpu.memory_space<vmem>>, vector<1x1x16xf32>,
      %get3A_3090 = vector.shape_cast %get3A_3089 : vector<1x1x16xf32> to vector<16xf32>
      %get3A_3091 = arith.constant 96 : index
      %get3A_3092 = tpu.vector_load %arg6[%get3A_3091] {strides = array<i32>} : memref<336xf32, #tpu.memory_space<vmem>>, vector<16xf32>,
      %get3A_3093 = vector.shape_cast %get3A_3092 : vector<16xf32> to vector<16xf32>
      %mul3A_3094 = arith.mulf %get3A_3090, %get3A_3093 : vector<16xf32>
      %add3A_3095 = arith.addf %add3A_3083, %mul3A_3094 : vector<16xf32>
      %get3A_3096 = arith.constant 1 : i32
      %get3A_3097 = arith.constant 3 : i32
      %get3A_3098 = arith.index_cast %get3A_3096 : i32 to index
      %get3A_3099 = arith.index_cast %get3A_3097 : i32 to index
      %get3A_3100 = arith.constant 112 : index
      %get3A_3101 = tpu.vector_load %arg5[%get3A_3098, %get3A_3099, %get3A_3100] {strides = array<i32>} : memref<2x8x329xf32, #tpu.memory_space<vmem>>, vector<1x1x16xf32>,
      %get3A_3102 = vector.shape_cast %get3A_3101 : vector<1x1x16xf32> to vector<16xf32>
      %get3A_3103 = arith.constant 112 : index
      %get3A_3104 = tpu.vector_load %arg6[%get3A_3103] {strides = array<i32>} : memref<336xf32, #tpu.memory_space<vmem>>, vector<16xf32>,
      %get3A_3105 = vector.shape_cast %get3A_3104 : vector<16xf32> to vector<16xf32>
      %mul3A_3106 = arith.mulf %get3A_3102, %get3A_3105 : vector<16xf32>
      %add3A_3107 = arith.addf %add3A_3095, %mul3A_3106 : vector<16xf32>
      %get3A_3108 = arith.constant 1 : i32
      %get3A_3109 = arith.constant 3 : i32
      %get3A_3110 = arith.index_cast %get3A_3108 : i32 to index
      %get3A_3111 = arith.index_cast %get3A_3109 : i32 to index
      %get3A_3112 = arith.constant 128 : index
      %get3A_3113 = tpu.vector_load %arg5[%get3A_3110, %get3A_3111, %get3A_3112] {strides = array<i32>} : memref<2x8x329xf32, #tpu.memory_space<vmem>>, vector<1x1x16xf32>,
      %get3A_3114 = vector.shape_cast %get3A_3113 : vector<1x1x16xf32> to vector<16xf32>
      %get3A_3115 = arith.constant 128 : index
      %get3A_3116 = tpu.vector_load %arg6[%get3A_3115] {strides = array<i32>} : memref<336xf32, #tpu.memory_space<vmem>>, vector<16xf32>,
      %get3A_3117 = vector.shape_cast %get3A_3116 : vector<16xf32> to vector<16xf32>
      %mul3A_3118 = arith.mulf %get3A_3114, %get3A_3117 : vector<16xf32>
      %add3A_3119 = arith.addf %add3A_3107, %mul3A_3118 : vector<16xf32>
      %get3A_3120 = arith.constant 1 : i32
      %get3A_3121 = arith.constant 3 : i32
      %get3A_3122 = arith.index_cast %get3A_3120 : i32 to index
      %get3A_3123 = arith.index_cast %get3A_3121 : i32 to index
      %get3A_3124 = arith.constant 144 : index
      %get3A_3125 = tpu.vector_load %arg5[%get3A_3122, %get3A_3123, %get3A_3124] {strides = array<i32>} : memref<2x8x329xf32, #tpu.memory_space<vmem>>, vector<1x1x16xf32>,
      %get3A_3126 = vector.shape_cast %get3A_3125 : vector<1x1x16xf32> to vector<16xf32>
      %get3A_3127 = arith.constant 144 : index
      %get3A_3128 = tpu.vector_load %arg6[%get3A_3127] {strides = array<i32>} : memref<336xf32, #tpu.memory_space<vmem>>, vector<16xf32>,
      %get3A_3129 = vector.shape_cast %get3A_3128 : vector<16xf32> to vector<16xf32>
      %mul3A_3130 = arith.mulf %get3A_3126, %get3A_3129 : vector<16xf32>
      %add3A_3131 = arith.addf %add3A_3119, %mul3A_3130 : vector<16xf32>
      %get3A_3132 = arith.constant 1 : i32
      %get3A_3133 = arith.constant 3 : i32
      %get3A_3134 = arith.index_cast %get3A_3132 : i32 to index
      %get3A_3135 = arith.index_cast %get3A_3133 : i32 to index
      %get3A_3136 = arith.constant 160 : index
      %get3A_3137 = tpu.vector_load %arg5[%get3A_3134, %get3A_3135, %get3A_3136] {strides = array<i32>} : memref<2x8x329xf32, #tpu.memory_space<vmem>>, vector<1x1x16xf32>,
      %get3A_3138 = vector.shape_cast %get3A_3137 : vector<1x1x16xf32> to vector<16xf32>
      %get3A_3139 = arith.constant 160 : index
      %get3A_3140 = tpu.vector_load %arg6[%get3A_3139] {strides = array<i32>} : memref<336xf32, #tpu.memory_space<vmem>>, vector<16xf32>,
      %get3A_3141 = vector.shape_cast %get3A_3140 : vector<16xf32> to vector<16xf32>
      %mul3A_3142 = arith.mulf %get3A_3138, %get3A_3141 : vector<16xf32>
      %add3A_3143 = arith.addf %add3A_3131, %mul3A_3142 : vector<16xf32>
      %get3A_3144 = arith.constant 1 : i32
      %get3A_3145 = arith.constant 3 : i32
      %get3A_3146 = arith.index_cast %get3A_3144 : i32 to index
      %get3A_3147 = arith.index_cast %get3A_3145 : i32 to index
      %get3A_3148 = arith.constant 176 : index
      %get3A_3149 = tpu.vector_load %arg5[%get3A_3146, %get3A_3147, %get3A_3148] {strides = array<i32>} : memref<2x8x329xf32, #tpu.memory_space<vmem>>, vector<1x1x16xf32>,
      %get3A_3150 = vector.shape_cast %get3A_3149 : vector<1x1x16xf32> to vector<16xf32>
      %get3A_3151 = arith.constant 176 : index
      %get3A_3152 = tpu.vector_load %arg6[%get3A_3151] {strides = array<i32>} : memref<336xf32, #tpu.memory_space<vmem>>, vector<16xf32>,
      %get3A_3153 = vector.shape_cast %get3A_3152 : vector<16xf32> to vector<16xf32>
      %mul3A_3154 = arith.mulf %get3A_3150, %get3A_3153 : vector<16xf32>
      %add3A_3155 = arith.addf %add3A_3143, %mul3A_3154 : vector<16xf32>
      %get3A_3156 = arith.constant 1 : i32
      %get3A_3157 = arith.constant 3 : i32
      %get3A_3158 = arith.index_cast %get3A_3156 : i32 to index
      %get3A_3159 = arith.index_cast %get3A_3157 : i32 to index
      %get3A_3160 = arith.constant 192 : index
      %get3A_3161 = tpu.vector_load %arg5[%get3A_3158, %get3A_3159, %get3A_3160] {strides = array<i32>} : memref<2x8x329xf32, #tpu.memory_space<vmem>>, vector<1x1x16xf32>,
      %get3A_3162 = vector.shape_cast %get3A_3161 : vector<1x1x16xf32> to vector<16xf32>
      %get3A_3163 = arith.constant 192 : index
      %get3A_3164 = tpu.vector_load %arg6[%get3A_3163] {strides = array<i32>} : memref<336xf32, #tpu.memory_space<vmem>>, vector<16xf32>,
      %get3A_3165 = vector.shape_cast %get3A_3164 : vector<16xf32> to vector<16xf32>
      %mul3A_3166 = arith.mulf %get3A_3162, %get3A_3165 : vector<16xf32>
      %add3A_3167 = arith.addf %add3A_3155, %mul3A_3166 : vector<16xf32>
      %get3A_3168 = arith.constant 1 : i32
      %get3A_3169 = arith.constant 3 : i32
      %get3A_3170 = arith.index_cast %get3A_3168 : i32 to index
      %get3A_3171 = arith.index_cast %get3A_3169 : i32 to index
      %get3A_3172 = arith.constant 208 : index
      %get3A_3173 = tpu.vector_load %arg5[%get3A_3170, %get3A_3171, %get3A_3172] {strides = array<i32>} : memref<2x8x329xf32, #tpu.memory_space<vmem>>, vector<1x1x16xf32>,
      %get3A_3174 = vector.shape_cast %get3A_3173 : vector<1x1x16xf32> to vector<16xf32>
      %get3A_3175 = arith.constant 208 : index
      %get3A_3176 = tpu.vector_load %arg6[%get3A_3175] {strides = array<i32>} : memref<336xf32, #tpu.memory_space<vmem>>, vector<16xf32>,
      %get3A_3177 = vector.shape_cast %get3A_3176 : vector<16xf32> to vector<16xf32>
      %mul3A_3178 = arith.mulf %get3A_3174, %get3A_3177 : vector<16xf32>
      %add3A_3179 = arith.addf %add3A_3167, %mul3A_3178 : vector<16xf32>
      %get3A_3180 = arith.constant 1 : i32
      %get3A_3181 = arith.constant 3 : i32
      %get3A_3182 = arith.index_cast %get3A_3180 : i32 to index
      %get3A_3183 = arith.index_cast %get3A_3181 : i32 to index
      %get3A_3184 = arith.constant 224 : index
      %get3A_3185 = tpu.vector_load %arg5[%get3A_3182, %get3A_3183, %get3A_3184] {strides = array<i32>} : memref<2x8x329xf32, #tpu.memory_space<vmem>>, vector<1x1x16xf32>,
      %get3A_3186 = vector.shape_cast %get3A_3185 : vector<1x1x16xf32> to vector<16xf32>
      %get3A_3187 = arith.constant 224 : index
      %get3A_3188 = tpu.vector_load %arg6[%get3A_3187] {strides = array<i32>} : memref<336xf32, #tpu.memory_space<vmem>>, vector<16xf32>,
      %get3A_3189 = vector.shape_cast %get3A_3188 : vector<16xf32> to vector<16xf32>
      %mul3A_3190 = arith.mulf %get3A_3186, %get3A_3189 : vector<16xf32>
      %add3A_3191 = arith.addf %add3A_3179, %mul3A_3190 : vector<16xf32>
      %get3A_3192 = arith.constant 1 : i32
      %get3A_3193 = arith.constant 3 : i32
      %get3A_3194 = arith.index_cast %get3A_3192 : i32 to index
      %get3A_3195 = arith.index_cast %get3A_3193 : i32 to index
      %get3A_3196 = arith.constant 240 : index
      %get3A_3197 = tpu.vector_load %arg5[%get3A_3194, %get3A_3195, %get3A_3196] {strides = array<i32>} : memref<2x8x329xf32, #tpu.memory_space<vmem>>, vector<1x1x16xf32>,
      %get3A_3198 = vector.shape_cast %get3A_3197 : vector<1x1x16xf32> to vector<16xf32>
      %get3A_3199 = arith.constant 240 : index
      %get3A_3200 = tpu.vector_load %arg6[%get3A_3199] {strides = array<i32>} : memref<336xf32, #tpu.memory_space<vmem>>, vector<16xf32>,
      %get3A_3201 = vector.shape_cast %get3A_3200 : vector<16xf32> to vector<16xf32>
      %mul3A_3202 = arith.mulf %get3A_3198, %get3A_3201 : vector<16xf32>
      %add3A_3203 = arith.addf %add3A_3191, %mul3A_3202 : vector<16xf32>
      %get3A_3204 = arith.constant 1 : i32
      %get3A_3205 = arith.constant 3 : i32
      %get3A_3206 = arith.index_cast %get3A_3204 : i32 to index
      %get3A_3207 = arith.index_cast %get3A_3205 : i32 to index
      %get3A_3208 = arith.constant 256 : index
      %get3A_3209 = tpu.vector_load %arg5[%get3A_3206, %get3A_3207, %get3A_3208] {strides = array<i32>} : memref<2x8x329xf32, #tpu.memory_space<vmem>>, vector<1x1x16xf32>,
      %get3A_3210 = vector.shape_cast %get3A_3209 : vector<1x1x16xf32> to vector<16xf32>
      %get3A_3211 = arith.constant 256 : index
      %get3A_3212 = tpu.vector_load %arg6[%get3A_3211] {strides = array<i32>} : memref<336xf32, #tpu.memory_space<vmem>>, vector<16xf32>,
      %get3A_3213 = vector.shape_cast %get3A_3212 : vector<16xf32> to vector<16xf32>
      %mul3A_3214 = arith.mulf %get3A_3210, %get3A_3213 : vector<16xf32>
      %add3A_3215 = arith.addf %add3A_3203, %mul3A_3214 : vector<16xf32>
      %get3A_3216 = arith.constant 1 : i32
      %get3A_3217 = arith.constant 3 : i32
      %get3A_3218 = arith.index_cast %get3A_3216 : i32 to index
      %get3A_3219 = arith.index_cast %get3A_3217 : i32 to index
      %get3A_3220 = arith.constant 272 : index
      %get3A_3221 = tpu.vector_load %arg5[%get3A_3218, %get3A_3219, %get3A_3220] {strides = array<i32>} : memref<2x8x329xf32, #tpu.memory_space<vmem>>, vector<1x1x16xf32>,
      %get3A_3222 = vector.shape_cast %get3A_3221 : vector<1x1x16xf32> to vector<16xf32>
      %get3A_3223 = arith.constant 272 : index
      %get3A_3224 = tpu.vector_load %arg6[%get3A_3223] {strides = array<i32>} : memref<336xf32, #tpu.memory_space<vmem>>, vector<16xf32>,
      %get3A_3225 = vector.shape_cast %get3A_3224 : vector<16xf32> to vector<16xf32>
      %mul3A_3226 = arith.mulf %get3A_3222, %get3A_3225 : vector<16xf32>
      %add3A_3227 = arith.addf %add3A_3215, %mul3A_3226 : vector<16xf32>
      %get3A_3228 = arith.constant 1 : i32
      %get3A_3229 = arith.constant 3 : i32
      %get3A_3230 = arith.index_cast %get3A_3228 : i32 to index
      %get3A_3231 = arith.index_cast %get3A_3229 : i32 to index
      %get3A_3232 = arith.constant 288 : index
      %get3A_3233 = tpu.vector_load %arg5[%get3A_3230, %get3A_3231, %get3A_3232] {strides = array<i32>} : memref<2x8x329xf32, #tpu.memory_space<vmem>>, vector<1x1x16xf32>,
      %get3A_3234 = vector.shape_cast %get3A_3233 : vector<1x1x16xf32> to vector<16xf32>
      %get3A_3235 = arith.constant 288 : index
      %get3A_3236 = tpu.vector_load %arg6[%get3A_3235] {strides = array<i32>} : memref<336xf32, #tpu.memory_space<vmem>>, vector<16xf32>,
      %get3A_3237 = vector.shape_cast %get3A_3236 : vector<16xf32> to vector<16xf32>
      %mul3A_3238 = arith.mulf %get3A_3234, %get3A_3237 : vector<16xf32>
      %add3A_3239 = arith.addf %add3A_3227, %mul3A_3238 : vector<16xf32>
      %get3A_3240 = arith.constant 1 : i32
      %get3A_3241 = arith.constant 3 : i32
      %get3A_3242 = arith.index_cast %get3A_3240 : i32 to index
      %get3A_3243 = arith.index_cast %get3A_3241 : i32 to index
      %get3A_3244 = arith.constant 304 : index
      %get3A_3245 = tpu.vector_load %arg5[%get3A_3242, %get3A_3243, %get3A_3244] {strides = array<i32>} : memref<2x8x329xf32, #tpu.memory_space<vmem>>, vector<1x1x16xf32>,
      %get3A_3246 = vector.shape_cast %get3A_3245 : vector<1x1x16xf32> to vector<16xf32>
      %get3A_3247 = arith.constant 304 : index
      %get3A_3248 = tpu.vector_load %arg6[%get3A_3247] {strides = array<i32>} : memref<336xf32, #tpu.memory_space<vmem>>, vector<16xf32>,
      %get3A_3249 = vector.shape_cast %get3A_3248 : vector<16xf32> to vector<16xf32>
      %mul3A_3250 = arith.mulf %get3A_3246, %get3A_3249 : vector<16xf32>
      %add3A_3251 = arith.addf %add3A_3239, %mul3A_3250 : vector<16xf32>
      %get3A_3252 = arith.constant 1 : i32
      %get3A_3253 = arith.constant 3 : i32
      %get3A_3254 = arith.index_cast %get3A_3252 : i32 to index
      %get3A_3255 = arith.index_cast %get3A_3253 : i32 to index
      %get3A_3256 = arith.constant 313 : index
      %get3A_3257 = tpu.vector_load %arg5[%get3A_3254, %get3A_3255, %get3A_3256] {strides = array<i32>} : memref<2x8x329xf32, #tpu.memory_space<vmem>>, vector<1x1x16xf32>,
      %get3A_3258 = vector.shape_cast %get3A_3257 : vector<1x1x16xf32> to vector<16xf32>
      %get3A_3259 = arith.constant 320 : index
      %get3A_3260 = tpu.vector_load %arg6[%get3A_3259] {strides = array<i32>} : memref<336xf32, #tpu.memory_space<vmem>>, vector<16xf32>,
      %get3A_3261 = vector.shape_cast %get3A_3260 : vector<16xf32> to vector<16xf32>
      %mul3A_3262 = arith.mulf %get3A_3258, %get3A_3261 : vector<16xf32>
      %add3A_3263 = arith.addf %add3A_3251, %mul3A_3262 : vector<16xf32>
      %mul3A_3264 = arith.constant 8 : i32
      %mul3A_3265 = arith.muli %add3A_2184, %mul3A_3264 : i32
      %add3A_3266 = arith.constant 3 : i32
      %add3A_3267 = arith.addi %mul3A_3265, %add3A_3266 : i32
      %mul3A_3268 = arith.constant 16 : i32
      %mul3A_3269 = arith.muli %add3A_3267, %mul3A_3268 : i32
      %swap3A_3270 = arith.index_cast %mul3A_3269 : i32 to index
      %swap3A_3271 = tpu.vector_load %arg7[%swap3A_3270] {strides = array<i32>} : memref<10496xf32, #tpu.memory_space<vmem>>, vector<16xf32>,
      %swap3A_3272 = vector.shape_cast %swap3A_3271 : vector<16xf32> to vector<16xf32>
      %swap3A_3273 = vector.shape_cast %add3A_3263 : vector<16xf32> to vector<16xf32>
      tpu.vector_store %arg7[%swap3A_3270], %swap3A_3273 {strides = array<i32>} : memref<10496xf32, #tpu.memory_space<vmem>>, vector<16xf32>,
      %get3A_3274 = arith.constant 1 : i32
      %get3A_3275 = arith.constant 4 : i32
      %get3A_3276 = arith.index_cast %get3A_3274 : i32 to index
      %get3A_3277 = arith.index_cast %get3A_3275 : i32 to index
      %get3A_3278 = arith.constant 0 : index
      %get3A_3279 = tpu.vector_load %arg5[%get3A_3276, %get3A_3277, %get3A_3278] {strides = array<i32>} : memref<2x8x329xf32, #tpu.memory_space<vmem>>, vector<1x1x16xf32>,
      %get3A_3280 = vector.shape_cast %get3A_3279 : vector<1x1x16xf32> to vector<16xf32>
      %get3A_3281 = arith.constant 0 : index
      %get3A_3282 = tpu.vector_load %arg6[%get3A_3281] {strides = array<i32>} : memref<336xf32, #tpu.memory_space<vmem>>, vector<16xf32>,
      %get3A_3283 = vector.shape_cast %get3A_3282 : vector<16xf32> to vector<16xf32>
      %mul3A_3284 = arith.mulf %get3A_3280, %get3A_3283 : vector<16xf32>
      %get3A_3285 = arith.constant 1 : i32
      %get3A_3286 = arith.constant 4 : i32
      %get3A_3287 = arith.index_cast %get3A_3285 : i32 to index
      %get3A_3288 = arith.index_cast %get3A_3286 : i32 to index
      %get3A_3289 = arith.constant 16 : index
      %get3A_3290 = tpu.vector_load %arg5[%get3A_3287, %get3A_3288, %get3A_3289] {strides = array<i32>} : memref<2x8x329xf32, #tpu.memory_space<vmem>>, vector<1x1x16xf32>,
      %get3A_3291 = vector.shape_cast %get3A_3290 : vector<1x1x16xf32> to vector<16xf32>
      %get3A_3292 = arith.constant 16 : index
      %get3A_3293 = tpu.vector_load %arg6[%get3A_3292] {strides = array<i32>} : memref<336xf32, #tpu.memory_space<vmem>>, vector<16xf32>,
      %get3A_3294 = vector.shape_cast %get3A_3293 : vector<16xf32> to vector<16xf32>
      %mul3A_3295 = arith.mulf %get3A_3291, %get3A_3294 : vector<16xf32>
      %add3A_3296 = arith.addf %mul3A_3284, %mul3A_3295 : vector<16xf32>
      %get3A_3297 = arith.constant 1 : i32
      %get3A_3298 = arith.constant 4 : i32
      %get3A_3299 = arith.index_cast %get3A_3297 : i32 to index
      %get3A_3300 = arith.index_cast %get3A_3298 : i32 to index
      %get3A_3301 = arith.constant 32 : index
      %get3A_3302 = tpu.vector_load %arg5[%get3A_3299, %get3A_3300, %get3A_3301] {strides = array<i32>} : memref<2x8x329xf32, #tpu.memory_space<vmem>>, vector<1x1x16xf32>,
      %get3A_3303 = vector.shape_cast %get3A_3302 : vector<1x1x16xf32> to vector<16xf32>
      %get3A_3304 = arith.constant 32 : index
      %get3A_3305 = tpu.vector_load %arg6[%get3A_3304] {strides = array<i32>} : memref<336xf32, #tpu.memory_space<vmem>>, vector<16xf32>,
      %get3A_3306 = vector.shape_cast %get3A_3305 : vector<16xf32> to vector<16xf32>
      %mul3A_3307 = arith.mulf %get3A_3303, %get3A_3306 : vector<16xf32>
      %add3A_3308 = arith.addf %add3A_3296, %mul3A_3307 : vector<16xf32>
      %get3A_3309 = arith.constant 1 : i32
      %get3A_3310 = arith.constant 4 : i32
      %get3A_3311 = arith.index_cast %get3A_3309 : i32 to index
      %get3A_3312 = arith.index_cast %get3A_3310 : i32 to index
      %get3A_3313 = arith.constant 48 : index
      %get3A_3314 = tpu.vector_load %arg5[%get3A_3311, %get3A_3312, %get3A_3313] {strides = array<i32>} : memref<2x8x329xf32, #tpu.memory_space<vmem>>, vector<1x1x16xf32>,
      %get3A_3315 = vector.shape_cast %get3A_3314 : vector<1x1x16xf32> to vector<16xf32>
      %get3A_3316 = arith.constant 48 : index
      %get3A_3317 = tpu.vector_load %arg6[%get3A_3316] {strides = array<i32>} : memref<336xf32, #tpu.memory_space<vmem>>, vector<16xf32>,
      %get3A_3318 = vector.shape_cast %get3A_3317 : vector<16xf32> to vector<16xf32>
      %mul3A_3319 = arith.mulf %get3A_3315, %get3A_3318 : vector<16xf32>
      %add3A_3320 = arith.addf %add3A_3308, %mul3A_3319 : vector<16xf32>
      %get3A_3321 = arith.constant 1 : i32
      %get3A_3322 = arith.constant 4 : i32
      %get3A_3323 = arith.index_cast %get3A_3321 : i32 to index
      %get3A_3324 = arith.index_cast %get3A_3322 : i32 to index
      %get3A_3325 = arith.constant 64 : index
      %get3A_3326 = tpu.vector_load %arg5[%get3A_3323, %get3A_3324, %get3A_3325] {strides = array<i32>} : memref<2x8x329xf32, #tpu.memory_space<vmem>>, vector<1x1x16xf32>,
      %get3A_3327 = vector.shape_cast %get3A_3326 : vector<1x1x16xf32> to vector<16xf32>
      %get3A_3328 = arith.constant 64 : index
      %get3A_3329 = tpu.vector_load %arg6[%get3A_3328] {strides = array<i32>} : memref<336xf32, #tpu.memory_space<vmem>>, vector<16xf32>,
      %get3A_3330 = vector.shape_cast %get3A_3329 : vector<16xf32> to vector<16xf32>
      %mul3A_3331 = arith.mulf %get3A_3327, %get3A_3330 : vector<16xf32>
      %add3A_3332 = arith.addf %add3A_3320, %mul3A_3331 : vector<16xf32>
      %get3A_3333 = arith.constant 1 : i32
      %get3A_3334 = arith.constant 4 : i32
      %get3A_3335 = arith.index_cast %get3A_3333 : i32 to index
      %get3A_3336 = arith.index_cast %get3A_3334 : i32 to index
      %get3A_3337 = arith.constant 80 : index
      %get3A_3338 = tpu.vector_load %arg5[%get3A_3335, %get3A_3336, %get3A_3337] {strides = array<i32>} : memref<2x8x329xf32, #tpu.memory_space<vmem>>, vector<1x1x16xf32>,
      %get3A_3339 = vector.shape_cast %get3A_3338 : vector<1x1x16xf32> to vector<16xf32>
      %get3A_3340 = arith.constant 80 : index
      %get3A_3341 = tpu.vector_load %arg6[%get3A_3340] {strides = array<i32>} : memref<336xf32, #tpu.memory_space<vmem>>, vector<16xf32>,
      %get3A_3342 = vector.shape_cast %get3A_3341 : vector<16xf32> to vector<16xf32>
      %mul3A_3343 = arith.mulf %get3A_3339, %get3A_3342 : vector<16xf32>
      %add3A_3344 = arith.addf %add3A_3332, %mul3A_3343 : vector<16xf32>
      %get3A_3345 = arith.constant 1 : i32
      %get3A_3346 = arith.constant 4 : i32
      %get3A_3347 = arith.index_cast %get3A_3345 : i32 to index
      %get3A_3348 = arith.index_cast %get3A_3346 : i32 to index
      %get3A_3349 = arith.constant 96 : index
      %get3A_3350 = tpu.vector_load %arg5[%get3A_3347, %get3A_3348, %get3A_3349] {strides = array<i32>} : memref<2x8x329xf32, #tpu.memory_space<vmem>>, vector<1x1x16xf32>,
      %get3A_3351 = vector.shape_cast %get3A_3350 : vector<1x1x16xf32> to vector<16xf32>
      %get3A_3352 = arith.constant 96 : index
      %get3A_3353 = tpu.vector_load %arg6[%get3A_3352] {strides = array<i32>} : memref<336xf32, #tpu.memory_space<vmem>>, vector<16xf32>,
      %get3A_3354 = vector.shape_cast %get3A_3353 : vector<16xf32> to vector<16xf32>
      %mul3A_3355 = arith.mulf %get3A_3351, %get3A_3354 : vector<16xf32>
      %add3A_3356 = arith.addf %add3A_3344, %mul3A_3355 : vector<16xf32>
      %get3A_3357 = arith.constant 1 : i32
      %get3A_3358 = arith.constant 4 : i32
      %get3A_3359 = arith.index_cast %get3A_3357 : i32 to index
      %get3A_3360 = arith.index_cast %get3A_3358 : i32 to index
      %get3A_3361 = arith.constant 112 : index
      %get3A_3362 = tpu.vector_load %arg5[%get3A_3359, %get3A_3360, %get3A_3361] {strides = array<i32>} : memref<2x8x329xf32, #tpu.memory_space<vmem>>, vector<1x1x16xf32>,
      %get3A_3363 = vector.shape_cast %get3A_3362 : vector<1x1x16xf32> to vector<16xf32>
      %get3A_3364 = arith.constant 112 : index
      %get3A_3365 = tpu.vector_load %arg6[%get3A_3364] {strides = array<i32>} : memref<336xf32, #tpu.memory_space<vmem>>, vector<16xf32>,
      %get3A_3366 = vector.shape_cast %get3A_3365 : vector<16xf32> to vector<16xf32>
      %mul3A_3367 = arith.mulf %get3A_3363, %get3A_3366 : vector<16xf32>
      %add3A_3368 = arith.addf %add3A_3356, %mul3A_3367 : vector<16xf32>
      %get3A_3369 = arith.constant 1 : i32
      %get3A_3370 = arith.constant 4 : i32
      %get3A_3371 = arith.index_cast %get3A_3369 : i32 to index
      %get3A_3372 = arith.index_cast %get3A_3370 : i32 to index
      %get3A_3373 = arith.constant 128 : index
      %get3A_3374 = tpu.vector_load %arg5[%get3A_3371, %get3A_3372, %get3A_3373] {strides = array<i32>} : memref<2x8x329xf32, #tpu.memory_space<vmem>>, vector<1x1x16xf32>,
      %get3A_3375 = vector.shape_cast %get3A_3374 : vector<1x1x16xf32> to vector<16xf32>
      %get3A_3376 = arith.constant 128 : index
      %get3A_3377 = tpu.vector_load %arg6[%get3A_3376] {strides = array<i32>} : memref<336xf32, #tpu.memory_space<vmem>>, vector<16xf32>,
      %get3A_3378 = vector.shape_cast %get3A_3377 : vector<16xf32> to vector<16xf32>
      %mul3A_3379 = arith.mulf %get3A_3375, %get3A_3378 : vector<16xf32>
      %add3A_3380 = arith.addf %add3A_3368, %mul3A_3379 : vector<16xf32>
      %get3A_3381 = arith.constant 1 : i32
      %get3A_3382 = arith.constant 4 : i32
      %get3A_3383 = arith.index_cast %get3A_3381 : i32 to index
      %get3A_3384 = arith.index_cast %get3A_3382 : i32 to index
      %get3A_3385 = arith.constant 144 : index
      %get3A_3386 = tpu.vector_load %arg5[%get3A_3383, %get3A_3384, %get3A_3385] {strides = array<i32>} : memref<2x8x329xf32, #tpu.memory_space<vmem>>, vector<1x1x16xf32>,
      %get3A_3387 = vector.shape_cast %get3A_3386 : vector<1x1x16xf32> to vector<16xf32>
      %get3A_3388 = arith.constant 144 : index
      %get3A_3389 = tpu.vector_load %arg6[%get3A_3388] {strides = array<i32>} : memref<336xf32, #tpu.memory_space<vmem>>, vector<16xf32>,
      %get3A_3390 = vector.shape_cast %get3A_3389 : vector<16xf32> to vector<16xf32>
      %mul3A_3391 = arith.mulf %get3A_3387, %get3A_3390 : vector<16xf32>
      %add3A_3392 = arith.addf %add3A_3380, %mul3A_3391 : vector<16xf32>
      %get3A_3393 = arith.constant 1 : i32
      %get3A_3394 = arith.constant 4 : i32
      %get3A_3395 = arith.index_cast %get3A_3393 : i32 to index
      %get3A_3396 = arith.index_cast %get3A_3394 : i32 to index
      %get3A_3397 = arith.constant 160 : index
      %get3A_3398 = tpu.vector_load %arg5[%get3A_3395, %get3A_3396, %get3A_3397] {strides = array<i32>} : memref<2x8x329xf32, #tpu.memory_space<vmem>>, vector<1x1x16xf32>,
      %get3A_3399 = vector.shape_cast %get3A_3398 : vector<1x1x16xf32> to vector<16xf32>
      %get3A_3400 = arith.constant 160 : index
      %get3A_3401 = tpu.vector_load %arg6[%get3A_3400] {strides = array<i32>} : memref<336xf32, #tpu.memory_space<vmem>>, vector<16xf32>,
      %get3A_3402 = vector.shape_cast %get3A_3401 : vector<16xf32> to vector<16xf32>
      %mul3A_3403 = arith.mulf %get3A_3399, %get3A_3402 : vector<16xf32>
      %add3A_3404 = arith.addf %add3A_3392, %mul3A_3403 : vector<16xf32>
      %get3A_3405 = arith.constant 1 : i32
      %get3A_3406 = arith.constant 4 : i32
      %get3A_3407 = arith.index_cast %get3A_3405 : i32 to index
      %get3A_3408 = arith.index_cast %get3A_3406 : i32 to index
      %get3A_3409 = arith.constant 176 : index
      %get3A_3410 = tpu.vector_load %arg5[%get3A_3407, %get3A_3408, %get3A_3409] {strides = array<i32>} : memref<2x8x329xf32, #tpu.memory_space<vmem>>, vector<1x1x16xf32>,
      %get3A_3411 = vector.shape_cast %get3A_3410 : vector<1x1x16xf32> to vector<16xf32>
      %get3A_3412 = arith.constant 176 : index
      %get3A_3413 = tpu.vector_load %arg6[%get3A_3412] {strides = array<i32>} : memref<336xf32, #tpu.memory_space<vmem>>, vector<16xf32>,
      %get3A_3414 = vector.shape_cast %get3A_3413 : vector<16xf32> to vector<16xf32>
      %mul3A_3415 = arith.mulf %get3A_3411, %get3A_3414 : vector<16xf32>
      %add3A_3416 = arith.addf %add3A_3404, %mul3A_3415 : vector<16xf32>
      %get3A_3417 = arith.constant 1 : i32
      %get3A_3418 = arith.constant 4 : i32
      %get3A_3419 = arith.index_cast %get3A_3417 : i32 to index
      %get3A_3420 = arith.index_cast %get3A_3418 : i32 to index
      %get3A_3421 = arith.constant 192 : index
      %get3A_3422 = tpu.vector_load %arg5[%get3A_3419, %get3A_3420, %get3A_3421] {strides = array<i32>} : memref<2x8x329xf32, #tpu.memory_space<vmem>>, vector<1x1x16xf32>,
      %get3A_3423 = vector.shape_cast %get3A_3422 : vector<1x1x16xf32> to vector<16xf32>
      %get3A_3424 = arith.constant 192 : index
      %get3A_3425 = tpu.vector_load %arg6[%get3A_3424] {strides = array<i32>} : memref<336xf32, #tpu.memory_space<vmem>>, vector<16xf32>,
      %get3A_3426 = vector.shape_cast %get3A_3425 : vector<16xf32> to vector<16xf32>
      %mul3A_3427 = arith.mulf %get3A_3423, %get3A_3426 : vector<16xf32>
      %add3A_3428 = arith.addf %add3A_3416, %mul3A_3427 : vector<16xf32>
      %get3A_3429 = arith.constant 1 : i32
      %get3A_3430 = arith.constant 4 : i32
      %get3A_3431 = arith.index_cast %get3A_3429 : i32 to index
      %get3A_3432 = arith.index_cast %get3A_3430 : i32 to index
      %get3A_3433 = arith.constant 208 : index
      %get3A_3434 = tpu.vector_load %arg5[%get3A_3431, %get3A_3432, %get3A_3433] {strides = array<i32>} : memref<2x8x329xf32, #tpu.memory_space<vmem>>, vector<1x1x16xf32>,
      %get3A_3435 = vector.shape_cast %get3A_3434 : vector<1x1x16xf32> to vector<16xf32>
      %get3A_3436 = arith.constant 208 : index
      %get3A_3437 = tpu.vector_load %arg6[%get3A_3436] {strides = array<i32>} : memref<336xf32, #tpu.memory_space<vmem>>, vector<16xf32>,
      %get3A_3438 = vector.shape_cast %get3A_3437 : vector<16xf32> to vector<16xf32>
      %mul3A_3439 = arith.mulf %get3A_3435, %get3A_3438 : vector<16xf32>
      %add3A_3440 = arith.addf %add3A_3428, %mul3A_3439 : vector<16xf32>
      %get3A_3441 = arith.constant 1 : i32
      %get3A_3442 = arith.constant 4 : i32
      %get3A_3443 = arith.index_cast %get3A_3441 : i32 to index
      %get3A_3444 = arith.index_cast %get3A_3442 : i32 to index
      %get3A_3445 = arith.constant 224 : index
      %get3A_3446 = tpu.vector_load %arg5[%get3A_3443, %get3A_3444, %get3A_3445] {strides = array<i32>} : memref<2x8x329xf32, #tpu.memory_space<vmem>>, vector<1x1x16xf32>,
      %get3A_3447 = vector.shape_cast %get3A_3446 : vector<1x1x16xf32> to vector<16xf32>
      %get3A_3448 = arith.constant 224 : index
      %get3A_3449 = tpu.vector_load %arg6[%get3A_3448] {strides = array<i32>} : memref<336xf32, #tpu.memory_space<vmem>>, vector<16xf32>,
      %get3A_3450 = vector.shape_cast %get3A_3449 : vector<16xf32> to vector<16xf32>
      %mul3A_3451 = arith.mulf %get3A_3447, %get3A_3450 : vector<16xf32>
      %add3A_3452 = arith.addf %add3A_3440, %mul3A_3451 : vector<16xf32>
      %get3A_3453 = arith.constant 1 : i32
      %get3A_3454 = arith.constant 4 : i32
      %get3A_3455 = arith.index_cast %get3A_3453 : i32 to index
      %get3A_3456 = arith.index_cast %get3A_3454 : i32 to index
      %get3A_3457 = arith.constant 240 : index
      %get3A_3458 = tpu.vector_load %arg5[%get3A_3455, %get3A_3456, %get3A_3457] {strides = array<i32>} : memref<2x8x329xf32, #tpu.memory_space<vmem>>, vector<1x1x16xf32>,
      %get3A_3459 = vector.shape_cast %get3A_3458 : vector<1x1x16xf32> to vector<16xf32>
      %get3A_3460 = arith.constant 240 : index
      %get3A_3461 = tpu.vector_load %arg6[%get3A_3460] {strides = array<i32>} : memref<336xf32, #tpu.memory_space<vmem>>, vector<16xf32>,
      %get3A_3462 = vector.shape_cast %get3A_3461 : vector<16xf32> to vector<16xf32>
      %mul3A_3463 = arith.mulf %get3A_3459, %get3A_3462 : vector<16xf32>
      %add3A_3464 = arith.addf %add3A_3452, %mul3A_3463 : vector<16xf32>
      %get3A_3465 = arith.constant 1 : i32
      %get3A_3466 = arith.constant 4 : i32
      %get3A_3467 = arith.index_cast %get3A_3465 : i32 to index
      %get3A_3468 = arith.index_cast %get3A_3466 : i32 to index
      %get3A_3469 = arith.constant 256 : index
      %get3A_3470 = tpu.vector_load %arg5[%get3A_3467, %get3A_3468, %get3A_3469] {strides = array<i32>} : memref<2x8x329xf32, #tpu.memory_space<vmem>>, vector<1x1x16xf32>,
      %get3A_3471 = vector.shape_cast %get3A_3470 : vector<1x1x16xf32> to vector<16xf32>
      %get3A_3472 = arith.constant 256 : index
      %get3A_3473 = tpu.vector_load %arg6[%get3A_3472] {strides = array<i32>} : memref<336xf32, #tpu.memory_space<vmem>>, vector<16xf32>,
      %get3A_3474 = vector.shape_cast %get3A_3473 : vector<16xf32> to vector<16xf32>
      %mul3A_3475 = arith.mulf %get3A_3471, %get3A_3474 : vector<16xf32>
      %add3A_3476 = arith.addf %add3A_3464, %mul3A_3475 : vector<16xf32>
      %get3A_3477 = arith.constant 1 : i32
      %get3A_3478 = arith.constant 4 : i32
      %get3A_3479 = arith.index_cast %get3A_3477 : i32 to index
      %get3A_3480 = arith.index_cast %get3A_3478 : i32 to index
      %get3A_3481 = arith.constant 272 : index
      %get3A_3482 = tpu.vector_load %arg5[%get3A_3479, %get3A_3480, %get3A_3481] {strides = array<i32>} : memref<2x8x329xf32, #tpu.memory_space<vmem>>, vector<1x1x16xf32>,
      %get3A_3483 = vector.shape_cast %get3A_3482 : vector<1x1x16xf32> to vector<16xf32>
      %get3A_3484 = arith.constant 272 : index
      %get3A_3485 = tpu.vector_load %arg6[%get3A_3484] {strides = array<i32>} : memref<336xf32, #tpu.memory_space<vmem>>, vector<16xf32>,
      %get3A_3486 = vector.shape_cast %get3A_3485 : vector<16xf32> to vector<16xf32>
      %mul3A_3487 = arith.mulf %get3A_3483, %get3A_3486 : vector<16xf32>
      %add3A_3488 = arith.addf %add3A_3476, %mul3A_3487 : vector<16xf32>
      %get3A_3489 = arith.constant 1 : i32
      %get3A_3490 = arith.constant 4 : i32
      %get3A_3491 = arith.index_cast %get3A_3489 : i32 to index
      %get3A_3492 = arith.index_cast %get3A_3490 : i32 to index
      %get3A_3493 = arith.constant 288 : index
      %get3A_3494 = tpu.vector_load %arg5[%get3A_3491, %get3A_3492, %get3A_3493] {strides = array<i32>} : memref<2x8x329xf32, #tpu.memory_space<vmem>>, vector<1x1x16xf32>,
      %get3A_3495 = vector.shape_cast %get3A_3494 : vector<1x1x16xf32> to vector<16xf32>
      %get3A_3496 = arith.constant 288 : index
      %get3A_3497 = tpu.vector_load %arg6[%get3A_3496] {strides = array<i32>} : memref<336xf32, #tpu.memory_space<vmem>>, vector<16xf32>,
      %get3A_3498 = vector.shape_cast %get3A_3497 : vector<16xf32> to vector<16xf32>
      %mul3A_3499 = arith.mulf %get3A_3495, %get3A_3498 : vector<16xf32>
      %add3A_3500 = arith.addf %add3A_3488, %mul3A_3499 : vector<16xf32>
      %get3A_3501 = arith.constant 1 : i32
      %get3A_3502 = arith.constant 4 : i32
      %get3A_3503 = arith.index_cast %get3A_3501 : i32 to index
      %get3A_3504 = arith.index_cast %get3A_3502 : i32 to index
      %get3A_3505 = arith.constant 304 : index
      %get3A_3506 = tpu.vector_load %arg5[%get3A_3503, %get3A_3504, %get3A_3505] {strides = array<i32>} : memref<2x8x329xf32, #tpu.memory_space<vmem>>, vector<1x1x16xf32>,
      %get3A_3507 = vector.shape_cast %get3A_3506 : vector<1x1x16xf32> to vector<16xf32>
      %get3A_3508 = arith.constant 304 : index
      %get3A_3509 = tpu.vector_load %arg6[%get3A_3508] {strides = array<i32>} : memref<336xf32, #tpu.memory_space<vmem>>, vector<16xf32>,
      %get3A_3510 = vector.shape_cast %get3A_3509 : vector<16xf32> to vector<16xf32>
      %mul3A_3511 = arith.mulf %get3A_3507, %get3A_3510 : vector<16xf32>
      %add3A_3512 = arith.addf %add3A_3500, %mul3A_3511 : vector<16xf32>
      %get3A_3513 = arith.constant 1 : i32
      %get3A_3514 = arith.constant 4 : i32
      %get3A_3515 = arith.index_cast %get3A_3513 : i32 to index
      %get3A_3516 = arith.index_cast %get3A_3514 : i32 to index
      %get3A_3517 = arith.constant 313 : index
      %get3A_3518 = tpu.vector_load %arg5[%get3A_3515, %get3A_3516, %get3A_3517] {strides = array<i32>} : memref<2x8x329xf32, #tpu.memory_space<vmem>>, vector<1x1x16xf32>,
      %get3A_3519 = vector.shape_cast %get3A_3518 : vector<1x1x16xf32> to vector<16xf32>
      %get3A_3520 = arith.constant 320 : index
      %get3A_3521 = tpu.vector_load %arg6[%get3A_3520] {strides = array<i32>} : memref<336xf32, #tpu.memory_space<vmem>>, vector<16xf32>,
      %get3A_3522 = vector.shape_cast %get3A_3521 : vector<16xf32> to vector<16xf32>
      %mul3A_3523 = arith.mulf %get3A_3519, %get3A_3522 : vector<16xf32>
      %add3A_3524 = arith.addf %add3A_3512, %mul3A_3523 : vector<16xf32>
      %mul3A_3525 = arith.constant 8 : i32
      %mul3A_3526 = arith.muli %add3A_2184, %mul3A_3525 : i32
      %add3A_3527 = arith.constant 4 : i32
      %add3A_3528 = arith.addi %mul3A_3526, %add3A_3527 : i32
      %mul3A_3529 = arith.constant 16 : i32
      %mul3A_3530 = arith.muli %add3A_3528, %mul3A_3529 : i32
      %swap3A_3531 = arith.index_cast %mul3A_3530 : i32 to index
      %swap3A_3532 = tpu.vector_load %arg7[%swap3A_3531] {strides = array<i32>} : memref<10496xf32, #tpu.memory_space<vmem>>, vector<16xf32>,
      %swap3A_3533 = vector.shape_cast %swap3A_3532 : vector<16xf32> to vector<16xf32>
      %swap3A_3534 = vector.shape_cast %add3A_3524 : vector<16xf32> to vector<16xf32>
      tpu.vector_store %arg7[%swap3A_3531], %swap3A_3534 {strides = array<i32>} : memref<10496xf32, #tpu.memory_space<vmem>>, vector<16xf32>,
      %get3A_3535 = arith.constant 1 : i32
      %get3A_3536 = arith.constant 5 : i32
      %get3A_3537 = arith.index_cast %get3A_3535 : i32 to index
      %get3A_3538 = arith.index_cast %get3A_3536 : i32 to index
      %get3A_3539 = arith.constant 0 : index
      %get3A_3540 = tpu.vector_load %arg5[%get3A_3537, %get3A_3538, %get3A_3539] {strides = array<i32>} : memref<2x8x329xf32, #tpu.memory_space<vmem>>, vector<1x1x16xf32>,
      %get3A_3541 = vector.shape_cast %get3A_3540 : vector<1x1x16xf32> to vector<16xf32>
      %get3A_3542 = arith.constant 0 : index
      %get3A_3543 = tpu.vector_load %arg6[%get3A_3542] {strides = array<i32>} : memref<336xf32, #tpu.memory_space<vmem>>, vector<16xf32>,
      %get3A_3544 = vector.shape_cast %get3A_3543 : vector<16xf32> to vector<16xf32>
      %mul3A_3545 = arith.mulf %get3A_3541, %get3A_3544 : vector<16xf32>
      %get3A_3546 = arith.constant 1 : i32
      %get3A_3547 = arith.constant 5 : i32
      %get3A_3548 = arith.index_cast %get3A_3546 : i32 to index
      %get3A_3549 = arith.index_cast %get3A_3547 : i32 to index
      %get3A_3550 = arith.constant 16 : index
      %get3A_3551 = tpu.vector_load %arg5[%get3A_3548, %get3A_3549, %get3A_3550] {strides = array<i32>} : memref<2x8x329xf32, #tpu.memory_space<vmem>>, vector<1x1x16xf32>,
      %get3A_3552 = vector.shape_cast %get3A_3551 : vector<1x1x16xf32> to vector<16xf32>
      %get3A_3553 = arith.constant 16 : index
      %get3A_3554 = tpu.vector_load %arg6[%get3A_3553] {strides = array<i32>} : memref<336xf32, #tpu.memory_space<vmem>>, vector<16xf32>,
      %get3A_3555 = vector.shape_cast %get3A_3554 : vector<16xf32> to vector<16xf32>
      %mul3A_3556 = arith.mulf %get3A_3552, %get3A_3555 : vector<16xf32>
      %add3A_3557 = arith.addf %mul3A_3545, %mul3A_3556 : vector<16xf32>
      %get3A_3558 = arith.constant 1 : i32
      %get3A_3559 = arith.constant 5 : i32
      %get3A_3560 = arith.index_cast %get3A_3558 : i32 to index
      %get3A_3561 = arith.index_cast %get3A_3559 : i32 to index
      %get3A_3562 = arith.constant 32 : index
      %get3A_3563 = tpu.vector_load %arg5[%get3A_3560, %get3A_3561, %get3A_3562] {strides = array<i32>} : memref<2x8x329xf32, #tpu.memory_space<vmem>>, vector<1x1x16xf32>,
      %get3A_3564 = vector.shape_cast %get3A_3563 : vector<1x1x16xf32> to vector<16xf32>
      %get3A_3565 = arith.constant 32 : index
      %get3A_3566 = tpu.vector_load %arg6[%get3A_3565] {strides = array<i32>} : memref<336xf32, #tpu.memory_space<vmem>>, vector<16xf32>,
      %get3A_3567 = vector.shape_cast %get3A_3566 : vector<16xf32> to vector<16xf32>
      %mul3A_3568 = arith.mulf %get3A_3564, %get3A_3567 : vector<16xf32>
      %add3A_3569 = arith.addf %add3A_3557, %mul3A_3568 : vector<16xf32>
      %get3A_3570 = arith.constant 1 : i32
      %get3A_3571 = arith.constant 5 : i32
      %get3A_3572 = arith.index_cast %get3A_3570 : i32 to index
      %get3A_3573 = arith.index_cast %get3A_3571 : i32 to index
      %get3A_3574 = arith.constant 48 : index
      %get3A_3575 = tpu.vector_load %arg5[%get3A_3572, %get3A_3573, %get3A_3574] {strides = array<i32>} : memref<2x8x329xf32, #tpu.memory_space<vmem>>, vector<1x1x16xf32>,
      %get3A_3576 = vector.shape_cast %get3A_3575 : vector<1x1x16xf32> to vector<16xf32>
      %get3A_3577 = arith.constant 48 : index
      %get3A_3578 = tpu.vector_load %arg6[%get3A_3577] {strides = array<i32>} : memref<336xf32, #tpu.memory_space<vmem>>, vector<16xf32>,
      %get3A_3579 = vector.shape_cast %get3A_3578 : vector<16xf32> to vector<16xf32>
      %mul3A_3580 = arith.mulf %get3A_3576, %get3A_3579 : vector<16xf32>
      %add3A_3581 = arith.addf %add3A_3569, %mul3A_3580 : vector<16xf32>
      %get3A_3582 = arith.constant 1 : i32
      %get3A_3583 = arith.constant 5 : i32
      %get3A_3584 = arith.index_cast %get3A_3582 : i32 to index
      %get3A_3585 = arith.index_cast %get3A_3583 : i32 to index
      %get3A_3586 = arith.constant 64 : index
      %get3A_3587 = tpu.vector_load %arg5[%get3A_3584, %get3A_3585, %get3A_3586] {strides = array<i32>} : memref<2x8x329xf32, #tpu.memory_space<vmem>>, vector<1x1x16xf32>,
      %get3A_3588 = vector.shape_cast %get3A_3587 : vector<1x1x16xf32> to vector<16xf32>
      %get3A_3589 = arith.constant 64 : index
      %get3A_3590 = tpu.vector_load %arg6[%get3A_3589] {strides = array<i32>} : memref<336xf32, #tpu.memory_space<vmem>>, vector<16xf32>,
      %get3A_3591 = vector.shape_cast %get3A_3590 : vector<16xf32> to vector<16xf32>
      %mul3A_3592 = arith.mulf %get3A_3588, %get3A_3591 : vector<16xf32>
      %add3A_3593 = arith.addf %add3A_3581, %mul3A_3592 : vector<16xf32>
      %get3A_3594 = arith.constant 1 : i32
      %get3A_3595 = arith.constant 5 : i32
      %get3A_3596 = arith.index_cast %get3A_3594 : i32 to index
      %get3A_3597 = arith.index_cast %get3A_3595 : i32 to index
      %get3A_3598 = arith.constant 80 : index
      %get3A_3599 = tpu.vector_load %arg5[%get3A_3596, %get3A_3597, %get3A_3598] {strides = array<i32>} : memref<2x8x329xf32, #tpu.memory_space<vmem>>, vector<1x1x16xf32>,
      %get3A_3600 = vector.shape_cast %get3A_3599 : vector<1x1x16xf32> to vector<16xf32>
      %get3A_3601 = arith.constant 80 : index
      %get3A_3602 = tpu.vector_load %arg6[%get3A_3601] {strides = array<i32>} : memref<336xf32, #tpu.memory_space<vmem>>, vector<16xf32>,
      %get3A_3603 = vector.shape_cast %get3A_3602 : vector<16xf32> to vector<16xf32>
      %mul3A_3604 = arith.mulf %get3A_3600, %get3A_3603 : vector<16xf32>
      %add3A_3605 = arith.addf %add3A_3593, %mul3A_3604 : vector<16xf32>
      %get3A_3606 = arith.constant 1 : i32
      %get3A_3607 = arith.constant 5 : i32
      %get3A_3608 = arith.index_cast %get3A_3606 : i32 to index
      %get3A_3609 = arith.index_cast %get3A_3607 : i32 to index
      %get3A_3610 = arith.constant 96 : index
      %get3A_3611 = tpu.vector_load %arg5[%get3A_3608, %get3A_3609, %get3A_3610] {strides = array<i32>} : memref<2x8x329xf32, #tpu.memory_space<vmem>>, vector<1x1x16xf32>,
      %get3A_3612 = vector.shape_cast %get3A_3611 : vector<1x1x16xf32> to vector<16xf32>
      %get3A_3613 = arith.constant 96 : index
      %get3A_3614 = tpu.vector_load %arg6[%get3A_3613] {strides = array<i32>} : memref<336xf32, #tpu.memory_space<vmem>>, vector<16xf32>,
      %get3A_3615 = vector.shape_cast %get3A_3614 : vector<16xf32> to vector<16xf32>
      %mul3A_3616 = arith.mulf %get3A_3612, %get3A_3615 : vector<16xf32>
      %add3A_3617 = arith.addf %add3A_3605, %mul3A_3616 : vector<16xf32>
      %get3A_3618 = arith.constant 1 : i32
      %get3A_3619 = arith.constant 5 : i32
      %get3A_3620 = arith.index_cast %get3A_3618 : i32 to index
      %get3A_3621 = arith.index_cast %get3A_3619 : i32 to index
      %get3A_3622 = arith.constant 112 : index
      %get3A_3623 = tpu.vector_load %arg5[%get3A_3620, %get3A_3621, %get3A_3622] {strides = array<i32>} : memref<2x8x329xf32, #tpu.memory_space<vmem>>, vector<1x1x16xf32>,
      %get3A_3624 = vector.shape_cast %get3A_3623 : vector<1x1x16xf32> to vector<16xf32>
      %get3A_3625 = arith.constant 112 : index
      %get3A_3626 = tpu.vector_load %arg6[%get3A_3625] {strides = array<i32>} : memref<336xf32, #tpu.memory_space<vmem>>, vector<16xf32>,
      %get3A_3627 = vector.shape_cast %get3A_3626 : vector<16xf32> to vector<16xf32>
      %mul3A_3628 = arith.mulf %get3A_3624, %get3A_3627 : vector<16xf32>
      %add3A_3629 = arith.addf %add3A_3617, %mul3A_3628 : vector<16xf32>
      %get3A_3630 = arith.constant 1 : i32
      %get3A_3631 = arith.constant 5 : i32
      %get3A_3632 = arith.index_cast %get3A_3630 : i32 to index
      %get3A_3633 = arith.index_cast %get3A_3631 : i32 to index
      %get3A_3634 = arith.constant 128 : index
      %get3A_3635 = tpu.vector_load %arg5[%get3A_3632, %get3A_3633, %get3A_3634] {strides = array<i32>} : memref<2x8x329xf32, #tpu.memory_space<vmem>>, vector<1x1x16xf32>,
      %get3A_3636 = vector.shape_cast %get3A_3635 : vector<1x1x16xf32> to vector<16xf32>
      %get3A_3637 = arith.constant 128 : index
      %get3A_3638 = tpu.vector_load %arg6[%get3A_3637] {strides = array<i32>} : memref<336xf32, #tpu.memory_space<vmem>>, vector<16xf32>,
      %get3A_3639 = vector.shape_cast %get3A_3638 : vector<16xf32> to vector<16xf32>
      %mul3A_3640 = arith.mulf %get3A_3636, %get3A_3639 : vector<16xf32>
      %add3A_3641 = arith.addf %add3A_3629, %mul3A_3640 : vector<16xf32>
      %get3A_3642 = arith.constant 1 : i32
      %get3A_3643 = arith.constant 5 : i32
      %get3A_3644 = arith.index_cast %get3A_3642 : i32 to index
      %get3A_3645 = arith.index_cast %get3A_3643 : i32 to index
      %get3A_3646 = arith.constant 144 : index
      %get3A_3647 = tpu.vector_load %arg5[%get3A_3644, %get3A_3645, %get3A_3646] {strides = array<i32>} : memref<2x8x329xf32, #tpu.memory_space<vmem>>, vector<1x1x16xf32>,
      %get3A_3648 = vector.shape_cast %get3A_3647 : vector<1x1x16xf32> to vector<16xf32>
      %get3A_3649 = arith.constant 144 : index
      %get3A_3650 = tpu.vector_load %arg6[%get3A_3649] {strides = array<i32>} : memref<336xf32, #tpu.memory_space<vmem>>, vector<16xf32>,
      %get3A_3651 = vector.shape_cast %get3A_3650 : vector<16xf32> to vector<16xf32>
      %mul3A_3652 = arith.mulf %get3A_3648, %get3A_3651 : vector<16xf32>
      %add3A_3653 = arith.addf %add3A_3641, %mul3A_3652 : vector<16xf32>
      %get3A_3654 = arith.constant 1 : i32
      %get3A_3655 = arith.constant 5 : i32
      %get3A_3656 = arith.index_cast %get3A_3654 : i32 to index
      %get3A_3657 = arith.index_cast %get3A_3655 : i32 to index
      %get3A_3658 = arith.constant 160 : index
      %get3A_3659 = tpu.vector_load %arg5[%get3A_3656, %get3A_3657, %get3A_3658] {strides = array<i32>} : memref<2x8x329xf32, #tpu.memory_space<vmem>>, vector<1x1x16xf32>,
      %get3A_3660 = vector.shape_cast %get3A_3659 : vector<1x1x16xf32> to vector<16xf32>
      %get3A_3661 = arith.constant 160 : index
      %get3A_3662 = tpu.vector_load %arg6[%get3A_3661] {strides = array<i32>} : memref<336xf32, #tpu.memory_space<vmem>>, vector<16xf32>,
      %get3A_3663 = vector.shape_cast %get3A_3662 : vector<16xf32> to vector<16xf32>
      %mul3A_3664 = arith.mulf %get3A_3660, %get3A_3663 : vector<16xf32>
      %add3A_3665 = arith.addf %add3A_3653, %mul3A_3664 : vector<16xf32>
      %get3A_3666 = arith.constant 1 : i32
      %get3A_3667 = arith.constant 5 : i32
      %get3A_3668 = arith.index_cast %get3A_3666 : i32 to index
      %get3A_3669 = arith.index_cast %get3A_3667 : i32 to index
      %get3A_3670 = arith.constant 176 : index
      %get3A_3671 = tpu.vector_load %arg5[%get3A_3668, %get3A_3669, %get3A_3670] {strides = array<i32>} : memref<2x8x329xf32, #tpu.memory_space<vmem>>, vector<1x1x16xf32>,
      %get3A_3672 = vector.shape_cast %get3A_3671 : vector<1x1x16xf32> to vector<16xf32>
      %get3A_3673 = arith.constant 176 : index
      %get3A_3674 = tpu.vector_load %arg6[%get3A_3673] {strides = array<i32>} : memref<336xf32, #tpu.memory_space<vmem>>, vector<16xf32>,
      %get3A_3675 = vector.shape_cast %get3A_3674 : vector<16xf32> to vector<16xf32>
      %mul3A_3676 = arith.mulf %get3A_3672, %get3A_3675 : vector<16xf32>
      %add3A_3677 = arith.addf %add3A_3665, %mul3A_3676 : vector<16xf32>
      %get3A_3678 = arith.constant 1 : i32
      %get3A_3679 = arith.constant 5 : i32
      %get3A_3680 = arith.index_cast %get3A_3678 : i32 to index
      %get3A_3681 = arith.index_cast %get3A_3679 : i32 to index
      %get3A_3682 = arith.constant 192 : index
      %get3A_3683 = tpu.vector_load %arg5[%get3A_3680, %get3A_3681, %get3A_3682] {strides = array<i32>} : memref<2x8x329xf32, #tpu.memory_space<vmem>>, vector<1x1x16xf32>,
      %get3A_3684 = vector.shape_cast %get3A_3683 : vector<1x1x16xf32> to vector<16xf32>
      %get3A_3685 = arith.constant 192 : index
      %get3A_3686 = tpu.vector_load %arg6[%get3A_3685] {strides = array<i32>} : memref<336xf32, #tpu.memory_space<vmem>>, vector<16xf32>,
      %get3A_3687 = vector.shape_cast %get3A_3686 : vector<16xf32> to vector<16xf32>
      %mul3A_3688 = arith.mulf %get3A_3684, %get3A_3687 : vector<16xf32>
      %add3A_3689 = arith.addf %add3A_3677, %mul3A_3688 : vector<16xf32>
      %get3A_3690 = arith.constant 1 : i32
      %get3A_3691 = arith.constant 5 : i32
      %get3A_3692 = arith.index_cast %get3A_3690 : i32 to index
      %get3A_3693 = arith.index_cast %get3A_3691 : i32 to index
      %get3A_3694 = arith.constant 208 : index
      %get3A_3695 = tpu.vector_load %arg5[%get3A_3692, %get3A_3693, %get3A_3694] {strides = array<i32>} : memref<2x8x329xf32, #tpu.memory_space<vmem>>, vector<1x1x16xf32>,
      %get3A_3696 = vector.shape_cast %get3A_3695 : vector<1x1x16xf32> to vector<16xf32>
      %get3A_3697 = arith.constant 208 : index
      %get3A_3698 = tpu.vector_load %arg6[%get3A_3697] {strides = array<i32>} : memref<336xf32, #tpu.memory_space<vmem>>, vector<16xf32>,
      %get3A_3699 = vector.shape_cast %get3A_3698 : vector<16xf32> to vector<16xf32>
      %mul3A_3700 = arith.mulf %get3A_3696, %get3A_3699 : vector<16xf32>
      %add3A_3701 = arith.addf %add3A_3689, %mul3A_3700 : vector<16xf32>
      %get3A_3702 = arith.constant 1 : i32
      %get3A_3703 = arith.constant 5 : i32
      %get3A_3704 = arith.index_cast %get3A_3702 : i32 to index
      %get3A_3705 = arith.index_cast %get3A_3703 : i32 to index
      %get3A_3706 = arith.constant 224 : index
      %get3A_3707 = tpu.vector_load %arg5[%get3A_3704, %get3A_3705, %get3A_3706] {strides = array<i32>} : memref<2x8x329xf32, #tpu.memory_space<vmem>>, vector<1x1x16xf32>,
      %get3A_3708 = vector.shape_cast %get3A_3707 : vector<1x1x16xf32> to vector<16xf32>
      %get3A_3709 = arith.constant 224 : index
      %get3A_3710 = tpu.vector_load %arg6[%get3A_3709] {strides = array<i32>} : memref<336xf32, #tpu.memory_space<vmem>>, vector<16xf32>,
      %get3A_3711 = vector.shape_cast %get3A_3710 : vector<16xf32> to vector<16xf32>
      %mul3A_3712 = arith.mulf %get3A_3708, %get3A_3711 : vector<16xf32>
      %add3A_3713 = arith.addf %add3A_3701, %mul3A_3712 : vector<16xf32>
      %get3A_3714 = arith.constant 1 : i32
      %get3A_3715 = arith.constant 5 : i32
      %get3A_3716 = arith.index_cast %get3A_3714 : i32 to index
      %get3A_3717 = arith.index_cast %get3A_3715 : i32 to index
      %get3A_3718 = arith.constant 240 : index
      %get3A_3719 = tpu.vector_load %arg5[%get3A_3716, %get3A_3717, %get3A_3718] {strides = array<i32>} : memref<2x8x329xf32, #tpu.memory_space<vmem>>, vector<1x1x16xf32>,
      %get3A_3720 = vector.shape_cast %get3A_3719 : vector<1x1x16xf32> to vector<16xf32>
      %get3A_3721 = arith.constant 240 : index
      %get3A_3722 = tpu.vector_load %arg6[%get3A_3721] {strides = array<i32>} : memref<336xf32, #tpu.memory_space<vmem>>, vector<16xf32>,
      %get3A_3723 = vector.shape_cast %get3A_3722 : vector<16xf32> to vector<16xf32>
      %mul3A_3724 = arith.mulf %get3A_3720, %get3A_3723 : vector<16xf32>
      %add3A_3725 = arith.addf %add3A_3713, %mul3A_3724 : vector<16xf32>
      %get3A_3726 = arith.constant 1 : i32
      %get3A_3727 = arith.constant 5 : i32
      %get3A_3728 = arith.index_cast %get3A_3726 : i32 to index
      %get3A_3729 = arith.index_cast %get3A_3727 : i32 to index
      %get3A_3730 = arith.constant 256 : index
      %get3A_3731 = tpu.vector_load %arg5[%get3A_3728, %get3A_3729, %get3A_3730] {strides = array<i32>} : memref<2x8x329xf32, #tpu.memory_space<vmem>>, vector<1x1x16xf32>,
      %get3A_3732 = vector.shape_cast %get3A_3731 : vector<1x1x16xf32> to vector<16xf32>
      %get3A_3733 = arith.constant 256 : index
      %get3A_3734 = tpu.vector_load %arg6[%get3A_3733] {strides = array<i32>} : memref<336xf32, #tpu.memory_space<vmem>>, vector<16xf32>,
      %get3A_3735 = vector.shape_cast %get3A_3734 : vector<16xf32> to vector<16xf32>
      %mul3A_3736 = arith.mulf %get3A_3732, %get3A_3735 : vector<16xf32>
      %add3A_3737 = arith.addf %add3A_3725, %mul3A_3736 : vector<16xf32>
      %get3A_3738 = arith.constant 1 : i32
      %get3A_3739 = arith.constant 5 : i32
      %get3A_3740 = arith.index_cast %get3A_3738 : i32 to index
      %get3A_3741 = arith.index_cast %get3A_3739 : i32 to index
      %get3A_3742 = arith.constant 272 : index
      %get3A_3743 = tpu.vector_load %arg5[%get3A_3740, %get3A_3741, %get3A_3742] {strides = array<i32>} : memref<2x8x329xf32, #tpu.memory_space<vmem>>, vector<1x1x16xf32>,
      %get3A_3744 = vector.shape_cast %get3A_3743 : vector<1x1x16xf32> to vector<16xf32>
      %get3A_3745 = arith.constant 272 : index
      %get3A_3746 = tpu.vector_load %arg6[%get3A_3745] {strides = array<i32>} : memref<336xf32, #tpu.memory_space<vmem>>, vector<16xf32>,
      %get3A_3747 = vector.shape_cast %get3A_3746 : vector<16xf32> to vector<16xf32>
      %mul3A_3748 = arith.mulf %get3A_3744, %get3A_3747 : vector<16xf32>
      %add3A_3749 = arith.addf %add3A_3737, %mul3A_3748 : vector<16xf32>
      %get3A_3750 = arith.constant 1 : i32
      %get3A_3751 = arith.constant 5 : i32
      %get3A_3752 = arith.index_cast %get3A_3750 : i32 to index
      %get3A_3753 = arith.index_cast %get3A_3751 : i32 to index
      %get3A_3754 = arith.constant 288 : index
      %get3A_3755 = tpu.vector_load %arg5[%get3A_3752, %get3A_3753, %get3A_3754] {strides = array<i32>} : memref<2x8x329xf32, #tpu.memory_space<vmem>>, vector<1x1x16xf32>,
      %get3A_3756 = vector.shape_cast %get3A_3755 : vector<1x1x16xf32> to vector<16xf32>
      %get3A_3757 = arith.constant 288 : index
      %get3A_3758 = tpu.vector_load %arg6[%get3A_3757] {strides = array<i32>} : memref<336xf32, #tpu.memory_space<vmem>>, vector<16xf32>,
      %get3A_3759 = vector.shape_cast %get3A_3758 : vector<16xf32> to vector<16xf32>
      %mul3A_3760 = arith.mulf %get3A_3756, %get3A_3759 : vector<16xf32>
      %add3A_3761 = arith.addf %add3A_3749, %mul3A_3760 : vector<16xf32>
      %get3A_3762 = arith.constant 1 : i32
      %get3A_3763 = arith.constant 5 : i32
      %get3A_3764 = arith.index_cast %get3A_3762 : i32 to index
      %get3A_3765 = arith.index_cast %get3A_3763 : i32 to index
      %get3A_3766 = arith.constant 304 : index
      %get3A_3767 = tpu.vector_load %arg5[%get3A_3764, %get3A_3765, %get3A_3766] {strides = array<i32>} : memref<2x8x329xf32, #tpu.memory_space<vmem>>, vector<1x1x16xf32>,
      %get3A_3768 = vector.shape_cast %get3A_3767 : vector<1x1x16xf32> to vector<16xf32>
      %get3A_3769 = arith.constant 304 : index
      %get3A_3770 = tpu.vector_load %arg6[%get3A_3769] {strides = array<i32>} : memref<336xf32, #tpu.memory_space<vmem>>, vector<16xf32>,
      %get3A_3771 = vector.shape_cast %get3A_3770 : vector<16xf32> to vector<16xf32>
      %mul3A_3772 = arith.mulf %get3A_3768, %get3A_3771 : vector<16xf32>
      %add3A_3773 = arith.addf %add3A_3761, %mul3A_3772 : vector<16xf32>
      %get3A_3774 = arith.constant 1 : i32
      %get3A_3775 = arith.constant 5 : i32
      %get3A_3776 = arith.index_cast %get3A_3774 : i32 to index
      %get3A_3777 = arith.index_cast %get3A_3775 : i32 to index
      %get3A_3778 = arith.constant 313 : index
      %get3A_3779 = tpu.vector_load %arg5[%get3A_3776, %get3A_3777, %get3A_3778] {strides = array<i32>} : memref<2x8x329xf32, #tpu.memory_space<vmem>>, vector<1x1x16xf32>,
      %get3A_3780 = vector.shape_cast %get3A_3779 : vector<1x1x16xf32> to vector<16xf32>
      %get3A_3781 = arith.constant 320 : index
      %get3A_3782 = tpu.vector_load %arg6[%get3A_3781] {strides = array<i32>} : memref<336xf32, #tpu.memory_space<vmem>>, vector<16xf32>,
      %get3A_3783 = vector.shape_cast %get3A_3782 : vector<16xf32> to vector<16xf32>
      %mul3A_3784 = arith.mulf %get3A_3780, %get3A_3783 : vector<16xf32>
      %add3A_3785 = arith.addf %add3A_3773, %mul3A_3784 : vector<16xf32>
      %mul3A_3786 = arith.constant 8 : i32
      %mul3A_3787 = arith.muli %add3A_2184, %mul3A_3786 : i32
      %add3A_3788 = arith.constant 5 : i32
      %add3A_3789 = arith.addi %mul3A_3787, %add3A_3788 : i32
      %mul3A_3790 = arith.constant 16 : i32
      %mul3A_3791 = arith.muli %add3A_3789, %mul3A_3790 : i32
      %swap3A_3792 = arith.index_cast %mul3A_3791 : i32 to index
      %swap3A_3793 = tpu.vector_load %arg7[%swap3A_3792] {strides = array<i32>} : memref<10496xf32, #tpu.memory_space<vmem>>, vector<16xf32>,
      %swap3A_3794 = vector.shape_cast %swap3A_3793 : vector<16xf32> to vector<16xf32>
      %swap3A_3795 = vector.shape_cast %add3A_3785 : vector<16xf32> to vector<16xf32>
      tpu.vector_store %arg7[%swap3A_3792], %swap3A_3795 {strides = array<i32>} : memref<10496xf32, #tpu.memory_space<vmem>>, vector<16xf32>,
      %get3A_3796 = arith.constant 1 : i32
      %get3A_3797 = arith.constant 6 : i32
      %get3A_3798 = arith.index_cast %get3A_3796 : i32 to index
      %get3A_3799 = arith.index_cast %get3A_3797 : i32 to index
      %get3A_3800 = arith.constant 0 : index
      %get3A_3801 = tpu.vector_load %arg5[%get3A_3798, %get3A_3799, %get3A_3800] {strides = array<i32>} : memref<2x8x329xf32, #tpu.memory_space<vmem>>, vector<1x1x16xf32>,
      %get3A_3802 = vector.shape_cast %get3A_3801 : vector<1x1x16xf32> to vector<16xf32>
      %get3A_3803 = arith.constant 0 : index
      %get3A_3804 = tpu.vector_load %arg6[%get3A_3803] {strides = array<i32>} : memref<336xf32, #tpu.memory_space<vmem>>, vector<16xf32>,
      %get3A_3805 = vector.shape_cast %get3A_3804 : vector<16xf32> to vector<16xf32>
      %mul3A_3806 = arith.mulf %get3A_3802, %get3A_3805 : vector<16xf32>
      %get3A_3807 = arith.constant 1 : i32
      %get3A_3808 = arith.constant 6 : i32
      %get3A_3809 = arith.index_cast %get3A_3807 : i32 to index
      %get3A_3810 = arith.index_cast %get3A_3808 : i32 to index
      %get3A_3811 = arith.constant 16 : index
      %get3A_3812 = tpu.vector_load %arg5[%get3A_3809, %get3A_3810, %get3A_3811] {strides = array<i32>} : memref<2x8x329xf32, #tpu.memory_space<vmem>>, vector<1x1x16xf32>,
      %get3A_3813 = vector.shape_cast %get3A_3812 : vector<1x1x16xf32> to vector<16xf32>
      %get3A_3814 = arith.constant 16 : index
      %get3A_3815 = tpu.vector_load %arg6[%get3A_3814] {strides = array<i32>} : memref<336xf32, #tpu.memory_space<vmem>>, vector<16xf32>,
      %get3A_3816 = vector.shape_cast %get3A_3815 : vector<16xf32> to vector<16xf32>
      %mul3A_3817 = arith.mulf %get3A_3813, %get3A_3816 : vector<16xf32>
      %add3A_3818 = arith.addf %mul3A_3806, %mul3A_3817 : vector<16xf32>
      %get3A_3819 = arith.constant 1 : i32
      %get3A_3820 = arith.constant 6 : i32
      %get3A_3821 = arith.index_cast %get3A_3819 : i32 to index
      %get3A_3822 = arith.index_cast %get3A_3820 : i32 to index
      %get3A_3823 = arith.constant 32 : index
      %get3A_3824 = tpu.vector_load %arg5[%get3A_3821, %get3A_3822, %get3A_3823] {strides = array<i32>} : memref<2x8x329xf32, #tpu.memory_space<vmem>>, vector<1x1x16xf32>,
      %get3A_3825 = vector.shape_cast %get3A_3824 : vector<1x1x16xf32> to vector<16xf32>
      %get3A_3826 = arith.constant 32 : index
      %get3A_3827 = tpu.vector_load %arg6[%get3A_3826] {strides = array<i32>} : memref<336xf32, #tpu.memory_space<vmem>>, vector<16xf32>,
      %get3A_3828 = vector.shape_cast %get3A_3827 : vector<16xf32> to vector<16xf32>
      %mul3A_3829 = arith.mulf %get3A_3825, %get3A_3828 : vector<16xf32>
      %add3A_3830 = arith.addf %add3A_3818, %mul3A_3829 : vector<16xf32>
      %get3A_3831 = arith.constant 1 : i32
      %get3A_3832 = arith.constant 6 : i32
      %get3A_3833 = arith.index_cast %get3A_3831 : i32 to index
      %get3A_3834 = arith.index_cast %get3A_3832 : i32 to index
      %get3A_3835 = arith.constant 48 : index
      %get3A_3836 = tpu.vector_load %arg5[%get3A_3833, %get3A_3834, %get3A_3835] {strides = array<i32>} : memref<2x8x329xf32, #tpu.memory_space<vmem>>, vector<1x1x16xf32>,
      %get3A_3837 = vector.shape_cast %get3A_3836 : vector<1x1x16xf32> to vector<16xf32>
      %get3A_3838 = arith.constant 48 : index
      %get3A_3839 = tpu.vector_load %arg6[%get3A_3838] {strides = array<i32>} : memref<336xf32, #tpu.memory_space<vmem>>, vector<16xf32>,
      %get3A_3840 = vector.shape_cast %get3A_3839 : vector<16xf32> to vector<16xf32>
      %mul3A_3841 = arith.mulf %get3A_3837, %get3A_3840 : vector<16xf32>
      %add3A_3842 = arith.addf %add3A_3830, %mul3A_3841 : vector<16xf32>
      %get3A_3843 = arith.constant 1 : i32
      %get3A_3844 = arith.constant 6 : i32
      %get3A_3845 = arith.index_cast %get3A_3843 : i32 to index
      %get3A_3846 = arith.index_cast %get3A_3844 : i32 to index
      %get3A_3847 = arith.constant 64 : index
      %get3A_3848 = tpu.vector_load %arg5[%get3A_3845, %get3A_3846, %get3A_3847] {strides = array<i32>} : memref<2x8x329xf32, #tpu.memory_space<vmem>>, vector<1x1x16xf32>,
      %get3A_3849 = vector.shape_cast %get3A_3848 : vector<1x1x16xf32> to vector<16xf32>
      %get3A_3850 = arith.constant 64 : index
      %get3A_3851 = tpu.vector_load %arg6[%get3A_3850] {strides = array<i32>} : memref<336xf32, #tpu.memory_space<vmem>>, vector<16xf32>,
      %get3A_3852 = vector.shape_cast %get3A_3851 : vector<16xf32> to vector<16xf32>
      %mul3A_3853 = arith.mulf %get3A_3849, %get3A_3852 : vector<16xf32>
      %add3A_3854 = arith.addf %add3A_3842, %mul3A_3853 : vector<16xf32>
      %get3A_3855 = arith.constant 1 : i32
      %get3A_3856 = arith.constant 6 : i32
      %get3A_3857 = arith.index_cast %get3A_3855 : i32 to index
      %get3A_3858 = arith.index_cast %get3A_3856 : i32 to index
      %get3A_3859 = arith.constant 80 : index
      %get3A_3860 = tpu.vector_load %arg5[%get3A_3857, %get3A_3858, %get3A_3859] {strides = array<i32>} : memref<2x8x329xf32, #tpu.memory_space<vmem>>, vector<1x1x16xf32>,
      %get3A_3861 = vector.shape_cast %get3A_3860 : vector<1x1x16xf32> to vector<16xf32>
      %get3A_3862 = arith.constant 80 : index
      %get3A_3863 = tpu.vector_load %arg6[%get3A_3862] {strides = array<i32>} : memref<336xf32, #tpu.memory_space<vmem>>, vector<16xf32>,
      %get3A_3864 = vector.shape_cast %get3A_3863 : vector<16xf32> to vector<16xf32>
      %mul3A_3865 = arith.mulf %get3A_3861, %get3A_3864 : vector<16xf32>
      %add3A_3866 = arith.addf %add3A_3854, %mul3A_3865 : vector<16xf32>
      %get3A_3867 = arith.constant 1 : i32
      %get3A_3868 = arith.constant 6 : i32
      %get3A_3869 = arith.index_cast %get3A_3867 : i32 to index
      %get3A_3870 = arith.index_cast %get3A_3868 : i32 to index
      %get3A_3871 = arith.constant 96 : index
      %get3A_3872 = tpu.vector_load %arg5[%get3A_3869, %get3A_3870, %get3A_3871] {strides = array<i32>} : memref<2x8x329xf32, #tpu.memory_space<vmem>>, vector<1x1x16xf32>,
      %get3A_3873 = vector.shape_cast %get3A_3872 : vector<1x1x16xf32> to vector<16xf32>
      %get3A_3874 = arith.constant 96 : index
      %get3A_3875 = tpu.vector_load %arg6[%get3A_3874] {strides = array<i32>} : memref<336xf32, #tpu.memory_space<vmem>>, vector<16xf32>,
      %get3A_3876 = vector.shape_cast %get3A_3875 : vector<16xf32> to vector<16xf32>
      %mul3A_3877 = arith.mulf %get3A_3873, %get3A_3876 : vector<16xf32>
      %add3A_3878 = arith.addf %add3A_3866, %mul3A_3877 : vector<16xf32>
      %get3A_3879 = arith.constant 1 : i32
      %get3A_3880 = arith.constant 6 : i32
      %get3A_3881 = arith.index_cast %get3A_3879 : i32 to index
      %get3A_3882 = arith.index_cast %get3A_3880 : i32 to index
      %get3A_3883 = arith.constant 112 : index
      %get3A_3884 = tpu.vector_load %arg5[%get3A_3881, %get3A_3882, %get3A_3883] {strides = array<i32>} : memref<2x8x329xf32, #tpu.memory_space<vmem>>, vector<1x1x16xf32>,
      %get3A_3885 = vector.shape_cast %get3A_3884 : vector<1x1x16xf32> to vector<16xf32>
      %get3A_3886 = arith.constant 112 : index
      %get3A_3887 = tpu.vector_load %arg6[%get3A_3886] {strides = array<i32>} : memref<336xf32, #tpu.memory_space<vmem>>, vector<16xf32>,
      %get3A_3888 = vector.shape_cast %get3A_3887 : vector<16xf32> to vector<16xf32>
      %mul3A_3889 = arith.mulf %get3A_3885, %get3A_3888 : vector<16xf32>
      %add3A_3890 = arith.addf %add3A_3878, %mul3A_3889 : vector<16xf32>
      %get3A_3891 = arith.constant 1 : i32
      %get3A_3892 = arith.constant 6 : i32
      %get3A_3893 = arith.index_cast %get3A_3891 : i32 to index
      %get3A_3894 = arith.index_cast %get3A_3892 : i32 to index
      %get3A_3895 = arith.constant 128 : index
      %get3A_3896 = tpu.vector_load %arg5[%get3A_3893, %get3A_3894, %get3A_3895] {strides = array<i32>} : memref<2x8x329xf32, #tpu.memory_space<vmem>>, vector<1x1x16xf32>,
      %get3A_3897 = vector.shape_cast %get3A_3896 : vector<1x1x16xf32> to vector<16xf32>
      %get3A_3898 = arith.constant 128 : index
      %get3A_3899 = tpu.vector_load %arg6[%get3A_3898] {strides = array<i32>} : memref<336xf32, #tpu.memory_space<vmem>>, vector<16xf32>,
      %get3A_3900 = vector.shape_cast %get3A_3899 : vector<16xf32> to vector<16xf32>
      %mul3A_3901 = arith.mulf %get3A_3897, %get3A_3900 : vector<16xf32>
      %add3A_3902 = arith.addf %add3A_3890, %mul3A_3901 : vector<16xf32>
      %get3A_3903 = arith.constant 1 : i32
      %get3A_3904 = arith.constant 6 : i32
      %get3A_3905 = arith.index_cast %get3A_3903 : i32 to index
      %get3A_3906 = arith.index_cast %get3A_3904 : i32 to index
      %get3A_3907 = arith.constant 144 : index
      %get3A_3908 = tpu.vector_load %arg5[%get3A_3905, %get3A_3906, %get3A_3907] {strides = array<i32>} : memref<2x8x329xf32, #tpu.memory_space<vmem>>, vector<1x1x16xf32>,
      %get3A_3909 = vector.shape_cast %get3A_3908 : vector<1x1x16xf32> to vector<16xf32>
      %get3A_3910 = arith.constant 144 : index
      %get3A_3911 = tpu.vector_load %arg6[%get3A_3910] {strides = array<i32>} : memref<336xf32, #tpu.memory_space<vmem>>, vector<16xf32>,
      %get3A_3912 = vector.shape_cast %get3A_3911 : vector<16xf32> to vector<16xf32>
      %mul3A_3913 = arith.mulf %get3A_3909, %get3A_3912 : vector<16xf32>
      %add3A_3914 = arith.addf %add3A_3902, %mul3A_3913 : vector<16xf32>
      %get3A_3915 = arith.constant 1 : i32
      %get3A_3916 = arith.constant 6 : i32
      %get3A_3917 = arith.index_cast %get3A_3915 : i32 to index
      %get3A_3918 = arith.index_cast %get3A_3916 : i32 to index
      %get3A_3919 = arith.constant 160 : index
      %get3A_3920 = tpu.vector_load %arg5[%get3A_3917, %get3A_3918, %get3A_3919] {strides = array<i32>} : memref<2x8x329xf32, #tpu.memory_space<vmem>>, vector<1x1x16xf32>,
      %get3A_3921 = vector.shape_cast %get3A_3920 : vector<1x1x16xf32> to vector<16xf32>
      %get3A_3922 = arith.constant 160 : index
      %get3A_3923 = tpu.vector_load %arg6[%get3A_3922] {strides = array<i32>} : memref<336xf32, #tpu.memory_space<vmem>>, vector<16xf32>,
      %get3A_3924 = vector.shape_cast %get3A_3923 : vector<16xf32> to vector<16xf32>
      %mul3A_3925 = arith.mulf %get3A_3921, %get3A_3924 : vector<16xf32>
      %add3A_3926 = arith.addf %add3A_3914, %mul3A_3925 : vector<16xf32>
      %get3A_3927 = arith.constant 1 : i32
      %get3A_3928 = arith.constant 6 : i32
      %get3A_3929 = arith.index_cast %get3A_3927 : i32 to index
      %get3A_3930 = arith.index_cast %get3A_3928 : i32 to index
      %get3A_3931 = arith.constant 176 : index
      %get3A_3932 = tpu.vector_load %arg5[%get3A_3929, %get3A_3930, %get3A_3931] {strides = array<i32>} : memref<2x8x329xf32, #tpu.memory_space<vmem>>, vector<1x1x16xf32>,
      %get3A_3933 = vector.shape_cast %get3A_3932 : vector<1x1x16xf32> to vector<16xf32>
      %get3A_3934 = arith.constant 176 : index
      %get3A_3935 = tpu.vector_load %arg6[%get3A_3934] {strides = array<i32>} : memref<336xf32, #tpu.memory_space<vmem>>, vector<16xf32>,
      %get3A_3936 = vector.shape_cast %get3A_3935 : vector<16xf32> to vector<16xf32>
      %mul3A_3937 = arith.mulf %get3A_3933, %get3A_3936 : vector<16xf32>
      %add3A_3938 = arith.addf %add3A_3926, %mul3A_3937 : vector<16xf32>
      %get3A_3939 = arith.constant 1 : i32
      %get3A_3940 = arith.constant 6 : i32
      %get3A_3941 = arith.index_cast %get3A_3939 : i32 to index
      %get3A_3942 = arith.index_cast %get3A_3940 : i32 to index
      %get3A_3943 = arith.constant 192 : index
      %get3A_3944 = tpu.vector_load %arg5[%get3A_3941, %get3A_3942, %get3A_3943] {strides = array<i32>} : memref<2x8x329xf32, #tpu.memory_space<vmem>>, vector<1x1x16xf32>,
      %get3A_3945 = vector.shape_cast %get3A_3944 : vector<1x1x16xf32> to vector<16xf32>
      %get3A_3946 = arith.constant 192 : index
      %get3A_3947 = tpu.vector_load %arg6[%get3A_3946] {strides = array<i32>} : memref<336xf32, #tpu.memory_space<vmem>>, vector<16xf32>,
      %get3A_3948 = vector.shape_cast %get3A_3947 : vector<16xf32> to vector<16xf32>
      %mul3A_3949 = arith.mulf %get3A_3945, %get3A_3948 : vector<16xf32>
      %add3A_3950 = arith.addf %add3A_3938, %mul3A_3949 : vector<16xf32>
      %get3A_3951 = arith.constant 1 : i32
      %get3A_3952 = arith.constant 6 : i32
      %get3A_3953 = arith.index_cast %get3A_3951 : i32 to index
      %get3A_3954 = arith.index_cast %get3A_3952 : i32 to index
      %get3A_3955 = arith.constant 208 : index
      %get3A_3956 = tpu.vector_load %arg5[%get3A_3953, %get3A_3954, %get3A_3955] {strides = array<i32>} : memref<2x8x329xf32, #tpu.memory_space<vmem>>, vector<1x1x16xf32>,
      %get3A_3957 = vector.shape_cast %get3A_3956 : vector<1x1x16xf32> to vector<16xf32>
      %get3A_3958 = arith.constant 208 : index
      %get3A_3959 = tpu.vector_load %arg6[%get3A_3958] {strides = array<i32>} : memref<336xf32, #tpu.memory_space<vmem>>, vector<16xf32>,
      %get3A_3960 = vector.shape_cast %get3A_3959 : vector<16xf32> to vector<16xf32>
      %mul3A_3961 = arith.mulf %get3A_3957, %get3A_3960 : vector<16xf32>
      %add3A_3962 = arith.addf %add3A_3950, %mul3A_3961 : vector<16xf32>
      %get3A_3963 = arith.constant 1 : i32
      %get3A_3964 = arith.constant 6 : i32
      %get3A_3965 = arith.index_cast %get3A_3963 : i32 to index
      %get3A_3966 = arith.index_cast %get3A_3964 : i32 to index
      %get3A_3967 = arith.constant 224 : index
      %get3A_3968 = tpu.vector_load %arg5[%get3A_3965, %get3A_3966, %get3A_3967] {strides = array<i32>} : memref<2x8x329xf32, #tpu.memory_space<vmem>>, vector<1x1x16xf32>,
      %get3A_3969 = vector.shape_cast %get3A_3968 : vector<1x1x16xf32> to vector<16xf32>
      %get3A_3970 = arith.constant 224 : index
      %get3A_3971 = tpu.vector_load %arg6[%get3A_3970] {strides = array<i32>} : memref<336xf32, #tpu.memory_space<vmem>>, vector<16xf32>,
      %get3A_3972 = vector.shape_cast %get3A_3971 : vector<16xf32> to vector<16xf32>
      %mul3A_3973 = arith.mulf %get3A_3969, %get3A_3972 : vector<16xf32>
      %add3A_3974 = arith.addf %add3A_3962, %mul3A_3973 : vector<16xf32>
      %get3A_3975 = arith.constant 1 : i32
      %get3A_3976 = arith.constant 6 : i32
      %get3A_3977 = arith.index_cast %get3A_3975 : i32 to index
      %get3A_3978 = arith.index_cast %get3A_3976 : i32 to index
      %get3A_3979 = arith.constant 240 : index
      %get3A_3980 = tpu.vector_load %arg5[%get3A_3977, %get3A_3978, %get3A_3979] {strides = array<i32>} : memref<2x8x329xf32, #tpu.memory_space<vmem>>, vector<1x1x16xf32>,
      %get3A_3981 = vector.shape_cast %get3A_3980 : vector<1x1x16xf32> to vector<16xf32>
      %get3A_3982 = arith.constant 240 : index
      %get3A_3983 = tpu.vector_load %arg6[%get3A_3982] {strides = array<i32>} : memref<336xf32, #tpu.memory_space<vmem>>, vector<16xf32>,
      %get3A_3984 = vector.shape_cast %get3A_3983 : vector<16xf32> to vector<16xf32>
      %mul3A_3985 = arith.mulf %get3A_3981, %get3A_3984 : vector<16xf32>
      %add3A_3986 = arith.addf %add3A_3974, %mul3A_3985 : vector<16xf32>
      %get3A_3987 = arith.constant 1 : i32
      %get3A_3988 = arith.constant 6 : i32
      %get3A_3989 = arith.index_cast %get3A_3987 : i32 to index
      %get3A_3990 = arith.index_cast %get3A_3988 : i32 to index
      %get3A_3991 = arith.constant 256 : index
      %get3A_3992 = tpu.vector_load %arg5[%get3A_3989, %get3A_3990, %get3A_3991] {strides = array<i32>} : memref<2x8x329xf32, #tpu.memory_space<vmem>>, vector<1x1x16xf32>,
      %get3A_3993 = vector.shape_cast %get3A_3992 : vector<1x1x16xf32> to vector<16xf32>
      %get3A_3994 = arith.constant 256 : index
      %get3A_3995 = tpu.vector_load %arg6[%get3A_3994] {strides = array<i32>} : memref<336xf32, #tpu.memory_space<vmem>>, vector<16xf32>,
      %get3A_3996 = vector.shape_cast %get3A_3995 : vector<16xf32> to vector<16xf32>
      %mul3A_3997 = arith.mulf %get3A_3993, %get3A_3996 : vector<16xf32>
      %add3A_3998 = arith.addf %add3A_3986, %mul3A_3997 : vector<16xf32>
      %get3A_3999 = arith.constant 1 : i32
      %get3A_4000 = arith.constant 6 : i32
      %get3A_4001 = arith.index_cast %get3A_3999 : i32 to index
      %get3A_4002 = arith.index_cast %get3A_4000 : i32 to index
      %get3A_4003 = arith.constant 272 : index
      %get3A_4004 = tpu.vector_load %arg5[%get3A_4001, %get3A_4002, %get3A_4003] {strides = array<i32>} : memref<2x8x329xf32, #tpu.memory_space<vmem>>, vector<1x1x16xf32>,
      %get3A_4005 = vector.shape_cast %get3A_4004 : vector<1x1x16xf32> to vector<16xf32>
      %get3A_4006 = arith.constant 272 : index
      %get3A_4007 = tpu.vector_load %arg6[%get3A_4006] {strides = array<i32>} : memref<336xf32, #tpu.memory_space<vmem>>, vector<16xf32>,
      %get3A_4008 = vector.shape_cast %get3A_4007 : vector<16xf32> to vector<16xf32>
      %mul3A_4009 = arith.mulf %get3A_4005, %get3A_4008 : vector<16xf32>
      %add3A_4010 = arith.addf %add3A_3998, %mul3A_4009 : vector<16xf32>
      %get3A_4011 = arith.constant 1 : i32
      %get3A_4012 = arith.constant 6 : i32
      %get3A_4013 = arith.index_cast %get3A_4011 : i32 to index
      %get3A_4014 = arith.index_cast %get3A_4012 : i32 to index
      %get3A_4015 = arith.constant 288 : index
      %get3A_4016 = tpu.vector_load %arg5[%get3A_4013, %get3A_4014, %get3A_4015] {strides = array<i32>} : memref<2x8x329xf32, #tpu.memory_space<vmem>>, vector<1x1x16xf32>,
      %get3A_4017 = vector.shape_cast %get3A_4016 : vector<1x1x16xf32> to vector<16xf32>
      %get3A_4018 = arith.constant 288 : index
      %get3A_4019 = tpu.vector_load %arg6[%get3A_4018] {strides = array<i32>} : memref<336xf32, #tpu.memory_space<vmem>>, vector<16xf32>,
      %get3A_4020 = vector.shape_cast %get3A_4019 : vector<16xf32> to vector<16xf32>
      %mul3A_4021 = arith.mulf %get3A_4017, %get3A_4020 : vector<16xf32>
      %add3A_4022 = arith.addf %add3A_4010, %mul3A_4021 : vector<16xf32>
      %get3A_4023 = arith.constant 1 : i32
      %get3A_4024 = arith.constant 6 : i32
      %get3A_4025 = arith.index_cast %get3A_4023 : i32 to index
      %get3A_4026 = arith.index_cast %get3A_4024 : i32 to index
      %get3A_4027 = arith.constant 304 : index
      %get3A_4028 = tpu.vector_load %arg5[%get3A_4025, %get3A_4026, %get3A_4027] {strides = array<i32>} : memref<2x8x329xf32, #tpu.memory_space<vmem>>, vector<1x1x16xf32>,
      %get3A_4029 = vector.shape_cast %get3A_4028 : vector<1x1x16xf32> to vector<16xf32>
      %get3A_4030 = arith.constant 304 : index
      %get3A_4031 = tpu.vector_load %arg6[%get3A_4030] {strides = array<i32>} : memref<336xf32, #tpu.memory_space<vmem>>, vector<16xf32>,
      %get3A_4032 = vector.shape_cast %get3A_4031 : vector<16xf32> to vector<16xf32>
      %mul3A_4033 = arith.mulf %get3A_4029, %get3A_4032 : vector<16xf32>
      %add3A_4034 = arith.addf %add3A_4022, %mul3A_4033 : vector<16xf32>
      %get3A_4035 = arith.constant 1 : i32
      %get3A_4036 = arith.constant 6 : i32
      %get3A_4037 = arith.index_cast %get3A_4035 : i32 to index
      %get3A_4038 = arith.index_cast %get3A_4036 : i32 to index
      %get3A_4039 = arith.constant 313 : index
      %get3A_4040 = tpu.vector_load %arg5[%get3A_4037, %get3A_4038, %get3A_4039] {strides = array<i32>} : memref<2x8x329xf32, #tpu.memory_space<vmem>>, vector<1x1x16xf32>,
      %get3A_4041 = vector.shape_cast %get3A_4040 : vector<1x1x16xf32> to vector<16xf32>
      %get3A_4042 = arith.constant 320 : index
      %get3A_4043 = tpu.vector_load %arg6[%get3A_4042] {strides = array<i32>} : memref<336xf32, #tpu.memory_space<vmem>>, vector<16xf32>,
      %get3A_4044 = vector.shape_cast %get3A_4043 : vector<16xf32> to vector<16xf32>
      %mul3A_4045 = arith.mulf %get3A_4041, %get3A_4044 : vector<16xf32>
      %add3A_4046 = arith.addf %add3A_4034, %mul3A_4045 : vector<16xf32>
      %mul3A_4047 = arith.constant 8 : i32
      %mul3A_4048 = arith.muli %add3A_2184, %mul3A_4047 : i32
      %add3A_4049 = arith.constant 6 : i32
      %add3A_4050 = arith.addi %mul3A_4048, %add3A_4049 : i32
      %mul3A_4051 = arith.constant 16 : i32
      %mul3A_4052 = arith.muli %add3A_4050, %mul3A_4051 : i32
      %swap3A_4053 = arith.index_cast %mul3A_4052 : i32 to index
      %swap3A_4054 = tpu.vector_load %arg7[%swap3A_4053] {strides = array<i32>} : memref<10496xf32, #tpu.memory_space<vmem>>, vector<16xf32>,
      %swap3A_4055 = vector.shape_cast %swap3A_4054 : vector<16xf32> to vector<16xf32>
      %swap3A_4056 = vector.shape_cast %add3A_4046 : vector<16xf32> to vector<16xf32>
      tpu.vector_store %arg7[%swap3A_4053], %swap3A_4056 {strides = array<i32>} : memref<10496xf32, #tpu.memory_space<vmem>>, vector<16xf32>,
      %get3A_4057 = arith.constant 1 : i32
      %get3A_4058 = arith.constant 7 : i32
      %get3A_4059 = arith.index_cast %get3A_4057 : i32 to index
      %get3A_4060 = arith.index_cast %get3A_4058 : i32 to index
      %get3A_4061 = arith.constant 0 : index
      %get3A_4062 = tpu.vector_load %arg5[%get3A_4059, %get3A_4060, %get3A_4061] {strides = array<i32>} : memref<2x8x329xf32, #tpu.memory_space<vmem>>, vector<1x1x16xf32>,
      %get3A_4063 = vector.shape_cast %get3A_4062 : vector<1x1x16xf32> to vector<16xf32>
      %get3A_4064 = arith.constant 0 : index
      %get3A_4065 = tpu.vector_load %arg6[%get3A_4064] {strides = array<i32>} : memref<336xf32, #tpu.memory_space<vmem>>, vector<16xf32>,
      %get3A_4066 = vector.shape_cast %get3A_4065 : vector<16xf32> to vector<16xf32>
      %mul3A_4067 = arith.mulf %get3A_4063, %get3A_4066 : vector<16xf32>
      %get3A_4068 = arith.constant 1 : i32
      %get3A_4069 = arith.constant 7 : i32
      %get3A_4070 = arith.index_cast %get3A_4068 : i32 to index
      %get3A_4071 = arith.index_cast %get3A_4069 : i32 to index
      %get3A_4072 = arith.constant 16 : index
      %get3A_4073 = tpu.vector_load %arg5[%get3A_4070, %get3A_4071, %get3A_4072] {strides = array<i32>} : memref<2x8x329xf32, #tpu.memory_space<vmem>>, vector<1x1x16xf32>,
      %get3A_4074 = vector.shape_cast %get3A_4073 : vector<1x1x16xf32> to vector<16xf32>
      %get3A_4075 = arith.constant 16 : index
      %get3A_4076 = tpu.vector_load %arg6[%get3A_4075] {strides = array<i32>} : memref<336xf32, #tpu.memory_space<vmem>>, vector<16xf32>,
      %get3A_4077 = vector.shape_cast %get3A_4076 : vector<16xf32> to vector<16xf32>
      %mul3A_4078 = arith.mulf %get3A_4074, %get3A_4077 : vector<16xf32>
      %add3A_4079 = arith.addf %mul3A_4067, %mul3A_4078 : vector<16xf32>
      %get3A_4080 = arith.constant 1 : i32
      %get3A_4081 = arith.constant 7 : i32
      %get3A_4082 = arith.index_cast %get3A_4080 : i32 to index
      %get3A_4083 = arith.index_cast %get3A_4081 : i32 to index
      %get3A_4084 = arith.constant 32 : index
      %get3A_4085 = tpu.vector_load %arg5[%get3A_4082, %get3A_4083, %get3A_4084] {strides = array<i32>} : memref<2x8x329xf32, #tpu.memory_space<vmem>>, vector<1x1x16xf32>,
      %get3A_4086 = vector.shape_cast %get3A_4085 : vector<1x1x16xf32> to vector<16xf32>
      %get3A_4087 = arith.constant 32 : index
      %get3A_4088 = tpu.vector_load %arg6[%get3A_4087] {strides = array<i32>} : memref<336xf32, #tpu.memory_space<vmem>>, vector<16xf32>,
      %get3A_4089 = vector.shape_cast %get3A_4088 : vector<16xf32> to vector<16xf32>
      %mul3A_4090 = arith.mulf %get3A_4086, %get3A_4089 : vector<16xf32>
      %add3A_4091 = arith.addf %add3A_4079, %mul3A_4090 : vector<16xf32>
      %get3A_4092 = arith.constant 1 : i32
      %get3A_4093 = arith.constant 7 : i32
      %get3A_4094 = arith.index_cast %get3A_4092 : i32 to index
      %get3A_4095 = arith.index_cast %get3A_4093 : i32 to index
      %get3A_4096 = arith.constant 48 : index
      %get3A_4097 = tpu.vector_load %arg5[%get3A_4094, %get3A_4095, %get3A_4096] {strides = array<i32>} : memref<2x8x329xf32, #tpu.memory_space<vmem>>, vector<1x1x16xf32>,
      %get3A_4098 = vector.shape_cast %get3A_4097 : vector<1x1x16xf32> to vector<16xf32>
      %get3A_4099 = arith.constant 48 : index
      %get3A_4100 = tpu.vector_load %arg6[%get3A_4099] {strides = array<i32>} : memref<336xf32, #tpu.memory_space<vmem>>, vector<16xf32>,
      %get3A_4101 = vector.shape_cast %get3A_4100 : vector<16xf32> to vector<16xf32>
      %mul3A_4102 = arith.mulf %get3A_4098, %get3A_4101 : vector<16xf32>
      %add3A_4103 = arith.addf %add3A_4091, %mul3A_4102 : vector<16xf32>
      %get3A_4104 = arith.constant 1 : i32
      %get3A_4105 = arith.constant 7 : i32
      %get3A_4106 = arith.index_cast %get3A_4104 : i32 to index
      %get3A_4107 = arith.index_cast %get3A_4105 : i32 to index
      %get3A_4108 = arith.constant 64 : index
      %get3A_4109 = tpu.vector_load %arg5[%get3A_4106, %get3A_4107, %get3A_4108] {strides = array<i32>} : memref<2x8x329xf32, #tpu.memory_space<vmem>>, vector<1x1x16xf32>,
      %get3A_4110 = vector.shape_cast %get3A_4109 : vector<1x1x16xf32> to vector<16xf32>
      %get3A_4111 = arith.constant 64 : index
      %get3A_4112 = tpu.vector_load %arg6[%get3A_4111] {strides = array<i32>} : memref<336xf32, #tpu.memory_space<vmem>>, vector<16xf32>,
      %get3A_4113 = vector.shape_cast %get3A_4112 : vector<16xf32> to vector<16xf32>
      %mul3A_4114 = arith.mulf %get3A_4110, %get3A_4113 : vector<16xf32>
      %add3A_4115 = arith.addf %add3A_4103, %mul3A_4114 : vector<16xf32>
      %get3A_4116 = arith.constant 1 : i32
      %get3A_4117 = arith.constant 7 : i32
      %get3A_4118 = arith.index_cast %get3A_4116 : i32 to index
      %get3A_4119 = arith.index_cast %get3A_4117 : i32 to index
      %get3A_4120 = arith.constant 80 : index
      %get3A_4121 = tpu.vector_load %arg5[%get3A_4118, %get3A_4119, %get3A_4120] {strides = array<i32>} : memref<2x8x329xf32, #tpu.memory_space<vmem>>, vector<1x1x16xf32>,
      %get3A_4122 = vector.shape_cast %get3A_4121 : vector<1x1x16xf32> to vector<16xf32>
      %get3A_4123 = arith.constant 80 : index
      %get3A_4124 = tpu.vector_load %arg6[%get3A_4123] {strides = array<i32>} : memref<336xf32, #tpu.memory_space<vmem>>, vector<16xf32>,
      %get3A_4125 = vector.shape_cast %get3A_4124 : vector<16xf32> to vector<16xf32>
      %mul3A_4126 = arith.mulf %get3A_4122, %get3A_4125 : vector<16xf32>
      %add3A_4127 = arith.addf %add3A_4115, %mul3A_4126 : vector<16xf32>
      %get3A_4128 = arith.constant 1 : i32
      %get3A_4129 = arith.constant 7 : i32
      %get3A_4130 = arith.index_cast %get3A_4128 : i32 to index
      %get3A_4131 = arith.index_cast %get3A_4129 : i32 to index
      %get3A_4132 = arith.constant 96 : index
      %get3A_4133 = tpu.vector_load %arg5[%get3A_4130, %get3A_4131, %get3A_4132] {strides = array<i32>} : memref<2x8x329xf32, #tpu.memory_space<vmem>>, vector<1x1x16xf32>,
      %get3A_4134 = vector.shape_cast %get3A_4133 : vector<1x1x16xf32> to vector<16xf32>
      %get3A_4135 = arith.constant 96 : index
      %get3A_4136 = tpu.vector_load %arg6[%get3A_4135] {strides = array<i32>} : memref<336xf32, #tpu.memory_space<vmem>>, vector<16xf32>,
      %get3A_4137 = vector.shape_cast %get3A_4136 : vector<16xf32> to vector<16xf32>
      %mul3A_4138 = arith.mulf %get3A_4134, %get3A_4137 : vector<16xf32>
      %add3A_4139 = arith.addf %add3A_4127, %mul3A_4138 : vector<16xf32>
      %get3A_4140 = arith.constant 1 : i32
      %get3A_4141 = arith.constant 7 : i32
      %get3A_4142 = arith.index_cast %get3A_4140 : i32 to index
      %get3A_4143 = arith.index_cast %get3A_4141 : i32 to index
      %get3A_4144 = arith.constant 112 : index
      %get3A_4145 = tpu.vector_load %arg5[%get3A_4142, %get3A_4143, %get3A_4144] {strides = array<i32>} : memref<2x8x329xf32, #tpu.memory_space<vmem>>, vector<1x1x16xf32>,
      %get3A_4146 = vector.shape_cast %get3A_4145 : vector<1x1x16xf32> to vector<16xf32>
      %get3A_4147 = arith.constant 112 : index
      %get3A_4148 = tpu.vector_load %arg6[%get3A_4147] {strides = array<i32>} : memref<336xf32, #tpu.memory_space<vmem>>, vector<16xf32>,
      %get3A_4149 = vector.shape_cast %get3A_4148 : vector<16xf32> to vector<16xf32>
      %mul3A_4150 = arith.mulf %get3A_4146, %get3A_4149 : vector<16xf32>
      %add3A_4151 = arith.addf %add3A_4139, %mul3A_4150 : vector<16xf32>
      %get3A_4152 = arith.constant 1 : i32
      %get3A_4153 = arith.constant 7 : i32
      %get3A_4154 = arith.index_cast %get3A_4152 : i32 to index
      %get3A_4155 = arith.index_cast %get3A_4153 : i32 to index
      %get3A_4156 = arith.constant 128 : index
      %get3A_4157 = tpu.vector_load %arg5[%get3A_4154, %get3A_4155, %get3A_4156] {strides = array<i32>} : memref<2x8x329xf32, #tpu.memory_space<vmem>>, vector<1x1x16xf32>,
      %get3A_4158 = vector.shape_cast %get3A_4157 : vector<1x1x16xf32> to vector<16xf32>
      %get3A_4159 = arith.constant 128 : index
      %get3A_4160 = tpu.vector_load %arg6[%get3A_4159] {strides = array<i32>} : memref<336xf32, #tpu.memory_space<vmem>>, vector<16xf32>,
      %get3A_4161 = vector.shape_cast %get3A_4160 : vector<16xf32> to vector<16xf32>
      %mul3A_4162 = arith.mulf %get3A_4158, %get3A_4161 : vector<16xf32>
      %add3A_4163 = arith.addf %add3A_4151, %mul3A_4162 : vector<16xf32>
      %get3A_4164 = arith.constant 1 : i32
      %get3A_4165 = arith.constant 7 : i32
      %get3A_4166 = arith.index_cast %get3A_4164 : i32 to index
      %get3A_4167 = arith.index_cast %get3A_4165 : i32 to index
      %get3A_4168 = arith.constant 144 : index
      %get3A_4169 = tpu.vector_load %arg5[%get3A_4166, %get3A_4167, %get3A_4168] {strides = array<i32>} : memref<2x8x329xf32, #tpu.memory_space<vmem>>, vector<1x1x16xf32>,
      %get3A_4170 = vector.shape_cast %get3A_4169 : vector<1x1x16xf32> to vector<16xf32>
      %get3A_4171 = arith.constant 144 : index
      %get3A_4172 = tpu.vector_load %arg6[%get3A_4171] {strides = array<i32>} : memref<336xf32, #tpu.memory_space<vmem>>, vector<16xf32>,
      %get3A_4173 = vector.shape_cast %get3A_4172 : vector<16xf32> to vector<16xf32>
      %mul3A_4174 = arith.mulf %get3A_4170, %get3A_4173 : vector<16xf32>
      %add3A_4175 = arith.addf %add3A_4163, %mul3A_4174 : vector<16xf32>
      %get3A_4176 = arith.constant 1 : i32
      %get3A_4177 = arith.constant 7 : i32
      %get3A_4178 = arith.index_cast %get3A_4176 : i32 to index
      %get3A_4179 = arith.index_cast %get3A_4177 : i32 to index
      %get3A_4180 = arith.constant 160 : index
      %get3A_4181 = tpu.vector_load %arg5[%get3A_4178, %get3A_4179, %get3A_4180] {strides = array<i32>} : memref<2x8x329xf32, #tpu.memory_space<vmem>>, vector<1x1x16xf32>,
      %get3A_4182 = vector.shape_cast %get3A_4181 : vector<1x1x16xf32> to vector<16xf32>
      %get3A_4183 = arith.constant 160 : index
      %get3A_4184 = tpu.vector_load %arg6[%get3A_4183] {strides = array<i32>} : memref<336xf32, #tpu.memory_space<vmem>>, vector<16xf32>,
      %get3A_4185 = vector.shape_cast %get3A_4184 : vector<16xf32> to vector<16xf32>
      %mul3A_4186 = arith.mulf %get3A_4182, %get3A_4185 : vector<16xf32>
      %add3A_4187 = arith.addf %add3A_4175, %mul3A_4186 : vector<16xf32>
      %get3A_4188 = arith.constant 1 : i32
      %get3A_4189 = arith.constant 7 : i32
      %get3A_4190 = arith.index_cast %get3A_4188 : i32 to index
      %get3A_4191 = arith.index_cast %get3A_4189 : i32 to index
      %get3A_4192 = arith.constant 176 : index
      %get3A_4193 = tpu.vector_load %arg5[%get3A_4190, %get3A_4191, %get3A_4192] {strides = array<i32>} : memref<2x8x329xf32, #tpu.memory_space<vmem>>, vector<1x1x16xf32>,
      %get3A_4194 = vector.shape_cast %get3A_4193 : vector<1x1x16xf32> to vector<16xf32>
      %get3A_4195 = arith.constant 176 : index
      %get3A_4196 = tpu.vector_load %arg6[%get3A_4195] {strides = array<i32>} : memref<336xf32, #tpu.memory_space<vmem>>, vector<16xf32>,
      %get3A_4197 = vector.shape_cast %get3A_4196 : vector<16xf32> to vector<16xf32>
      %mul3A_4198 = arith.mulf %get3A_4194, %get3A_4197 : vector<16xf32>
      %add3A_4199 = arith.addf %add3A_4187, %mul3A_4198 : vector<16xf32>
      %get3A_4200 = arith.constant 1 : i32
      %get3A_4201 = arith.constant 7 : i32
      %get3A_4202 = arith.index_cast %get3A_4200 : i32 to index
      %get3A_4203 = arith.index_cast %get3A_4201 : i32 to index
      %get3A_4204 = arith.constant 192 : index
      %get3A_4205 = tpu.vector_load %arg5[%get3A_4202, %get3A_4203, %get3A_4204] {strides = array<i32>} : memref<2x8x329xf32, #tpu.memory_space<vmem>>, vector<1x1x16xf32>,
      %get3A_4206 = vector.shape_cast %get3A_4205 : vector<1x1x16xf32> to vector<16xf32>
      %get3A_4207 = arith.constant 192 : index
      %get3A_4208 = tpu.vector_load %arg6[%get3A_4207] {strides = array<i32>} : memref<336xf32, #tpu.memory_space<vmem>>, vector<16xf32>,
      %get3A_4209 = vector.shape_cast %get3A_4208 : vector<16xf32> to vector<16xf32>
      %mul3A_4210 = arith.mulf %get3A_4206, %get3A_4209 : vector<16xf32>
      %add3A_4211 = arith.addf %add3A_4199, %mul3A_4210 : vector<16xf32>
      %get3A_4212 = arith.constant 1 : i32
      %get3A_4213 = arith.constant 7 : i32
      %get3A_4214 = arith.index_cast %get3A_4212 : i32 to index
      %get3A_4215 = arith.index_cast %get3A_4213 : i32 to index
      %get3A_4216 = arith.constant 208 : index
      %get3A_4217 = tpu.vector_load %arg5[%get3A_4214, %get3A_4215, %get3A_4216] {strides = array<i32>} : memref<2x8x329xf32, #tpu.memory_space<vmem>>, vector<1x1x16xf32>,
      %get3A_4218 = vector.shape_cast %get3A_4217 : vector<1x1x16xf32> to vector<16xf32>
      %get3A_4219 = arith.constant 208 : index
      %get3A_4220 = tpu.vector_load %arg6[%get3A_4219] {strides = array<i32>} : memref<336xf32, #tpu.memory_space<vmem>>, vector<16xf32>,
      %get3A_4221 = vector.shape_cast %get3A_4220 : vector<16xf32> to vector<16xf32>
      %mul3A_4222 = arith.mulf %get3A_4218, %get3A_4221 : vector<16xf32>
      %add3A_4223 = arith.addf %add3A_4211, %mul3A_4222 : vector<16xf32>
      %get3A_4224 = arith.constant 1 : i32
      %get3A_4225 = arith.constant 7 : i32
      %get3A_4226 = arith.index_cast %get3A_4224 : i32 to index
      %get3A_4227 = arith.index_cast %get3A_4225 : i32 to index
      %get3A_4228 = arith.constant 224 : index
      %get3A_4229 = tpu.vector_load %arg5[%get3A_4226, %get3A_4227, %get3A_4228] {strides = array<i32>} : memref<2x8x329xf32, #tpu.memory_space<vmem>>, vector<1x1x16xf32>,
      %get3A_4230 = vector.shape_cast %get3A_4229 : vector<1x1x16xf32> to vector<16xf32>
      %get3A_4231 = arith.constant 224 : index
      %get3A_4232 = tpu.vector_load %arg6[%get3A_4231] {strides = array<i32>} : memref<336xf32, #tpu.memory_space<vmem>>, vector<16xf32>,
      %get3A_4233 = vector.shape_cast %get3A_4232 : vector<16xf32> to vector<16xf32>
      %mul3A_4234 = arith.mulf %get3A_4230, %get3A_4233 : vector<16xf32>
      %add3A_4235 = arith.addf %add3A_4223, %mul3A_4234 : vector<16xf32>
      %get3A_4236 = arith.constant 1 : i32
      %get3A_4237 = arith.constant 7 : i32
      %get3A_4238 = arith.index_cast %get3A_4236 : i32 to index
      %get3A_4239 = arith.index_cast %get3A_4237 : i32 to index
      %get3A_4240 = arith.constant 240 : index
      %get3A_4241 = tpu.vector_load %arg5[%get3A_4238, %get3A_4239, %get3A_4240] {strides = array<i32>} : memref<2x8x329xf32, #tpu.memory_space<vmem>>, vector<1x1x16xf32>,
      %get3A_4242 = vector.shape_cast %get3A_4241 : vector<1x1x16xf32> to vector<16xf32>
      %get3A_4243 = arith.constant 240 : index
      %get3A_4244 = tpu.vector_load %arg6[%get3A_4243] {strides = array<i32>} : memref<336xf32, #tpu.memory_space<vmem>>, vector<16xf32>,
      %get3A_4245 = vector.shape_cast %get3A_4244 : vector<16xf32> to vector<16xf32>
      %mul3A_4246 = arith.mulf %get3A_4242, %get3A_4245 : vector<16xf32>
      %add3A_4247 = arith.addf %add3A_4235, %mul3A_4246 : vector<16xf32>
      %get3A_4248 = arith.constant 1 : i32
      %get3A_4249 = arith.constant 7 : i32
      %get3A_4250 = arith.index_cast %get3A_4248 : i32 to index
      %get3A_4251 = arith.index_cast %get3A_4249 : i32 to index
      %get3A_4252 = arith.constant 256 : index
      %get3A_4253 = tpu.vector_load %arg5[%get3A_4250, %get3A_4251, %get3A_4252] {strides = array<i32>} : memref<2x8x329xf32, #tpu.memory_space<vmem>>, vector<1x1x16xf32>,
      %get3A_4254 = vector.shape_cast %get3A_4253 : vector<1x1x16xf32> to vector<16xf32>
      %get3A_4255 = arith.constant 256 : index
      %get3A_4256 = tpu.vector_load %arg6[%get3A_4255] {strides = array<i32>} : memref<336xf32, #tpu.memory_space<vmem>>, vector<16xf32>,
      %get3A_4257 = vector.shape_cast %get3A_4256 : vector<16xf32> to vector<16xf32>
      %mul3A_4258 = arith.mulf %get3A_4254, %get3A_4257 : vector<16xf32>
      %add3A_4259 = arith.addf %add3A_4247, %mul3A_4258 : vector<16xf32>
      %get3A_4260 = arith.constant 1 : i32
      %get3A_4261 = arith.constant 7 : i32
      %get3A_4262 = arith.index_cast %get3A_4260 : i32 to index
      %get3A_4263 = arith.index_cast %get3A_4261 : i32 to index
      %get3A_4264 = arith.constant 272 : index
      %get3A_4265 = tpu.vector_load %arg5[%get3A_4262, %get3A_4263, %get3A_4264] {strides = array<i32>} : memref<2x8x329xf32, #tpu.memory_space<vmem>>, vector<1x1x16xf32>,
      %get3A_4266 = vector.shape_cast %get3A_4265 : vector<1x1x16xf32> to vector<16xf32>
      %get3A_4267 = arith.constant 272 : index
      %get3A_4268 = tpu.vector_load %arg6[%get3A_4267] {strides = array<i32>} : memref<336xf32, #tpu.memory_space<vmem>>, vector<16xf32>,
      %get3A_4269 = vector.shape_cast %get3A_4268 : vector<16xf32> to vector<16xf32>
      %mul3A_4270 = arith.mulf %get3A_4266, %get3A_4269 : vector<16xf32>
      %add3A_4271 = arith.addf %add3A_4259, %mul3A_4270 : vector<16xf32>
      %get3A_4272 = arith.constant 1 : i32
      %get3A_4273 = arith.constant 7 : i32
      %get3A_4274 = arith.index_cast %get3A_4272 : i32 to index
      %get3A_4275 = arith.index_cast %get3A_4273 : i32 to index
      %get3A_4276 = arith.constant 288 : index
      %get3A_4277 = tpu.vector_load %arg5[%get3A_4274, %get3A_4275, %get3A_4276] {strides = array<i32>} : memref<2x8x329xf32, #tpu.memory_space<vmem>>, vector<1x1x16xf32>,
      %get3A_4278 = vector.shape_cast %get3A_4277 : vector<1x1x16xf32> to vector<16xf32>
      %get3A_4279 = arith.constant 288 : index
      %get3A_4280 = tpu.vector_load %arg6[%get3A_4279] {strides = array<i32>} : memref<336xf32, #tpu.memory_space<vmem>>, vector<16xf32>,
      %get3A_4281 = vector.shape_cast %get3A_4280 : vector<16xf32> to vector<16xf32>
      %mul3A_4282 = arith.mulf %get3A_4278, %get3A_4281 : vector<16xf32>
      %add3A_4283 = arith.addf %add3A_4271, %mul3A_4282 : vector<16xf32>
      %get3A_4284 = arith.constant 1 : i32
      %get3A_4285 = arith.constant 7 : i32
      %get3A_4286 = arith.index_cast %get3A_4284 : i32 to index
      %get3A_4287 = arith.index_cast %get3A_4285 : i32 to index
      %get3A_4288 = arith.constant 304 : index
      %get3A_4289 = tpu.vector_load %arg5[%get3A_4286, %get3A_4287, %get3A_4288] {strides = array<i32>} : memref<2x8x329xf32, #tpu.memory_space<vmem>>, vector<1x1x16xf32>,
      %get3A_4290 = vector.shape_cast %get3A_4289 : vector<1x1x16xf32> to vector<16xf32>
      %get3A_4291 = arith.constant 304 : index
      %get3A_4292 = tpu.vector_load %arg6[%get3A_4291] {strides = array<i32>} : memref<336xf32, #tpu.memory_space<vmem>>, vector<16xf32>,
      %get3A_4293 = vector.shape_cast %get3A_4292 : vector<16xf32> to vector<16xf32>
      %mul3A_4294 = arith.mulf %get3A_4290, %get3A_4293 : vector<16xf32>
      %add3A_4295 = arith.addf %add3A_4283, %mul3A_4294 : vector<16xf32>
      %get3A_4296 = arith.constant 1 : i32
      %get3A_4297 = arith.constant 7 : i32
      %get3A_4298 = arith.index_cast %get3A_4296 : i32 to index
      %get3A_4299 = arith.index_cast %get3A_4297 : i32 to index
      %get3A_4300 = arith.constant 313 : index
      %get3A_4301 = tpu.vector_load %arg5[%get3A_4298, %get3A_4299, %get3A_4300] {strides = array<i32>} : memref<2x8x329xf32, #tpu.memory_space<vmem>>, vector<1x1x16xf32>,
      %get3A_4302 = vector.shape_cast %get3A_4301 : vector<1x1x16xf32> to vector<16xf32>
      %get3A_4303 = arith.constant 320 : index
      %get3A_4304 = tpu.vector_load %arg6[%get3A_4303] {strides = array<i32>} : memref<336xf32, #tpu.memory_space<vmem>>, vector<16xf32>,
      %get3A_4305 = vector.shape_cast %get3A_4304 : vector<16xf32> to vector<16xf32>
      %mul3A_4306 = arith.mulf %get3A_4302, %get3A_4305 : vector<16xf32>
      %add3A_4307 = arith.addf %add3A_4295, %mul3A_4306 : vector<16xf32>
      %mul3A_4308 = arith.constant 8 : i32
      %mul3A_4309 = arith.muli %add3A_2184, %mul3A_4308 : i32
      %add3A_4310 = arith.constant 7 : i32
      %add3A_4311 = arith.addi %mul3A_4309, %add3A_4310 : i32
      %mul3A_4312 = arith.constant 16 : i32
      %mul3A_4313 = arith.muli %add3A_4311, %mul3A_4312 : i32
      %swap3A_4314 = arith.index_cast %mul3A_4313 : i32 to index
      %swap3A_4315 = tpu.vector_load %arg7[%swap3A_4314] {strides = array<i32>} : memref<10496xf32, #tpu.memory_space<vmem>>, vector<16xf32>,
      %swap3A_4316 = vector.shape_cast %swap3A_4315 : vector<16xf32> to vector<16xf32>
      %swap3A_4317 = vector.shape_cast %add3A_4307 : vector<16xf32> to vector<16xf32>
      tpu.vector_store %arg7[%swap3A_4314], %swap3A_4317 {strides = array<i32>} : memref<10496xf32, #tpu.memory_space<vmem>>, vector<16xf32>,
      %lt3A_4318 = arith.constant 40 : i32
      %lt3A_4319 = arith.cmpi slt, %scan3A_51, %lt3A_4318 : i32
      %convert_element_type3A_4320 = arith.extui %lt3A_4319 : i1 to i32
      %cond3A_4321 = arith.constant 0 : i32
      %cond3A_4322 = arith.cmpi ne, %convert_element_type3A_4320, %cond3A_4321 : i32
      scf.if %cond3A_4322 {
        %add3A_4323 = arith.constant 2 : i32
        %add3A_4324 = arith.addi %add3A_2184, %add3A_4323 : i32
        %jit3A_4325 = arith.constant 41 : i32
        %div3A_4326 = arith.divsi %add3A_4324, %jit3A_4325 : i32
        %sign3A_4327 = arith.constant 0 : i32
        %sign3A_4328 = arith.cmpi sgt, %add3A_4324, %sign3A_4327 : i32
        %sign3A_4329 = arith.extui %sign3A_4328 : i1 to i32
        %sign3A_4330 = arith.constant 0 : i32
        %sign3A_4331 = arith.cmpi slt, %add3A_4324, %sign3A_4330 : i32
        %sign3A_4332 = arith.extui %sign3A_4331 : i1 to i32
        %sign3A_4333 = arith.subi %sign3A_4329, %sign3A_4332 : i32
        %sign3A_4334 = arith.constant 0 : i32
        %sign3A_4335 = arith.cmpi sgt, %jit3A_4325, %sign3A_4334 : i32
        %sign3A_4336 = arith.extui %sign3A_4335 : i1 to i32
        %sign3A_4337 = arith.constant 0 : i32
        %sign3A_4338 = arith.cmpi slt, %jit3A_4325, %sign3A_4337 : i32
        %sign3A_4339 = arith.extui %sign3A_4338 : i1 to i32
        %sign3A_4340 = arith.subi %sign3A_4336, %sign3A_4339 : i32
        %ne3A_4341 = arith.cmpi ne, %sign3A_4333, %sign3A_4340 : i32
        %rem3A_4342 = arith.remsi %add3A_4324, %jit3A_4325 : i32
        %ne3A_4343 = arith.constant 0 : i32
        %ne3A_4344 = arith.cmpi ne, %rem3A_4342, %ne3A_4343 : i32
        %and3A_4345 = arith.andi %ne3A_4341, %ne3A_4344 : i1
        %sub3A_4346 = arith.constant 1 : i32
        %sub3A_4347 = arith.subi %div3A_4326, %sub3A_4346 : i32
        %select_n3A_4348 = arith.select %and3A_4345, %sub3A_4347, %div3A_4326 : i32
        %add3A_4349 = arith.addi %mul3A_2, %select_n3A_4348 : i32
        %rem3A_4350 = arith.constant 41 : i32
        %rem3A_4351 = arith.remsi %add3A_4324, %rem3A_4350 : i32
        %mul3A_4352 = arith.constant 8 : i32
        %mul3A_4353 = arith.muli %rem3A_4351, %mul3A_4352 : i32
        %multiple_of3A_4354 = tpu.assume_multiple %mul3A_4353, 8 : i32
        %dma_start3A_4355 = arith.constant 1 : i32
        %dma_start3A_4356 = arith.constant 0 : i32
        %dma_start3A_4357 = arith.constant 0 : i32
        %dma_start3A_4358 = tpu.memref_slice %arg5[%dma_start3A_4355, %dma_start3A_4356, %dma_start3A_4357] : memref<2x8x329xf32, #tpu.memory_space<vmem>> -> memref<1x8x329xf32, #tpu.memory_space<vmem>>
        %dma_start3A_4359 = tpu.memref_squeeze %dma_start3A_4358 : memref<1x8x329xf32, #tpu.memory_space<vmem>> -> memref<8x329xf32, #tpu.memory_space<vmem>>
        %dma_start3A_4360 = arith.constant 0 : i32
        %dma_start3A_4361 = tpu.memref_slice %arg2[%add3A_4349, %multiple_of3A_4354, %dma_start3A_4360] : memref<64x329x329xf32, #tpu.memory_space<hbm>> -> memref<1x8x329xf32, #tpu.memory_space<hbm>>
        %dma_start3A_4362 = tpu.memref_squeeze %dma_start3A_4361 : memref<1x8x329xf32, #tpu.memory_space<hbm>> -> memref<8x329xf32, #tpu.memory_space<hbm>>
        %dma_start3A_4363 = arith.constant 0 : i32
        %dma_start3A_4364 = arith.constant 0 : i32
        %dma_start3A_4365 = tpu.memref_slice %arg5[%dma_start3A_4355, %dma_start3A_4363, %dma_start3A_4364] : memref<2x8x329xf32, #tpu.memory_space<vmem>> -> memref<1x8x329xf32, #tpu.memory_space<vmem>>
        %dma_start3A_4366 = tpu.memref_squeeze %dma_start3A_4365 : memref<1x8x329xf32, #tpu.memory_space<vmem>> -> memref<8x329xf32, #tpu.memory_space<vmem>>
        %dma_start3A_4367 = arith.constant 0 : i32
        %dma_start3A_4368 = tpu.memref_slice %arg2[%add3A_4349, %multiple_of3A_4354, %dma_start3A_4367] : memref<64x329x329xf32, #tpu.memory_space<hbm>> -> memref<1x8x329xf32, #tpu.memory_space<hbm>>
        %dma_start3A_4369 = tpu.memref_squeeze %dma_start3A_4368 : memref<1x8x329xf32, #tpu.memory_space<hbm>> -> memref<8x329xf32, #tpu.memory_space<hbm>>
        tpu.enqueue_dma source(%dma_start3A_4369 : memref<8x329xf32, #tpu.memory_space<hbm>>) target(%dma_start3A_4366 : memref<8x329xf32, #tpu.memory_space<vmem>>) target_semaphore(%arg9 : memref<!tpu.dma_semaphore, #tpu.memory_space<semaphore_mem>>)
      } else {
      }
    }
    %scan3A_50 = arith.constant 41 : i32
    "tpu.region"() ({
      %run_scoped3A = tpu.sem_alloc : memref<!tpu.dma_semaphore, #tpu.memory_space<semaphore_mem>>
      %dma_start3A_51 = arith.constant 0 : i32
      %dma_start3A_52 = tpu.memref_slice %arg4[%add3A, %dma_start3A_51] : memref<32x10496xf32, #tpu.memory_space<hbm>> -> memref<1x10496xf32, #tpu.memory_space<hbm>>
      %dma_start3A_53 = tpu.memref_squeeze %dma_start3A_52 : memref<1x10496xf32, #tpu.memory_space<hbm>> -> memref<10496xf32, #tpu.memory_space<hbm>>
      %dma_start3A_54 = arith.constant 0 : i32
      %dma_start3A_55 = tpu.memref_slice %arg4[%add3A, %dma_start3A_54] : memref<32x10496xf32, #tpu.memory_space<hbm>> -> memref<1x10496xf32, #tpu.memory_space<hbm>>
      %dma_start3A_56 = tpu.memref_squeeze %dma_start3A_55 : memref<1x10496xf32, #tpu.memory_space<hbm>> -> memref<10496xf32, #tpu.memory_space<hbm>>
      tpu.enqueue_dma source(%arg7 : memref<10496xf32, #tpu.memory_space<vmem>>) target(%dma_start3A_56 : memref<10496xf32, #tpu.memory_space<hbm>>) target_semaphore(%run_scoped3A : memref<!tpu.dma_semaphore, #tpu.memory_space<semaphore_mem>>)
      %dma_wait3A = arith.constant 0 : i32
      %dma_wait3A_57 = tpu.memref_slice %arg4[%add3A, %dma_wait3A] : memref<32x10496xf32, #tpu.memory_space<hbm>> -> memref<1x10496xf32, #tpu.memory_space<hbm>>
      %dma_wait3A_58 = tpu.memref_squeeze %dma_wait3A_57 : memref<1x10496xf32, #tpu.memory_space<hbm>> -> memref<10496xf32, #tpu.memory_space<hbm>>
      %dma_wait3A_59 = arith.constant 0 : i32
      %dma_wait3A_60 = tpu.memref_slice %arg4[%add3A, %dma_wait3A_59] : memref<32x10496xf32, #tpu.memory_space<hbm>> -> memref<1x10496xf32, #tpu.memory_space<hbm>>
      %dma_wait3A_61 = tpu.memref_squeeze %dma_wait3A_60 : memref<1x10496xf32, #tpu.memory_space<hbm>> -> memref<10496xf32, #tpu.memory_space<hbm>>
      tpu.wait_dma2 semaphore(%run_scoped3A : memref<!tpu.dma_semaphore, #tpu.memory_space<semaphore_mem>>) src(%arg7 : memref<10496xf32, #tpu.memory_space<vmem>>) dst(%dma_wait3A_61 : memref<10496xf32, #tpu.memory_space<hbm>>)
      tpu.yield
    }) : () -> ()
    return
  }
}

module attributes {stable_mosaic.version = 14 : i64} {
  func.func @_moe_tc_body(%arg0: memref<2048x1x329xf32, #tpu.memory_space<hbm>>, %arg1: memref<64x329xf32, #tpu.memory_space<vmem>>, %arg2: memref<64x329x329xf32, #tpu.memory_space<hbm>>, %arg3: memref<64x5248xf32, #tpu.memory_space<vmem>>, %arg4: memref<329x329xf32, #tpu.memory_space<vmem>>, %arg5: memref<1x329xf32, #tpu.memory_space<vmem>>, %arg6: memref<1x1xf32, #tpu.memory_space<vmem>>, %arg7: memref<2048x64xf32, #tpu.memory_space<vmem>>, %arg8: memref<2048x64xf32, #tpu.memory_space<vmem>>, %arg9: memref<2048x1xf32, #tpu.memory_space<vmem>>, %arg10: memref<2048x329xf32, #tpu.memory_space<vmem>>, %arg11: memref<64x1x329xf32, #tpu.memory_space<vmem>>, %arg12: memref<2x!tpu.dma_semaphore, #tpu.memory_space<semaphore_mem>>) attributes {dimension_semantics = [], scalar_prefetch = 0 : i64, scratch_operands = 3 : i64, tpu.core_type = #tpu.core_type<tc>} {
    %dma_start3A = arith.constant 0 : i32
    %dma_start3A_0 = arith.constant 0 : i32
    %dma_start3A_1 = tpu.memref_slice %arg12[%dma_start3A_0] : memref<2x!tpu.dma_semaphore, #tpu.memory_space<semaphore_mem>> -> memref<1x!tpu.dma_semaphore, #tpu.memory_space<semaphore_mem>>
    %dma_start3A_2 = tpu.memref_squeeze %dma_start3A_1 : memref<1x!tpu.dma_semaphore, #tpu.memory_space<semaphore_mem>> -> memref<!tpu.dma_semaphore, #tpu.memory_space<semaphore_mem>>
    %dma_start3A_3 = arith.constant 0 : i32
    %dma_start3A_4 = arith.constant 0 : i32
    %dma_start3A_5 = tpu.memref_slice %arg0[%dma_start3A_3, %dma_start3A, %dma_start3A_4] : memref<2048x1x329xf32, #tpu.memory_space<hbm>> -> memref<2048x1x329xf32, #tpu.memory_space<hbm>>
    %dma_start3A_6 = tpu.memref_squeeze %dma_start3A_5 : memref<2048x1x329xf32, #tpu.memory_space<hbm>> -> memref<2048x329xf32, #tpu.memory_space<hbm>>
    tpu.enqueue_dma source(%dma_start3A_6 : memref<2048x329xf32, #tpu.memory_space<hbm>>) target(%arg10 : memref<2048x329xf32, #tpu.memory_space<vmem>>) target_semaphore(%dma_start3A_2 : memref<!tpu.dma_semaphore, #tpu.memory_space<semaphore_mem>>)
    %dma_start3A_7 = arith.constant 1 : i32
    %dma_start3A_8 = tpu.memref_slice %arg12[%dma_start3A_7] : memref<2x!tpu.dma_semaphore, #tpu.memory_space<semaphore_mem>> -> memref<1x!tpu.dma_semaphore, #tpu.memory_space<semaphore_mem>>
    %dma_start3A_9 = tpu.memref_squeeze %dma_start3A_8 : memref<1x!tpu.dma_semaphore, #tpu.memory_space<semaphore_mem>> -> memref<!tpu.dma_semaphore, #tpu.memory_space<semaphore_mem>>
    %dma_start3A_10 = arith.constant 0 : i32
    %dma_start3A_11 = arith.constant 328 : i32
    %dma_start3A_12 = arith.constant 0 : i32
    %dma_start3A_13 = tpu.memref_slice %arg2[%dma_start3A_10, %dma_start3A_11, %dma_start3A_12] : memref<64x329x329xf32, #tpu.memory_space<hbm>> -> memref<64x1x329xf32, #tpu.memory_space<hbm>>
    tpu.enqueue_dma source(%dma_start3A_13 : memref<64x1x329xf32, #tpu.memory_space<hbm>>) target(%arg11 : memref<64x1x329xf32, #tpu.memory_space<vmem>>) target_semaphore(%dma_start3A_9 : memref<!tpu.dma_semaphore, #tpu.memory_space<semaphore_mem>>)
    %get3A = arith.constant 0 : index
    %get3A_14 = arith.constant 0 : index
    %get3A_15 = vector.load %arg5[%get3A, %get3A_14] : memref<1x329xf32, #tpu.memory_space<vmem>>, vector<1x329xf32>
    %get3A_16 = arith.constant 0 : index
    %get3A_17 = arith.constant 0 : index
    %get3A_18 = vector.load %arg6[%get3A_16, %get3A_17] : memref<1x1xf32, #tpu.memory_space<vmem>>, vector<1x1xf32>
    %get3A_19 = vector.extract %get3A_18[0, 0] : f32 from vector<1x1xf32>
    %get3A_20 = arith.constant 0 : index
    %get3A_21 = arith.constant 0 : index
    %get3A_22 = vector.load %arg4[%get3A_20, %get3A_21] : memref<329x329xf32, #tpu.memory_space<vmem>>, vector<329x329xf32>
    %dot_general3A = arith.constant dense<0.000000e+00> : vector<329x1xf32>
    %dot_general3A_23 = tpu.matmul %get3A_22, %get3A_15, %dot_general3A {dimension_numbers = #tpu.dot_dimension_numbers<[1], [1], [0], [0], [0, 0, 1, 0], [], []>, transpose_lhs_hint = false} : vector<329x329xf32>, vector<1x329xf32>, vector<329x1xf32> -> vector<329x1xf32>
    %dma_wait3A = arith.constant 1 : i32
    %dma_wait3A_24 = tpu.memref_slice %arg12[%dma_wait3A] : memref<2x!tpu.dma_semaphore, #tpu.memory_space<semaphore_mem>> -> memref<1x!tpu.dma_semaphore, #tpu.memory_space<semaphore_mem>>
    %dma_wait3A_25 = tpu.memref_squeeze %dma_wait3A_24 : memref<1x!tpu.dma_semaphore, #tpu.memory_space<semaphore_mem>> -> memref<!tpu.dma_semaphore, #tpu.memory_space<semaphore_mem>>
    %dma_wait3A_26 = arith.constant 0 : i32
    %dma_wait3A_27 = arith.constant 328 : i32
    %dma_wait3A_28 = arith.constant 0 : i32
    %dma_wait3A_29 = tpu.memref_slice %arg2[%dma_wait3A_26, %dma_wait3A_27, %dma_wait3A_28] : memref<64x329x329xf32, #tpu.memory_space<hbm>> -> memref<64x1x329xf32, #tpu.memory_space<hbm>>
    tpu.wait_dma2 semaphore(%dma_wait3A_25 : memref<!tpu.dma_semaphore, #tpu.memory_space<semaphore_mem>>) src(%dma_wait3A_29 : memref<64x1x329xf32, #tpu.memory_space<hbm>>) dst(%arg11 : memref<64x1x329xf32, #tpu.memory_space<vmem>>)
    %get3A_30 = arith.constant 0 : index
    %get3A_31 = arith.constant 0 : index
    %get3A_32 = arith.constant 0 : index
    %get3A_33 = vector.load %arg11[%get3A_30, %get3A_31, %get3A_32] : memref<64x1x329xf32, #tpu.memory_space<vmem>>, vector<64x1x329xf32>
    %get3A_34 = vector.shape_cast %get3A_33 : vector<64x1x329xf32> to vector<64x329xf32>
    %dot_general3A_35 = arith.constant dense<0.000000e+00> : vector<64x1xf32>
    %dot_general3A_36 = tpu.matmul %get3A_34, %get3A_15, %dot_general3A_35 {dimension_numbers = #tpu.dot_dimension_numbers<[1], [1], [0], [0], [0, 0, 1, 0], [], []>, transpose_lhs_hint = false} : vector<64x329xf32>, vector<1x329xf32>, vector<64x1xf32> -> vector<64x1xf32>
    %get3A_37 = arith.constant 0 : index
    %get3A_38 = arith.constant 0 : index
    %get3A_39 = vector.load %arg3[%get3A_37, %get3A_38] : memref<64x5248xf32, #tpu.memory_space<vmem>>, vector<64x5248xf32>
    %reshape3A = vector.shape_cast %get3A_39 : vector<64x5248xf32> to vector<64x328x16xf32>
    %reduce_sum3A = arith.constant dense<0.000000e+00> : vector<64x328xf32>
    %reduce_sum3A_40 = vector.multi_reduction <add>, %reshape3A, %reduce_sum3A [2] : vector<64x328x16xf32> to vector<64x328xf32>
    %dma_wait3A_41 = arith.constant 0 : i32
    %dma_wait3A_42 = arith.constant 0 : i32
    %dma_wait3A_43 = tpu.memref_slice %arg12[%dma_wait3A_42] : memref<2x!tpu.dma_semaphore, #tpu.memory_space<semaphore_mem>> -> memref<1x!tpu.dma_semaphore, #tpu.memory_space<semaphore_mem>>
    %dma_wait3A_44 = tpu.memref_squeeze %dma_wait3A_43 : memref<1x!tpu.dma_semaphore, #tpu.memory_space<semaphore_mem>> -> memref<!tpu.dma_semaphore, #tpu.memory_space<semaphore_mem>>
    %dma_wait3A_45 = arith.constant 0 : i32
    %dma_wait3A_46 = arith.constant 0 : i32
    %dma_wait3A_47 = tpu.memref_slice %arg0[%dma_wait3A_45, %dma_wait3A_41, %dma_wait3A_46] : memref<2048x1x329xf32, #tpu.memory_space<hbm>> -> memref<2048x1x329xf32, #tpu.memory_space<hbm>>
    %dma_wait3A_48 = tpu.memref_squeeze %dma_wait3A_47 : memref<2048x1x329xf32, #tpu.memory_space<hbm>> -> memref<2048x329xf32, #tpu.memory_space<hbm>>
    tpu.wait_dma2 semaphore(%dma_wait3A_44 : memref<!tpu.dma_semaphore, #tpu.memory_space<semaphore_mem>>) src(%dma_wait3A_48 : memref<2048x329xf32, #tpu.memory_space<hbm>>) dst(%arg10 : memref<2048x329xf32, #tpu.memory_space<vmem>>)
    %get3A_49 = arith.constant 0 : index
    %get3A_50 = arith.constant 0 : index
    %get3A_51 = vector.load %arg10[%get3A_49, %get3A_50] : memref<2048x329xf32, #tpu.memory_space<vmem>>, vector<2048x329xf32>
    %get3A_52 = arith.constant 0 : index
    %get3A_53 = arith.constant 0 : index
    %get3A_54 = vector.load %arg1[%get3A_52, %get3A_53] : memref<64x329xf32, #tpu.memory_space<vmem>>, vector<64x329xf32>
    %dot_general3A_55 = arith.constant dense<0.000000e+00> : vector<2048x64xf32>
    %dot_general3A_56 = tpu.matmul %get3A_51, %get3A_54, %dot_general3A_55 {dimension_numbers = #tpu.dot_dimension_numbers<[1], [1], [0], [0], [0, 0, 1, 0], [], []>, transpose_lhs_hint = false} : vector<2048x329xf32>, vector<64x329xf32>, vector<2048x64xf32> -> vector<2048x64xf32>
    %swap3A = arith.constant 0 : index
    %swap3A_57 = arith.constant 0 : index
    %swap3A_58 = vector.load %arg7[%swap3A, %swap3A_57] : memref<2048x64xf32, #tpu.memory_space<vmem>>, vector<2048x64xf32>
    tpu.vector_store %arg7[%swap3A, %swap3A_57], %dot_general3A_56 {strides = array<i32>} : memref<2048x64xf32, #tpu.memory_space<vmem>>, vector<2048x64xf32>,
    %dot_general3A_59 = arith.constant dense<0.000000e+00> : vector<2048x1xf32>
    %dot_general3A_60 = tpu.matmul %get3A_51, %dot_general3A_23, %dot_general3A_59 {dimension_numbers = #tpu.dot_dimension_numbers<[1], [0], [0], [1], [0, 0, 1, 1], [], []>, transpose_lhs_hint = false} : vector<2048x329xf32>, vector<329x1xf32>, vector<2048x1xf32> -> vector<2048x1xf32>
    %add3A = vector.broadcast %get3A_19 : f32 to vector<2048x1xf32>
    %add3A_61 = arith.addf %dot_general3A_60, %add3A : vector<2048x1xf32>
    %swap3A_62 = arith.constant 0 : index
    %swap3A_63 = arith.constant 0 : index
    %swap3A_64 = vector.load %arg9[%swap3A_62, %swap3A_63] : memref<2048x1xf32, #tpu.memory_space<vmem>>, vector<2048x1xf32>
    tpu.vector_store %arg9[%swap3A_62, %swap3A_63], %add3A_61 {strides = array<i32>} : memref<2048x1xf32, #tpu.memory_space<vmem>>, vector<2048x1xf32>,
    %slice3A = vector.extract_strided_slice %get3A_51 {offsets = [0, 0], sizes = [2048, 328], strides = [1, 1]} : vector<2048x329xf32> to vector<2048x328xf32>
    %dot_general3A_65 = arith.constant dense<0.000000e+00> : vector<2048x64xf32>
    %dot_general3A_66 = tpu.matmul %slice3A, %reduce_sum3A_40, %dot_general3A_65 {dimension_numbers = #tpu.dot_dimension_numbers<[1], [1], [0], [0], [0, 0, 1, 0], [], []>, transpose_lhs_hint = false} : vector<2048x328xf32>, vector<64x328xf32>, vector<2048x64xf32> -> vector<2048x64xf32>
    %slice3A_67 = vector.extract_strided_slice %get3A_51 {offsets = [0, 328], sizes = [2048, 1], strides = [1, 1]} : vector<2048x329xf32> to vector<2048x1xf32>
    %dot_general3A_68 = arith.constant dense<0.000000e+00> : vector<2048x64xf32>
    %dot_general3A_69 = tpu.matmul %slice3A_67, %dot_general3A_36, %dot_general3A_68 {dimension_numbers = #tpu.dot_dimension_numbers<[1], [1], [0], [0], [0, 0, 1, 0], [], []>, transpose_lhs_hint = false} : vector<2048x1xf32>, vector<64x1xf32>, vector<2048x64xf32> -> vector<2048x64xf32>
    %add3A_70 = arith.addf %dot_general3A_66, %dot_general3A_69 : vector<2048x64xf32>
    %add3A_71 = vector.broadcast %get3A_19 : f32 to vector<2048x64xf32>
    %add3A_72 = arith.addf %add3A_70, %add3A_71 : vector<2048x64xf32>
    %swap3A_73 = arith.constant 0 : index
    %swap3A_74 = arith.constant 0 : index
    %swap3A_75 = vector.load %arg8[%swap3A_73, %swap3A_74] : memref<2048x64xf32, #tpu.memory_space<vmem>>, vector<2048x64xf32>
    tpu.vector_store %arg8[%swap3A_73, %swap3A_74], %add3A_72 {strides = array<i32>} : memref<2048x64xf32, #tpu.memory_space<vmem>>, vector<2048x64xf32>,
    return
  }
}

</mosaic_0001>

<sc_bundles>
// kernel: kernel.4.cloned.1.call-start
scs
__scs_entry_jumppad:
0x0: {  	(pc) =	sbr.rel $0x88, $3  }
0x1: {  	(tag) =	ssettag $0x0;
	lr =	simm.s32 $0x1  }
0x2: {  	[smem:$0x3F9B] =	sst lr;
	_ =	strace $0xD0000000  }
0x3: {  	_ = 	snop  }
0x4: {  	_ = 	snop  }
0x5: {  	_ = 	snop  }
0x6: {  	_ = 	snop  }
0x7: {  	_ = 	snop  }
__scs_overlays_trampoline_lowered:
0x8: {  	[smem:$0x3FAA] =	sst s0  }
0x9: {  	[smem:$0x3FAB] =	sst s1  }
0xa: {  	[smem:$0x3FAC] =	sst s2  }
0xb: {  	[smem:$0x3FAD] =	sst s3  }
0xc: {  	[smem:$0x3FAE] =	sst s4  }
0xd: {  	[smem:$0x3FAF] =	sst s5  }
0xe: {  	[smem:$0x3FB0] =	sst s6  }
0xf: {  	[smem:$0x3FB1] =	sst s7  }
0x10: {  	[smem:$0x3FB2] =	sst s8  }
0x11: {  	[smem:$0x3FB3] =	sst s9;
	s0 =	simm.s32 @!p0 $0x0  }
0x12: {  	s1 =	sld [smem:$0x3F99];
	s0 =	simm.s32 @p0 $0x1  }
0x13: {  	[smem:$0x3FB4] =	sst s0;
	s0 =	simm.s32 @!p1 $0x0  }
0x14: {  	s2 =	sld [smem:$0x3F98];
	s0 =	simm.s32 @p1 $0x1  }
0x15: {  	[smem:$0x3FB5] =	sst s0;
	s0 =	simm.s32 @!p2 $0x0  }
0x16: {  	s3 =	sld [smem:$0x3FDB];
	s0 =	simm.s32 @p2 $0x1  }
0x17: {  	s4 =	simm.s32 $0x1BF5;
	[smem:$0x3FB7] =	sst s0  }
0x18: {  	s0 =	sld [smem:$0x3F9A];
	_ =	swait.ge [sflag:s4], $0x0  }
0x19: {  	s7 =	sld [smem:$0x3F9B]  }
0x1a: {  	s8 =	sadd.s32 $0xFFFFE003, lr  }
0x1b: {  	s9 =	sadd.s32 $0xFFFFFEF7, lr;
	s5 =	simm.s32 $0xFFFFFFFF;
	p2 =	slt.u32 s8, $0xFFFFF086  }
0x1c: {  	p1 =	slt.u32 s9, $0xF7A;
	s5 =	simm.s32 @!p2 $0x0  }
0x1d: {  	s5 =	simm.s32 @p1 $0x1;
	p0 =	seq.s32 s7, s2  }
0x1e: {  	s7 =	smul.u32 @!p0 $0xF7A, s2;
	p2 =	seq.s32 @!p0 s5, $0x0  }
0x1f: {  	s9 =	smul.u32 $0xF7A, s1;
	s8 =	simm.s32 @!p0 $0x1BF5;
	p2 =	por !p2, p0  }
0x20: {  	[sflag:s8] =	ssyncset.s32 @!p0 $0xFFFFF086;
	s6 =	sadd.s32 @!p0 s3, s7;
	s7 =	simm.s32 @!p0 $0x108  }
0x21: {  	s3 =	sadd.s32 s3, s9;
	s6 =	sadd.s32 @!p0 $0x88, s6;
	s7 =	simm.s32 @p2 $0x1082  }
0x22: {  	[simem:s7], [sflag:s8] =	dma.local @!p0 [hbm:s6], $0xF7A  }
0x23: {  	s9 =	sor.u32 $0xD0000000, s2;
	s6 =	simm.s32 $0x108;
	_ =	swait.ge @!p0 [sflag:s8], $0x0  }
0x24: {  	s3 =	sadd.s32 $0x88, s3;
	s6 =	simm.s32 @!p1 $0x1082;
	[sflag:s4] =	ssyncset.s32 $0xFFFFF086  }
0x25: {  	[simem:s6], [sflag:s4] =	dma.local [hbm:s3], $0xF7A  }
0x26: {  	[smem:$0x3F9B] =	sst s1;
	(tag) =	ssettag s2;
	_ =	strace s9  }
0x27: {  	s1 =	sld [smem:$0x3FAB]  }
0x28: {  	s2 =	sld [smem:$0x3FAC]  }
0x29: {  	s4 =	sld [smem:$0x3FAE]  }
0x2a: {  	p0 =	seq.s32 s5, $0x0;
	s5 =	sld [smem:$0x3FAF]  }
0x2b: {  	s6 =	sld [smem:$0x3FB0]  }
0x2c: {  	s7 =	sld [smem:$0x3FB1]  }
0x2d: {  	s3 =	simm.s32 $0x108;
	s8 =	sld [smem:$0x3FB2]  }
0x2e: {  	s3 =	simm.s32 @!p0 $0x1082;
	s9 =	sld [smem:$0x3FB3]  }
0x2f: {  	lr =	sadd.s32 s0, s3;
	s0 =	sld [smem:$0x3FAA]  }
0x30: {  	s3 =	sld [smem:$0x3FAD]  }
0x31: {  	[smem:$0x3FB6] =	sst s10  }
0x32: {  	s10 =	sld [smem:$0x3FB4];
	_ =	sdelay $0x3  }
0x33: {  	p0 =	seq.s32 s10, $0x1;
	s10 =	sld [smem:$0x3FB6];
	_ =	sdelay $0x3  }
0x34: {  	[smem:$0x3FB6] =	sst s10  }
0x35: {  	s10 =	sld [smem:$0x3FB5];
	_ =	sdelay $0x3  }
0x36: {  	p1 =	seq.s32 s10, $0x1;
	s10 =	sld [smem:$0x3FB6];
	_ =	sdelay $0x3  }
0x37: {  	[smem:$0x3FB6] =	sst s10  }
0x38: {  	s10 =	sld [smem:$0x3FB7]  }
0x39: {  	_ = 	snop;
	(pc) =	sbr.ind lr, $3  }
0x3a: {  	_ = 	snop  }
0x3b: {  	_ = 	snop  }
0x3c: {  	p2 =	seq.s32 s10, $0x1;
	s10 =	sld [smem:$0x3FB6]  }
0x3d: {  	_ =	shalt  }
0x3e: {  	_ =	shalt  }
0x3f: {  	_ =	shalt  }
0x40: {  	_ =	shalt  }
0x41: {  	_ =	shalt  }
0x42: {  	_ =	shalt  }
0x43: {  	_ =	shalt  }
0x44: {  	_ =	shalt  }
0x45: {  	_ =	shalt  }
0x46: {  	_ =	shalt  }
0x47: {  	_ =	shalt  }
0x48: {  	_ =	shalt  }
0x49: {  	_ =	shalt  }
0x4a: {  	_ =	shalt  }
0x4b: {  	_ =	shalt  }
0x4c: {  	_ =	shalt  }
0x4d: {  	_ =	shalt  }
0x4e: {  	_ =	shalt  }
0x4f: {  	_ =	shalt  }
0x50: {  	_ =	shalt  }
0x51: {  	_ =	shalt  }
0x52: {  	_ =	shalt  }
0x53: {  	_ =	shalt  }
0x54: {  	_ =	shalt  }
0x55: {  	_ =	shalt  }
0x56: {  	_ =	shalt  }
0x57: {  	_ =	shalt  }
0x58: {  	_ =	shalt  }
0x59: {  	_ =	shalt  }
0x5a: {  	_ =	shalt  }
0x5b: {  	_ =	shalt  }
0x5c: {  	_ =	shalt  }
0x5d: {  	_ =	shalt  }
0x5e: {  	_ =	shalt  }
0x5f: {  	_ =	shalt  }
0x60: {  	_ =	shalt  }
0x61: {  	_ =	shalt  }
0x62: {  	_ =	shalt  }
0x63: {  	_ =	shalt  }
0x64: {  	_ =	shalt  }
0x65: {  	_ =	shalt  }
0x66: {  	_ =	shalt  }
0x67: {  	_ =	shalt  }
0x68: {  	_ =	shalt  }
0x69: {  	_ =	shalt  }
0x6a: {  	_ =	shalt  }
0x6b: {  	_ =	shalt  }
0x6c: {  	_ =	shalt  }
0x6d: {  	_ =	shalt  }
0x6e: {  	_ =	shalt  }
0x6f: {  	_ =	shalt  }
0x70: {  	_ =	shalt  }
0x71: {  	_ =	shalt  }
0x72: {  	_ =	shalt  }
0x73: {  	_ =	shalt  }
0x74: {  	_ =	shalt  }
0x75: {  	_ =	shalt  }
0x76: {  	_ =	shalt  }
0x77: {  	_ =	shalt  }
0x78: {  	_ =	shalt  }
0x79: {  	_ =	shalt  }
0x7a: {  	_ =	shalt  }
0x7b: {  	_ =	shalt  }
0x7c: {  	_ =	shalt  }
0x7d: {  	_ =	shalt  }
0x7e: {  	_ =	shalt  }
0x7f: {  	_ =	shalt  }
0x80: {  	_ =	shalt  }
0x81: {  	_ =	shalt  }
0x82: {  	_ =	shalt  }
0x83: {  	_ =	shalt  }
0x84: {  	_ =	shalt  }
0x85: {  	_ =	shalt  }
0x86: {  	_ =	shalt  }
0x87: {  	_ =	shalt  }
.Lfunc_end0:
.L_simem_size_0:
called_computation_lowered:
.L_overlay_start_0:
0x88: {  	s2 =	sld [smem:$0x3FD9]  }
0x89: {  	s3 =	sld [smem:$0x3FFE];
	_ =	sdelay $0x1  }
0x8a: {  	s1 =	srdreg.scid  }
0x8b: {  	s0 =	sand.u32 $0x1, s1  }
0x8c: {  	s14 =	sshll.u32 s0, $0xA;
	s2 =	sadd.s32 s3, s2  }
0x8d: {  	s2 =	sadd.s32 s2, s14  }
0x8e: {  	[smem:$0x3FC2] =	sst s2  }
0x8f: {  	_ = 	snop  }
0x90: {  	s2 =	sld [smem:$0x3FD0];
	_ =	sdelay $0x2  }
0x91: {  	s15 =	simm.s32 $0xA;
	s4 =	simm.s32 $0x10  }
0x92: {  	[smem:s4], [sflag:s15] =	dma.local [hbm:s2], $0x1  }
0x93: {  	_ =	swait.eq [sflag:s15], $0x1  }
0x94: {  	[sflag:s15] =	ssyncset.done $0x0  }
0x95: {  	[sflag:s15] =	ssyncadd.s32 $0xFFFFFFFF  }
0x96: {  	s16 =	sld [smem:$0x12];
	(tm) =	ssettm $0x1  }
0x97: {  	s17 =	sld [smem:$0x3FFB];
	_ =	sdelay $0x3  }
0x98: {  	_ =	strace s17  }
0x99: {  	s3 =	sld [smem:$0x3FFC];
	_ =	sdelay $0x3  }
0x9a: {  	_ =	strace s3  }
0x9b: {  	s3 =	sld [smem:$0x3FFD];
	_ =	sdelay $0x3  }
0x9c: {  	_ =	strace s3  }
0x9d: {  	_ =	strace $0x8FFFFFFF  }
0x9e: {  	s18 =	sld [smem:$0x3FDB];
	_ =	sdelay $0x1  }
0x9f: {  	s19 =	simm.s32 $_scs_section_size  }
0xa0: {  	s5 =	simm.s32 $_size__tile_overlayer_lowered;
	s6 =	simm.s32 $_tile_overlayer_lowered  }
0xa1: {  	s22 =	simm.s32 $0x1BFF;
	s21 =	sshll.u32 s6, $0x1;
	s3 =	sadd.s32 s19, s18  }
0xa2: {  	s7 =	simm.s32 $0x0;
	s20 =	sshll.u32 s5, $0x1;
	s5 =	sadd.s32 s21, s3  }
0xa3: {  	[timem:s7], [sflag:s22] =	dma.local [hbm:s5], s20  }
0xa4: {  	_ =	swait.ge [sflag:s22], s20  }
0xa5: {  	s4 =	ssub.s32 $0x0, s20;
	[sflag:s22] =	ssyncset.done $0x0  }
0xa6: {  	[sflag:s22] =	ssyncadd.s32 s4;
	_ =	sdelay $0x1  }
0xa7: {  	s23 =	simm.s32 $0x1B8B  }
0xa8: {  	_ =	swait.ge [sflag:s23], $0x1  }
0xa9: {  	[sflag:s23] =	ssyncset.done $0x0  }
0xaa: {  	s25 =	simm.s32 $0x1B8E;
	s24 =	sld [smem:$0x3FFE];
	[sflag:s23] =	ssyncadd.s32 $0xFFFFFFFF  }
0xab: {  	s26 =	simm.s32 $execute0_lowered;
	[smem:$0x3FD2] =	sst s25  }
0xac: {  	s5 =	sshll.u32 s26, $0x1;
	_ =	strace $0x80000046;
	[dreg:$0x1] =	wrdreg $0xFFFFFFFF  }
0xad: {  	s28 =	simm.s32 $_size_execute0_lowered;
	s3 =	sadd.s32 s3, s5;
	[dreg:$0x0] =	wrdreg $0x0  }
0xae: {  	s5 =	sshll.u32 s28, $0x1;
	[dreg:$0x2] =	wrdreg s3  }
0xaf: {  	[dreg:$0x3] =	wrdreg s5  }
0xb0: {  	[dreg:$0x4] =	wrdreg $0xC0  }
0xb1: {  	_ =	task [dreg:s7], $0x5FFFF  }
0xb2: {  	[dreg:$0x1] =	wrdreg $0xFFFFFFFF  }
0xb3: {  	[dreg:$0x0] =	wrdreg $0x60  }
0xb4: {  	[dreg:$0x2] =	wrdreg s24  }
0xb5: {  	[dreg:$0x3] =	wrdreg s16  }
0xb6: {  	[dreg:$0x4] =	wrdreg $0x9  }
0xb7: {  	_ =	task.clear_ibuf [dreg:s7], $0x5FFFF;
	_ =	strace $0x90000046  }
0xb8: {  	s29 =	simm.s32 $0x9;
	_ =	strace $0x80000048  }
0xb9: {  	_ =	swait.ge [sflag:s29], $0x1  }
0xba: {  	[sflag:s29] =	ssyncadd.s32 $0xFFFFFFFF  }
0xbb: {  	_ =	strace $0x90000048  }
0xbc: {  	_ =	sfence  }
0xbd: {  	s30 =	sld [smem:$0x0];
	_ =	sdelay $0x2  }
0xbe: {  	s31 =	sshll.u32 s1, $0xD;
	s1 =	sshrl.u32 s1, $0x2  }
0xbf: {  	s3 =	sand.u32 $0x4000, s31;
	s1 =	sadd.s32 s1, s30  }
0xc0: {  	s0 =	sor.u32 s3, s0;
	s1 =	sshll.u32 s1, $0x11  }
0xc1: {  	s0 =	sor.u32 s1, s0  }
0xc2: {  	s0 =	sadd.s32 $0x8F2B, s0  }
0xc3: {  	[sflag:s0] =	ssyncadd.remote.s32 $0x1  }
0xc4: {  	_ =	sfence.sel $0xFFFF  }
0xc5: {  	[dreg:$0x0] =	wrdreg $0xFFFFFFFF;
	(pc) =	sbr.abs _section_cstart, $3  }
0xc6: {  	[dreg:$0x1] =	wrdreg $0xFFFFFFFF  }
0xc7: {  	_ =	task.clear_ibuf [dreg:s7], $0x2FFFF;
	_ =	strace $0x9FFFFFFF  }
0xc8: {  	(tm) =	ssettm $0x7FFFFFFF  }
0xc9: {  	_ =	shalt  }
tec
execute0_lowered:
.L_overlay_start_1:
0x0: {  	(tag) =	ssettag $0x1  }
0x1: {  	s5 =	rddreg [dreg:$0x0]  }
0x2: {  	s2 =	rddreg [dreg:$0x1];
	s3 =	srdreg.scid  }
0x3: {  	s1 =	stileid.u32;
	s0 =	rddreg [dreg:$0x2]  }
0x4: {  	s12 =	simm.s32 $0xC00;
	s13 =	simm.s32 $0x1;
	s14 =	simm.s32 $0x2  }
0x5: {  	s15 =	simm.s32 $0x80;
	s16 =	simm.s32 $0x400;
	s17 =	simm.s32 $0x1980  }
0x6: {  	v0 =	vimm.s32 $0x6543210F;
	v1 =	vimm.s32 $0xEDCBA987;
	s18 =	simm.s32 $0x0;
	s4 =	sand.u32 $0x1, s3;
	s6 =	sshll.u32 s1, $0x1  }
0x7: {  	v2 =	vimm.s32 $0x87654321;
	v3 =	vimm.s32 $0xFEDCBA9;
	s3 =	simm.s32 $0x0;
	s7 =	sshrl.u32 s1, $0x2;
	v0 =	vunpack.c.l.s4.s8 v0;
	s6 =	sor.u32 s4, s6  }
0x8: {  	v1 =	vunpack.c.l.s4.s8 v1;
	v2 =	vunpack.c.l.s4.s8 v2;
	v3 =	vunpack.c.l.s4.s8 v3;
	[smem:$0x7FF] =	sst s3;
	s7 =	smul.u32 $0x14800, s7;
	s8 =	sshll.u32 s6, $0x7  }
0x9: {  	s30 =	ssub.s32 $0x2, s4;
	s4 =	sadd.s32 $0x400, s5;
	v0 =	vunpack.c.0.s8.s32 v0;
	s8 =	sand.u32 $0x380, s8  }
.Ltmp0:
0xa: {  	_ =	strace $0x80000047;
	v1 =	vunpack.c.0.s8.s32 v1;
	v2 =	vunpack.c.0.s8.s32 v2;
	v3 =	vunpack.c.0.s8.s32 v3;
	s7 =	sor.u32 s7, s8;
	(pc) =	sbr.rel .LBB2_1-.Ltmp0, $4  }
0xb: {  	s9 =	smul.u32 $0x7E00, s6;
	s31 =	sshrl.u32 s30, $0x1;
	s7 =	sshrl.u32 s7, $0x3  }
0xc: {  	s11 =	ssub.s32 s30, s31;
	v0 =	vcombine.low v1, v0;
	v1 =	vcombine.low v3, v2;
	s10 =	sadd.s32 s7, s5;
	s5 =	sshll.u32 s6, $0x1  }
0xd: {  	s6 =	sadd.s32 s4, s9;
	s9 =	smax.u32 s11, $0x1;
	s11 =	simm.s32 $0x3  }
0xe: {  	vm0 =	vmmov $0x7f;
	v0 =	vand.u32 $0xF, v0;
	v1 =	vand.u32 $0xF, v1;
	s7 =	sadd.s32 $0x180, s6;
	s8 =	sadd.s32 $0xFC400, s10;
	s10 =	simm.s32 $0x1800  }
.LBB2_4:
0xf: {  	s18 =	sadd.s32 $0x1, s18  }
0x10: {  	p0 =	sne.s32 s18, s9  }
.Ltmp1:
0x11: {  	_ = 	snop;
	(pc) =	sbr.rel @!p0 .LBB2_5-.Ltmp1, $4  }
0x12: {  	[hbm4b:s8+s15] =	stream.strided.scatter [tilespmem:s17], [sflag:$0x3], $0x2900, s16, s15, $0x38;
	[tilespmem:$0x4280] =	vst v63  }
0x13: {  	_ =	swait.ge [sflag:s11], $0x2900  }
0x14: {  	[sflag:s11] =	ssyncset.done $0x0  }
0x15: {  	[sflag:s11] =	ssyncadd.s32 $0xFFFFD700  }
.LBB2_1:
0x16: {  	[tilespmem:s10], [sflag:$0x3] =	stream.linear.gather [hbm4b:s2+s3], $0x180, $0x38;
	[tilespmem:$0x4280] =	vst v63  }
0x17: {  	_ =	swait.ge [sflag:s11], $0x180  }
0x18: {  	[sflag:s11] =	ssyncset.done $0x0  }
0x19: {  	[sflag:s11] =	ssyncadd.s32 $0xFFFFFE80  }
0x1a: {  	[tilespmem:s3], [sflag:$0x1] =	stream.linear.gather [hbm4b:s6+s3], $0xC00, $0x38;
	[tilespmem:$0x4280] =	vst v63  }
0x1b: {  	s19 =	simm.s32 $0x1A00;
	s20 =	simm.s32 $0x0  }
0x1c: {  	[tilespmem:s12], [sflag:$0x2] =	stream.linear.gather [hbm4b:s7+s3], $0xC00, $0x38;
	[tilespmem:$0x4280] =	vst v63  }
.LBB2_2:
0x1d: {  	_ =	swait.ge [sflag:s13], $0xC00  }
0x1e: {  	[sflag:s13] =	ssyncset.done $0x0  }
0x1f: {  	[sflag:s13] =	ssyncadd.s32 $0xFFFFF400  }
0x20: {  	v2 =	vld [tilespmem:$0x0]  }
0x21: {  	v3 =	vld [tilespmem:$0x1800]  }
0x22: {  	v4 =	vld [tilespmem:$0x10]  }
0x23: {  	v5 =	vld [tilespmem:$0x1810]  }
0x24: {  	v6 =	vld [tilespmem:$0x20]  }
0x25: {  	v7 =	vld [tilespmem:$0x1820]  }
0x26: {  	v8 =	vld [tilespmem:$0x30]  }
0x27: {  	v9 =	vld [tilespmem:$0x1830]  }
0x28: {  	v10 =	vld [tilespmem:$0x40]  }
0x29: {  	v11 =	vld [tilespmem:$0x1840]  }
0x2a: {  	v24 =	vld [tilespmem:$0x50];
	v2 =	vmul.f32 v3, v2;
	v3 =	vmul.f32 v5, v4  }
0x2b: {  	v25 =	vld [tilespmem:$0x1850]  }
0x2c: {  	v26 =	vld [tilespmem:$0x60];
	v2 =	vadd.f32 v3, v2;
	v3 =	vmul.f32 v7, v6  }
0x2d: {  	v27 =	vld [tilespmem:$0x1860]  }
0x2e: {  	v28 =	vld [tilespmem:$0x70];
	v2 =	vadd.f32 v3, v2;
	v3 =	vmul.f32 v9, v8  }
0x2f: {  	v29 =	vld [tilespmem:$0x1870]  }
0x30: {  	v30 =	vld [tilespmem:$0x400];
	v2 =	vadd.f32 v3, v2;
	v3 =	vmul.f32 v11, v10  }
0x31: {  	v31 =	vld [tilespmem:$0x1880]  }
0x32: {  	v32 =	vld [tilespmem:$0x410];
	v2 =	vadd.f32 v3, v2;
	v3 =	vmul.f32 v25, v24  }
0x33: {  	v33 =	vld [tilespmem:$0x1890]  }
0x34: {  	v34 =	vld [tilespmem:$0x420];
	v2 =	vadd.f32 v3, v2;
	v3 =	vmul.f32 v27, v26  }
0x35: {  	v35 =	vld [tilespmem:$0x18A0]  }
0x36: {  	v36 =	vld [tilespmem:$0x430];
	v2 =	vadd.f32 v3, v2;
	v3 =	vmul.f32 v29, v28  }
0x37: {  	v37 =	vld [tilespmem:$0x18B0]  }
0x38: {  	v38 =	vld [tilespmem:$0x440];
	v2 =	vadd.f32 v3, v2;
	v3 =	vmul.f32 v31, v30  }
0x39: {  	v39 =	vld [tilespmem:$0x18C0]  }
0x3a: {  	v40 =	vld [tilespmem:$0x450];
	v2 =	vadd.f32 v3, v2;
	v3 =	vmul.f32 v33, v32  }
0x3b: {  	v41 =	vld [tilespmem:$0x18D0]  }
0x3c: {  	v42 =	vld [tilespmem:$0x460];
	v2 =	vadd.f32 v3, v2;
	v3 =	vmul.f32 v35, v34  }
0x3d: {  	v43 =	vld [tilespmem:$0x18E0]  }
0x3e: {  	v44 =	vld [tilespmem:$0x470];
	v2 =	vadd.f32 v3, v2;
	v3 =	vmul.f32 v37, v36  }
0x3f: {  	v45 =	vld [tilespmem:$0x18F0]  }
0x40: {  	v46 =	vld [tilespmem:$0x800];
	v2 =	vadd.f32 v3, v2;
	v3 =	vmul.f32 v39, v38  }
0x41: {  	v47 =	vld [tilespmem:$0x1900]  }
0x42: {  	v48 =	vld [tilespmem:$0x810];
	v2 =	vadd.f32 v3, v2;
	v3 =	vmul.f32 v41, v40  }
0x43: {  	v49 =	vld [tilespmem:$0x1910]  }
0x44: {  	v50 =	vld [tilespmem:$0x820];
	v2 =	vadd.f32 v3, v2;
	v3 =	vmul.f32 v43, v42  }
0x45: {  	v51 =	vld [tilespmem:$0x1920]  }
0x46: {  	v52 =	vld [tilespmem:$0x1940];
	v2 =	vadd.f32 v3, v2;
	v3 =	vmul.f32 v45, v44  }
0x47: {  	v53 =	vld [tilespmem:$0x830]  }
0x48: {  	v54 =	vld.msk [tilespmem:$0x840], $0x1ff;
	v2 =	vadd.f32 v3, v2;
	v3 =	vmul.f32 v47, v46  }
0x49: {  	v55 =	vld [tilespmem:$0x1930]  }
0x4a: {  	v2 =	vadd.f32 v3, v2;
	v3 =	vmul.f32 v49, v48  }
0x4b: {  	v56 =	vperm.xlane v52, v0  }
0x4c: {  	v2 =	vadd.f32 v3, v2;
	v3 =	vmul.f32 v51, v50  }
0x4d: {  	v57 =	vmul.f32 v56, v53;
	v4 =	vmul.f32 v56, v54  }
0x4e: {  	v2 =	vadd.f32 v3, v2;
	v3 =	vmul.f32 v55, v53  }
0x4f: {  	v5 =	vperm.xlane v57, v1;
	v4 =	vperm.xlane v4, v1  }
0x50: {  	v2 =	vadd.f32 v3, v2  }
0x51: {  	v3 =	vsel vm0, v5, v4  }
0x52: {  	v2 =	vadd.f32 v3, v2;
	_ =	sdelay $0x1  }
0x53: {  	[tilespmem:s19+$0xFFFFFF80] =	vst v2  }
0x54: {  	v2 =	vld [tilespmem:$0x80]  }
0x55: {  	v3 =	vld [tilespmem:$0x1800]  }
0x56: {  	v58 =	vld [tilespmem:$0x90]  }
0x57: {  	v59 =	vld [tilespmem:$0x1810]  }
0x58: {  	v60 =	vld [tilespmem:$0xA0]  }
0x59: {  	v61 =	vld [tilespmem:$0x1820]  }
0x5a: {  	v62 =	vld [tilespmem:$0xB0]  }
0x5b: {  	v63 =	vld [tilespmem:$0x1830]  }
0x5c: {  	v12 =	vld [tilespmem:$0xC0]  }
0x5d: {  	v13 =	vld [tilespmem:$0x1840]  }
0x5e: {  	v14 =	vld [tilespmem:$0xD0];
	v2 =	vmul.f32 v3, v2;
	v3 =	vmul.f32 v59, v58  }
0x5f: {  	v15 =	vld [tilespmem:$0x1850]  }
0x60: {  	v16 =	vld [tilespmem:$0xE0];
	v2 =	vadd.f32 v3, v2;
	v3 =	vmul.f32 v61, v60  }
0x61: {  	v17 =	vld [tilespmem:$0x1860]  }
0x62: {  	v18 =	vld [tilespmem:$0xF0];
	v2 =	vadd.f32 v3, v2;
	v3 =	vmul.f32 v63, v62  }
0x63: {  	v19 =	vld [tilespmem:$0x1870]  }
0x64: {  	v20 =	vld [tilespmem:$0x480];
	v2 =	vadd.f32 v3, v2;
	v3 =	vmul.f32 v13, v12  }
0x65: {  	v21 =	vld [tilespmem:$0x1880]  }
0x66: {  	v22 =	vld [tilespmem:$0x490];
	v2 =	vadd.f32 v3, v2;
	v3 =	vmul.f32 v15, v14  }
0x67: {  	v23 =	vld [tilespmem:$0x1890]  }
0x68: {  	v24 =	vld [tilespmem:$0x4A0];
	v2 =	vadd.f32 v3, v2;
	v3 =	vmul.f32 v17, v16  }
0x69: {  	v25 =	vld [tilespmem:$0x18A0]  }
0x6a: {  	v26 =	vld [tilespmem:$0x4B0];
	v2 =	vadd.f32 v3, v2;
	v3 =	vmul.f32 v19, v18  }
0x6b: {  	v27 =	vld [tilespmem:$0x18B0]  }
0x6c: {  	v28 =	vld [tilespmem:$0x4C0];
	v2 =	vadd.f32 v3, v2;
	v3 =	vmul.f32 v21, v20  }
0x6d: {  	v29 =	vld [tilespmem:$0x18C0]  }
0x6e: {  	v30 =	vld [tilespmem:$0x4D0];
	v2 =	vadd.f32 v3, v2;
	v3 =	vmul.f32 v23, v22  }
0x6f: {  	v31 =	vld [tilespmem:$0x18D0]  }
0x70: {  	v32 =	vld [tilespmem:$0x4E0];
	v2 =	vadd.f32 v3, v2;
	v3 =	vmul.f32 v25, v24  }
0x71: {  	v33 =	vld [tilespmem:$0x18E0]  }
0x72: {  	v34 =	vld [tilespmem:$0x4F0];
	v2 =	vadd.f32 v3, v2;
	v3 =	vmul.f32 v27, v26  }
0x73: {  	v35 =	vld [tilespmem:$0x18F0]  }
0x74: {  	v36 =	vld [tilespmem:$0x880];
	v2 =	vadd.f32 v3, v2;
	v3 =	vmul.f32 v29, v28  }
0x75: {  	v37 =	vld [tilespmem:$0x1900]  }
0x76: {  	v38 =	vld [tilespmem:$0x890];
	v2 =	vadd.f32 v3, v2;
	v3 =	vmul.f32 v31, v30  }
0x77: {  	v39 =	vld [tilespmem:$0x1910]  }
0x78: {  	v40 =	vld [tilespmem:$0x8A0];
	v2 =	vadd.f32 v3, v2;
	v3 =	vmul.f32 v33, v32  }
0x79: {  	v41 =	vld [tilespmem:$0x1920]  }
0x7a: {  	v42 =	vld [tilespmem:$0x1940];
	v2 =	vadd.f32 v3, v2;
	v3 =	vmul.f32 v35, v34  }
0x7b: {  	v43 =	vld [tilespmem:$0x8B0]  }
0x7c: {  	v44 =	vld.msk [tilespmem:$0x8C0], $0x1ff;
	v2 =	vadd.f32 v3, v2;
	v3 =	vmul.f32 v37, v36  }
0x7d: {  	v45 =	vld [tilespmem:$0x1930]  }
0x7e: {  	v2 =	vadd.f32 v3, v2;
	v3 =	vmul.f32 v39, v38  }
0x7f: {  	v46 =	vperm.xlane v42, v0  }
0x80: {  	v2 =	vadd.f32 v3, v2;
	v3 =	vmul.f32 v41, v40  }
0x81: {  	v47 =	vmul.f32 v46, v43;
	v4 =	vmul.f32 v46, v44  }
0x82: {  	v2 =	vadd.f32 v3, v2;
	v3 =	vmul.f32 v45, v43  }
0x83: {  	v5 =	vperm.xlane v47, v1;
	v4 =	vperm.xlane v4, v1  }
0x84: {  	v2 =	vadd.f32 v3, v2  }
0x85: {  	v3 =	vsel vm0, v5, v4  }
0x86: {  	v2 =	vadd.f32 v3, v2;
	_ =	sdelay $0x1  }
0x87: {  	[tilespmem:s19+$0xFFFFFF90] =	vst v2  }
0x88: {  	v2 =	vld [tilespmem:$0x100]  }
0x89: {  	v3 =	vld [tilespmem:$0x1800]  }
0x8a: {  	v48 =	vld [tilespmem:$0x110]  }
0x8b: {  	v49 =	vld [tilespmem:$0x1810]  }
0x8c: {  	v50 =	vld [tilespmem:$0x120]  }
0x8d: {  	v51 =	vld [tilespmem:$0x1820]  }
0x8e: {  	v52 =	vld [tilespmem:$0x130]  }
0x8f: {  	v53 =	vld [tilespmem:$0x1830]  }
0x90: {  	v54 =	vld [tilespmem:$0x140]  }
0x91: {  	v55 =	vld [tilespmem:$0x1840]  }
0x92: {  	v56 =	vld [tilespmem:$0x150];
	v2 =	vmul.f32 v3, v2;
	v3 =	vmul.f32 v49, v48  }
0x93: {  	v57 =	vld [tilespmem:$0x1850]  }
0x94: {  	v58 =	vld [tilespmem:$0x160];
	v2 =	vadd.f32 v3, v2;
	v3 =	vmul.f32 v51, v50  }
0x95: {  	v59 =	vld [tilespmem:$0x1860]  }
0x96: {  	v60 =	vld [tilespmem:$0x170];
	v2 =	vadd.f32 v3, v2;
	v3 =	vmul.f32 v53, v52  }
0x97: {  	v61 =	vld [tilespmem:$0x1870]  }
0x98: {  	v62 =	vld [tilespmem:$0x500];
	v2 =	vadd.f32 v3, v2;
	v3 =	vmul.f32 v55, v54  }
0x99: {  	v63 =	vld [tilespmem:$0x1880]  }
0x9a: {  	v12 =	vld [tilespmem:$0x510];
	v2 =	vadd.f32 v3, v2;
	v3 =	vmul.f32 v57, v56  }
0x9b: {  	v13 =	vld [tilespmem:$0x1890]  }
0x9c: {  	v14 =	vld [tilespmem:$0x520];
	v2 =	vadd.f32 v3, v2;
	v3 =	vmul.f32 v59, v58  }
0x9d: {  	v15 =	vld [tilespmem:$0x18A0]  }
0x9e: {  	v16 =	vld [tilespmem:$0x530];
	v2 =	vadd.f32 v3, v2;
	v3 =	vmul.f32 v61, v60  }
0x9f: {  	v17 =	vld [tilespmem:$0x18B0]  }
0xa0: {  	v18 =	vld [tilespmem:$0x540];
	v2 =	vadd.f32 v3, v2;
	v3 =	vmul.f32 v63, v62  }
0xa1: {  	v19 =	vld [tilespmem:$0x18C0]  }
0xa2: {  	v20 =	vld [tilespmem:$0x550];
	v2 =	vadd.f32 v3, v2;
	v3 =	vmul.f32 v13, v12  }
0xa3: {  	v21 =	vld [tilespmem:$0x18D0]  }
0xa4: {  	v22 =	vld [tilespmem:$0x560];
	v2 =	vadd.f32 v3, v2;
	v3 =	vmul.f32 v15, v14  }
0xa5: {  	v23 =	vld [tilespmem:$0x18E0]  }
0xa6: {  	v24 =	vld [tilespmem:$0x570];
	v2 =	vadd.f32 v3, v2;
	v3 =	vmul.f32 v17, v16  }
0xa7: {  	v25 =	vld [tilespmem:$0x18F0]  }
0xa8: {  	v26 =	vld [tilespmem:$0x900];
	v2 =	vadd.f32 v3, v2;
	v3 =	vmul.f32 v19, v18  }
0xa9: {  	v27 =	vld [tilespmem:$0x1900]  }
0xaa: {  	v28 =	vld [tilespmem:$0x910];
	v2 =	vadd.f32 v3, v2;
	v3 =	vmul.f32 v21, v20  }
0xab: {  	v29 =	vld [tilespmem:$0x1910]  }
0xac: {  	v30 =	vld [tilespmem:$0x920];
	v2 =	vadd.f32 v3, v2;
	v3 =	vmul.f32 v23, v22  }
0xad: {  	v31 =	vld [tilespmem:$0x1920]  }
0xae: {  	v32 =	vld [tilespmem:$0x1940];
	v2 =	vadd.f32 v3, v2;
	v3 =	vmul.f32 v25, v24  }
0xaf: {  	v33 =	vld [tilespmem:$0x930]  }
0xb0: {  	v34 =	vld.msk [tilespmem:$0x940], $0x1ff;
	v2 =	vadd.f32 v3, v2;
	v3 =	vmul.f32 v27, v26  }
0xb1: {  	v35 =	vld [tilespmem:$0x1930]  }
0xb2: {  	v2 =	vadd.f32 v3, v2;
	v3 =	vmul.f32 v29, v28  }
0xb3: {  	v36 =	vperm.xlane v32, v0  }
0xb4: {  	v2 =	vadd.f32 v3, v2;
	v3 =	vmul.f32 v31, v30  }
0xb5: {  	v37 =	vmul.f32 v36, v33;
	v4 =	vmul.f32 v36, v34  }
0xb6: {  	v2 =	vadd.f32 v3, v2;
	v3 =	vmul.f32 v35, v33  }
0xb7: {  	v5 =	vperm.xlane v37, v1;
	v4 =	vperm.xlane v4, v1  }
0xb8: {  	v2 =	vadd.f32 v3, v2  }
0xb9: {  	v3 =	vsel vm0, v5, v4  }
0xba: {  	v2 =	vadd.f32 v3, v2;
	_ =	sdelay $0x1  }
0xbb: {  	[tilespmem:s19+$0xFFFFFFA0] =	vst v2  }
0xbc: {  	v2 =	vld [tilespmem:$0x180]  }
0xbd: {  	v3 =	vld [tilespmem:$0x1800]  }
0xbe: {  	v38 =	vld [tilespmem:$0x190]  }
0xbf: {  	v39 =	vld [tilespmem:$0x1810]  }
0xc0: {  	v40 =	vld [tilespmem:$0x1A0]  }
0xc1: {  	v41 =	vld [tilespmem:$0x1820]  }
0xc2: {  	v42 =	vld [tilespmem:$0x1B0]  }
0xc3: {  	v43 =	vld [tilespmem:$0x1830]  }
0xc4: {  	v44 =	vld [tilespmem:$0x1C0]  }
0xc5: {  	v45 =	vld [tilespmem:$0x1840]  }
0xc6: {  	v46 =	vld [tilespmem:$0x1D0];
	v2 =	vmul.f32 v3, v2;
	v3 =	vmul.f32 v39, v38  }
0xc7: {  	v47 =	vld [tilespmem:$0x1850]  }
0xc8: {  	v48 =	vld [tilespmem:$0x1E0];
	v2 =	vadd.f32 v3, v2;
	v3 =	vmul.f32 v41, v40  }
0xc9: {  	v49 =	vld [tilespmem:$0x1860]  }
0xca: {  	v50 =	vld [tilespmem:$0x1F0];
	v2 =	vadd.f32 v3, v2;
	v3 =	vmul.f32 v43, v42  }
0xcb: {  	v51 =	vld [tilespmem:$0x1870]  }
0xcc: {  	v52 =	vld [tilespmem:$0x580];
	v2 =	vadd.f32 v3, v2;
	v3 =	vmul.f32 v45, v44  }
0xcd: {  	v53 =	vld [tilespmem:$0x1880]  }
0xce: {  	v54 =	vld [tilespmem:$0x590];
	v2 =	vadd.f32 v3, v2;
	v3 =	vmul.f32 v47, v46  }
0xcf: {  	v55 =	vld [tilespmem:$0x1890]  }
0xd0: {  	v56 =	vld [tilespmem:$0x5A0];
	v2 =	vadd.f32 v3, v2;
	v3 =	vmul.f32 v49, v48  }
0xd1: {  	v57 =	vld [tilespmem:$0x18A0]  }
0xd2: {  	v58 =	vld [tilespmem:$0x5B0];
	v2 =	vadd.f32 v3, v2;
	v3 =	vmul.f32 v51, v50  }
0xd3: {  	v59 =	vld [tilespmem:$0x18B0]  }
0xd4: {  	v60 =	vld [tilespmem:$0x5C0];
	v2 =	vadd.f32 v3, v2;
	v3 =	vmul.f32 v53, v52  }
0xd5: {  	v61 =	vld [tilespmem:$0x18C0]  }
0xd6: {  	v62 =	vld [tilespmem:$0x5D0];
	v2 =	vadd.f32 v3, v2;
	v3 =	vmul.f32 v55, v54  }
0xd7: {  	v63 =	vld [tilespmem:$0x18D0]  }
0xd8: {  	v12 =	vld [tilespmem:$0x5E0];
	v2 =	vadd.f32 v3, v2;
	v3 =	vmul.f32 v57, v56  }
0xd9: {  	v13 =	vld [tilespmem:$0x18E0]  }
0xda: {  	v14 =	vld [tilespmem:$0x5F0];
	v2 =	vadd.f32 v3, v2;
	v3 =	vmul.f32 v59, v58  }
0xdb: {  	v15 =	vld [tilespmem:$0x18F0]  }
0xdc: {  	v16 =	vld [tilespmem:$0x980];
	v2 =	vadd.f32 v3, v2;
	v3 =	vmul.f32 v61, v60  }
0xdd: {  	v17 =	vld [tilespmem:$0x1900]  }
0xde: {  	v18 =	vld [tilespmem:$0x990];
	v2 =	vadd.f32 v3, v2;
	v3 =	vmul.f32 v63, v62  }
0xdf: {  	v19 =	vld [tilespmem:$0x1910]  }
0xe0: {  	v20 =	vld [tilespmem:$0x9A0];
	v2 =	vadd.f32 v3, v2;
	v3 =	vmul.f32 v13, v12  }
0xe1: {  	v21 =	vld [tilespmem:$0x1920]  }
0xe2: {  	v22 =	vld [tilespmem:$0x1940];
	v2 =	vadd.f32 v3, v2;
	v3 =	vmul.f32 v15, v14  }
0xe3: {  	v23 =	vld [tilespmem:$0x9B0]  }
0xe4: {  	v24 =	vld.msk [tilespmem:$0x9C0], $0x1ff;
	v2 =	vadd.f32 v3, v2;
	v3 =	vmul.f32 v17, v16  }
0xe5: {  	v25 =	vld [tilespmem:$0x1930]  }
0xe6: {  	v2 =	vadd.f32 v3, v2;
	v3 =	vmul.f32 v19, v18  }
0xe7: {  	v26 =	vperm.xlane v22, v0  }
0xe8: {  	v2 =	vadd.f32 v3, v2;
	v3 =	vmul.f32 v21, v20  }
0xe9: {  	v27 =	vmul.f32 v26, v23;
	v4 =	vmul.f32 v26, v24  }
0xea: {  	v2 =	vadd.f32 v3, v2;
	v3 =	vmul.f32 v25, v23  }
0xeb: {  	v5 =	vperm.xlane v27, v1;
	v4 =	vperm.xlane v4, v1  }
0xec: {  	v2 =	vadd.f32 v3, v2  }
0xed: {  	v3 =	vsel vm0, v5, v4  }
0xee: {  	v2 =	vadd.f32 v3, v2;
	_ =	sdelay $0x1  }
0xef: {  	[tilespmem:s19+$0xFFFFFFB0] =	vst v2  }
0xf0: {  	v2 =	vld [tilespmem:$0x200]  }
0xf1: {  	v3 =	vld [tilespmem:$0x1800]  }
0xf2: {  	v28 =	vld [tilespmem:$0x210]  }
0xf3: {  	v29 =	vld [tilespmem:$0x1810]  }
0xf4: {  	v30 =	vld [tilespmem:$0x220]  }
0xf5: {  	v31 =	vld [tilespmem:$0x1820]  }
0xf6: {  	v32 =	vld [tilespmem:$0x230]  }
0xf7: {  	v33 =	vld [tilespmem:$0x1830]  }
0xf8: {  	v34 =	vld [tilespmem:$0x240]  }
0xf9: {  	v35 =	vld [tilespmem:$0x1840]  }
0xfa: {  	v36 =	vld [tilespmem:$0x250];
	v2 =	vmul.f32 v3, v2;
	v3 =	vmul.f32 v29, v28  }
0xfb: {  	v37 =	vld [tilespmem:$0x1850]  }
0xfc: {  	v38 =	vld [tilespmem:$0x260];
	v2 =	vadd.f32 v3, v2;
	v3 =	vmul.f32 v31, v30  }
0xfd: {  	v39 =	vld [tilespmem:$0x1860]  }
0xfe: {  	v40 =	vld [tilespmem:$0x270];
	v2 =	vadd.f32 v3, v2;
	v3 =	vmul.f32 v33, v32  }
0xff: {  	v41 =	vld [tilespmem:$0x1870]  }
0x100: {  	v42 =	vld [tilespmem:$0x600];
	v2 =	vadd.f32 v3, v2;
	v3 =	vmul.f32 v35, v34  }
0x101: {  	v43 =	vld [tilespmem:$0x1880]  }
0x102: {  	v44 =	vld [tilespmem:$0x610];
	v2 =	vadd.f32 v3, v2;
	v3 =	vmul.f32 v37, v36  }
0x103: {  	v45 =	vld [tilespmem:$0x1890]  }
0x104: {  	v46 =	vld [tilespmem:$0x620];
	v2 =	vadd.f32 v3, v2;
	v3 =	vmul.f32 v39, v38  }
0x105: {  	v47 =	vld [tilespmem:$0x18A0]  }
0x106: {  	v48 =	vld [tilespmem:$0x630];
	v2 =	vadd.f32 v3, v2;
	v3 =	vmul.f32 v41, v40  }
0x107: {  	v49 =	vld [tilespmem:$0x18B0]  }
0x108: {  	v50 =	vld [tilespmem:$0x640];
	v2 =	vadd.f32 v3, v2;
	v3 =	vmul.f32 v43, v42  }
0x109: {  	v51 =	vld [tilespmem:$0x18C0]  }
0x10a: {  	v52 =	vld [tilespmem:$0x650];
	v2 =	vadd.f32 v3, v2;
	v3 =	vmul.f32 v45, v44  }
0x10b: {  	v53 =	vld [tilespmem:$0x18D0]  }
0x10c: {  	v54 =	vld [tilespmem:$0x660];
	v2 =	vadd.f32 v3, v2;
	v3 =	vmul.f32 v47, v46  }
0x10d: {  	v55 =	vld [tilespmem:$0x18E0]  }
0x10e: {  	v56 =	vld [tilespmem:$0x670];
	v2 =	vadd.f32 v3, v2;
	v3 =	vmul.f32 v49, v48  }
0x10f: {  	v57 =	vld [tilespmem:$0x18F0]  }
0x110: {  	v58 =	vld [tilespmem:$0xA00];
	v2 =	vadd.f32 v3, v2;
	v3 =	vmul.f32 v51, v50  }
0x111: {  	v59 =	vld [tilespmem:$0x1900]  }
0x112: {  	v60 =	vld [tilespmem:$0xA10];
	v2 =	vadd.f32 v3, v2;
	v3 =	vmul.f32 v53, v52  }
0x113: {  	v61 =	vld [tilespmem:$0x1910]  }
0x114: {  	v62 =	vld [tilespmem:$0xA20];
	v2 =	vadd.f32 v3, v2;
	v3 =	vmul.f32 v55, v54  }
0x115: {  	v63 =	vld [tilespmem:$0x1920]  }
0x116: {  	v12 =	vld [tilespmem:$0x1940];
	v2 =	vadd.f32 v3, v2;
	v3 =	vmul.f32 v57, v56  }
0x117: {  	v13 =	vld [tilespmem:$0xA30]  }
0x118: {  	v14 =	vld.msk [tilespmem:$0xA40], $0x1ff;
	v2 =	vadd.f32 v3, v2;
	v3 =	vmul.f32 v59, v58  }
0x119: {  	v15 =	vld [tilespmem:$0x1930]  }
0x11a: {  	v2 =	vadd.f32 v3, v2;
	v3 =	vmul.f32 v61, v60  }
0x11b: {  	v16 =	vperm.xlane v12, v0  }
0x11c: {  	v2 =	vadd.f32 v3, v2;
	v3 =	vmul.f32 v63, v62  }
0x11d: {  	v17 =	vmul.f32 v16, v13;
	v4 =	vmul.f32 v16, v14  }
0x11e: {  	v2 =	vadd.f32 v3, v2;
	v3 =	vmul.f32 v15, v13  }
0x11f: {  	v5 =	vperm.xlane v17, v1;
	v4 =	vperm.xlane v4, v1  }
0x120: {  	v2 =	vadd.f32 v3, v2  }
0x121: {  	v3 =	vsel vm0, v5, v4  }
0x122: {  	v2 =	vadd.f32 v3, v2;
	_ =	sdelay $0x1  }
0x123: {  	[tilespmem:s19+$0xFFFFFFC0] =	vst v2  }
0x124: {  	v2 =	vld [tilespmem:$0x280]  }
0x125: {  	v3 =	vld [tilespmem:$0x1800]  }
0x126: {  	v18 =	vld [tilespmem:$0x290]  }
0x127: {  	v19 =	vld [tilespmem:$0x1810]  }
0x128: {  	v20 =	vld [tilespmem:$0x2A0]  }
0x129: {  	v21 =	vld [tilespmem:$0x1820]  }
0x12a: {  	v22 =	vld [tilespmem:$0x2B0]  }
0x12b: {  	v23 =	vld [tilespmem:$0x1830]  }
0x12c: {  	v24 =	vld [tilespmem:$0x2C0]  }
0x12d: {  	v25 =	vld [tilespmem:$0x1840]  }
0x12e: {  	v26 =	vld [tilespmem:$0x2D0];
	v2 =	vmul.f32 v3, v2;
	v3 =	vmul.f32 v19, v18  }
0x12f: {  	v27 =	vld [tilespmem:$0x1850]  }
0x130: {  	v28 =	vld [tilespmem:$0x2E0];
	v2 =	vadd.f32 v3, v2;
	v3 =	vmul.f32 v21, v20  }
0x131: {  	v29 =	vld [tilespmem:$0x1860]  }
0x132: {  	v30 =	vld [tilespmem:$0x2F0];
	v2 =	vadd.f32 v3, v2;
	v3 =	vmul.f32 v23, v22  }
0x133: {  	v31 =	vld [tilespmem:$0x1870]  }
0x134: {  	v32 =	vld [tilespmem:$0x680];
	v2 =	vadd.f32 v3, v2;
	v3 =	vmul.f32 v25, v24  }
0x135: {  	v33 =	vld [tilespmem:$0x1880]  }
0x136: {  	v34 =	vld [tilespmem:$0x690];
	v2 =	vadd.f32 v3, v2;
	v3 =	vmul.f32 v27, v26  }
0x137: {  	v35 =	vld [tilespmem:$0x1890]  }
0x138: {  	v36 =	vld [tilespmem:$0x6A0];
	v2 =	vadd.f32 v3, v2;
	v3 =	vmul.f32 v29, v28  }
0x139: {  	v37 =	vld [tilespmem:$0x18A0]  }
0x13a: {  	v38 =	vld [tilespmem:$0x6B0];
	v2 =	vadd.f32 v3, v2;
	v3 =	vmul.f32 v31, v30  }
0x13b: {  	v39 =	vld [tilespmem:$0x18B0]  }
0x13c: {  	v40 =	vld [tilespmem:$0x6C0];
	v2 =	vadd.f32 v3, v2;
	v3 =	vmul.f32 v33, v32  }
0x13d: {  	v41 =	vld [tilespmem:$0x18C0]  }
0x13e: {  	v42 =	vld [tilespmem:$0x6D0];
	v2 =	vadd.f32 v3, v2;
	v3 =	vmul.f32 v35, v34  }
0x13f: {  	v43 =	vld [tilespmem:$0x18D0]  }
0x140: {  	v44 =	vld [tilespmem:$0x6E0];
	v2 =	vadd.f32 v3, v2;
	v3 =	vmul.f32 v37, v36  }
0x141: {  	v45 =	vld [tilespmem:$0x18E0]  }
0x142: {  	v46 =	vld [tilespmem:$0x6F0];
	v2 =	vadd.f32 v3, v2;
	v3 =	vmul.f32 v39, v38  }
0x143: {  	v47 =	vld [tilespmem:$0x18F0]  }
0x144: {  	v48 =	vld [tilespmem:$0xA80];
	v2 =	vadd.f32 v3, v2;
	v3 =	vmul.f32 v41, v40  }
0x145: {  	v49 =	vld [tilespmem:$0x1900]  }
0x146: {  	v50 =	vld [tilespmem:$0xA90];
	v2 =	vadd.f32 v3, v2;
	v3 =	vmul.f32 v43, v42  }
0x147: {  	v51 =	vld [tilespmem:$0x1910]  }
0x148: {  	v52 =	vld [tilespmem:$0xAA0];
	v2 =	vadd.f32 v3, v2;
	v3 =	vmul.f32 v45, v44  }
0x149: {  	v53 =	vld [tilespmem:$0x1920]  }
0x14a: {  	v54 =	vld [tilespmem:$0x1940];
	v2 =	vadd.f32 v3, v2;
	v3 =	vmul.f32 v47, v46  }
0x14b: {  	v55 =	vld [tilespmem:$0xAB0]  }
0x14c: {  	v56 =	vld.msk [tilespmem:$0xAC0], $0x1ff;
	v2 =	vadd.f32 v3, v2;
	v3 =	vmul.f32 v49, v48  }
0x14d: {  	v57 =	vld [tilespmem:$0x1930]  }
0x14e: {  	v2 =	vadd.f32 v3, v2;
	v3 =	vmul.f32 v51, v50  }
0x14f: {  	v58 =	vperm.xlane v54, v0  }
0x150: {  	v2 =	vadd.f32 v3, v2;
	v3 =	vmul.f32 v53, v52  }
0x151: {  	v59 =	vmul.f32 v58, v55;
	v4 =	vmul.f32 v58, v56  }
0x152: {  	v2 =	vadd.f32 v3, v2;
	v3 =	vmul.f32 v57, v55  }
0x153: {  	v5 =	vperm.xlane v59, v1;
	v4 =	vperm.xlane v4, v1  }
0x154: {  	v2 =	vadd.f32 v3, v2  }
0x155: {  	v3 =	vsel vm0, v5, v4  }
0x156: {  	v2 =	vadd.f32 v3, v2;
	_ =	sdelay $0x1  }
0x157: {  	[tilespmem:s19+$0xFFFFFFD0] =	vst v2  }
0x158: {  	v2 =	vld [tilespmem:$0x300]  }
0x159: {  	v3 =	vld [tilespmem:$0x1800]  }
0x15a: {  	v60 =	vld [tilespmem:$0x310]  }
0x15b: {  	v61 =	vld [tilespmem:$0x1810]  }
0x15c: {  	v62 =	vld [tilespmem:$0x320]  }
0x15d: {  	v63 =	vld [tilespmem:$0x1820]  }
0x15e: {  	v12 =	vld [tilespmem:$0x330]  }
0x15f: {  	v13 =	vld [tilespmem:$0x1830]  }
0x160: {  	v14 =	vld [tilespmem:$0x340]  }
0x161: {  	v15 =	vld [tilespmem:$0x1840]  }
0x162: {  	v16 =	vld [tilespmem:$0x350];
	v2 =	vmul.f32 v3, v2;
	v3 =	vmul.f32 v61, v60  }
0x163: {  	v17 =	vld [tilespmem:$0x1850]  }
0x164: {  	v18 =	vld [tilespmem:$0x360];
	v2 =	vadd.f32 v3, v2;
	v3 =	vmul.f32 v63, v62  }
0x165: {  	v19 =	vld [tilespmem:$0x1860]  }
0x166: {  	v20 =	vld [tilespmem:$0x370];
	v2 =	vadd.f32 v3, v2;
	v3 =	vmul.f32 v13, v12  }
0x167: {  	v21 =	vld [tilespmem:$0x1870]  }
0x168: {  	v22 =	vld [tilespmem:$0x700];
	v2 =	vadd.f32 v3, v2;
	v3 =	vmul.f32 v15, v14  }
0x169: {  	v23 =	vld [tilespmem:$0x1880]  }
0x16a: {  	v24 =	vld [tilespmem:$0x710];
	v2 =	vadd.f32 v3, v2;
	v3 =	vmul.f32 v17, v16  }
0x16b: {  	v25 =	vld [tilespmem:$0x1890]  }
0x16c: {  	v26 =	vld [tilespmem:$0x720];
	v2 =	vadd.f32 v3, v2;
	v3 =	vmul.f32 v19, v18  }
0x16d: {  	v27 =	vld [tilespmem:$0x18A0]  }
0x16e: {  	v28 =	vld [tilespmem:$0x730];
	v2 =	vadd.f32 v3, v2;
	v3 =	vmul.f32 v21, v20  }
0x16f: {  	v29 =	vld [tilespmem:$0x18B0]  }
0x170: {  	v30 =	vld [tilespmem:$0x740];
	v2 =	vadd.f32 v3, v2;
	v3 =	vmul.f32 v23, v22  }
0x171: {  	v31 =	vld [tilespmem:$0x18C0]  }
0x172: {  	v32 =	vld [tilespmem:$0x750];
	v2 =	vadd.f32 v3, v2;
	v3 =	vmul.f32 v25, v24  }
0x173: {  	v33 =	vld [tilespmem:$0x18D0]  }
0x174: {  	v34 =	vld [tilespmem:$0x760];
	v2 =	vadd.f32 v3, v2;
	v3 =	vmul.f32 v27, v26  }
0x175: {  	v35 =	vld [tilespmem:$0x18E0]  }
0x176: {  	v36 =	vld [tilespmem:$0x770];
	v2 =	vadd.f32 v3, v2;
	v3 =	vmul.f32 v29, v28  }
0x177: {  	v37 =	vld [tilespmem:$0x18F0]  }
0x178: {  	v38 =	vld [tilespmem:$0xB00];
	v2 =	vadd.f32 v3, v2;
	v3 =	vmul.f32 v31, v30  }
0x179: {  	v39 =	vld [tilespmem:$0x1900]  }
0x17a: {  	v40 =	vld [tilespmem:$0xB10];
	v2 =	vadd.f32 v3, v2;
	v3 =	vmul.f32 v33, v32  }
0x17b: {  	v41 =	vld [tilespmem:$0x1910]  }
0x17c: {  	v42 =	vld [tilespmem:$0xB20];
	v2 =	vadd.f32 v3, v2;
	v3 =	vmul.f32 v35, v34  }
0x17d: {  	v43 =	vld [tilespmem:$0x1920]  }
0x17e: {  	v44 =	vld [tilespmem:$0x1940];
	v2 =	vadd.f32 v3, v2;
	v3 =	vmul.f32 v37, v36  }
0x17f: {  	v45 =	vld [tilespmem:$0xB30]  }
0x180: {  	v46 =	vld.msk [tilespmem:$0xB40], $0x1ff;
	v2 =	vadd.f32 v3, v2;
	v3 =	vmul.f32 v39, v38  }
0x181: {  	v47 =	vld [tilespmem:$0x1930]  }
0x182: {  	v2 =	vadd.f32 v3, v2;
	v3 =	vmul.f32 v41, v40  }
0x183: {  	v48 =	vperm.xlane v44, v0  }
0x184: {  	v2 =	vadd.f32 v3, v2;
	v3 =	vmul.f32 v43, v42  }
0x185: {  	v49 =	vmul.f32 v48, v45;
	v4 =	vmul.f32 v48, v46  }
0x186: {  	v2 =	vadd.f32 v3, v2;
	v3 =	vmul.f32 v47, v45  }
0x187: {  	v5 =	vperm.xlane v49, v1;
	v4 =	vperm.xlane v4, v1  }
0x188: {  	v2 =	vadd.f32 v3, v2  }
0x189: {  	v3 =	vsel vm0, v5, v4  }
0x18a: {  	v2 =	vadd.f32 v3, v2;
	_ =	sdelay $0x1  }
0x18b: {  	[tilespmem:s19+$0xFFFFFFE0] =	vst v2  }
0x18c: {  	v2 =	vld [tilespmem:$0x380]  }
0x18d: {  	v3 =	vld [tilespmem:$0x1800]  }
0x18e: {  	v50 =	vld [tilespmem:$0x390]  }
0x18f: {  	v51 =	vld [tilespmem:$0x1810]  }
0x190: {  	v52 =	vld [tilespmem:$0x3A0]  }
0x191: {  	v53 =	vld [tilespmem:$0x1820]  }
0x192: {  	v54 =	vld [tilespmem:$0x3B0]  }
0x193: {  	v55 =	vld [tilespmem:$0x1830]  }
0x194: {  	v56 =	vld [tilespmem:$0x3C0]  }
0x195: {  	v57 =	vld [tilespmem:$0x1840]  }
0x196: {  	v58 =	vld [tilespmem:$0x3D0];
	v2 =	vmul.f32 v3, v2;
	v3 =	vmul.f32 v51, v50  }
0x197: {  	v59 =	vld [tilespmem:$0x1850]  }
0x198: {  	v60 =	vld [tilespmem:$0x3E0];
	v2 =	vadd.f32 v3, v2;
	v3 =	vmul.f32 v53, v52  }
0x199: {  	v61 =	vld [tilespmem:$0x1860]  }
0x19a: {  	v62 =	vld [tilespmem:$0x3F0];
	v2 =	vadd.f32 v3, v2;
	v3 =	vmul.f32 v55, v54  }
0x19b: {  	v63 =	vld [tilespmem:$0x1870]  }
0x19c: {  	v12 =	vld [tilespmem:$0x780];
	v2 =	vadd.f32 v3, v2;
	v3 =	vmul.f32 v57, v56  }
0x19d: {  	v13 =	vld [tilespmem:$0x1880]  }
0x19e: {  	v14 =	vld [tilespmem:$0x790];
	v2 =	vadd.f32 v3, v2;
	v3 =	vmul.f32 v59, v58  }
0x19f: {  	v15 =	vld [tilespmem:$0x1890]  }
0x1a0: {  	v16 =	vld [tilespmem:$0x7A0];
	v2 =	vadd.f32 v3, v2;
	v3 =	vmul.f32 v61, v60  }
0x1a1: {  	v17 =	vld [tilespmem:$0x18A0]  }
0x1a2: {  	v18 =	vld [tilespmem:$0x7B0];
	v2 =	vadd.f32 v3, v2;
	v3 =	vmul.f32 v63, v62  }
0x1a3: {  	v19 =	vld [tilespmem:$0x18B0]  }
0x1a4: {  	v20 =	vld [tilespmem:$0x7C0];
	v2 =	vadd.f32 v3, v2;
	v3 =	vmul.f32 v13, v12  }
0x1a5: {  	v21 =	vld [tilespmem:$0x18C0]  }
0x1a6: {  	v22 =	vld [tilespmem:$0x7D0];
	v2 =	vadd.f32 v3, v2;
	v3 =	vmul.f32 v15, v14  }
0x1a7: {  	v23 =	vld [tilespmem:$0x18D0]  }
0x1a8: {  	v24 =	vld [tilespmem:$0x7E0];
	v2 =	vadd.f32 v3, v2;
	v3 =	vmul.f32 v17, v16  }
0x1a9: {  	v25 =	vld [tilespmem:$0x18E0]  }
0x1aa: {  	v26 =	vld [tilespmem:$0x7F0];
	v2 =	vadd.f32 v3, v2;
	v3 =	vmul.f32 v19, v18  }
0x1ab: {  	v27 =	vld [tilespmem:$0x18F0]  }
0x1ac: {  	v28 =	vld [tilespmem:$0xB80];
	v2 =	vadd.f32 v3, v2;
	v3 =	vmul.f32 v21, v20  }
0x1ad: {  	v29 =	vld [tilespmem:$0x1900]  }
0x1ae: {  	v30 =	vld [tilespmem:$0xB90];
	v2 =	vadd.f32 v3, v2;
	v3 =	vmul.f32 v23, v22  }
0x1af: {  	v31 =	vld [tilespmem:$0x1910]  }
0x1b0: {  	v32 =	vld [tilespmem:$0xBA0];
	v2 =	vadd.f32 v3, v2;
	v3 =	vmul.f32 v25, v24  }
0x1b1: {  	v33 =	vld [tilespmem:$0x1920]  }
0x1b2: {  	p0 =	seq.s32 s20, $0x50;
	v34 =	vld [tilespmem:$0x1940];
	v2 =	vadd.f32 v3, v2;
	v3 =	vmul.f32 v27, v26  }
0x1b3: {  	s21 =	sadd.s32 @!p0 $0x2, s20;
	v35 =	vld [tilespmem:$0xBB0]  }
0x1b4: {  	s22 =	sand.u32 @!p0 $0xFF, s21;
	v36 =	vld.msk [tilespmem:$0xBC0], $0x1ff;
	v2 =	vadd.f32 v3, v2;
	v3 =	vmul.f32 v29, v28  }
0x1b5: {  	s22 =	smul.u32 @!p0 $0x19, s22;
	v37 =	vld [tilespmem:$0x1930]  }
0x1b6: {  	v2 =	vadd.f32 v3, v2;
	v3 =	vmul.f32 v31, v30  }
0x1b7: {  	s22 =	sshrl.u32 @!p0 s22, $0xA;
	v38 =	vperm.xlane v34, v0  }
0x1b8: {  	s23 =	smul.u32 @!p0 $0x29, s22;
	v2 =	vadd.f32 v3, v2;
	v3 =	vmul.f32 v33, v32  }
0x1b9: {  	v39 =	vmul.f32 v38, v35;
	v4 =	vmul.f32 v38, v36  }
0x1ba: {  	s22 =	sadd.s32 @!p0 s22, s5;
	s21 =	ssub.s32 @!p0 s21, s23;
	v2 =	vadd.f32 v3, v2;
	v3 =	vmul.f32 v37, v35  }
0x1bb: {  	s22 =	smul.u32 @!p0 $0x1F800, s22;
	s21 =	sand.u32 @!p0 $0xFF, s21;
	v5 =	vperm.xlane v39, v1;
	v4 =	vperm.xlane v4, v1  }
0x1bc: {  	s21 =	smul.u32 @!p0 $0xC00, s21;
	v2 =	vadd.f32 v3, v2  }
0x1bd: {  	v3 =	vsel vm0, v5, v4  }
0x1be: {  	s21 =	sadd.s32 @!p0 s21, s22;
	v2 =	vadd.f32 v3, v2  }
0x1bf: {  	s21 =	sshrl.u32 @!p0 s21, $0x3  }
0x1c0: {  	s22 =	simm.s32 @!p0 $0x0;
	s21 =	sadd.s32 @!p0 s4, s21;
	[tilespmem:s19+$0xFFFFFFF0] =	vst v2  }
0x1c1: {  	[tilespmem:s22], [sflag:$0x1] =	stream.linear.gather @!p0 [hbm4b:s21+s22], $0xC00, $0x38;
	[tilespmem:$0x4280] =	vst v63  }
0x1c2: {  	_ =	swait.ge [sflag:s14], $0xC00  }
0x1c3: {  	[sflag:s14] =	ssyncset.done $0x0  }
0x1c4: {  	[sflag:s14] =	ssyncadd.s32 $0xFFFFF400  }
0x1c5: {  	v2 =	vld [tilespmem:$0xC00]  }
0x1c6: {  	v3 =	vld [tilespmem:$0x1800]  }
0x1c7: {  	v40 =	vld [tilespmem:$0xC10]  }
0x1c8: {  	v41 =	vld [tilespmem:$0x1810]  }
0x1c9: {  	v42 =	vld [tilespmem:$0xC20]  }
0x1ca: {  	v43 =	vld [tilespmem:$0x1820]  }
0x1cb: {  	v44 =	vld [tilespmem:$0xC30]  }
0x1cc: {  	v45 =	vld [tilespmem:$0x1830]  }
0x1cd: {  	v46 =	vld [tilespmem:$0xC40]  }
0x1ce: {  	v47 =	vld [tilespmem:$0x1840]  }
0x1cf: {  	v48 =	vld [tilespmem:$0xC50];
	v2 =	vmul.f32 v3, v2;
	v3 =	vmul.f32 v41, v40  }
0x1d0: {  	v49 =	vld [tilespmem:$0x1850]  }
0x1d1: {  	v50 =	vld [tilespmem:$0xC60];
	v2 =	vadd.f32 v3, v2;
	v3 =	vmul.f32 v43, v42  }
0x1d2: {  	v51 =	vld [tilespmem:$0x1860]  }
0x1d3: {  	v52 =	vld [tilespmem:$0xC70];
	v2 =	vadd.f32 v3, v2;
	v3 =	vmul.f32 v45, v44  }
0x1d4: {  	v53 =	vld [tilespmem:$0x1870]  }
0x1d5: {  	v54 =	vld [tilespmem:$0x1000];
	v2 =	vadd.f32 v3, v2;
	v3 =	vmul.f32 v47, v46  }
0x1d6: {  	v55 =	vld [tilespmem:$0x1880]  }
0x1d7: {  	v56 =	vld [tilespmem:$0x1010];
	v2 =	vadd.f32 v3, v2;
	v3 =	vmul.f32 v49, v48  }
0x1d8: {  	v57 =	vld [tilespmem:$0x1890]  }
0x1d9: {  	v58 =	vld [tilespmem:$0x1020];
	v2 =	vadd.f32 v3, v2;
	v3 =	vmul.f32 v51, v50  }
0x1da: {  	v59 =	vld [tilespmem:$0x18A0]  }
0x1db: {  	v60 =	vld [tilespmem:$0x1030];
	v2 =	vadd.f32 v3, v2;
	v3 =	vmul.f32 v53, v52  }
0x1dc: {  	v61 =	vld [tilespmem:$0x18B0]  }
0x1dd: {  	v62 =	vld [tilespmem:$0x1040];
	v2 =	vadd.f32 v3, v2;
	v3 =	vmul.f32 v55, v54  }
0x1de: {  	v63 =	vld [tilespmem:$0x18C0]  }
0x1df: {  	v12 =	vld [tilespmem:$0x1050];
	v2 =	vadd.f32 v3, v2;
	v3 =	vmul.f32 v57, v56  }
0x1e0: {  	v13 =	vld [tilespmem:$0x18D0]  }
0x1e1: {  	v14 =	vld [tilespmem:$0x1060];
	v2 =	vadd.f32 v3, v2;
	v3 =	vmul.f32 v59, v58  }
0x1e2: {  	v15 =	vld [tilespmem:$0x18E0]  }
0x1e3: {  	v16 =	vld [tilespmem:$0x1070];
	v2 =	vadd.f32 v3, v2;
	v3 =	vmul.f32 v61, v60  }
0x1e4: {  	v17 =	vld [tilespmem:$0x18F0]  }
0x1e5: {  	v18 =	vld [tilespmem:$0x1400];
	v2 =	vadd.f32 v3, v2;
	v3 =	vmul.f32 v63, v62  }
0x1e6: {  	v19 =	vld [tilespmem:$0x1900]  }
0x1e7: {  	v20 =	vld [tilespmem:$0x1410];
	v2 =	vadd.f32 v3, v2;
	v3 =	vmul.f32 v13, v12  }
0x1e8: {  	v21 =	vld [tilespmem:$0x1910]  }
0x1e9: {  	v22 =	vld [tilespmem:$0x1420];
	v2 =	vadd.f32 v3, v2;
	v3 =	vmul.f32 v15, v14  }
0x1ea: {  	v23 =	vld [tilespmem:$0x1920]  }
0x1eb: {  	v24 =	vld [tilespmem:$0x1940];
	v2 =	vadd.f32 v3, v2;
	v3 =	vmul.f32 v17, v16  }
0x1ec: {  	v25 =	vld [tilespmem:$0x1430]  }
0x1ed: {  	v26 =	vld.msk [tilespmem:$0x1440], $0x1ff;
	v2 =	vadd.f32 v3, v2;
	v3 =	vmul.f32 v19, v18  }
0x1ee: {  	v27 =	vld [tilespmem:$0x1930]  }
0x1ef: {  	v2 =	vadd.f32 v3, v2;
	v3 =	vmul.f32 v21, v20  }
0x1f0: {  	v28 =	vperm.xlane v24, v0  }
0x1f1: {  	v2 =	vadd.f32 v3, v2;
	v3 =	vmul.f32 v23, v22  }
0x1f2: {  	v29 =	vmul.f32 v28, v25;
	v4 =	vmul.f32 v28, v26  }
0x1f3: {  	v2 =	vadd.f32 v3, v2;
	v3 =	vmul.f32 v27, v25  }
0x1f4: {  	v5 =	vperm.xlane v29, v1;
	v4 =	vperm.xlane v4, v1  }
0x1f5: {  	v2 =	vadd.f32 v3, v2  }
0x1f6: {  	v3 =	vsel vm0, v5, v4  }
0x1f7: {  	v2 =	vadd.f32 v3, v2;
	_ =	sdelay $0x1  }
0x1f8: {  	[tilespmem:s19+$0x0] =	vst v2  }
0x1f9: {  	v2 =	vld [tilespmem:$0xC80]  }
0x1fa: {  	v3 =	vld [tilespmem:$0x1800]  }
0x1fb: {  	v30 =	vld [tilespmem:$0xC90]  }
0x1fc: {  	v31 =	vld [tilespmem:$0x1810]  }
0x1fd: {  	v32 =	vld [tilespmem:$0xCA0]  }
0x1fe: {  	v33 =	vld [tilespmem:$0x1820]  }
0x1ff: {  	v34 =	vld [tilespmem:$0xCB0]  }
0x200: {  	v35 =	vld [tilespmem:$0x1830]  }
0x201: {  	v36 =	vld [tilespmem:$0xCC0]  }
0x202: {  	v37 =	vld [tilespmem:$0x1840]  }
0x203: {  	v38 =	vld [tilespmem:$0xCD0];
	v2 =	vmul.f32 v3, v2;
	v3 =	vmul.f32 v31, v30  }
0x204: {  	v39 =	vld [tilespmem:$0x1850]  }
0x205: {  	v40 =	vld [tilespmem:$0xCE0];
	v2 =	vadd.f32 v3, v2;
	v3 =	vmul.f32 v33, v32  }
0x206: {  	v41 =	vld [tilespmem:$0x1860]  }
0x207: {  	v42 =	vld [tilespmem:$0xCF0];
	v2 =	vadd.f32 v3, v2;
	v3 =	vmul.f32 v35, v34  }
0x208: {  	v43 =	vld [tilespmem:$0x1870]  }
0x209: {  	v44 =	vld [tilespmem:$0x1080];
	v2 =	vadd.f32 v3, v2;
	v3 =	vmul.f32 v37, v36  }
0x20a: {  	v45 =	vld [tilespmem:$0x1880]  }
0x20b: {  	v46 =	vld [tilespmem:$0x1090];
	v2 =	vadd.f32 v3, v2;
	v3 =	vmul.f32 v39, v38  }
0x20c: {  	v47 =	vld [tilespmem:$0x1890]  }
0x20d: {  	v48 =	vld [tilespmem:$0x10A0];
	v2 =	vadd.f32 v3, v2;
	v3 =	vmul.f32 v41, v40  }
0x20e: {  	v49 =	vld [tilespmem:$0x18A0]  }
0x20f: {  	v50 =	vld [tilespmem:$0x10B0];
	v2 =	vadd.f32 v3, v2;
	v3 =	vmul.f32 v43, v42  }
0x210: {  	v51 =	vld [tilespmem:$0x18B0]  }
0x211: {  	v52 =	vld [tilespmem:$0x10C0];
	v2 =	vadd.f32 v3, v2;
	v3 =	vmul.f32 v45, v44  }
0x212: {  	v53 =	vld [tilespmem:$0x18C0]  }
0x213: {  	v54 =	vld [tilespmem:$0x10D0];
	v2 =	vadd.f32 v3, v2;
	v3 =	vmul.f32 v47, v46  }
0x214: {  	v55 =	vld [tilespmem:$0x18D0]  }
0x215: {  	v56 =	vld [tilespmem:$0x10E0];
	v2 =	vadd.f32 v3, v2;
	v3 =	vmul.f32 v49, v48  }
0x216: {  	v57 =	vld [tilespmem:$0x18E0]  }
0x217: {  	v58 =	vld [tilespmem:$0x10F0];
	v2 =	vadd.f32 v3, v2;
	v3 =	vmul.f32 v51, v50  }
0x218: {  	v59 =	vld [tilespmem:$0x18F0]  }
0x219: {  	v60 =	vld [tilespmem:$0x1480];
	v2 =	vadd.f32 v3, v2;
	v3 =	vmul.f32 v53, v52  }
0x21a: {  	v61 =	vld [tilespmem:$0x1900]  }
0x21b: {  	v62 =	vld [tilespmem:$0x1490];
	v2 =	vadd.f32 v3, v2;
	v3 =	vmul.f32 v55, v54  }
0x21c: {  	v63 =	vld [tilespmem:$0x1910]  }
0x21d: {  	v12 =	vld [tilespmem:$0x14A0];
	v2 =	vadd.f32 v3, v2;
	v3 =	vmul.f32 v57, v56  }
0x21e: {  	v13 =	vld [tilespmem:$0x1920]  }
0x21f: {  	v14 =	vld [tilespmem:$0x1940];
	v2 =	vadd.f32 v3, v2;
	v3 =	vmul.f32 v59, v58  }
0x220: {  	v15 =	vld [tilespmem:$0x14B0]  }
0x221: {  	v16 =	vld.msk [tilespmem:$0x14C0], $0x1ff;
	v2 =	vadd.f32 v3, v2;
	v3 =	vmul.f32 v61, v60  }
0x222: {  	v17 =	vld [tilespmem:$0x1930]  }
0x223: {  	v2 =	vadd.f32 v3, v2;
	v3 =	vmul.f32 v63, v62  }
0x224: {  	v18 =	vperm.xlane v14, v0  }
0x225: {  	v2 =	vadd.f32 v3, v2;
	v3 =	vmul.f32 v13, v12  }
0x226: {  	v19 =	vmul.f32 v18, v15;
	v4 =	vmul.f32 v18, v16  }
0x227: {  	v2 =	vadd.f32 v3, v2;
	v3 =	vmul.f32 v17, v15  }
0x228: {  	v5 =	vperm.xlane v19, v1;
	v4 =	vperm.xlane v4, v1  }
0x229: {  	v2 =	vadd.f32 v3, v2  }
0x22a: {  	v3 =	vsel vm0, v5, v4  }
0x22b: {  	v2 =	vadd.f32 v3, v2;
	_ =	sdelay $0x1  }
0x22c: {  	[tilespmem:s19+$0x10] =	vst v2  }
0x22d: {  	v2 =	vld [tilespmem:$0xD00]  }
0x22e: {  	v3 =	vld [tilespmem:$0x1800]  }
0x22f: {  	v20 =	vld [tilespmem:$0xD10]  }
0x230: {  	v21 =	vld [tilespmem:$0x1810]  }
0x231: {  	v22 =	vld [tilespmem:$0xD20]  }
0x232: {  	v23 =	vld [tilespmem:$0x1820]  }
0x233: {  	v24 =	vld [tilespmem:$0xD30]  }
0x234: {  	v25 =	vld [tilespmem:$0x1830]  }
0x235: {  	v26 =	vld [tilespmem:$0xD40]  }
0x236: {  	v27 =	vld [tilespmem:$0x1840]  }
0x237: {  	v28 =	vld [tilespmem:$0xD50];
	v2 =	vmul.f32 v3, v2;
	v3 =	vmul.f32 v21, v20  }
0x238: {  	v29 =	vld [tilespmem:$0x1850]  }
0x239: {  	v30 =	vld [tilespmem:$0xD60];
	v2 =	vadd.f32 v3, v2;
	v3 =	vmul.f32 v23, v22  }
0x23a: {  	v31 =	vld [tilespmem:$0x1860]  }
0x23b: {  	v32 =	vld [tilespmem:$0xD70];
	v2 =	vadd.f32 v3, v2;
	v3 =	vmul.f32 v25, v24  }
0x23c: {  	v33 =	vld [tilespmem:$0x1870]  }
0x23d: {  	v34 =	vld [tilespmem:$0x1100];
	v2 =	vadd.f32 v3, v2;
	v3 =	vmul.f32 v27, v26  }
0x23e: {  	v35 =	vld [tilespmem:$0x1880]  }
0x23f: {  	v36 =	vld [tilespmem:$0x1110];
	v2 =	vadd.f32 v3, v2;
	v3 =	vmul.f32 v29, v28  }
0x240: {  	v37 =	vld [tilespmem:$0x1890]  }
0x241: {  	v38 =	vld [tilespmem:$0x1120];
	v2 =	vadd.f32 v3, v2;
	v3 =	vmul.f32 v31, v30  }
0x242: {  	v39 =	vld [tilespmem:$0x18A0]  }
0x243: {  	v40 =	vld [tilespmem:$0x1130];
	v2 =	vadd.f32 v3, v2;
	v3 =	vmul.f32 v33, v32  }
0x244: {  	v41 =	vld [tilespmem:$0x18B0]  }
0x245: {  	v42 =	vld [tilespmem:$0x1140];
	v2 =	vadd.f32 v3, v2;
	v3 =	vmul.f32 v35, v34  }
0x246: {  	v43 =	vld [tilespmem:$0x18C0]  }
0x247: {  	v44 =	vld [tilespmem:$0x1150];
	v2 =	vadd.f32 v3, v2;
	v3 =	vmul.f32 v37, v36  }
0x248: {  	v45 =	vld [tilespmem:$0x18D0]  }
0x249: {  	v46 =	vld [tilespmem:$0x1160];
	v2 =	vadd.f32 v3, v2;
	v3 =	vmul.f32 v39, v38  }
0x24a: {  	v47 =	vld [tilespmem:$0x18E0]  }
0x24b: {  	v48 =	vld [tilespmem:$0x1170];
	v2 =	vadd.f32 v3, v2;
	v3 =	vmul.f32 v41, v40  }
0x24c: {  	v49 =	vld [tilespmem:$0x18F0]  }
0x24d: {  	v50 =	vld [tilespmem:$0x1500];
	v2 =	vadd.f32 v3, v2;
	v3 =	vmul.f32 v43, v42  }
0x24e: {  	v51 =	vld [tilespmem:$0x1900]  }
0x24f: {  	v52 =	vld [tilespmem:$0x1510];
	v2 =	vadd.f32 v3, v2;
	v3 =	vmul.f32 v45, v44  }
0x250: {  	v53 =	vld [tilespmem:$0x1910]  }
0x251: {  	v54 =	vld [tilespmem:$0x1520];
	v2 =	vadd.f32 v3, v2;
	v3 =	vmul.f32 v47, v46  }
0x252: {  	v55 =	vld [tilespmem:$0x1920]  }
0x253: {  	v56 =	vld [tilespmem:$0x1940];
	v2 =	vadd.f32 v3, v2;
	v3 =	vmul.f32 v49, v48  }
0x254: {  	v57 =	vld [tilespmem:$0x1530]  }
0x255: {  	v58 =	vld.msk [tilespmem:$0x1540], $0x1ff;
	v2 =	vadd.f32 v3, v2;
	v3 =	vmul.f32 v51, v50  }
0x256: {  	v59 =	vld [tilespmem:$0x1930]  }
0x257: {  	v2 =	vadd.f32 v3, v2;
	v3 =	vmul.f32 v53, v52  }
0x258: {  	v60 =	vperm.xlane v56, v0  }
0x259: {  	v2 =	vadd.f32 v3, v2;
	v3 =	vmul.f32 v55, v54  }
0x25a: {  	v61 =	vmul.f32 v60, v57;
	v4 =	vmul.f32 v60, v58  }
0x25b: {  	v2 =	vadd.f32 v3, v2;
	v3 =	vmul.f32 v59, v57  }
0x25c: {  	v5 =	vperm.xlane v61, v1;
	v4 =	vperm.xlane v4, v1  }
0x25d: {  	v2 =	vadd.f32 v3, v2  }
0x25e: {  	v3 =	vsel vm0, v5, v4  }
0x25f: {  	v2 =	vadd.f32 v3, v2;
	_ =	sdelay $0x1  }
0x260: {  	[tilespmem:s19+$0x20] =	vst v2  }
0x261: {  	v2 =	vld [tilespmem:$0xD80]  }
0x262: {  	v3 =	vld [tilespmem:$0x1800]  }
0x263: {  	v62 =	vld [tilespmem:$0xD90]  }
0x264: {  	v63 =	vld [tilespmem:$0x1810]  }
0x265: {  	v12 =	vld [tilespmem:$0xDA0]  }
0x266: {  	v13 =	vld [tilespmem:$0x1820]  }
0x267: {  	v14 =	vld [tilespmem:$0xDB0]  }
0x268: {  	v15 =	vld [tilespmem:$0x1830]  }
0x269: {  	v16 =	vld [tilespmem:$0xDC0]  }
0x26a: {  	v17 =	vld [tilespmem:$0x1840]  }
0x26b: {  	v18 =	vld [tilespmem:$0xDD0];
	v2 =	vmul.f32 v3, v2;
	v3 =	vmul.f32 v63, v62  }
0x26c: {  	v19 =	vld [tilespmem:$0x1850]  }
0x26d: {  	v20 =	vld [tilespmem:$0xDE0];
	v2 =	vadd.f32 v3, v2;
	v3 =	vmul.f32 v13, v12  }
0x26e: {  	v21 =	vld [tilespmem:$0x1860]  }
0x26f: {  	v22 =	vld [tilespmem:$0xDF0];
	v2 =	vadd.f32 v3, v2;
	v3 =	vmul.f32 v15, v14  }
0x270: {  	v23 =	vld [tilespmem:$0x1870]  }
0x271: {  	v24 =	vld [tilespmem:$0x1180];
	v2 =	vadd.f32 v3, v2;
	v3 =	vmul.f32 v17, v16  }
0x272: {  	v25 =	vld [tilespmem:$0x1880]  }
0x273: {  	v26 =	vld [tilespmem:$0x1190];
	v2 =	vadd.f32 v3, v2;
	v3 =	vmul.f32 v19, v18  }
0x274: {  	v27 =	vld [tilespmem:$0x1890]  }
0x275: {  	v28 =	vld [tilespmem:$0x11A0];
	v2 =	vadd.f32 v3, v2;
	v3 =	vmul.f32 v21, v20  }
0x276: {  	v29 =	vld [tilespmem:$0x18A0]  }
0x277: {  	v30 =	vld [tilespmem:$0x11B0];
	v2 =	vadd.f32 v3, v2;
	v3 =	vmul.f32 v23, v22  }
0x278: {  	v31 =	vld [tilespmem:$0x18B0]  }
0x279: {  	v32 =	vld [tilespmem:$0x11C0];
	v2 =	vadd.f32 v3, v2;
	v3 =	vmul.f32 v25, v24  }
0x27a: {  	v33 =	vld [tilespmem:$0x18C0]  }
0x27b: {  	v34 =	vld [tilespmem:$0x11D0];
	v2 =	vadd.f32 v3, v2;
	v3 =	vmul.f32 v27, v26  }
0x27c: {  	v35 =	vld [tilespmem:$0x18D0]  }
0x27d: {  	v36 =	vld [tilespmem:$0x11E0];
	v2 =	vadd.f32 v3, v2;
	v3 =	vmul.f32 v29, v28  }
0x27e: {  	v37 =	vld [tilespmem:$0x18E0]  }
0x27f: {  	v38 =	vld [tilespmem:$0x11F0];
	v2 =	vadd.f32 v3, v2;
	v3 =	vmul.f32 v31, v30  }
0x280: {  	v39 =	vld [tilespmem:$0x18F0]  }
0x281: {  	v40 =	vld [tilespmem:$0x1580];
	v2 =	vadd.f32 v3, v2;
	v3 =	vmul.f32 v33, v32  }
0x282: {  	v41 =	vld [tilespmem:$0x1900]  }
0x283: {  	v42 =	vld [tilespmem:$0x1590];
	v2 =	vadd.f32 v3, v2;
	v3 =	vmul.f32 v35, v34  }
0x284: {  	v43 =	vld [tilespmem:$0x1910]  }
0x285: {  	v44 =	vld [tilespmem:$0x15A0];
	v2 =	vadd.f32 v3, v2;
	v3 =	vmul.f32 v37, v36  }
0x286: {  	v45 =	vld [tilespmem:$0x1920]  }
0x287: {  	v46 =	vld [tilespmem:$0x1940];
	v2 =	vadd.f32 v3, v2;
	v3 =	vmul.f32 v39, v38  }
0x288: {  	v47 =	vld [tilespmem:$0x15B0]  }
0x289: {  	v48 =	vld.msk [tilespmem:$0x15C0], $0x1ff;
	v2 =	vadd.f32 v3, v2;
	v3 =	vmul.f32 v41, v40  }
0x28a: {  	v49 =	vld [tilespmem:$0x1930]  }
0x28b: {  	v2 =	vadd.f32 v3, v2;
	v3 =	vmul.f32 v43, v42  }
0x28c: {  	v50 =	vperm.xlane v46, v0  }
0x28d: {  	v2 =	vadd.f32 v3, v2;
	v3 =	vmul.f32 v45, v44  }
0x28e: {  	v51 =	vmul.f32 v50, v47;
	v4 =	vmul.f32 v50, v48  }
0x28f: {  	v2 =	vadd.f32 v3, v2;
	v3 =	vmul.f32 v49, v47  }
0x290: {  	v5 =	vperm.xlane v51, v1;
	v4 =	vperm.xlane v4, v1  }
0x291: {  	v2 =	vadd.f32 v3, v2  }
0x292: {  	v3 =	vsel vm0, v5, v4  }
0x293: {  	v2 =	vadd.f32 v3, v2;
	_ =	sdelay $0x1  }
0x294: {  	[tilespmem:s19+$0x30] =	vst v2  }
0x295: {  	v2 =	vld [tilespmem:$0xE00]  }
0x296: {  	v3 =	vld [tilespmem:$0x1800]  }
0x297: {  	v52 =	vld [tilespmem:$0xE10]  }
0x298: {  	v53 =	vld [tilespmem:$0x1810]  }
0x299: {  	v54 =	vld [tilespmem:$0xE20]  }
0x29a: {  	v55 =	vld [tilespmem:$0x1820]  }
0x29b: {  	v56 =	vld [tilespmem:$0xE30]  }
0x29c: {  	v57 =	vld [tilespmem:$0x1830]  }
0x29d: {  	v58 =	vld [tilespmem:$0xE40]  }
0x29e: {  	v59 =	vld [tilespmem:$0x1840]  }
0x29f: {  	v60 =	vld [tilespmem:$0xE50];
	v2 =	vmul.f32 v3, v2;
	v3 =	vmul.f32 v53, v52  }
0x2a0: {  	v61 =	vld [tilespmem:$0x1850]  }
0x2a1: {  	v62 =	vld [tilespmem:$0xE60];
	v2 =	vadd.f32 v3, v2;
	v3 =	vmul.f32 v55, v54  }
0x2a2: {  	v63 =	vld [tilespmem:$0x1860]  }
0x2a3: {  	v12 =	vld [tilespmem:$0xE70];
	v2 =	vadd.f32 v3, v2;
	v3 =	vmul.f32 v57, v56  }
0x2a4: {  	v13 =	vld [tilespmem:$0x1870]  }
0x2a5: {  	v14 =	vld [tilespmem:$0x1200];
	v2 =	vadd.f32 v3, v2;
	v3 =	vmul.f32 v59, v58  }
0x2a6: {  	v15 =	vld [tilespmem:$0x1880]  }
0x2a7: {  	v16 =	vld [tilespmem:$0x1210];
	v2 =	vadd.f32 v3, v2;
	v3 =	vmul.f32 v61, v60  }
0x2a8: {  	v17 =	vld [tilespmem:$0x1890]  }
0x2a9: {  	v18 =	vld [tilespmem:$0x1220];
	v2 =	vadd.f32 v3, v2;
	v3 =	vmul.f32 v63, v62  }
0x2aa: {  	v19 =	vld [tilespmem:$0x18A0]  }
0x2ab: {  	v20 =	vld [tilespmem:$0x1230];
	v2 =	vadd.f32 v3, v2;
	v3 =	vmul.f32 v13, v12  }
0x2ac: {  	v21 =	vld [tilespmem:$0x18B0]  }
0x2ad: {  	v22 =	vld [tilespmem:$0x1240];
	v2 =	vadd.f32 v3, v2;
	v3 =	vmul.f32 v15, v14  }
0x2ae: {  	v23 =	vld [tilespmem:$0x18C0]  }
0x2af: {  	v24 =	vld [tilespmem:$0x1250];
	v2 =	vadd.f32 v3, v2;
	v3 =	vmul.f32 v17, v16  }
0x2b0: {  	v25 =	vld [tilespmem:$0x18D0]  }
0x2b1: {  	v26 =	vld [tilespmem:$0x1260];
	v2 =	vadd.f32 v3, v2;
	v3 =	vmul.f32 v19, v18  }
0x2b2: {  	v27 =	vld [tilespmem:$0x18E0]  }
0x2b3: {  	v28 =	vld [tilespmem:$0x1270];
	v2 =	vadd.f32 v3, v2;
	v3 =	vmul.f32 v21, v20  }
0x2b4: {  	v29 =	vld [tilespmem:$0x18F0]  }
0x2b5: {  	v30 =	vld [tilespmem:$0x1600];
	v2 =	vadd.f32 v3, v2;
	v3 =	vmul.f32 v23, v22  }
0x2b6: {  	v31 =	vld [tilespmem:$0x1900]  }
0x2b7: {  	v32 =	vld [tilespmem:$0x1610];
	v2 =	vadd.f32 v3, v2;
	v3 =	vmul.f32 v25, v24  }
0x2b8: {  	v33 =	vld [tilespmem:$0x1910]  }
0x2b9: {  	v34 =	vld [tilespmem:$0x1620];
	v2 =	vadd.f32 v3, v2;
	v3 =	vmul.f32 v27, v26  }
0x2ba: {  	v35 =	vld [tilespmem:$0x1920]  }
0x2bb: {  	v36 =	vld [tilespmem:$0x1940];
	v2 =	vadd.f32 v3, v2;
	v3 =	vmul.f32 v29, v28  }
0x2bc: {  	v37 =	vld [tilespmem:$0x1630]  }
0x2bd: {  	v38 =	vld.msk [tilespmem:$0x1640], $0x1ff;
	v2 =	vadd.f32 v3, v2;
	v3 =	vmul.f32 v31, v30  }
0x2be: {  	v39 =	vld [tilespmem:$0x1930]  }
0x2bf: {  	v2 =	vadd.f32 v3, v2;
	v3 =	vmul.f32 v33, v32  }
0x2c0: {  	v40 =	vperm.xlane v36, v0  }
0x2c1: {  	v2 =	vadd.f32 v3, v2;
	v3 =	vmul.f32 v35, v34  }
0x2c2: {  	v41 =	vmul.f32 v40, v37;
	v4 =	vmul.f32 v40, v38  }
0x2c3: {  	v2 =	vadd.f32 v3, v2;
	v3 =	vmul.f32 v39, v37  }
0x2c4: {  	v5 =	vperm.xlane v41, v1;
	v4 =	vperm.xlane v4, v1  }
0x2c5: {  	v2 =	vadd.f32 v3, v2  }
0x2c6: {  	v3 =	vsel vm0, v5, v4  }
0x2c7: {  	v2 =	vadd.f32 v3, v2;
	_ =	sdelay $0x1  }
0x2c8: {  	[tilespmem:s19+$0x40] =	vst v2  }
0x2c9: {  	v2 =	vld [tilespmem:$0xE80]  }
0x2ca: {  	v3 =	vld [tilespmem:$0x1800]  }
0x2cb: {  	v42 =	vld [tilespmem:$0xE90]  }
0x2cc: {  	v43 =	vld [tilespmem:$0x1810]  }
0x2cd: {  	v44 =	vld [tilespmem:$0xEA0]  }
0x2ce: {  	v45 =	vld [tilespmem:$0x1820]  }
0x2cf: {  	v46 =	vld [tilespmem:$0xEB0]  }
0x2d0: {  	v47 =	vld [tilespmem:$0x1830]  }
0x2d1: {  	v48 =	vld [tilespmem:$0xEC0]  }
0x2d2: {  	v49 =	vld [tilespmem:$0x1840]  }
0x2d3: {  	v50 =	vld [tilespmem:$0xED0];
	v2 =	vmul.f32 v3, v2;
	v3 =	vmul.f32 v43, v42  }
0x2d4: {  	v51 =	vld [tilespmem:$0x1850]  }
0x2d5: {  	v52 =	vld [tilespmem:$0xEE0];
	v2 =	vadd.f32 v3, v2;
	v3 =	vmul.f32 v45, v44  }
0x2d6: {  	v53 =	vld [tilespmem:$0x1860]  }
0x2d7: {  	v54 =	vld [tilespmem:$0xEF0];
	v2 =	vadd.f32 v3, v2;
	v3 =	vmul.f32 v47, v46  }
0x2d8: {  	v55 =	vld [tilespmem:$0x1870]  }
0x2d9: {  	v56 =	vld [tilespmem:$0x1280];
	v2 =	vadd.f32 v3, v2;
	v3 =	vmul.f32 v49, v48  }
0x2da: {  	v57 =	vld [tilespmem:$0x1880]  }
0x2db: {  	v58 =	vld [tilespmem:$0x1290];
	v2 =	vadd.f32 v3, v2;
	v3 =	vmul.f32 v51, v50  }
0x2dc: {  	v59 =	vld [tilespmem:$0x1890]  }
0x2dd: {  	v60 =	vld [tilespmem:$0x12A0];
	v2 =	vadd.f32 v3, v2;
	v3 =	vmul.f32 v53, v52  }
0x2de: {  	v61 =	vld [tilespmem:$0x18A0]  }
0x2df: {  	v62 =	vld [tilespmem:$0x12B0];
	v2 =	vadd.f32 v3, v2;
	v3 =	vmul.f32 v55, v54  }
0x2e0: {  	v63 =	vld [tilespmem:$0x18B0]  }
0x2e1: {  	v12 =	vld [tilespmem:$0x12C0];
	v2 =	vadd.f32 v3, v2;
	v3 =	vmul.f32 v57, v56  }
0x2e2: {  	v13 =	vld [tilespmem:$0x18C0]  }
0x2e3: {  	v14 =	vld [tilespmem:$0x12D0];
	v2 =	vadd.f32 v3, v2;
	v3 =	vmul.f32 v59, v58  }
0x2e4: {  	v15 =	vld [tilespmem:$0x18D0]  }
0x2e5: {  	v16 =	vld [tilespmem:$0x12E0];
	v2 =	vadd.f32 v3, v2;
	v3 =	vmul.f32 v61, v60  }
0x2e6: {  	v17 =	vld [tilespmem:$0x18E0]  }
0x2e7: {  	v18 =	vld [tilespmem:$0x12F0];
	v2 =	vadd.f32 v3, v2;
	v3 =	vmul.f32 v63, v62  }
0x2e8: {  	v19 =	vld [tilespmem:$0x18F0]  }
0x2e9: {  	v20 =	vld [tilespmem:$0x1680];
	v2 =	vadd.f32 v3, v2;
	v3 =	vmul.f32 v13, v12  }
0x2ea: {  	v21 =	vld [tilespmem:$0x1900]  }
0x2eb: {  	v22 =	vld [tilespmem:$0x1690];
	v2 =	vadd.f32 v3, v2;
	v3 =	vmul.f32 v15, v14  }
0x2ec: {  	v23 =	vld [tilespmem:$0x1910]  }
0x2ed: {  	v24 =	vld [tilespmem:$0x16A0];
	v2 =	vadd.f32 v3, v2;
	v3 =	vmul.f32 v17, v16  }
0x2ee: {  	v25 =	vld [tilespmem:$0x1920]  }
0x2ef: {  	v26 =	vld [tilespmem:$0x1940];
	v2 =	vadd.f32 v3, v2;
	v3 =	vmul.f32 v19, v18  }
0x2f0: {  	v27 =	vld [tilespmem:$0x16B0]  }
0x2f1: {  	v28 =	vld.msk [tilespmem:$0x16C0], $0x1ff;
	v2 =	vadd.f32 v3, v2;
	v3 =	vmul.f32 v21, v20  }
0x2f2: {  	v29 =	vld [tilespmem:$0x1930]  }
0x2f3: {  	v2 =	vadd.f32 v3, v2;
	v3 =	vmul.f32 v23, v22  }
0x2f4: {  	v30 =	vperm.xlane v26, v0  }
0x2f5: {  	v2 =	vadd.f32 v3, v2;
	v3 =	vmul.f32 v25, v24  }
0x2f6: {  	v31 =	vmul.f32 v30, v27;
	v4 =	vmul.f32 v30, v28  }
0x2f7: {  	v2 =	vadd.f32 v3, v2;
	v3 =	vmul.f32 v29, v27  }
0x2f8: {  	v5 =	vperm.xlane v31, v1;
	v4 =	vperm.xlane v4, v1  }
0x2f9: {  	v2 =	vadd.f32 v3, v2  }
0x2fa: {  	v3 =	vsel vm0, v5, v4  }
0x2fb: {  	v2 =	vadd.f32 v3, v2;
	_ =	sdelay $0x1  }
0x2fc: {  	[tilespmem:s19+$0x50] =	vst v2  }
0x2fd: {  	v2 =	vld [tilespmem:$0xF00]  }
0x2fe: {  	v3 =	vld [tilespmem:$0x1800]  }
0x2ff: {  	v32 =	vld [tilespmem:$0xF10]  }
0x300: {  	v33 =	vld [tilespmem:$0x1810]  }
0x301: {  	v34 =	vld [tilespmem:$0xF20]  }
0x302: {  	v35 =	vld [tilespmem:$0x1820]  }
0x303: {  	v36 =	vld [tilespmem:$0xF30]  }
0x304: {  	v37 =	vld [tilespmem:$0x1830]  }
0x305: {  	v38 =	vld [tilespmem:$0xF40]  }
0x306: {  	v39 =	vld [tilespmem:$0x1840]  }
0x307: {  	v40 =	vld [tilespmem:$0xF50];
	v2 =	vmul.f32 v3, v2;
	v3 =	vmul.f32 v33, v32  }
0x308: {  	v41 =	vld [tilespmem:$0x1850]  }
0x309: {  	v42 =	vld [tilespmem:$0xF60];
	v2 =	vadd.f32 v3, v2;
	v3 =	vmul.f32 v35, v34  }
0x30a: {  	v43 =	vld [tilespmem:$0x1860]  }
0x30b: {  	v44 =	vld [tilespmem:$0xF70];
	v2 =	vadd.f32 v3, v2;
	v3 =	vmul.f32 v37, v36  }
0x30c: {  	v45 =	vld [tilespmem:$0x1870]  }
0x30d: {  	v46 =	vld [tilespmem:$0x1300];
	v2 =	vadd.f32 v3, v2;
	v3 =	vmul.f32 v39, v38  }
0x30e: {  	v47 =	vld [tilespmem:$0x1880]  }
0x30f: {  	v48 =	vld [tilespmem:$0x1310];
	v2 =	vadd.f32 v3, v2;
	v3 =	vmul.f32 v41, v40  }
0x310: {  	v49 =	vld [tilespmem:$0x1890]  }
0x311: {  	v50 =	vld [tilespmem:$0x1320];
	v2 =	vadd.f32 v3, v2;
	v3 =	vmul.f32 v43, v42  }
0x312: {  	v51 =	vld [tilespmem:$0x18A0]  }
0x313: {  	v52 =	vld [tilespmem:$0x1330];
	v2 =	vadd.f32 v3, v2;
	v3 =	vmul.f32 v45, v44  }
0x314: {  	v53 =	vld [tilespmem:$0x18B0]  }
0x315: {  	v54 =	vld [tilespmem:$0x1340];
	v2 =	vadd.f32 v3, v2;
	v3 =	vmul.f32 v47, v46  }
0x316: {  	v55 =	vld [tilespmem:$0x18C0]  }
0x317: {  	v56 =	vld [tilespmem:$0x1350];
	v2 =	vadd.f32 v3, v2;
	v3 =	vmul.f32 v49, v48  }
0x318: {  	v57 =	vld [tilespmem:$0x18D0]  }
0x319: {  	v58 =	vld [tilespmem:$0x1360];
	v2 =	vadd.f32 v3, v2;
	v3 =	vmul.f32 v51, v50  }
0x31a: {  	v59 =	vld [tilespmem:$0x18E0]  }
0x31b: {  	v60 =	vld [tilespmem:$0x1370];
	v2 =	vadd.f32 v3, v2;
	v3 =	vmul.f32 v53, v52  }
0x31c: {  	v61 =	vld [tilespmem:$0x18F0]  }
0x31d: {  	v62 =	vld [tilespmem:$0x1700];
	v2 =	vadd.f32 v3, v2;
	v3 =	vmul.f32 v55, v54  }
0x31e: {  	v63 =	vld [tilespmem:$0x1900]  }
0x31f: {  	v12 =	vld [tilespmem:$0x1710];
	v2 =	vadd.f32 v3, v2;
	v3 =	vmul.f32 v57, v56  }
0x320: {  	v13 =	vld [tilespmem:$0x1910]  }
0x321: {  	v14 =	vld [tilespmem:$0x1720];
	v2 =	vadd.f32 v3, v2;
	v3 =	vmul.f32 v59, v58  }
0x322: {  	v15 =	vld [tilespmem:$0x1920]  }
0x323: {  	v16 =	vld [tilespmem:$0x1940];
	v2 =	vadd.f32 v3, v2;
	v3 =	vmul.f32 v61, v60  }
0x324: {  	v17 =	vld [tilespmem:$0x1730]  }
0x325: {  	v18 =	vld.msk [tilespmem:$0x1740], $0x1ff;
	v2 =	vadd.f32 v3, v2;
	v3 =	vmul.f32 v63, v62  }
0x326: {  	v19 =	vld [tilespmem:$0x1930]  }
0x327: {  	v2 =	vadd.f32 v3, v2;
	v3 =	vmul.f32 v13, v12  }
0x328: {  	v20 =	vperm.xlane v16, v0  }
0x329: {  	v2 =	vadd.f32 v3, v2;
	v3 =	vmul.f32 v15, v14  }
0x32a: {  	v21 =	vmul.f32 v20, v17;
	v4 =	vmul.f32 v20, v18  }
0x32b: {  	v2 =	vadd.f32 v3, v2;
	v3 =	vmul.f32 v19, v17  }
0x32c: {  	v5 =	vperm.xlane v21, v1;
	v4 =	vperm.xlane v4, v1  }
0x32d: {  	v2 =	vadd.f32 v3, v2  }
0x32e: {  	v3 =	vsel vm0, v5, v4  }
0x32f: {  	v2 =	vadd.f32 v3, v2;
	_ =	sdelay $0x1  }
0x330: {  	[tilespmem:s19+$0x60] =	vst v2  }
0x331: {  	v2 =	vld [tilespmem:$0xF80]  }
0x332: {  	v3 =	vld [tilespmem:$0x1800]  }
0x333: {  	v22 =	vld [tilespmem:$0xF90]  }
0x334: {  	v23 =	vld [tilespmem:$0x1810]  }
0x335: {  	v24 =	vld [tilespmem:$0xFA0]  }
0x336: {  	v25 =	vld [tilespmem:$0x1820]  }
0x337: {  	v26 =	vld [tilespmem:$0xFB0]  }
0x338: {  	v27 =	vld [tilespmem:$0x1830]  }
0x339: {  	v28 =	vld [tilespmem:$0xFC0]  }
0x33a: {  	v29 =	vld [tilespmem:$0x1840]  }
0x33b: {  	v30 =	vld [tilespmem:$0xFD0];
	v2 =	vmul.f32 v3, v2;
	v3 =	vmul.f32 v23, v22  }
0x33c: {  	v31 =	vld [tilespmem:$0x1850]  }
0x33d: {  	v32 =	vld [tilespmem:$0xFE0];
	v2 =	vadd.f32 v3, v2;
	v3 =	vmul.f32 v25, v24  }
0x33e: {  	v33 =	vld [tilespmem:$0x1860]  }
0x33f: {  	v34 =	vld [tilespmem:$0xFF0];
	v2 =	vadd.f32 v3, v2;
	v3 =	vmul.f32 v27, v26  }
0x340: {  	v35 =	vld [tilespmem:$0x1870]  }
0x341: {  	v36 =	vld [tilespmem:$0x1380];
	v2 =	vadd.f32 v3, v2;
	v3 =	vmul.f32 v29, v28  }
0x342: {  	v37 =	vld [tilespmem:$0x1880]  }
0x343: {  	v38 =	vld [tilespmem:$0x1390];
	v2 =	vadd.f32 v3, v2;
	v3 =	vmul.f32 v31, v30  }
0x344: {  	v39 =	vld [tilespmem:$0x1890]  }
0x345: {  	v40 =	vld [tilespmem:$0x13A0];
	v2 =	vadd.f32 v3, v2;
	v3 =	vmul.f32 v33, v32  }
0x346: {  	v41 =	vld [tilespmem:$0x18A0]  }
0x347: {  	v42 =	vld [tilespmem:$0x13B0];
	v2 =	vadd.f32 v3, v2;
	v3 =	vmul.f32 v35, v34  }
0x348: {  	v43 =	vld [tilespmem:$0x18B0]  }
0x349: {  	v44 =	vld [tilespmem:$0x13C0];
	v2 =	vadd.f32 v3, v2;
	v3 =	vmul.f32 v37, v36  }
0x34a: {  	v45 =	vld [tilespmem:$0x18C0]  }
0x34b: {  	v46 =	vld [tilespmem:$0x13D0];
	v2 =	vadd.f32 v3, v2;
	v3 =	vmul.f32 v39, v38  }
0x34c: {  	v47 =	vld [tilespmem:$0x18D0]  }
0x34d: {  	v48 =	vld [tilespmem:$0x13E0];
	v2 =	vadd.f32 v3, v2;
	v3 =	vmul.f32 v41, v40  }
0x34e: {  	v49 =	vld [tilespmem:$0x18E0]  }
0x34f: {  	v50 =	vld [tilespmem:$0x13F0];
	v2 =	vadd.f32 v3, v2;
	v3 =	vmul.f32 v43, v42  }
0x350: {  	v51 =	vld [tilespmem:$0x18F0]  }
0x351: {  	v52 =	vld [tilespmem:$0x1780];
	v2 =	vadd.f32 v3, v2;
	v3 =	vmul.f32 v45, v44  }
0x352: {  	v53 =	vld [tilespmem:$0x1900]  }
0x353: {  	v54 =	vld [tilespmem:$0x1790];
	v2 =	vadd.f32 v3, v2;
	v3 =	vmul.f32 v47, v46  }
0x354: {  	v55 =	vld [tilespmem:$0x1910]  }
0x355: {  	v56 =	vld [tilespmem:$0x17A0];
	v2 =	vadd.f32 v3, v2;
	v3 =	vmul.f32 v49, v48  }
0x356: {  	v57 =	vld [tilespmem:$0x1920]  }
0x357: {  	v58 =	vld [tilespmem:$0x1940];
	v2 =	vadd.f32 v3, v2;
	v3 =	vmul.f32 v51, v50  }
0x358: {  	v59 =	vld [tilespmem:$0x17B0]  }
0x359: {  	v60 =	vld.msk [tilespmem:$0x17C0], $0x1ff;
	v2 =	vadd.f32 v3, v2;
	v3 =	vmul.f32 v53, v52  }
0x35a: {  	v61 =	vld [tilespmem:$0x1930]  }
0x35b: {  	v2 =	vadd.f32 v3, v2;
	v3 =	vmul.f32 v55, v54  }
0x35c: {  	v62 =	vperm.xlane v58, v0  }
0x35d: {  	v2 =	vadd.f32 v3, v2;
	v3 =	vmul.f32 v57, v56  }
0x35e: {  	v63 =	vmul.f32 v62, v60;
	v4 =	vmul.f32 v62, v59  }
0x35f: {  	v2 =	vadd.f32 v3, v2;
	v3 =	vmul.f32 v61, v59  }
0x360: {  	v4 =	vperm.xlane v4, v1;
	v5 =	vperm.xlane v63, v1  }
.Ltmp2:
0x361: {  	v2 =	vadd.f32 v3, v2;
	(pc) =	sbr.rel @p0 .LBB2_4-.Ltmp2, $3  }
0x362: {  	v3 =	vsel vm0, v4, v5  }
0x363: {  	v2 =	vadd.f32 v3, v2;
	_ =	sdelay $0x1  }
0x364: {  	[tilespmem:s19+$0x70] =	vst v2  }
0x365: {  	s21 =	sadd.s32 $0x3, s20  }
0x366: {  	s22 =	sand.u32 $0xFF, s21  }
0x367: {  	s22 =	smul.u32 $0x19, s22;
	_ =	sdelay $0x1  }
0x368: {  	s22 =	sshrl.u32 s22, $0xA  }
0x369: {  	s23 =	smul.u32 $0x29, s22;
	_ =	sdelay $0x1  }
0x36a: {  	s22 =	sadd.s32 s22, s5;
	s21 =	ssub.s32 s21, s23  }
0x36b: {  	s22 =	smul.u32 $0x1F800, s22;
	s21 =	sand.u32 $0xFF, s21  }
0x36c: {  	s21 =	smul.u32 $0xC00, s21  }
.Ltmp3:
0x36d: {  	_ = 	snop;
	(pc) =	sbr.rel .LBB2_2-.Ltmp3, $4  }
0x36e: {  	s21 =	sadd.s32 s21, s22  }
0x36f: {  	s21 =	sshrl.u32 s21, $0x3  }
0x370: {  	s20 =	sadd.s32 $0x2, s20;
	s19 =	sadd.s32 $0x100, s19;
	s21 =	sadd.s32 s4, s21  }
0x371: {  	[tilespmem:s12], [sflag:$0x2] =	stream.linear.gather [hbm4b:s21+s3], $0xC00, $0x38;
	[tilespmem:$0x4280] =	vst v63  }
.LBB2_5:
0x372: {  	_ =	sfence.sel $0x180000  }
0x373: {  	[bflag:$0x0] =	sbarrier.arrive $0xFFFF  }
0x374: {  	p0 =	sne.s32 s1, $0x0;
	_ =	strace $0x90000047  }
0x375: {  	s0 =	sadd.s32 @!p0 $0x100000, s0;
	[bflag:$0x2] =	sbarrier.arrive $0xFFFF  }
0x376: {  	[sflag:s0] =	ssyncadd.tile.s32 @!p0 $0x1;
	_ =	shalt  }
.Lfunc_end2:
_tile_overlayer_lowered:
.L_overlay_start_2:
0x377: {  	(tag) =	ssettag $0x2  }
0x378: {  	s0 =	rddreg [dreg:$0x0];
	s2 =	stileid.u32  }
0x379: {  	s1 =	rddreg [dreg:$0x1];
	p0 =	sne.s32 s2, $0x0  }
0x37a: {  	s3 =	rddreg [dreg:$0x2];
	[bflag:$0x3] =	sbarrier.arrive $0xFFFF;
	s2 =	simm.s32 @!p0 $0x1C03  }
0x37b: {  	[timem:s3], [sflag:s2] =	dma.local @!p0 [hbm:s0], s1  }
0x37c: {  	s0 =	simm.s32 @!p0 $0x3  }
0x37d: {  	_ =	swait.ge @!p0 [sflag:s0], s1  }
0x37e: {  	s1 =	ssub.s32 @!p0 $0x0, s1;
	[sflag:s0] =	ssyncset.done @!p0 $0x0  }
0x37f: {  	[sflag:s0] =	ssyncadd.s32 @!p0 s1  }
0x380: {  	[bflag:$0x3] =	sbarrier.arrive $0xFFFF  }
0x381: {  	_ =	shalt  }

</sc_bundles>
